<compile_context>
chip_gen: v7x
topology: tpu7x:2x2x1
jax: 0.10.2.dev20260603
libtpu: 0.0.44.dev20260713+nightly
codegen_flags: <defaults>
</compile_context>

<pallas_src>
import jax
import jax.numpy as jnp
from jax import lax
from jax.experimental import pallas as pl
from jax.experimental.pallas import tpu as pltpu
from jax.experimental.pallas import tpu_sc as plsc

D = 64
V = 1000000
SCALE = 8.0

NUM_CORES = 2
NUM_SUBCORES = 16
NW = NUM_CORES * NUM_SUBCORES

T_FULL = V // 128
K1_ITERS = (T_FULL + 1 + NW - 1) // NW


def _k1_body(lut_t, o_hbm, in0, in1, inpad, out0, out1, tailbuf, tailout,
             isem0, isem1, osem0, osem1):
    wid = lax.axis_index("s") * NUM_CORES + lax.axis_index("c")
    ins = (in0, in1)
    outs = (out0, out1)
    isems = (isem0, isem1)
    osems = (osem0, osem1)
    iota = lax.iota(jnp.int32, 16)

    def in_start(t, buf, sem):
        pltpu.async_copy(lut_t.at[:, pl.ds(t * 128, 128)], buf, sem)

    def in_wait(buf, sem):
        pltpu.make_async_copy(lut_t.at[:, pl.ds(0, 128)], buf, sem).wait()

    def out_start(t, buf, sem):
        pltpu.async_copy(buf, o_hbm.at[pl.ds(t * 64, 64)], sem)

    def out_wait(buf, sem):
        pltpu.make_async_copy(buf, o_hbm.at[pl.ds(0, 64)], sem).wait()

    def transform(src, dst, nrows, kw):
        @plsc.parallel_loop(0, 64, unroll=8)
        def _(c):
            for k in range(kw):
                inpad[c, pl.ds(16 * k, 16)] = src[c, pl.ds(16 * k, 16)]

        @plsc.parallel_loop(0, nrows, unroll=4)
        def _(j):
            c0 = jnp.broadcast_to(2 * j, (16,)).astype(jnp.int32)
            c1 = c0 + 1
            for k in range(8):
                row_idx = iota + 16 * (k % 4)
                col = c0 if k < 4 else c1
                v = plsc.load_gather(inpad, [row_idx, col])
                dst[j, pl.ds(16 * k, 16)] = v * SCALE

    @pl.when(wid < T_FULL)
    def _():
        in_start(wid, in0, isem0)

    def loop(i, carry):
        t = wid + NW * i
        b = lax.rem(i, 2)
        t_next = t + NW

        @pl.when(t < T_FULL)
        def _():
            for b_s in range(2):
                @pl.when(b == b_s)
                def _():
                    @pl.when(t_next < T_FULL)
                    def _():
                        in_start(t_next, ins[1 - b_s], isems[1 - b_s])

                    in_wait(ins[b_s], isems[b_s])

                    @pl.when(i >= 2)
                    def _():
                        out_wait(outs[b_s], osems[b_s])

                    transform(ins[b_s], outs[b_s], 64, 8)
                    out_start(t, outs[b_s], osems[b_s])

        @pl.when(t == T_FULL)
        def _():
            pltpu.sync_copy(lut_t.at[:, pl.ds(T_FULL * 128, 64)], tailbuf)
            transform(tailbuf, tailout, 32, 4)
            pltpu.sync_copy(tailout, o_hbm.at[pl.ds(T_FULL * 64, 32)])

        return carry

    lax.fori_loop(0, K1_ITERS, loop, 0)

    n_full = (T_FULL - wid + NW - 1) // NW

    @pl.when(n_full >= 1)
    def _():
        blast = lax.rem(n_full - 1, 2)
        for b_s in range(2):
            @pl.when(blast == b_s)
            def _():
                out_wait(outs[b_s], osems[b_s])

    @pl.when(n_full >= 2)
    def _():
        bprev = lax.rem(n_full - 2, 2)
        for b_s in range(2):
            @pl.when(bprev == b_s)
            def _():
                out_wait(outs[b_s], osems[b_s])


K2_UNITS_PER_W = 3200 // NW


def _k2_body(xt, lut_lin, out5, i0, i1, r0, r1, rpad, ob0, ob1,
             xsem0, xsem1, gsem0, gsem1, osem0, osem1):
    wid = lax.axis_index("s") * NUM_CORES + lax.axis_index("c")
    u0 = wid * K2_UNITS_PER_W
    ibufs = (i0, i1)
    rows = (r0, r1)
    obufs = (ob0, ob1)
    xsems = (xsem0, xsem1)
    gsems = (gsem0, gsem1)
    osems = (osem0, osem1)
    iota = lax.iota(jnp.int32, 16)

    def idx_start(u, buf, sem):
        s = u // 16
        q = lax.rem(u, 16)
        pltpu.async_copy(xt.at[s, pl.ds(q * 256, 256)], buf, sem)

    def idx_wait(buf, sem):
        pltpu.make_async_copy(xt.at[0, pl.ds(0, 256)], buf, sem).wait()

    def gather_start(ibuf, rbuf, sem):
        pltpu.async_copy(lut_lin.at[ibuf], rbuf, sem)

    def gather_wait(ibuf, rbuf, sem):
        pltpu.make_async_copy(lut_lin.at[ibuf], rbuf, sem).wait()

    def out_start(u, obuf, sem):
        s = u // 16
        q = lax.rem(u, 16)
        for g in range(8):
            pltpu.async_copy(obuf.at[g], out5.at[s, g, pl.ds(q * 2, 2)], sem)

    def out_wait(obuf, sem):
        for g in range(8):
            pltpu.make_async_copy(obuf.at[g], out5.at[0, g, pl.ds(0, 2)], sem).wait()

    def transform(rbuf, obuf):
        @plsc.parallel_loop(0, 256, unroll=8)
        def _(r):
            for k in range(4):
                rpad[r, pl.ds(16 * k, 16)] = rbuf[r, pl.ds(16 * k, 16)]

        @plsc.parallel_loop(0, 64, unroll=2)
        def _(c):
            g = c // 8
            cc = lax.rem(c, 8)
            col = jnp.broadcast_to(c, (16,)).astype(jnp.int32)
            for t2 in range(2):
                for m in range(8):
                    row_idx = iota + (128 * t2 + 16 * m)
                    v = plsc.load_gather(rpad, [row_idx, col])
                    obuf[g, t2, cc, pl.ds(16 * m, 16)] = v

    pltpu.sync_copy(xt.at[u0 // 16, pl.ds(lax.rem(u0, 16) * 256, 256)], i0)
    gather_start(i0, r0, gsem0)
    idx_start(u0 + 1, i1, xsem1)

    def loop(i, carry):
        u = u0 + i
        b = lax.rem(i, 2)
        for b_s in range(2):
            @pl.when(b == b_s)
            def _():
                ib, rb, ob = ibufs[b_s], rows[b_s], obufs[b_s]
                nib, nrb = ibufs[1 - b_s], rows[1 - b_s]

                @pl.when(i + 1 < K2_UNITS_PER_W)
                def _():
                    idx_wait(nib, xsems[1 - b_s])
                    gather_start(nib, nrb, gsems[1 - b_s])

                gather_wait(ib, rb, gsems[b_s])

                @pl.when(i + 2 < K2_UNITS_PER_W)
                def _():
                    idx_start(u + 2, ib, xsems[b_s])

                @pl.when(i >= 2)
                def _():
                    out_wait(ob, osems[b_s])

                transform(rb, ob)
                out_start(u, ob, osems[b_s])
        return carry

    lax.fori_loop(0, K2_UNITS_PER_W, loop, 0)

    for i_tail in (K2_UNITS_PER_W - 2, K2_UNITS_PER_W - 1):
        b_t = i_tail % 2
        out_wait(obufs[b_t], osems[b_t])


@jax.jit
def _run(xt, lut_t):
    mesh = plsc.VectorSubcoreMesh(core_axis_name="c", subcore_axis_name="s")
    k1 = pl.kernel(
        _k1_body,
        out_type=jax.ShapeDtypeStruct((V // 2, 128), jnp.float32),
        mesh=mesh,
        compiler_params=pltpu.CompilerParams(
            use_tc_tiling_on_sc=True, needs_layout_passes=False
        ),
        scratch_types=[
            pltpu.VMEM((64, 128), jnp.float32),
            pltpu.VMEM((64, 128), jnp.float32),
            pltpu.VMEM((64, 129), jnp.float32),
            pltpu.VMEM((64, 128), jnp.float32),
            pltpu.VMEM((64, 128), jnp.float32),
            pltpu.VMEM((64, 64), jnp.float32),
            pltpu.VMEM((32, 128), jnp.float32),
            pltpu.SemaphoreType.DMA,
            pltpu.SemaphoreType.DMA,
            pltpu.SemaphoreType.DMA,
            pltpu.SemaphoreType.DMA,
        ],
    )
    o = k1(lut_t)
    lut_lin = o.reshape(V, D)
    k2 = pl.kernel(
        _k2_body,
        out_type=jax.ShapeDtypeStruct((200, 8, 32, 8, 128), jnp.float32),
        mesh=mesh,
        compiler_params=pltpu.CompilerParams(
            use_tc_tiling_on_sc=False, needs_layout_passes=False
        ),
        scratch_types=[
            pltpu.VMEM((256,), jnp.int32),
            pltpu.VMEM((256,), jnp.int32),
            pltpu.VMEM((256, 64), jnp.float32),
            pltpu.VMEM((256, 64), jnp.float32),
            pltpu.VMEM((256, 65), jnp.float32),
            pltpu.VMEM((8, 2, 8, 128), jnp.float32),
            pltpu.VMEM((8, 2, 8, 128), jnp.float32),
            pltpu.SemaphoreType.DMA,
            pltpu.SemaphoreType.DMA,
            pltpu.SemaphoreType.DMA,
            pltpu.SemaphoreType.DMA,
            pltpu.SemaphoreType.DMA,
            pltpu.SemaphoreType.DMA,
        ],
    )
    return k2(xt, lut_lin)


def kernel(x, lut):
    out5 = _run(x.T, lut.T)
    return out5.transpose(2, 4, 0, 1, 3).reshape(4096, 200, 64)

# --- scband reference (transcript-rebuilt; emitter-appended) ---
"""Pipeline reference for scband-embeddings-59081570124578 (READ-ONLY COPY).

The authoritative reference and input builder live on the scoring server;
editing this copy changes nothing except your own understanding.
"""

import jax, jax.numpy as jnp
import numpy as np
import math

D_MODEL = 64
VOCAB = 1000000

def setup_inputs(seed: int = 0) -> dict:
    key = jax.random.key(seed)
    k1, k2 = jax.random.split(key)
    x = jax.random.randint(k1, (4096, 200), 0, VOCAB, dtype=jnp.int64 if jax.config.jax_enable_x64 else jnp.int32).astype(jnp.int32)
    lut = jax.random.normal(k2, (VOCAB, D_MODEL), dtype=jnp.float32)
    return {"x": x, "lut": lut}

def reference(x, lut):
    # Embeddings.forward: self.lut(x) * math.sqrt(self.d_model)
    emb = jnp.take(lut, x, axis=0)
    return emb * math.sqrt(D_MODEL)

if __name__ == "__main__":
    import jax
    _d = setup_inputs()
    print(jax.jit(kernel)(*tuple(_d.values())))

</pallas_src>

<mosaic_0001>
#map = affine_map<(d0, d1) -> (0, 0)>
module attributes {stable_mosaic.version = 14 : i64} {
  func.func @_k1_body(%arg0: i32, %arg1: i32, %arg2: memref<64x1000000xf32, #tpu.memory_space<hbm>>, %arg3: memref<500000x128xf32, #tpu.memory_space<hbm>>, %arg4: memref<64x128xf32, #tpu.memory_space<vmem>>, %arg5: memref<64x128xf32, #tpu.memory_space<vmem>>, %arg6: memref<64x129xf32, #tpu.memory_space<vmem>>, %arg7: memref<64x128xf32, #tpu.memory_space<vmem>>, %arg8: memref<64x128xf32, #tpu.memory_space<vmem>>, %arg9: memref<64x64xf32, #tpu.memory_space<vmem>>, %arg10: memref<32x128xf32, #tpu.memory_space<vmem>>, %arg11: memref<!tpu.dma_semaphore, #tpu.memory_space<semaphore_mem>>, %arg12: memref<!tpu.dma_semaphore, #tpu.memory_space<semaphore_mem>>, %arg13: memref<!tpu.dma_semaphore, #tpu.memory_space<semaphore_mem>>, %arg14: memref<!tpu.dma_semaphore, #tpu.memory_space<semaphore_mem>>) attributes {dimension_semantics = [#tpu.dimension_semantics<core_parallel>, #tpu.dimension_semantics<subcore_parallel>], iteration_bounds = array<i64: 2, 16>, scalar_prefetch = 0 : i64, scratch_operands = 11 : i64, tpu.core_type = #tpu.core_type<sc_vector_subcore>, window_params = [{transform_indices = #map}, {transform_indices = #map}]} {
    %mul3A = arith.constant 2 : i32
    %mul3A_0 = arith.muli %arg1, %mul3A : i32
    %add3A = arith.addi %mul3A_0, %arg0 : i32
    %iota3A = tpu.iota {dimensions = array<i32: 0>} : vector<16xi32>
    %lt3A = arith.constant 7812 : i32
    %lt3A_1 = arith.cmpi slt, %add3A, %lt3A : i32
    %convert_element_type3A = arith.extui %lt3A_1 : i1 to i32
    %cond3A = arith.constant 0 : i32
    %cond3A_2 = arith.cmpi ne, %convert_element_type3A, %cond3A : i32
    scf.if %cond3A_2 {
      %mul3A_39 = arith.constant 128 : i32
      %mul3A_40 = arith.muli %add3A, %mul3A_39 : i32
      %dma_start3A = arith.constant 0 : i32
      %dma_start3A_41 = tpu.memref_slice %arg2[%dma_start3A, %mul3A_40] : memref<64x1000000xf32, #tpu.memory_space<hbm>> -> memref<64x128xf32, #tpu.memory_space<hbm>>
      %dma_start3A_42 = arith.constant 0 : i32
      %dma_start3A_43 = tpu.memref_slice %arg2[%dma_start3A_42, %mul3A_40] : memref<64x1000000xf32, #tpu.memory_space<hbm>> -> memref<64x128xf32, #tpu.memory_space<hbm>>
      tpu.enqueue_dma source(%dma_start3A_43 : memref<64x128xf32, #tpu.memory_space<hbm>>) target(%arg4 : memref<64x128xf32, #tpu.memory_space<vmem>>) target_semaphore(%arg11 : memref<!tpu.dma_semaphore, #tpu.memory_space<semaphore_mem>>)
    } else {
    }
    %scan3A = arith.constant 0 : i32
    %scan3A_3 = arith.constant 0 : i32
    %scan3A_4 = arith.constant 245 : i32
    %scan3A_5 = arith.addi %scan3A_3, %scan3A_4 : i32
    %scan3A_6 = arith.constant 1 : i32
    scf.for %scan3A_39 = %scan3A_3 to %scan3A_5 step %scan3A_6  : i32 {
      %mul3A_40 = arith.constant 32 : i32
      %mul3A_41 = arith.muli %mul3A_40, %scan3A_39 : i32
      %add3A_42 = arith.addi %add3A, %mul3A_41 : i32
      %rem3A_43 = arith.constant 2 : i32
      %rem3A_44 = arith.remsi %scan3A_39, %rem3A_43 : i32
      %add3A_45 = arith.constant 32 : i32
      %add3A_46 = arith.addi %add3A_42, %add3A_45 : i32
      %lt3A_47 = arith.constant 7812 : i32
      %lt3A_48 = arith.cmpi slt, %add3A_42, %lt3A_47 : i32
      %convert_element_type3A_49 = arith.extui %lt3A_48 : i1 to i32
      %cond3A_50 = arith.constant 0 : i32
      %cond3A_51 = arith.cmpi ne, %convert_element_type3A_49, %cond3A_50 : i32
      scf.if %cond3A_51 {
        %eq3A_56 = arith.constant 0 : i32
        %eq3A_57 = arith.cmpi eq, %rem3A_44, %eq3A_56 : i32
        %convert_element_type3A_58 = arith.extui %eq3A_57 : i1 to i32
        %cond3A_59 = arith.constant 0 : i32
        %cond3A_60 = arith.cmpi ne, %convert_element_type3A_58, %cond3A_59 : i32
        scf.if %cond3A_60 {
          %lt3A_66 = arith.constant 7812 : i32
          %lt3A_67 = arith.cmpi slt, %add3A_46, %lt3A_66 : i32
          %convert_element_type3A_68 = arith.extui %lt3A_67 : i1 to i32
          %cond3A_69 = arith.constant 0 : i32
          %cond3A_70 = arith.cmpi ne, %convert_element_type3A_68, %cond3A_69 : i32
          scf.if %cond3A_70 {
            %mul3A_91 = arith.constant 128 : i32
            %mul3A_92 = arith.muli %add3A_46, %mul3A_91 : i32
            %dma_start3A_93 = arith.constant 0 : i32
            %dma_start3A_94 = tpu.memref_slice %arg2[%dma_start3A_93, %mul3A_92] : memref<64x1000000xf32, #tpu.memory_space<hbm>> -> memref<64x128xf32, #tpu.memory_space<hbm>>
            %dma_start3A_95 = arith.constant 0 : i32
            %dma_start3A_96 = tpu.memref_slice %arg2[%dma_start3A_95, %mul3A_92] : memref<64x1000000xf32, #tpu.memory_space<hbm>> -> memref<64x128xf32, #tpu.memory_space<hbm>>
            tpu.enqueue_dma source(%dma_start3A_96 : memref<64x128xf32, #tpu.memory_space<hbm>>) target(%arg5 : memref<64x128xf32, #tpu.memory_space<vmem>>) target_semaphore(%arg12 : memref<!tpu.dma_semaphore, #tpu.memory_space<semaphore_mem>>)
          } else {
          }
          %dma_wait3A = arith.constant 0 : i32
          %dma_wait3A_71 = arith.constant 0 : i32
          %dma_wait3A_72 = tpu.memref_slice %arg2[%dma_wait3A, %dma_wait3A_71] : memref<64x1000000xf32, #tpu.memory_space<hbm>> -> memref<64x128xf32, #tpu.memory_space<hbm>>
          %dma_wait3A_73 = arith.constant 0 : i32
          %dma_wait3A_74 = arith.constant 0 : i32
          %dma_wait3A_75 = tpu.memref_slice %arg2[%dma_wait3A_73, %dma_wait3A_74] : memref<64x1000000xf32, #tpu.memory_space<hbm>> -> memref<64x128xf32, #tpu.memory_space<hbm>>
          tpu.wait_dma2 semaphore(%arg11 : memref<!tpu.dma_semaphore, #tpu.memory_space<semaphore_mem>>) src(%dma_wait3A_75 : memref<64x128xf32, #tpu.memory_space<hbm>>) dst(%arg4 : memref<64x128xf32, #tpu.memory_space<vmem>>)
          %ge3A_76 = arith.constant 2 : i32
          %ge3A_77 = arith.cmpi sge, %scan3A_39, %ge3A_76 : i32
          %convert_element_type3A_78 = arith.extui %ge3A_77 : i1 to i32
          %cond3A_79 = arith.constant 0 : i32
          %cond3A_80 = arith.cmpi ne, %convert_element_type3A_78, %cond3A_79 : i32
          scf.if %cond3A_80 {
            %dma_wait3A_91 = arith.constant 0 : i32
            %dma_wait3A_92 = arith.constant 0 : i32
            %dma_wait3A_93 = tpu.memref_slice %arg3[%dma_wait3A_91, %dma_wait3A_92] : memref<500000x128xf32, #tpu.memory_space<hbm>> -> memref<64x128xf32, #tpu.memory_space<hbm>>
            %dma_wait3A_94 = arith.constant 0 : i32
            %dma_wait3A_95 = arith.constant 0 : i32
            %dma_wait3A_96 = tpu.memref_slice %arg3[%dma_wait3A_94, %dma_wait3A_95] : memref<500000x128xf32, #tpu.memory_space<hbm>> -> memref<64x128xf32, #tpu.memory_space<hbm>>
            tpu.wait_dma2 semaphore(%arg13 : memref<!tpu.dma_semaphore, #tpu.memory_space<semaphore_mem>>) src(%arg7 : memref<64x128xf32, #tpu.memory_space<vmem>>) dst(%dma_wait3A_96 : memref<64x128xf32, #tpu.memory_space<hbm>>)
          } else {
          }
          %parallel_loop3A = arith.constant 0 : i32
          %parallel_loop3A_81 = arith.constant 64 : i32
          %parallel_loop3A_82 = arith.constant 1 : i32
          scf.for %parallel_loop3A_91 = %parallel_loop3A to %parallel_loop3A_81 step %parallel_loop3A_82  : i32 {
            %parallel_loop3A_92 = arith.index_cast %parallel_loop3A_91 : i32 to index
            %parallel_loop3A_93 = arith.constant 0 : index
            %parallel_loop3A_94 = tpu.vector_load %arg4[%parallel_loop3A_92, %parallel_loop3A_93] {strides = array<i32>} : memref<64x128xf32, #tpu.memory_space<vmem>>, vector<16xf32>,
            %parallel_loop3A_95 = arith.index_cast %parallel_loop3A_91 : i32 to index
            %parallel_loop3A_96 = arith.constant 0 : index
            %parallel_loop3A_97 = tpu.vector_load %arg6[%parallel_loop3A_95, %parallel_loop3A_96] {strides = array<i32>} : memref<64x129xf32, #tpu.memory_space<vmem>>, vector<16xf32>,
            tpu.vector_store %arg6[%parallel_loop3A_95, %parallel_loop3A_96], %parallel_loop3A_94 {strides = array<i32>} : memref<64x129xf32, #tpu.memory_space<vmem>>, vector<16xf32>,
            %parallel_loop3A_98 = arith.index_cast %parallel_loop3A_91 : i32 to index
            %parallel_loop3A_99 = arith.constant 16 : index
            %parallel_loop3A_100 = tpu.vector_load %arg4[%parallel_loop3A_98, %parallel_loop3A_99] {strides = array<i32>} : memref<64x128xf32, #tpu.memory_space<vmem>>, vector<16xf32>,
            %parallel_loop3A_101 = arith.index_cast %parallel_loop3A_91 : i32 to index
            %parallel_loop3A_102 = arith.constant 16 : index
            %parallel_loop3A_103 = tpu.vector_load %arg6[%parallel_loop3A_101, %parallel_loop3A_102] {strides = array<i32>} : memref<64x129xf32, #tpu.memory_space<vmem>>, vector<16xf32>,
            tpu.vector_store %arg6[%parallel_loop3A_101, %parallel_loop3A_102], %parallel_loop3A_100 {strides = array<i32>} : memref<64x129xf32, #tpu.memory_space<vmem>>, vector<16xf32>,
            %parallel_loop3A_104 = arith.index_cast %parallel_loop3A_91 : i32 to index
            %parallel_loop3A_105 = arith.constant 32 : index
            %parallel_loop3A_106 = tpu.vector_load %arg4[%parallel_loop3A_104, %parallel_loop3A_105] {strides = array<i32>} : memref<64x128xf32, #tpu.memory_space<vmem>>, vector<16xf32>,
            %parallel_loop3A_107 = arith.index_cast %parallel_loop3A_91 : i32 to index
            %parallel_loop3A_108 = arith.constant 32 : index
            %parallel_loop3A_109 = tpu.vector_load %arg6[%parallel_loop3A_107, %parallel_loop3A_108] {strides = array<i32>} : memref<64x129xf32, #tpu.memory_space<vmem>>, vector<16xf32>,
            tpu.vector_store %arg6[%parallel_loop3A_107, %parallel_loop3A_108], %parallel_loop3A_106 {strides = array<i32>} : memref<64x129xf32, #tpu.memory_space<vmem>>, vector<16xf32>,
            %parallel_loop3A_110 = arith.index_cast %parallel_loop3A_91 : i32 to index
            %parallel_loop3A_111 = arith.constant 48 : index
            %parallel_loop3A_112 = tpu.vector_load %arg4[%parallel_loop3A_110, %parallel_loop3A_111] {strides = array<i32>} : memref<64x128xf32, #tpu.memory_space<vmem>>, vector<16xf32>,
            %parallel_loop3A_113 = arith.index_cast %parallel_loop3A_91 : i32 to index
            %parallel_loop3A_114 = arith.constant 48 : index
            %parallel_loop3A_115 = tpu.vector_load %arg6[%parallel_loop3A_113, %parallel_loop3A_114] {strides = array<i32>} : memref<64x129xf32, #tpu.memory_space<vmem>>, vector<16xf32>,
            tpu.vector_store %arg6[%parallel_loop3A_113, %parallel_loop3A_114], %parallel_loop3A_112 {strides = array<i32>} : memref<64x129xf32, #tpu.memory_space<vmem>>, vector<16xf32>,
            %parallel_loop3A_116 = arith.index_cast %parallel_loop3A_91 : i32 to index
            %parallel_loop3A_117 = arith.constant 64 : index
            %parallel_loop3A_118 = tpu.vector_load %arg4[%parallel_loop3A_116, %parallel_loop3A_117] {strides = array<i32>} : memref<64x128xf32, #tpu.memory_space<vmem>>, vector<16xf32>,
            %parallel_loop3A_119 = arith.index_cast %parallel_loop3A_91 : i32 to index
            %parallel_loop3A_120 = arith.constant 64 : index
            %parallel_loop3A_121 = tpu.vector_load %arg6[%parallel_loop3A_119, %parallel_loop3A_120] {strides = array<i32>} : memref<64x129xf32, #tpu.memory_space<vmem>>, vector<16xf32>,
            tpu.vector_store %arg6[%parallel_loop3A_119, %parallel_loop3A_120], %parallel_loop3A_118 {strides = array<i32>} : memref<64x129xf32, #tpu.memory_space<vmem>>, vector<16xf32>,
            %parallel_loop3A_122 = arith.index_cast %parallel_loop3A_91 : i32 to index
            %parallel_loop3A_123 = arith.constant 80 : index
            %parallel_loop3A_124 = tpu.vector_load %arg4[%parallel_loop3A_122, %parallel_loop3A_123] {strides = array<i32>} : memref<64x128xf32, #tpu.memory_space<vmem>>, vector<16xf32>,
            %parallel_loop3A_125 = arith.index_cast %parallel_loop3A_91 : i32 to index
            %parallel_loop3A_126 = arith.constant 80 : index
            %parallel_loop3A_127 = tpu.vector_load %arg6[%parallel_loop3A_125, %parallel_loop3A_126] {strides = array<i32>} : memref<64x129xf32, #tpu.memory_space<vmem>>, vector<16xf32>,
            tpu.vector_store %arg6[%parallel_loop3A_125, %parallel_loop3A_126], %parallel_loop3A_124 {strides = array<i32>} : memref<64x129xf32, #tpu.memory_space<vmem>>, vector<16xf32>,
            %parallel_loop3A_128 = arith.index_cast %parallel_loop3A_91 : i32 to index
            %parallel_loop3A_129 = arith.constant 96 : index
            %parallel_loop3A_130 = tpu.vector_load %arg4[%parallel_loop3A_128, %parallel_loop3A_129] {strides = array<i32>} : memref<64x128xf32, #tpu.memory_space<vmem>>, vector<16xf32>,
            %parallel_loop3A_131 = arith.index_cast %parallel_loop3A_91 : i32 to index
            %parallel_loop3A_132 = arith.constant 96 : index
            %parallel_loop3A_133 = tpu.vector_load %arg6[%parallel_loop3A_131, %parallel_loop3A_132] {strides = array<i32>} : memref<64x129xf32, #tpu.memory_space<vmem>>, vector<16xf32>,
            tpu.vector_store %arg6[%parallel_loop3A_131, %parallel_loop3A_132], %parallel_loop3A_130 {strides = array<i32>} : memref<64x129xf32, #tpu.memory_space<vmem>>, vector<16xf32>,
            %parallel_loop3A_134 = arith.index_cast %parallel_loop3A_91 : i32 to index
            %parallel_loop3A_135 = arith.constant 112 : index
            %parallel_loop3A_136 = tpu.vector_load %arg4[%parallel_loop3A_134, %parallel_loop3A_135] {strides = array<i32>} : memref<64x128xf32, #tpu.memory_space<vmem>>, vector<16xf32>,
            %parallel_loop3A_137 = arith.index_cast %parallel_loop3A_91 : i32 to index
            %parallel_loop3A_138 = arith.constant 112 : index
            %parallel_loop3A_139 = tpu.vector_load %arg6[%parallel_loop3A_137, %parallel_loop3A_138] {strides = array<i32>} : memref<64x129xf32, #tpu.memory_space<vmem>>, vector<16xf32>,
            tpu.vector_store %arg6[%parallel_loop3A_137, %parallel_loop3A_138], %parallel_loop3A_136 {strides = array<i32>} : memref<64x129xf32, #tpu.memory_space<vmem>>, vector<16xf32>,
          } {sc.loop_unroll_factor = 8 : i64, sc.parallel_access}
          %parallel_loop3A_83 = arith.constant 0 : i32
          %parallel_loop3A_84 = arith.constant 64 : i32
          %parallel_loop3A_85 = arith.constant 1 : i32
          scf.for %parallel_loop3A_91 = %parallel_loop3A_83 to %parallel_loop3A_84 step %parallel_loop3A_85  : i32 {
            %parallel_loop3A_92 = arith.constant 2 : i32
            %parallel_loop3A_93 = arith.muli %parallel_loop3A_92, %parallel_loop3A_91 : i32
            %parallel_loop3A_94 = vector.broadcast %parallel_loop3A_93 : i32 to vector<16xi32>
            %parallel_loop3A_95 = arith.constant 1 : i32
            %parallel_loop3A_96 = vector.broadcast %parallel_loop3A_95 : i32 to vector<16xi32>
            %parallel_loop3A_97 = arith.addi %parallel_loop3A_94, %parallel_loop3A_96 : vector<16xi32>
            %parallel_loop3A_98 = arith.constant 0 : i32
            %parallel_loop3A_99 = vector.broadcast %parallel_loop3A_98 : i32 to vector<16xi32>
            %parallel_loop3A_100 = arith.addi %iota3A, %parallel_loop3A_99 : vector<16xi32>
            %parallel_loop3A_101 = tpu.vector_load_idx %arg6[%parallel_loop3A_100, %parallel_loop3A_94] : memref<64x129xf32, #tpu.memory_space<vmem>>[vector<16xi32>, vector<16xi32>], vector<16xf32>,
            %parallel_loop3A_102 = arith.constant 8.000000e+00 : f32
            %parallel_loop3A_103 = vector.broadcast %parallel_loop3A_102 : f32 to vector<16xf32>
            %parallel_loop3A_104 = arith.mulf %parallel_loop3A_101, %parallel_loop3A_103 : vector<16xf32>
            %parallel_loop3A_105 = arith.index_cast %parallel_loop3A_91 : i32 to index
            %parallel_loop3A_106 = arith.constant 0 : index
            %parallel_loop3A_107 = tpu.vector_load %arg7[%parallel_loop3A_105, %parallel_loop3A_106] {strides = array<i32>} : memref<64x128xf32, #tpu.memory_space<vmem>>, vector<16xf32>,
            tpu.vector_store %arg7[%parallel_loop3A_105, %parallel_loop3A_106], %parallel_loop3A_104 {strides = array<i32>} : memref<64x128xf32, #tpu.memory_space<vmem>>, vector<16xf32>,
            %parallel_loop3A_108 = arith.constant 16 : i32
            %parallel_loop3A_109 = vector.broadcast %parallel_loop3A_108 : i32 to vector<16xi32>
            %parallel_loop3A_110 = arith.addi %iota3A, %parallel_loop3A_109 : vector<16xi32>
            %parallel_loop3A_111 = tpu.vector_load_idx %arg6[%parallel_loop3A_110, %parallel_loop3A_94] : memref<64x129xf32, #tpu.memory_space<vmem>>[vector<16xi32>, vector<16xi32>], vector<16xf32>,
            %parallel_loop3A_112 = arith.constant 8.000000e+00 : f32
            %parallel_loop3A_113 = vector.broadcast %parallel_loop3A_112 : f32 to vector<16xf32>
            %parallel_loop3A_114 = arith.mulf %parallel_loop3A_111, %parallel_loop3A_113 : vector<16xf32>
            %parallel_loop3A_115 = arith.index_cast %parallel_loop3A_91 : i32 to index
            %parallel_loop3A_116 = arith.constant 16 : index
            %parallel_loop3A_117 = tpu.vector_load %arg7[%parallel_loop3A_115, %parallel_loop3A_116] {strides = array<i32>} : memref<64x128xf32, #tpu.memory_space<vmem>>, vector<16xf32>,
            tpu.vector_store %arg7[%parallel_loop3A_115, %parallel_loop3A_116], %parallel_loop3A_114 {strides = array<i32>} : memref<64x128xf32, #tpu.memory_space<vmem>>, vector<16xf32>,
            %parallel_loop3A_118 = arith.constant 32 : i32
            %parallel_loop3A_119 = vector.broadcast %parallel_loop3A_118 : i32 to vector<16xi32>
            %parallel_loop3A_120 = arith.addi %iota3A, %parallel_loop3A_119 : vector<16xi32>
            %parallel_loop3A_121 = tpu.vector_load_idx %arg6[%parallel_loop3A_120, %parallel_loop3A_94] : memref<64x129xf32, #tpu.memory_space<vmem>>[vector<16xi32>, vector<16xi32>], vector<16xf32>,
            %parallel_loop3A_122 = arith.constant 8.000000e+00 : f32
            %parallel_loop3A_123 = vector.broadcast %parallel_loop3A_122 : f32 to vector<16xf32>
            %parallel_loop3A_124 = arith.mulf %parallel_loop3A_121, %parallel_loop3A_123 : vector<16xf32>
            %parallel_loop3A_125 = arith.index_cast %parallel_loop3A_91 : i32 to index
            %parallel_loop3A_126 = arith.constant 32 : index
            %parallel_loop3A_127 = tpu.vector_load %arg7[%parallel_loop3A_125, %parallel_loop3A_126] {strides = array<i32>} : memref<64x128xf32, #tpu.memory_space<vmem>>, vector<16xf32>,
            tpu.vector_store %arg7[%parallel_loop3A_125, %parallel_loop3A_126], %parallel_loop3A_124 {strides = array<i32>} : memref<64x128xf32, #tpu.memory_space<vmem>>, vector<16xf32>,
            %parallel_loop3A_128 = arith.constant 48 : i32
            %parallel_loop3A_129 = vector.broadcast %parallel_loop3A_128 : i32 to vector<16xi32>
            %parallel_loop3A_130 = arith.addi %iota3A, %parallel_loop3A_129 : vector<16xi32>
            %parallel_loop3A_131 = tpu.vector_load_idx %arg6[%parallel_loop3A_130, %parallel_loop3A_94] : memref<64x129xf32, #tpu.memory_space<vmem>>[vector<16xi32>, vector<16xi32>], vector<16xf32>,
            %parallel_loop3A_132 = arith.constant 8.000000e+00 : f32
            %parallel_loop3A_133 = vector.broadcast %parallel_loop3A_132 : f32 to vector<16xf32>
            %parallel_loop3A_134 = arith.mulf %parallel_loop3A_131, %parallel_loop3A_133 : vector<16xf32>
            %parallel_loop3A_135 = arith.index_cast %parallel_loop3A_91 : i32 to index
            %parallel_loop3A_136 = arith.constant 48 : index
            %parallel_loop3A_137 = tpu.vector_load %arg7[%parallel_loop3A_135, %parallel_loop3A_136] {strides = array<i32>} : memref<64x128xf32, #tpu.memory_space<vmem>>, vector<16xf32>,
            tpu.vector_store %arg7[%parallel_loop3A_135, %parallel_loop3A_136], %parallel_loop3A_134 {strides = array<i32>} : memref<64x128xf32, #tpu.memory_space<vmem>>, vector<16xf32>,
            %parallel_loop3A_138 = arith.constant 0 : i32
            %parallel_loop3A_139 = vector.broadcast %parallel_loop3A_138 : i32 to vector<16xi32>
            %parallel_loop3A_140 = arith.addi %iota3A, %parallel_loop3A_139 : vector<16xi32>
            %parallel_loop3A_141 = tpu.vector_load_idx %arg6[%parallel_loop3A_140, %parallel_loop3A_97] : memref<64x129xf32, #tpu.memory_space<vmem>>[vector<16xi32>, vector<16xi32>], vector<16xf32>,
            %parallel_loop3A_142 = arith.constant 8.000000e+00 : f32
            %parallel_loop3A_143 = vector.broadcast %parallel_loop3A_142 : f32 to vector<16xf32>
            %parallel_loop3A_144 = arith.mulf %parallel_loop3A_141, %parallel_loop3A_143 : vector<16xf32>
            %parallel_loop3A_145 = arith.index_cast %parallel_loop3A_91 : i32 to index
            %parallel_loop3A_146 = arith.constant 64 : index
            %parallel_loop3A_147 = tpu.vector_load %arg7[%parallel_loop3A_145, %parallel_loop3A_146] {strides = array<i32>} : memref<64x128xf32, #tpu.memory_space<vmem>>, vector<16xf32>,
            tpu.vector_store %arg7[%parallel_loop3A_145, %parallel_loop3A_146], %parallel_loop3A_144 {strides = array<i32>} : memref<64x128xf32, #tpu.memory_space<vmem>>, vector<16xf32>,
            %parallel_loop3A_148 = arith.constant 16 : i32
            %parallel_loop3A_149 = vector.broadcast %parallel_loop3A_148 : i32 to vector<16xi32>
            %parallel_loop3A_150 = arith.addi %iota3A, %parallel_loop3A_149 : vector<16xi32>
            %parallel_loop3A_151 = tpu.vector_load_idx %arg6[%parallel_loop3A_150, %parallel_loop3A_97] : memref<64x129xf32, #tpu.memory_space<vmem>>[vector<16xi32>, vector<16xi32>], vector<16xf32>,
            %parallel_loop3A_152 = arith.constant 8.000000e+00 : f32
            %parallel_loop3A_153 = vector.broadcast %parallel_loop3A_152 : f32 to vector<16xf32>
            %parallel_loop3A_154 = arith.mulf %parallel_loop3A_151, %parallel_loop3A_153 : vector<16xf32>
            %parallel_loop3A_155 = arith.index_cast %parallel_loop3A_91 : i32 to index
            %parallel_loop3A_156 = arith.constant 80 : index
            %parallel_loop3A_157 = tpu.vector_load %arg7[%parallel_loop3A_155, %parallel_loop3A_156] {strides = array<i32>} : memref<64x128xf32, #tpu.memory_space<vmem>>, vector<16xf32>,
            tpu.vector_store %arg7[%parallel_loop3A_155, %parallel_loop3A_156], %parallel_loop3A_154 {strides = array<i32>} : memref<64x128xf32, #tpu.memory_space<vmem>>, vector<16xf32>,
            %parallel_loop3A_158 = arith.constant 32 : i32
            %parallel_loop3A_159 = vector.broadcast %parallel_loop3A_158 : i32 to vector<16xi32>
            %parallel_loop3A_160 = arith.addi %iota3A, %parallel_loop3A_159 : vector<16xi32>
            %parallel_loop3A_161 = tpu.vector_load_idx %arg6[%parallel_loop3A_160, %parallel_loop3A_97] : memref<64x129xf32, #tpu.memory_space<vmem>>[vector<16xi32>, vector<16xi32>], vector<16xf32>,
            %parallel_loop3A_162 = arith.constant 8.000000e+00 : f32
            %parallel_loop3A_163 = vector.broadcast %parallel_loop3A_162 : f32 to vector<16xf32>
            %parallel_loop3A_164 = arith.mulf %parallel_loop3A_161, %parallel_loop3A_163 : vector<16xf32>
            %parallel_loop3A_165 = arith.index_cast %parallel_loop3A_91 : i32 to index
            %parallel_loop3A_166 = arith.constant 96 : index
            %parallel_loop3A_167 = tpu.vector_load %arg7[%parallel_loop3A_165, %parallel_loop3A_166] {strides = array<i32>} : memref<64x128xf32, #tpu.memory_space<vmem>>, vector<16xf32>,
            tpu.vector_store %arg7[%parallel_loop3A_165, %parallel_loop3A_166], %parallel_loop3A_164 {strides = array<i32>} : memref<64x128xf32, #tpu.memory_space<vmem>>, vector<16xf32>,
            %parallel_loop3A_168 = arith.constant 48 : i32
            %parallel_loop3A_169 = vector.broadcast %parallel_loop3A_168 : i32 to vector<16xi32>
            %parallel_loop3A_170 = arith.addi %iota3A, %parallel_loop3A_169 : vector<16xi32>
            %parallel_loop3A_171 = tpu.vector_load_idx %arg6[%parallel_loop3A_170, %parallel_loop3A_97] : memref<64x129xf32, #tpu.memory_space<vmem>>[vector<16xi32>, vector<16xi32>], vector<16xf32>,
            %parallel_loop3A_172 = arith.constant 8.000000e+00 : f32
            %parallel_loop3A_173 = vector.broadcast %parallel_loop3A_172 : f32 to vector<16xf32>
            %parallel_loop3A_174 = arith.mulf %parallel_loop3A_171, %parallel_loop3A_173 : vector<16xf32>
            %parallel_loop3A_175 = arith.index_cast %parallel_loop3A_91 : i32 to index
            %parallel_loop3A_176 = arith.constant 112 : index
            %parallel_loop3A_177 = tpu.vector_load %arg7[%parallel_loop3A_175, %parallel_loop3A_176] {strides = array<i32>} : memref<64x128xf32, #tpu.memory_space<vmem>>, vector<16xf32>,
            tpu.vector_store %arg7[%parallel_loop3A_175, %parallel_loop3A_176], %parallel_loop3A_174 {strides = array<i32>} : memref<64x128xf32, #tpu.memory_space<vmem>>, vector<16xf32>,
          } {sc.loop_unroll_factor = 4 : i64, sc.parallel_access}
          %mul3A_86 = arith.constant 64 : i32
          %mul3A_87 = arith.muli %add3A_42, %mul3A_86 : i32
          %dma_start3A = arith.constant 0 : i32
          %dma_start3A_88 = tpu.memref_slice %arg3[%mul3A_87, %dma_start3A] : memref<500000x128xf32, #tpu.memory_space<hbm>> -> memref<64x128xf32, #tpu.memory_space<hbm>>
          %dma_start3A_89 = arith.constant 0 : i32
          %dma_start3A_90 = tpu.memref_slice %arg3[%mul3A_87, %dma_start3A_89] : memref<500000x128xf32, #tpu.memory_space<hbm>> -> memref<64x128xf32, #tpu.memory_space<hbm>>
          tpu.enqueue_dma source(%arg7 : memref<64x128xf32, #tpu.memory_space<vmem>>) target(%dma_start3A_90 : memref<64x128xf32, #tpu.memory_space<hbm>>) target_semaphore(%arg13 : memref<!tpu.dma_semaphore, #tpu.memory_space<semaphore_mem>>)
        } else {
        }
        %eq3A_61 = arith.constant 1 : i32
        %eq3A_62 = arith.cmpi eq, %rem3A_44, %eq3A_61 : i32
        %convert_element_type3A_63 = arith.extui %eq3A_62 : i1 to i32
        %cond3A_64 = arith.constant 0 : i32
        %cond3A_65 = arith.cmpi ne, %convert_element_type3A_63, %cond3A_64 : i32
        scf.if %cond3A_65 {
          %lt3A_66 = arith.constant 7812 : i32
          %lt3A_67 = arith.cmpi slt, %add3A_46, %lt3A_66 : i32
          %convert_element_type3A_68 = arith.extui %lt3A_67 : i1 to i32
          %cond3A_69 = arith.constant 0 : i32
          %cond3A_70 = arith.cmpi ne, %convert_element_type3A_68, %cond3A_69 : i32
          scf.if %cond3A_70 {
            %mul3A_91 = arith.constant 128 : i32
            %mul3A_92 = arith.muli %add3A_46, %mul3A_91 : i32
            %dma_start3A_93 = arith.constant 0 : i32
            %dma_start3A_94 = tpu.memref_slice %arg2[%dma_start3A_93, %mul3A_92] : memref<64x1000000xf32, #tpu.memory_space<hbm>> -> memref<64x128xf32, #tpu.memory_space<hbm>>
            %dma_start3A_95 = arith.constant 0 : i32
            %dma_start3A_96 = tpu.memref_slice %arg2[%dma_start3A_95, %mul3A_92] : memref<64x1000000xf32, #tpu.memory_space<hbm>> -> memref<64x128xf32, #tpu.memory_space<hbm>>
            tpu.enqueue_dma source(%dma_start3A_96 : memref<64x128xf32, #tpu.memory_space<hbm>>) target(%arg4 : memref<64x128xf32, #tpu.memory_space<vmem>>) target_semaphore(%arg11 : memref<!tpu.dma_semaphore, #tpu.memory_space<semaphore_mem>>)
          } else {
          }
          %dma_wait3A = arith.constant 0 : i32
          %dma_wait3A_71 = arith.constant 0 : i32
          %dma_wait3A_72 = tpu.memref_slice %arg2[%dma_wait3A, %dma_wait3A_71] : memref<64x1000000xf32, #tpu.memory_space<hbm>> -> memref<64x128xf32, #tpu.memory_space<hbm>>
          %dma_wait3A_73 = arith.constant 0 : i32
          %dma_wait3A_74 = arith.constant 0 : i32
          %dma_wait3A_75 = tpu.memref_slice %arg2[%dma_wait3A_73, %dma_wait3A_74] : memref<64x1000000xf32, #tpu.memory_space<hbm>> -> memref<64x128xf32, #tpu.memory_space<hbm>>
          tpu.wait_dma2 semaphore(%arg12 : memref<!tpu.dma_semaphore, #tpu.memory_space<semaphore_mem>>) src(%dma_wait3A_75 : memref<64x128xf32, #tpu.memory_space<hbm>>) dst(%arg5 : memref<64x128xf32, #tpu.memory_space<vmem>>)
          %ge3A_76 = arith.constant 2 : i32
          %ge3A_77 = arith.cmpi sge, %scan3A_39, %ge3A_76 : i32
          %convert_element_type3A_78 = arith.extui %ge3A_77 : i1 to i32
          %cond3A_79 = arith.constant 0 : i32
          %cond3A_80 = arith.cmpi ne, %convert_element_type3A_78, %cond3A_79 : i32
          scf.if %cond3A_80 {
            %dma_wait3A_91 = arith.constant 0 : i32
            %dma_wait3A_92 = arith.constant 0 : i32
            %dma_wait3A_93 = tpu.memref_slice %arg3[%dma_wait3A_91, %dma_wait3A_92] : memref<500000x128xf32, #tpu.memory_space<hbm>> -> memref<64x128xf32, #tpu.memory_space<hbm>>
            %dma_wait3A_94 = arith.constant 0 : i32
            %dma_wait3A_95 = arith.constant 0 : i32
            %dma_wait3A_96 = tpu.memref_slice %arg3[%dma_wait3A_94, %dma_wait3A_95] : memref<500000x128xf32, #tpu.memory_space<hbm>> -> memref<64x128xf32, #tpu.memory_space<hbm>>
            tpu.wait_dma2 semaphore(%arg14 : memref<!tpu.dma_semaphore, #tpu.memory_space<semaphore_mem>>) src(%arg8 : memref<64x128xf32, #tpu.memory_space<vmem>>) dst(%dma_wait3A_96 : memref<64x128xf32, #tpu.memory_space<hbm>>)
          } else {
          }
          %parallel_loop3A = arith.constant 0 : i32
          %parallel_loop3A_81 = arith.constant 64 : i32
          %parallel_loop3A_82 = arith.constant 1 : i32
          scf.for %parallel_loop3A_91 = %parallel_loop3A to %parallel_loop3A_81 step %parallel_loop3A_82  : i32 {
            %parallel_loop3A_92 = arith.index_cast %parallel_loop3A_91 : i32 to index
            %parallel_loop3A_93 = arith.constant 0 : index
            %parallel_loop3A_94 = tpu.vector_load %arg5[%parallel_loop3A_92, %parallel_loop3A_93] {strides = array<i32>} : memref<64x128xf32, #tpu.memory_space<vmem>>, vector<16xf32>,
            %parallel_loop3A_95 = arith.index_cast %parallel_loop3A_91 : i32 to index
            %parallel_loop3A_96 = arith.constant 0 : index
            %parallel_loop3A_97 = tpu.vector_load %arg6[%parallel_loop3A_95, %parallel_loop3A_96] {strides = array<i32>} : memref<64x129xf32, #tpu.memory_space<vmem>>, vector<16xf32>,
            tpu.vector_store %arg6[%parallel_loop3A_95, %parallel_loop3A_96], %parallel_loop3A_94 {strides = array<i32>} : memref<64x129xf32, #tpu.memory_space<vmem>>, vector<16xf32>,
            %parallel_loop3A_98 = arith.index_cast %parallel_loop3A_91 : i32 to index
            %parallel_loop3A_99 = arith.constant 16 : index
            %parallel_loop3A_100 = tpu.vector_load %arg5[%parallel_loop3A_98, %parallel_loop3A_99] {strides = array<i32>} : memref<64x128xf32, #tpu.memory_space<vmem>>, vector<16xf32>,
            %parallel_loop3A_101 = arith.index_cast %parallel_loop3A_91 : i32 to index
            %parallel_loop3A_102 = arith.constant 16 : index
            %parallel_loop3A_103 = tpu.vector_load %arg6[%parallel_loop3A_101, %parallel_loop3A_102] {strides = array<i32>} : memref<64x129xf32, #tpu.memory_space<vmem>>, vector<16xf32>,
            tpu.vector_store %arg6[%parallel_loop3A_101, %parallel_loop3A_102], %parallel_loop3A_100 {strides = array<i32>} : memref<64x129xf32, #tpu.memory_space<vmem>>, vector<16xf32>,
            %parallel_loop3A_104 = arith.index_cast %parallel_loop3A_91 : i32 to index
            %parallel_loop3A_105 = arith.constant 32 : index
            %parallel_loop3A_106 = tpu.vector_load %arg5[%parallel_loop3A_104, %parallel_loop3A_105] {strides = array<i32>} : memref<64x128xf32, #tpu.memory_space<vmem>>, vector<16xf32>,
            %parallel_loop3A_107 = arith.index_cast %parallel_loop3A_91 : i32 to index
            %parallel_loop3A_108 = arith.constant 32 : index
            %parallel_loop3A_109 = tpu.vector_load %arg6[%parallel_loop3A_107, %parallel_loop3A_108] {strides = array<i32>} : memref<64x129xf32, #tpu.memory_space<vmem>>, vector<16xf32>,
            tpu.vector_store %arg6[%parallel_loop3A_107, %parallel_loop3A_108], %parallel_loop3A_106 {strides = array<i32>} : memref<64x129xf32, #tpu.memory_space<vmem>>, vector<16xf32>,
            %parallel_loop3A_110 = arith.index_cast %parallel_loop3A_91 : i32 to index
            %parallel_loop3A_111 = arith.constant 48 : index
            %parallel_loop3A_112 = tpu.vector_load %arg5[%parallel_loop3A_110, %parallel_loop3A_111] {strides = array<i32>} : memref<64x128xf32, #tpu.memory_space<vmem>>, vector<16xf32>,
            %parallel_loop3A_113 = arith.index_cast %parallel_loop3A_91 : i32 to index
            %parallel_loop3A_114 = arith.constant 48 : index
            %parallel_loop3A_115 = tpu.vector_load %arg6[%parallel_loop3A_113, %parallel_loop3A_114] {strides = array<i32>} : memref<64x129xf32, #tpu.memory_space<vmem>>, vector<16xf32>,
            tpu.vector_store %arg6[%parallel_loop3A_113, %parallel_loop3A_114], %parallel_loop3A_112 {strides = array<i32>} : memref<64x129xf32, #tpu.memory_space<vmem>>, vector<16xf32>,
            %parallel_loop3A_116 = arith.index_cast %parallel_loop3A_91 : i32 to index
            %parallel_loop3A_117 = arith.constant 64 : index
            %parallel_loop3A_118 = tpu.vector_load %arg5[%parallel_loop3A_116, %parallel_loop3A_117] {strides = array<i32>} : memref<64x128xf32, #tpu.memory_space<vmem>>, vector<16xf32>,
            %parallel_loop3A_119 = arith.index_cast %parallel_loop3A_91 : i32 to index
            %parallel_loop3A_120 = arith.constant 64 : index
            %parallel_loop3A_121 = tpu.vector_load %arg6[%parallel_loop3A_119, %parallel_loop3A_120] {strides = array<i32>} : memref<64x129xf32, #tpu.memory_space<vmem>>, vector<16xf32>,
            tpu.vector_store %arg6[%parallel_loop3A_119, %parallel_loop3A_120], %parallel_loop3A_118 {strides = array<i32>} : memref<64x129xf32, #tpu.memory_space<vmem>>, vector<16xf32>,
            %parallel_loop3A_122 = arith.index_cast %parallel_loop3A_91 : i32 to index
            %parallel_loop3A_123 = arith.constant 80 : index
            %parallel_loop3A_124 = tpu.vector_load %arg5[%parallel_loop3A_122, %parallel_loop3A_123] {strides = array<i32>} : memref<64x128xf32, #tpu.memory_space<vmem>>, vector<16xf32>,
            %parallel_loop3A_125 = arith.index_cast %parallel_loop3A_91 : i32 to index
            %parallel_loop3A_126 = arith.constant 80 : index
            %parallel_loop3A_127 = tpu.vector_load %arg6[%parallel_loop3A_125, %parallel_loop3A_126] {strides = array<i32>} : memref<64x129xf32, #tpu.memory_space<vmem>>, vector<16xf32>,
            tpu.vector_store %arg6[%parallel_loop3A_125, %parallel_loop3A_126], %parallel_loop3A_124 {strides = array<i32>} : memref<64x129xf32, #tpu.memory_space<vmem>>, vector<16xf32>,
            %parallel_loop3A_128 = arith.index_cast %parallel_loop3A_91 : i32 to index
            %parallel_loop3A_129 = arith.constant 96 : index
            %parallel_loop3A_130 = tpu.vector_load %arg5[%parallel_loop3A_128, %parallel_loop3A_129] {strides = array<i32>} : memref<64x128xf32, #tpu.memory_space<vmem>>, vector<16xf32>,
            %parallel_loop3A_131 = arith.index_cast %parallel_loop3A_91 : i32 to index
            %parallel_loop3A_132 = arith.constant 96 : index
            %parallel_loop3A_133 = tpu.vector_load %arg6[%parallel_loop3A_131, %parallel_loop3A_132] {strides = array<i32>} : memref<64x129xf32, #tpu.memory_space<vmem>>, vector<16xf32>,
            tpu.vector_store %arg6[%parallel_loop3A_131, %parallel_loop3A_132], %parallel_loop3A_130 {strides = array<i32>} : memref<64x129xf32, #tpu.memory_space<vmem>>, vector<16xf32>,
            %parallel_loop3A_134 = arith.index_cast %parallel_loop3A_91 : i32 to index
            %parallel_loop3A_135 = arith.constant 112 : index
            %parallel_loop3A_136 = tpu.vector_load %arg5[%parallel_loop3A_134, %parallel_loop3A_135] {strides = array<i32>} : memref<64x128xf32, #tpu.memory_space<vmem>>, vector<16xf32>,
            %parallel_loop3A_137 = arith.index_cast %parallel_loop3A_91 : i32 to index
            %parallel_loop3A_138 = arith.constant 112 : index
            %parallel_loop3A_139 = tpu.vector_load %arg6[%parallel_loop3A_137, %parallel_loop3A_138] {strides = array<i32>} : memref<64x129xf32, #tpu.memory_space<vmem>>, vector<16xf32>,
            tpu.vector_store %arg6[%parallel_loop3A_137, %parallel_loop3A_138], %parallel_loop3A_136 {strides = array<i32>} : memref<64x129xf32, #tpu.memory_space<vmem>>, vector<16xf32>,
          } {sc.loop_unroll_factor = 8 : i64, sc.parallel_access}
          %parallel_loop3A_83 = arith.constant 0 : i32
          %parallel_loop3A_84 = arith.constant 64 : i32
          %parallel_loop3A_85 = arith.constant 1 : i32
          scf.for %parallel_loop3A_91 = %parallel_loop3A_83 to %parallel_loop3A_84 step %parallel_loop3A_85  : i32 {
            %parallel_loop3A_92 = arith.constant 2 : i32
            %parallel_loop3A_93 = arith.muli %parallel_loop3A_92, %parallel_loop3A_91 : i32
            %parallel_loop3A_94 = vector.broadcast %parallel_loop3A_93 : i32 to vector<16xi32>
            %parallel_loop3A_95 = arith.constant 1 : i32
            %parallel_loop3A_96 = vector.broadcast %parallel_loop3A_95 : i32 to vector<16xi32>
            %parallel_loop3A_97 = arith.addi %parallel_loop3A_94, %parallel_loop3A_96 : vector<16xi32>
            %parallel_loop3A_98 = arith.constant 0 : i32
            %parallel_loop3A_99 = vector.broadcast %parallel_loop3A_98 : i32 to vector<16xi32>
            %parallel_loop3A_100 = arith.addi %iota3A, %parallel_loop3A_99 : vector<16xi32>
            %parallel_loop3A_101 = tpu.vector_load_idx %arg6[%parallel_loop3A_100, %parallel_loop3A_94] : memref<64x129xf32, #tpu.memory_space<vmem>>[vector<16xi32>, vector<16xi32>], vector<16xf32>,
            %parallel_loop3A_102 = arith.constant 8.000000e+00 : f32
            %parallel_loop3A_103 = vector.broadcast %parallel_loop3A_102 : f32 to vector<16xf32>
            %parallel_loop3A_104 = arith.mulf %parallel_loop3A_101, %parallel_loop3A_103 : vector<16xf32>
            %parallel_loop3A_105 = arith.index_cast %parallel_loop3A_91 : i32 to index
            %parallel_loop3A_106 = arith.constant 0 : index
            %parallel_loop3A_107 = tpu.vector_load %arg8[%parallel_loop3A_105, %parallel_loop3A_106] {strides = array<i32>} : memref<64x128xf32, #tpu.memory_space<vmem>>, vector<16xf32>,
            tpu.vector_store %arg8[%parallel_loop3A_105, %parallel_loop3A_106], %parallel_loop3A_104 {strides = array<i32>} : memref<64x128xf32, #tpu.memory_space<vmem>>, vector<16xf32>,
            %parallel_loop3A_108 = arith.constant 16 : i32
            %parallel_loop3A_109 = vector.broadcast %parallel_loop3A_108 : i32 to vector<16xi32>
            %parallel_loop3A_110 = arith.addi %iota3A, %parallel_loop3A_109 : vector<16xi32>
            %parallel_loop3A_111 = tpu.vector_load_idx %arg6[%parallel_loop3A_110, %parallel_loop3A_94] : memref<64x129xf32, #tpu.memory_space<vmem>>[vector<16xi32>, vector<16xi32>], vector<16xf32>,
            %parallel_loop3A_112 = arith.constant 8.000000e+00 : f32
            %parallel_loop3A_113 = vector.broadcast %parallel_loop3A_112 : f32 to vector<16xf32>
            %parallel_loop3A_114 = arith.mulf %parallel_loop3A_111, %parallel_loop3A_113 : vector<16xf32>
            %parallel_loop3A_115 = arith.index_cast %parallel_loop3A_91 : i32 to index
            %parallel_loop3A_116 = arith.constant 16 : index
            %parallel_loop3A_117 = tpu.vector_load %arg8[%parallel_loop3A_115, %parallel_loop3A_116] {strides = array<i32>} : memref<64x128xf32, #tpu.memory_space<vmem>>, vector<16xf32>,
            tpu.vector_store %arg8[%parallel_loop3A_115, %parallel_loop3A_116], %parallel_loop3A_114 {strides = array<i32>} : memref<64x128xf32, #tpu.memory_space<vmem>>, vector<16xf32>,
            %parallel_loop3A_118 = arith.constant 32 : i32
            %parallel_loop3A_119 = vector.broadcast %parallel_loop3A_118 : i32 to vector<16xi32>
            %parallel_loop3A_120 = arith.addi %iota3A, %parallel_loop3A_119 : vector<16xi32>
            %parallel_loop3A_121 = tpu.vector_load_idx %arg6[%parallel_loop3A_120, %parallel_loop3A_94] : memref<64x129xf32, #tpu.memory_space<vmem>>[vector<16xi32>, vector<16xi32>], vector<16xf32>,
            %parallel_loop3A_122 = arith.constant 8.000000e+00 : f32
            %parallel_loop3A_123 = vector.broadcast %parallel_loop3A_122 : f32 to vector<16xf32>
            %parallel_loop3A_124 = arith.mulf %parallel_loop3A_121, %parallel_loop3A_123 : vector<16xf32>
            %parallel_loop3A_125 = arith.index_cast %parallel_loop3A_91 : i32 to index
            %parallel_loop3A_126 = arith.constant 32 : index
            %parallel_loop3A_127 = tpu.vector_load %arg8[%parallel_loop3A_125, %parallel_loop3A_126] {strides = array<i32>} : memref<64x128xf32, #tpu.memory_space<vmem>>, vector<16xf32>,
            tpu.vector_store %arg8[%parallel_loop3A_125, %parallel_loop3A_126], %parallel_loop3A_124 {strides = array<i32>} : memref<64x128xf32, #tpu.memory_space<vmem>>, vector<16xf32>,
            %parallel_loop3A_128 = arith.constant 48 : i32
            %parallel_loop3A_129 = vector.broadcast %parallel_loop3A_128 : i32 to vector<16xi32>
            %parallel_loop3A_130 = arith.addi %iota3A, %parallel_loop3A_129 : vector<16xi32>
            %parallel_loop3A_131 = tpu.vector_load_idx %arg6[%parallel_loop3A_130, %parallel_loop3A_94] : memref<64x129xf32, #tpu.memory_space<vmem>>[vector<16xi32>, vector<16xi32>], vector<16xf32>,
            %parallel_loop3A_132 = arith.constant 8.000000e+00 : f32
            %parallel_loop3A_133 = vector.broadcast %parallel_loop3A_132 : f32 to vector<16xf32>
            %parallel_loop3A_134 = arith.mulf %parallel_loop3A_131, %parallel_loop3A_133 : vector<16xf32>
            %parallel_loop3A_135 = arith.index_cast %parallel_loop3A_91 : i32 to index
            %parallel_loop3A_136 = arith.constant 48 : index
            %parallel_loop3A_137 = tpu.vector_load %arg8[%parallel_loop3A_135, %parallel_loop3A_136] {strides = array<i32>} : memref<64x128xf32, #tpu.memory_space<vmem>>, vector<16xf32>,
            tpu.vector_store %arg8[%parallel_loop3A_135, %parallel_loop3A_136], %parallel_loop3A_134 {strides = array<i32>} : memref<64x128xf32, #tpu.memory_space<vmem>>, vector<16xf32>,
            %parallel_loop3A_138 = arith.constant 0 : i32
            %parallel_loop3A_139 = vector.broadcast %parallel_loop3A_138 : i32 to vector<16xi32>
            %parallel_loop3A_140 = arith.addi %iota3A, %parallel_loop3A_139 : vector<16xi32>
            %parallel_loop3A_141 = tpu.vector_load_idx %arg6[%parallel_loop3A_140, %parallel_loop3A_97] : memref<64x129xf32, #tpu.memory_space<vmem>>[vector<16xi32>, vector<16xi32>], vector<16xf32>,
            %parallel_loop3A_142 = arith.constant 8.000000e+00 : f32
            %parallel_loop3A_143 = vector.broadcast %parallel_loop3A_142 : f32 to vector<16xf32>
            %parallel_loop3A_144 = arith.mulf %parallel_loop3A_141, %parallel_loop3A_143 : vector<16xf32>
            %parallel_loop3A_145 = arith.index_cast %parallel_loop3A_91 : i32 to index
            %parallel_loop3A_146 = arith.constant 64 : index
            %parallel_loop3A_147 = tpu.vector_load %arg8[%parallel_loop3A_145, %parallel_loop3A_146] {strides = array<i32>} : memref<64x128xf32, #tpu.memory_space<vmem>>, vector<16xf32>,
            tpu.vector_store %arg8[%parallel_loop3A_145, %parallel_loop3A_146], %parallel_loop3A_144 {strides = array<i32>} : memref<64x128xf32, #tpu.memory_space<vmem>>, vector<16xf32>,
            %parallel_loop3A_148 = arith.constant 16 : i32
            %parallel_loop3A_149 = vector.broadcast %parallel_loop3A_148 : i32 to vector<16xi32>
            %parallel_loop3A_150 = arith.addi %iota3A, %parallel_loop3A_149 : vector<16xi32>
            %parallel_loop3A_151 = tpu.vector_load_idx %arg6[%parallel_loop3A_150, %parallel_loop3A_97] : memref<64x129xf32, #tpu.memory_space<vmem>>[vector<16xi32>, vector<16xi32>], vector<16xf32>,
            %parallel_loop3A_152 = arith.constant 8.000000e+00 : f32
            %parallel_loop3A_153 = vector.broadcast %parallel_loop3A_152 : f32 to vector<16xf32>
            %parallel_loop3A_154 = arith.mulf %parallel_loop3A_151, %parallel_loop3A_153 : vector<16xf32>
            %parallel_loop3A_155 = arith.index_cast %parallel_loop3A_91 : i32 to index
            %parallel_loop3A_156 = arith.constant 80 : index
            %parallel_loop3A_157 = tpu.vector_load %arg8[%parallel_loop3A_155, %parallel_loop3A_156] {strides = array<i32>} : memref<64x128xf32, #tpu.memory_space<vmem>>, vector<16xf32>,
            tpu.vector_store %arg8[%parallel_loop3A_155, %parallel_loop3A_156], %parallel_loop3A_154 {strides = array<i32>} : memref<64x128xf32, #tpu.memory_space<vmem>>, vector<16xf32>,
            %parallel_loop3A_158 = arith.constant 32 : i32
            %parallel_loop3A_159 = vector.broadcast %parallel_loop3A_158 : i32 to vector<16xi32>
            %parallel_loop3A_160 = arith.addi %iota3A, %parallel_loop3A_159 : vector<16xi32>
            %parallel_loop3A_161 = tpu.vector_load_idx %arg6[%parallel_loop3A_160, %parallel_loop3A_97] : memref<64x129xf32, #tpu.memory_space<vmem>>[vector<16xi32>, vector<16xi32>], vector<16xf32>,
            %parallel_loop3A_162 = arith.constant 8.000000e+00 : f32
            %parallel_loop3A_163 = vector.broadcast %parallel_loop3A_162 : f32 to vector<16xf32>
            %parallel_loop3A_164 = arith.mulf %parallel_loop3A_161, %parallel_loop3A_163 : vector<16xf32>
            %parallel_loop3A_165 = arith.index_cast %parallel_loop3A_91 : i32 to index
            %parallel_loop3A_166 = arith.constant 96 : index
            %parallel_loop3A_167 = tpu.vector_load %arg8[%parallel_loop3A_165, %parallel_loop3A_166] {strides = array<i32>} : memref<64x128xf32, #tpu.memory_space<vmem>>, vector<16xf32>,
            tpu.vector_store %arg8[%parallel_loop3A_165, %parallel_loop3A_166], %parallel_loop3A_164 {strides = array<i32>} : memref<64x128xf32, #tpu.memory_space<vmem>>, vector<16xf32>,
            %parallel_loop3A_168 = arith.constant 48 : i32
            %parallel_loop3A_169 = vector.broadcast %parallel_loop3A_168 : i32 to vector<16xi32>
            %parallel_loop3A_170 = arith.addi %iota3A, %parallel_loop3A_169 : vector<16xi32>
            %parallel_loop3A_171 = tpu.vector_load_idx %arg6[%parallel_loop3A_170, %parallel_loop3A_97] : memref<64x129xf32, #tpu.memory_space<vmem>>[vector<16xi32>, vector<16xi32>], vector<16xf32>,
            %parallel_loop3A_172 = arith.constant 8.000000e+00 : f32
            %parallel_loop3A_173 = vector.broadcast %parallel_loop3A_172 : f32 to vector<16xf32>
            %parallel_loop3A_174 = arith.mulf %parallel_loop3A_171, %parallel_loop3A_173 : vector<16xf32>
            %parallel_loop3A_175 = arith.index_cast %parallel_loop3A_91 : i32 to index
            %parallel_loop3A_176 = arith.constant 112 : index
            %parallel_loop3A_177 = tpu.vector_load %arg8[%parallel_loop3A_175, %parallel_loop3A_176] {strides = array<i32>} : memref<64x128xf32, #tpu.memory_space<vmem>>, vector<16xf32>,
            tpu.vector_store %arg8[%parallel_loop3A_175, %parallel_loop3A_176], %parallel_loop3A_174 {strides = array<i32>} : memref<64x128xf32, #tpu.memory_space<vmem>>, vector<16xf32>,
          } {sc.loop_unroll_factor = 4 : i64, sc.parallel_access}
          %mul3A_86 = arith.constant 64 : i32
          %mul3A_87 = arith.muli %add3A_42, %mul3A_86 : i32
          %dma_start3A = arith.constant 0 : i32
          %dma_start3A_88 = tpu.memref_slice %arg3[%mul3A_87, %dma_start3A] : memref<500000x128xf32, #tpu.memory_space<hbm>> -> memref<64x128xf32, #tpu.memory_space<hbm>>
          %dma_start3A_89 = arith.constant 0 : i32
          %dma_start3A_90 = tpu.memref_slice %arg3[%mul3A_87, %dma_start3A_89] : memref<500000x128xf32, #tpu.memory_space<hbm>> -> memref<64x128xf32, #tpu.memory_space<hbm>>
          tpu.enqueue_dma source(%arg8 : memref<64x128xf32, #tpu.memory_space<vmem>>) target(%dma_start3A_90 : memref<64x128xf32, #tpu.memory_space<hbm>>) target_semaphore(%arg14 : memref<!tpu.dma_semaphore, #tpu.memory_space<semaphore_mem>>)
        } else {
        }
      } else {
      }
      %eq3A = arith.constant 7812 : i32
      %eq3A_52 = arith.cmpi eq, %add3A_42, %eq3A : i32
      %convert_element_type3A_53 = arith.extui %eq3A_52 : i1 to i32
      %cond3A_54 = arith.constant 0 : i32
      %cond3A_55 = arith.cmpi ne, %convert_element_type3A_53, %cond3A_54 : i32
      scf.if %cond3A_55 {
        "tpu.region"() ({
          %run_scoped3A = tpu.sem_alloc : memref<!tpu.dma_semaphore, #tpu.memory_space<semaphore_mem>>
          %dma_start3A = arith.constant 0 : i32
          %dma_start3A_61 = arith.constant 999936 : i32
          %dma_start3A_62 = tpu.memref_slice %arg2[%dma_start3A, %dma_start3A_61] : memref<64x1000000xf32, #tpu.memory_space<hbm>> -> memref<64x64xf32, #tpu.memory_space<hbm>>
          %dma_start3A_63 = arith.constant 0 : i32
          %dma_start3A_64 = arith.constant 999936 : i32
          %dma_start3A_65 = tpu.memref_slice %arg2[%dma_start3A_63, %dma_start3A_64] : memref<64x1000000xf32, #tpu.memory_space<hbm>> -> memref<64x64xf32, #tpu.memory_space<hbm>>
          tpu.enqueue_dma source(%dma_start3A_65 : memref<64x64xf32, #tpu.memory_space<hbm>>) target(%arg9 : memref<64x64xf32, #tpu.memory_space<vmem>>) target_semaphore(%run_scoped3A : memref<!tpu.dma_semaphore, #tpu.memory_space<semaphore_mem>>)
          %dma_wait3A = arith.constant 0 : i32
          %dma_wait3A_66 = arith.constant 999936 : i32
          %dma_wait3A_67 = tpu.memref_slice %arg2[%dma_wait3A, %dma_wait3A_66] : memref<64x1000000xf32, #tpu.memory_space<hbm>> -> memref<64x64xf32, #tpu.memory_space<hbm>>
          %dma_wait3A_68 = arith.constant 0 : i32
          %dma_wait3A_69 = arith.constant 999936 : i32
          %dma_wait3A_70 = tpu.memref_slice %arg2[%dma_wait3A_68, %dma_wait3A_69] : memref<64x1000000xf32, #tpu.memory_space<hbm>> -> memref<64x64xf32, #tpu.memory_space<hbm>>
          tpu.wait_dma2 semaphore(%run_scoped3A : memref<!tpu.dma_semaphore, #tpu.memory_space<semaphore_mem>>) src(%dma_wait3A_70 : memref<64x64xf32, #tpu.memory_space<hbm>>) dst(%arg9 : memref<64x64xf32, #tpu.memory_space<vmem>>)
          tpu.yield
        }) : () -> ()
        %parallel_loop3A = arith.constant 0 : i32
        %parallel_loop3A_56 = arith.constant 64 : i32
        %parallel_loop3A_57 = arith.constant 1 : i32
        scf.for %parallel_loop3A_61 = %parallel_loop3A to %parallel_loop3A_56 step %parallel_loop3A_57  : i32 {
          %parallel_loop3A_62 = arith.index_cast %parallel_loop3A_61 : i32 to index
          %parallel_loop3A_63 = arith.constant 0 : index
          %parallel_loop3A_64 = tpu.vector_load %arg9[%parallel_loop3A_62, %parallel_loop3A_63] {strides = array<i32>} : memref<64x64xf32, #tpu.memory_space<vmem>>, vector<16xf32>,
          %parallel_loop3A_65 = arith.index_cast %parallel_loop3A_61 : i32 to index
          %parallel_loop3A_66 = arith.constant 0 : index
          %parallel_loop3A_67 = tpu.vector_load %arg6[%parallel_loop3A_65, %parallel_loop3A_66] {strides = array<i32>} : memref<64x129xf32, #tpu.memory_space<vmem>>, vector<16xf32>,
          tpu.vector_store %arg6[%parallel_loop3A_65, %parallel_loop3A_66], %parallel_loop3A_64 {strides = array<i32>} : memref<64x129xf32, #tpu.memory_space<vmem>>, vector<16xf32>,
          %parallel_loop3A_68 = arith.index_cast %parallel_loop3A_61 : i32 to index
          %parallel_loop3A_69 = arith.constant 16 : index
          %parallel_loop3A_70 = tpu.vector_load %arg9[%parallel_loop3A_68, %parallel_loop3A_69] {strides = array<i32>} : memref<64x64xf32, #tpu.memory_space<vmem>>, vector<16xf32>,
          %parallel_loop3A_71 = arith.index_cast %parallel_loop3A_61 : i32 to index
          %parallel_loop3A_72 = arith.constant 16 : index
          %parallel_loop3A_73 = tpu.vector_load %arg6[%parallel_loop3A_71, %parallel_loop3A_72] {strides = array<i32>} : memref<64x129xf32, #tpu.memory_space<vmem>>, vector<16xf32>,
          tpu.vector_store %arg6[%parallel_loop3A_71, %parallel_loop3A_72], %parallel_loop3A_70 {strides = array<i32>} : memref<64x129xf32, #tpu.memory_space<vmem>>, vector<16xf32>,
          %parallel_loop3A_74 = arith.index_cast %parallel_loop3A_61 : i32 to index
          %parallel_loop3A_75 = arith.constant 32 : index
          %parallel_loop3A_76 = tpu.vector_load %arg9[%parallel_loop3A_74, %parallel_loop3A_75] {strides = array<i32>} : memref<64x64xf32, #tpu.memory_space<vmem>>, vector<16xf32>,
          %parallel_loop3A_77 = arith.index_cast %parallel_loop3A_61 : i32 to index
          %parallel_loop3A_78 = arith.constant 32 : index
          %parallel_loop3A_79 = tpu.vector_load %arg6[%parallel_loop3A_77, %parallel_loop3A_78] {strides = array<i32>} : memref<64x129xf32, #tpu.memory_space<vmem>>, vector<16xf32>,
          tpu.vector_store %arg6[%parallel_loop3A_77, %parallel_loop3A_78], %parallel_loop3A_76 {strides = array<i32>} : memref<64x129xf32, #tpu.memory_space<vmem>>, vector<16xf32>,
          %parallel_loop3A_80 = arith.index_cast %parallel_loop3A_61 : i32 to index
          %parallel_loop3A_81 = arith.constant 48 : index
          %parallel_loop3A_82 = tpu.vector_load %arg9[%parallel_loop3A_80, %parallel_loop3A_81] {strides = array<i32>} : memref<64x64xf32, #tpu.memory_space<vmem>>, vector<16xf32>,
          %parallel_loop3A_83 = arith.index_cast %parallel_loop3A_61 : i32 to index
          %parallel_loop3A_84 = arith.constant 48 : index
          %parallel_loop3A_85 = tpu.vector_load %arg6[%parallel_loop3A_83, %parallel_loop3A_84] {strides = array<i32>} : memref<64x129xf32, #tpu.memory_space<vmem>>, vector<16xf32>,
          tpu.vector_store %arg6[%parallel_loop3A_83, %parallel_loop3A_84], %parallel_loop3A_82 {strides = array<i32>} : memref<64x129xf32, #tpu.memory_space<vmem>>, vector<16xf32>,
        } {sc.loop_unroll_factor = 8 : i64, sc.parallel_access}
        %parallel_loop3A_58 = arith.constant 0 : i32
        %parallel_loop3A_59 = arith.constant 32 : i32
        %parallel_loop3A_60 = arith.constant 1 : i32
        scf.for %parallel_loop3A_61 = %parallel_loop3A_58 to %parallel_loop3A_59 step %parallel_loop3A_60  : i32 {
          %parallel_loop3A_62 = arith.constant 2 : i32
          %parallel_loop3A_63 = arith.muli %parallel_loop3A_62, %parallel_loop3A_61 : i32
          %parallel_loop3A_64 = vector.broadcast %parallel_loop3A_63 : i32 to vector<16xi32>
          %parallel_loop3A_65 = arith.constant 1 : i32
          %parallel_loop3A_66 = vector.broadcast %parallel_loop3A_65 : i32 to vector<16xi32>
          %parallel_loop3A_67 = arith.addi %parallel_loop3A_64, %parallel_loop3A_66 : vector<16xi32>
          %parallel_loop3A_68 = arith.constant 0 : i32
          %parallel_loop3A_69 = vector.broadcast %parallel_loop3A_68 : i32 to vector<16xi32>
          %parallel_loop3A_70 = arith.addi %iota3A, %parallel_loop3A_69 : vector<16xi32>
          %parallel_loop3A_71 = tpu.vector_load_idx %arg6[%parallel_loop3A_70, %parallel_loop3A_64] : memref<64x129xf32, #tpu.memory_space<vmem>>[vector<16xi32>, vector<16xi32>], vector<16xf32>,
          %parallel_loop3A_72 = arith.constant 8.000000e+00 : f32
          %parallel_loop3A_73 = vector.broadcast %parallel_loop3A_72 : f32 to vector<16xf32>
          %parallel_loop3A_74 = arith.mulf %parallel_loop3A_71, %parallel_loop3A_73 : vector<16xf32>
          %parallel_loop3A_75 = arith.index_cast %parallel_loop3A_61 : i32 to index
          %parallel_loop3A_76 = arith.constant 0 : index
          %parallel_loop3A_77 = tpu.vector_load %arg10[%parallel_loop3A_75, %parallel_loop3A_76] {strides = array<i32>} : memref<32x128xf32, #tpu.memory_space<vmem>>, vector<16xf32>,
          tpu.vector_store %arg10[%parallel_loop3A_75, %parallel_loop3A_76], %parallel_loop3A_74 {strides = array<i32>} : memref<32x128xf32, #tpu.memory_space<vmem>>, vector<16xf32>,
          %parallel_loop3A_78 = arith.constant 16 : i32
          %parallel_loop3A_79 = vector.broadcast %parallel_loop3A_78 : i32 to vector<16xi32>
          %parallel_loop3A_80 = arith.addi %iota3A, %parallel_loop3A_79 : vector<16xi32>
          %parallel_loop3A_81 = tpu.vector_load_idx %arg6[%parallel_loop3A_80, %parallel_loop3A_64] : memref<64x129xf32, #tpu.memory_space<vmem>>[vector<16xi32>, vector<16xi32>], vector<16xf32>,
          %parallel_loop3A_82 = arith.constant 8.000000e+00 : f32
          %parallel_loop3A_83 = vector.broadcast %parallel_loop3A_82 : f32 to vector<16xf32>
          %parallel_loop3A_84 = arith.mulf %parallel_loop3A_81, %parallel_loop3A_83 : vector<16xf32>
          %parallel_loop3A_85 = arith.index_cast %parallel_loop3A_61 : i32 to index
          %parallel_loop3A_86 = arith.constant 16 : index
          %parallel_loop3A_87 = tpu.vector_load %arg10[%parallel_loop3A_85, %parallel_loop3A_86] {strides = array<i32>} : memref<32x128xf32, #tpu.memory_space<vmem>>, vector<16xf32>,
          tpu.vector_store %arg10[%parallel_loop3A_85, %parallel_loop3A_86], %parallel_loop3A_84 {strides = array<i32>} : memref<32x128xf32, #tpu.memory_space<vmem>>, vector<16xf32>,
          %parallel_loop3A_88 = arith.constant 32 : i32
          %parallel_loop3A_89 = vector.broadcast %parallel_loop3A_88 : i32 to vector<16xi32>
          %parallel_loop3A_90 = arith.addi %iota3A, %parallel_loop3A_89 : vector<16xi32>
          %parallel_loop3A_91 = tpu.vector_load_idx %arg6[%parallel_loop3A_90, %parallel_loop3A_64] : memref<64x129xf32, #tpu.memory_space<vmem>>[vector<16xi32>, vector<16xi32>], vector<16xf32>,
          %parallel_loop3A_92 = arith.constant 8.000000e+00 : f32
          %parallel_loop3A_93 = vector.broadcast %parallel_loop3A_92 : f32 to vector<16xf32>
          %parallel_loop3A_94 = arith.mulf %parallel_loop3A_91, %parallel_loop3A_93 : vector<16xf32>
          %parallel_loop3A_95 = arith.index_cast %parallel_loop3A_61 : i32 to index
          %parallel_loop3A_96 = arith.constant 32 : index
          %parallel_loop3A_97 = tpu.vector_load %arg10[%parallel_loop3A_95, %parallel_loop3A_96] {strides = array<i32>} : memref<32x128xf32, #tpu.memory_space<vmem>>, vector<16xf32>,
          tpu.vector_store %arg10[%parallel_loop3A_95, %parallel_loop3A_96], %parallel_loop3A_94 {strides = array<i32>} : memref<32x128xf32, #tpu.memory_space<vmem>>, vector<16xf32>,
          %parallel_loop3A_98 = arith.constant 48 : i32
          %parallel_loop3A_99 = vector.broadcast %parallel_loop3A_98 : i32 to vector<16xi32>
          %parallel_loop3A_100 = arith.addi %iota3A, %parallel_loop3A_99 : vector<16xi32>
          %parallel_loop3A_101 = tpu.vector_load_idx %arg6[%parallel_loop3A_100, %parallel_loop3A_64] : memref<64x129xf32, #tpu.memory_space<vmem>>[vector<16xi32>, vector<16xi32>], vector<16xf32>,
          %parallel_loop3A_102 = arith.constant 8.000000e+00 : f32
          %parallel_loop3A_103 = vector.broadcast %parallel_loop3A_102 : f32 to vector<16xf32>
          %parallel_loop3A_104 = arith.mulf %parallel_loop3A_101, %parallel_loop3A_103 : vector<16xf32>
          %parallel_loop3A_105 = arith.index_cast %parallel_loop3A_61 : i32 to index
          %parallel_loop3A_106 = arith.constant 48 : index
          %parallel_loop3A_107 = tpu.vector_load %arg10[%parallel_loop3A_105, %parallel_loop3A_106] {strides = array<i32>} : memref<32x128xf32, #tpu.memory_space<vmem>>, vector<16xf32>,
          tpu.vector_store %arg10[%parallel_loop3A_105, %parallel_loop3A_106], %parallel_loop3A_104 {strides = array<i32>} : memref<32x128xf32, #tpu.memory_space<vmem>>, vector<16xf32>,
          %parallel_loop3A_108 = arith.constant 0 : i32
          %parallel_loop3A_109 = vector.broadcast %parallel_loop3A_108 : i32 to vector<16xi32>
          %parallel_loop3A_110 = arith.addi %iota3A, %parallel_loop3A_109 : vector<16xi32>
          %parallel_loop3A_111 = tpu.vector_load_idx %arg6[%parallel_loop3A_110, %parallel_loop3A_67] : memref<64x129xf32, #tpu.memory_space<vmem>>[vector<16xi32>, vector<16xi32>], vector<16xf32>,
          %parallel_loop3A_112 = arith.constant 8.000000e+00 : f32
          %parallel_loop3A_113 = vector.broadcast %parallel_loop3A_112 : f32 to vector<16xf32>
          %parallel_loop3A_114 = arith.mulf %parallel_loop3A_111, %parallel_loop3A_113 : vector<16xf32>
          %parallel_loop3A_115 = arith.index_cast %parallel_loop3A_61 : i32 to index
          %parallel_loop3A_116 = arith.constant 64 : index
          %parallel_loop3A_117 = tpu.vector_load %arg10[%parallel_loop3A_115, %parallel_loop3A_116] {strides = array<i32>} : memref<32x128xf32, #tpu.memory_space<vmem>>, vector<16xf32>,
          tpu.vector_store %arg10[%parallel_loop3A_115, %parallel_loop3A_116], %parallel_loop3A_114 {strides = array<i32>} : memref<32x128xf32, #tpu.memory_space<vmem>>, vector<16xf32>,
          %parallel_loop3A_118 = arith.constant 16 : i32
          %parallel_loop3A_119 = vector.broadcast %parallel_loop3A_118 : i32 to vector<16xi32>
          %parallel_loop3A_120 = arith.addi %iota3A, %parallel_loop3A_119 : vector<16xi32>
          %parallel_loop3A_121 = tpu.vector_load_idx %arg6[%parallel_loop3A_120, %parallel_loop3A_67] : memref<64x129xf32, #tpu.memory_space<vmem>>[vector<16xi32>, vector<16xi32>], vector<16xf32>,
          %parallel_loop3A_122 = arith.constant 8.000000e+00 : f32
          %parallel_loop3A_123 = vector.broadcast %parallel_loop3A_122 : f32 to vector<16xf32>
          %parallel_loop3A_124 = arith.mulf %parallel_loop3A_121, %parallel_loop3A_123 : vector<16xf32>
          %parallel_loop3A_125 = arith.index_cast %parallel_loop3A_61 : i32 to index
          %parallel_loop3A_126 = arith.constant 80 : index
          %parallel_loop3A_127 = tpu.vector_load %arg10[%parallel_loop3A_125, %parallel_loop3A_126] {strides = array<i32>} : memref<32x128xf32, #tpu.memory_space<vmem>>, vector<16xf32>,
          tpu.vector_store %arg10[%parallel_loop3A_125, %parallel_loop3A_126], %parallel_loop3A_124 {strides = array<i32>} : memref<32x128xf32, #tpu.memory_space<vmem>>, vector<16xf32>,
          %parallel_loop3A_128 = arith.constant 32 : i32
          %parallel_loop3A_129 = vector.broadcast %parallel_loop3A_128 : i32 to vector<16xi32>
          %parallel_loop3A_130 = arith.addi %iota3A, %parallel_loop3A_129 : vector<16xi32>
          %parallel_loop3A_131 = tpu.vector_load_idx %arg6[%parallel_loop3A_130, %parallel_loop3A_67] : memref<64x129xf32, #tpu.memory_space<vmem>>[vector<16xi32>, vector<16xi32>], vector<16xf32>,
          %parallel_loop3A_132 = arith.constant 8.000000e+00 : f32
          %parallel_loop3A_133 = vector.broadcast %parallel_loop3A_132 : f32 to vector<16xf32>
          %parallel_loop3A_134 = arith.mulf %parallel_loop3A_131, %parallel_loop3A_133 : vector<16xf32>
          %parallel_loop3A_135 = arith.index_cast %parallel_loop3A_61 : i32 to index
          %parallel_loop3A_136 = arith.constant 96 : index
          %parallel_loop3A_137 = tpu.vector_load %arg10[%parallel_loop3A_135, %parallel_loop3A_136] {strides = array<i32>} : memref<32x128xf32, #tpu.memory_space<vmem>>, vector<16xf32>,
          tpu.vector_store %arg10[%parallel_loop3A_135, %parallel_loop3A_136], %parallel_loop3A_134 {strides = array<i32>} : memref<32x128xf32, #tpu.memory_space<vmem>>, vector<16xf32>,
          %parallel_loop3A_138 = arith.constant 48 : i32
          %parallel_loop3A_139 = vector.broadcast %parallel_loop3A_138 : i32 to vector<16xi32>
          %parallel_loop3A_140 = arith.addi %iota3A, %parallel_loop3A_139 : vector<16xi32>
          %parallel_loop3A_141 = tpu.vector_load_idx %arg6[%parallel_loop3A_140, %parallel_loop3A_67] : memref<64x129xf32, #tpu.memory_space<vmem>>[vector<16xi32>, vector<16xi32>], vector<16xf32>,
          %parallel_loop3A_142 = arith.constant 8.000000e+00 : f32
          %parallel_loop3A_143 = vector.broadcast %parallel_loop3A_142 : f32 to vector<16xf32>
          %parallel_loop3A_144 = arith.mulf %parallel_loop3A_141, %parallel_loop3A_143 : vector<16xf32>
          %parallel_loop3A_145 = arith.index_cast %parallel_loop3A_61 : i32 to index
          %parallel_loop3A_146 = arith.constant 112 : index
          %parallel_loop3A_147 = tpu.vector_load %arg10[%parallel_loop3A_145, %parallel_loop3A_146] {strides = array<i32>} : memref<32x128xf32, #tpu.memory_space<vmem>>, vector<16xf32>,
          tpu.vector_store %arg10[%parallel_loop3A_145, %parallel_loop3A_146], %parallel_loop3A_144 {strides = array<i32>} : memref<32x128xf32, #tpu.memory_space<vmem>>, vector<16xf32>,
        } {sc.loop_unroll_factor = 4 : i64, sc.parallel_access}
        "tpu.region"() ({
          %run_scoped3A = tpu.sem_alloc : memref<!tpu.dma_semaphore, #tpu.memory_space<semaphore_mem>>
          %dma_start3A = arith.constant 499968 : i32
          %dma_start3A_61 = arith.constant 0 : i32
          %dma_start3A_62 = tpu.memref_slice %arg3[%dma_start3A, %dma_start3A_61] : memref<500000x128xf32, #tpu.memory_space<hbm>> -> memref<32x128xf32, #tpu.memory_space<hbm>>
          %dma_start3A_63 = arith.constant 499968 : i32
          %dma_start3A_64 = arith.constant 0 : i32
          %dma_start3A_65 = tpu.memref_slice %arg3[%dma_start3A_63, %dma_start3A_64] : memref<500000x128xf32, #tpu.memory_space<hbm>> -> memref<32x128xf32, #tpu.memory_space<hbm>>
          tpu.enqueue_dma source(%arg10 : memref<32x128xf32, #tpu.memory_space<vmem>>) target(%dma_start3A_65 : memref<32x128xf32, #tpu.memory_space<hbm>>) target_semaphore(%run_scoped3A : memref<!tpu.dma_semaphore, #tpu.memory_space<semaphore_mem>>)
          %dma_wait3A = arith.constant 499968 : i32
          %dma_wait3A_66 = arith.constant 0 : i32
          %dma_wait3A_67 = tpu.memref_slice %arg3[%dma_wait3A, %dma_wait3A_66] : memref<500000x128xf32, #tpu.memory_space<hbm>> -> memref<32x128xf32, #tpu.memory_space<hbm>>
          %dma_wait3A_68 = arith.constant 499968 : i32
          %dma_wait3A_69 = arith.constant 0 : i32
          %dma_wait3A_70 = tpu.memref_slice %arg3[%dma_wait3A_68, %dma_wait3A_69] : memref<500000x128xf32, #tpu.memory_space<hbm>> -> memref<32x128xf32, #tpu.memory_space<hbm>>
          tpu.wait_dma2 semaphore(%run_scoped3A : memref<!tpu.dma_semaphore, #tpu.memory_space<semaphore_mem>>) src(%arg10 : memref<32x128xf32, #tpu.memory_space<vmem>>) dst(%dma_wait3A_70 : memref<32x128xf32, #tpu.memory_space<hbm>>)
          tpu.yield
        }) : () -> ()
      } else {
      }
    }
    %scan3A_7 = arith.constant 245 : i32
    %sub3A = arith.constant 7812 : i32
    %sub3A_8 = arith.subi %sub3A, %add3A : i32
    %add3A_9 = arith.constant 32 : i32
    %add3A_10 = arith.addi %sub3A_8, %add3A_9 : i32
    %sub3A_11 = arith.constant 1 : i32
    %sub3A_12 = arith.subi %add3A_10, %sub3A_11 : i32
    %jit3A = arith.constant 32 : i32
    %div3A = arith.divsi %sub3A_12, %jit3A : i32
    %sign3A = arith.constant 0 : i32
    %sign3A_13 = arith.cmpi sgt, %sub3A_12, %sign3A : i32
    %sign3A_14 = arith.extui %sign3A_13 : i1 to i32
    %sign3A_15 = arith.constant 0 : i32
    %sign3A_16 = arith.cmpi slt, %sub3A_12, %sign3A_15 : i32
    %sign3A_17 = arith.extui %sign3A_16 : i1 to i32
    %sign3A_18 = arith.subi %sign3A_14, %sign3A_17 : i32
    %sign3A_19 = arith.constant 0 : i32
    %sign3A_20 = arith.cmpi sgt, %jit3A, %sign3A_19 : i32
    %sign3A_21 = arith.extui %sign3A_20 : i1 to i32
    %sign3A_22 = arith.constant 0 : i32
    %sign3A_23 = arith.cmpi slt, %jit3A, %sign3A_22 : i32
    %sign3A_24 = arith.extui %sign3A_23 : i1 to i32
    %sign3A_25 = arith.subi %sign3A_21, %sign3A_24 : i32
    %ne3A = arith.cmpi ne, %sign3A_18, %sign3A_25 : i32
    %rem3A = arith.remsi %sub3A_12, %jit3A : i32
    %ne3A_26 = arith.constant 0 : i32
    %ne3A_27 = arith.cmpi ne, %rem3A, %ne3A_26 : i32
    %and3A = arith.andi %ne3A, %ne3A_27 : i1
    %sub3A_28 = arith.constant 1 : i32
    %sub3A_29 = arith.subi %div3A, %sub3A_28 : i32
    %select_n3A = arith.select %and3A, %sub3A_29, %div3A : i32
    %ge3A = arith.constant 1 : i32
    %ge3A_30 = arith.cmpi sge, %select_n3A, %ge3A : i32
    %convert_element_type3A_31 = arith.extui %ge3A_30 : i1 to i32
    %cond3A_32 = arith.constant 0 : i32
    %cond3A_33 = arith.cmpi ne, %convert_element_type3A_31, %cond3A_32 : i32
    scf.if %cond3A_33 {
      %sub3A_39 = arith.constant 1 : i32
      %sub3A_40 = arith.subi %select_n3A, %sub3A_39 : i32
      %rem3A_41 = arith.constant 2 : i32
      %rem3A_42 = arith.remsi %sub3A_40, %rem3A_41 : i32
      %eq3A = arith.constant 0 : i32
      %eq3A_43 = arith.cmpi eq, %rem3A_42, %eq3A : i32
      %convert_element_type3A_44 = arith.extui %eq3A_43 : i1 to i32
      %cond3A_45 = arith.constant 0 : i32
      %cond3A_46 = arith.cmpi ne, %convert_element_type3A_44, %cond3A_45 : i32
      scf.if %cond3A_46 {
        %dma_wait3A = arith.constant 0 : i32
        %dma_wait3A_52 = arith.constant 0 : i32
        %dma_wait3A_53 = tpu.memref_slice %arg3[%dma_wait3A, %dma_wait3A_52] : memref<500000x128xf32, #tpu.memory_space<hbm>> -> memref<64x128xf32, #tpu.memory_space<hbm>>
        %dma_wait3A_54 = arith.constant 0 : i32
        %dma_wait3A_55 = arith.constant 0 : i32
        %dma_wait3A_56 = tpu.memref_slice %arg3[%dma_wait3A_54, %dma_wait3A_55] : memref<500000x128xf32, #tpu.memory_space<hbm>> -> memref<64x128xf32, #tpu.memory_space<hbm>>
        tpu.wait_dma2 semaphore(%arg13 : memref<!tpu.dma_semaphore, #tpu.memory_space<semaphore_mem>>) src(%arg7 : memref<64x128xf32, #tpu.memory_space<vmem>>) dst(%dma_wait3A_56 : memref<64x128xf32, #tpu.memory_space<hbm>>)
      } else {
      }
      %eq3A_47 = arith.constant 1 : i32
      %eq3A_48 = arith.cmpi eq, %rem3A_42, %eq3A_47 : i32
      %convert_element_type3A_49 = arith.extui %eq3A_48 : i1 to i32
      %cond3A_50 = arith.constant 0 : i32
      %cond3A_51 = arith.cmpi ne, %convert_element_type3A_49, %cond3A_50 : i32
      scf.if %cond3A_51 {
        %dma_wait3A = arith.constant 0 : i32
        %dma_wait3A_52 = arith.constant 0 : i32
        %dma_wait3A_53 = tpu.memref_slice %arg3[%dma_wait3A, %dma_wait3A_52] : memref<500000x128xf32, #tpu.memory_space<hbm>> -> memref<64x128xf32, #tpu.memory_space<hbm>>
        %dma_wait3A_54 = arith.constant 0 : i32
        %dma_wait3A_55 = arith.constant 0 : i32
        %dma_wait3A_56 = tpu.memref_slice %arg3[%dma_wait3A_54, %dma_wait3A_55] : memref<500000x128xf32, #tpu.memory_space<hbm>> -> memref<64x128xf32, #tpu.memory_space<hbm>>
        tpu.wait_dma2 semaphore(%arg14 : memref<!tpu.dma_semaphore, #tpu.memory_space<semaphore_mem>>) src(%arg8 : memref<64x128xf32, #tpu.memory_space<vmem>>) dst(%dma_wait3A_56 : memref<64x128xf32, #tpu.memory_space<hbm>>)
      } else {
      }
    } else {
    }
    %ge3A_34 = arith.constant 2 : i32
    %ge3A_35 = arith.cmpi sge, %select_n3A, %ge3A_34 : i32
    %convert_element_type3A_36 = arith.extui %ge3A_35 : i1 to i32
    %cond3A_37 = arith.constant 0 : i32
    %cond3A_38 = arith.cmpi ne, %convert_element_type3A_36, %cond3A_37 : i32
    scf.if %cond3A_38 {
      %sub3A_39 = arith.constant 2 : i32
      %sub3A_40 = arith.subi %select_n3A, %sub3A_39 : i32
      %rem3A_41 = arith.constant 2 : i32
      %rem3A_42 = arith.remsi %sub3A_40, %rem3A_41 : i32
      %eq3A = arith.constant 0 : i32
      %eq3A_43 = arith.cmpi eq, %rem3A_42, %eq3A : i32
      %convert_element_type3A_44 = arith.extui %eq3A_43 : i1 to i32
      %cond3A_45 = arith.constant 0 : i32
      %cond3A_46 = arith.cmpi ne, %convert_element_type3A_44, %cond3A_45 : i32
      scf.if %cond3A_46 {
        %dma_wait3A = arith.constant 0 : i32
        %dma_wait3A_52 = arith.constant 0 : i32
        %dma_wait3A_53 = tpu.memref_slice %arg3[%dma_wait3A, %dma_wait3A_52] : memref<500000x128xf32, #tpu.memory_space<hbm>> -> memref<64x128xf32, #tpu.memory_space<hbm>>
        %dma_wait3A_54 = arith.constant 0 : i32
        %dma_wait3A_55 = arith.constant 0 : i32
        %dma_wait3A_56 = tpu.memref_slice %arg3[%dma_wait3A_54, %dma_wait3A_55] : memref<500000x128xf32, #tpu.memory_space<hbm>> -> memref<64x128xf32, #tpu.memory_space<hbm>>
        tpu.wait_dma2 semaphore(%arg13 : memref<!tpu.dma_semaphore, #tpu.memory_space<semaphore_mem>>) src(%arg7 : memref<64x128xf32, #tpu.memory_space<vmem>>) dst(%dma_wait3A_56 : memref<64x128xf32, #tpu.memory_space<hbm>>)
      } else {
      }
      %eq3A_47 = arith.constant 1 : i32
      %eq3A_48 = arith.cmpi eq, %rem3A_42, %eq3A_47 : i32
      %convert_element_type3A_49 = arith.extui %eq3A_48 : i1 to i32
      %cond3A_50 = arith.constant 0 : i32
      %cond3A_51 = arith.cmpi ne, %convert_element_type3A_49, %cond3A_50 : i32
      scf.if %cond3A_51 {
        %dma_wait3A = arith.constant 0 : i32
        %dma_wait3A_52 = arith.constant 0 : i32
        %dma_wait3A_53 = tpu.memref_slice %arg3[%dma_wait3A, %dma_wait3A_52] : memref<500000x128xf32, #tpu.memory_space<hbm>> -> memref<64x128xf32, #tpu.memory_space<hbm>>
        %dma_wait3A_54 = arith.constant 0 : i32
        %dma_wait3A_55 = arith.constant 0 : i32
        %dma_wait3A_56 = tpu.memref_slice %arg3[%dma_wait3A_54, %dma_wait3A_55] : memref<500000x128xf32, #tpu.memory_space<hbm>> -> memref<64x128xf32, #tpu.memory_space<hbm>>
        tpu.wait_dma2 semaphore(%arg14 : memref<!tpu.dma_semaphore, #tpu.memory_space<semaphore_mem>>) src(%arg8 : memref<64x128xf32, #tpu.memory_space<vmem>>) dst(%dma_wait3A_56 : memref<64x128xf32, #tpu.memory_space<hbm>>)
      } else {
      }
    } else {
    }
    return
  }
}

#map = affine_map<(d0, d1) -> (0, 0)>
#map1 = affine_map<(d0, d1) -> (0, 0, 0, 0, 0)>
module attributes {stable_mosaic.version = 14 : i64} {
  func.func @_k2_body(%arg0: i32, %arg1: i32, %arg2: memref<200x4096xi32, #tpu.memory_space<hbm>>, %arg3: memref<1000000x64xf32, #tpu.memory_space<hbm>>, %arg4: memref<200x8x32x8x128xf32, #tpu.memory_space<hbm>>, %arg5: memref<256xi32, #tpu.memory_space<vmem>>, %arg6: memref<256xi32, #tpu.memory_space<vmem>>, %arg7: memref<256x64xf32, #tpu.memory_space<vmem>>, %arg8: memref<256x64xf32, #tpu.memory_space<vmem>>, %arg9: memref<256x65xf32, #tpu.memory_space<vmem>>, %arg10: memref<8x2x8x128xf32, #tpu.memory_space<vmem>>, %arg11: memref<8x2x8x128xf32, #tpu.memory_space<vmem>>, %arg12: memref<!tpu.dma_semaphore, #tpu.memory_space<semaphore_mem>>, %arg13: memref<!tpu.dma_semaphore, #tpu.memory_space<semaphore_mem>>, %arg14: memref<!tpu.dma_semaphore, #tpu.memory_space<semaphore_mem>>, %arg15: memref<!tpu.dma_semaphore, #tpu.memory_space<semaphore_mem>>, %arg16: memref<!tpu.dma_semaphore, #tpu.memory_space<semaphore_mem>>, %arg17: memref<!tpu.dma_semaphore, #tpu.memory_space<semaphore_mem>>) attributes {dimension_semantics = [#tpu.dimension_semantics<core_parallel>, #tpu.dimension_semantics<subcore_parallel>], iteration_bounds = array<i64: 2, 16>, scalar_prefetch = 0 : i64, scratch_operands = 13 : i64, tpu.core_type = #tpu.core_type<sc_vector_subcore>, window_params = [{transform_indices = #map}, {transform_indices = #map}, {transform_indices = #map1}]} {
    %mul3A = arith.constant 2 : i32
    %mul3A_0 = arith.muli %arg1, %mul3A : i32
    %add3A = arith.addi %mul3A_0, %arg0 : i32
    %mul3A_1 = arith.constant 100 : i32
    %mul3A_2 = arith.muli %add3A, %mul3A_1 : i32
    %iota3A = tpu.iota {dimensions = array<i32: 0>} : vector<16xi32>
    %jit3A = arith.constant 16 : i32
    %div3A = arith.divsi %mul3A_2, %jit3A : i32
    %sign3A = arith.constant 0 : i32
    %sign3A_3 = arith.cmpi sgt, %mul3A_2, %sign3A : i32
    %sign3A_4 = arith.extui %sign3A_3 : i1 to i32
    %sign3A_5 = arith.constant 0 : i32
    %sign3A_6 = arith.cmpi slt, %mul3A_2, %sign3A_5 : i32
    %sign3A_7 = arith.extui %sign3A_6 : i1 to i32
    %sign3A_8 = arith.subi %sign3A_4, %sign3A_7 : i32
    %sign3A_9 = arith.constant 0 : i32
    %sign3A_10 = arith.cmpi sgt, %jit3A, %sign3A_9 : i32
    %sign3A_11 = arith.extui %sign3A_10 : i1 to i32
    %sign3A_12 = arith.constant 0 : i32
    %sign3A_13 = arith.cmpi slt, %jit3A, %sign3A_12 : i32
    %sign3A_14 = arith.extui %sign3A_13 : i1 to i32
    %sign3A_15 = arith.subi %sign3A_11, %sign3A_14 : i32
    %ne3A = arith.cmpi ne, %sign3A_8, %sign3A_15 : i32
    %rem3A = arith.remsi %mul3A_2, %jit3A : i32
    %ne3A_16 = arith.constant 0 : i32
    %ne3A_17 = arith.cmpi ne, %rem3A, %ne3A_16 : i32
    %and3A = arith.andi %ne3A, %ne3A_17 : i1
    %sub3A = arith.constant 1 : i32
    %sub3A_18 = arith.subi %div3A, %sub3A : i32
    %select_n3A = arith.select %and3A, %sub3A_18, %div3A : i32
    %rem3A_19 = arith.constant 16 : i32
    %rem3A_20 = arith.remsi %mul3A_2, %rem3A_19 : i32
    %mul3A_21 = arith.constant 256 : i32
    %mul3A_22 = arith.muli %rem3A_20, %mul3A_21 : i32
    "tpu.region"() ({
      %run_scoped3A = tpu.sem_alloc : memref<!tpu.dma_semaphore, #tpu.memory_space<semaphore_mem>>
      %dma_start3A_431 = tpu.memref_slice %arg2[%select_n3A, %mul3A_22] : memref<200x4096xi32, #tpu.memory_space<hbm>> -> memref<1x256xi32, #tpu.memory_space<hbm>>
      %dma_start3A_432 = tpu.memref_squeeze %dma_start3A_431 : memref<1x256xi32, #tpu.memory_space<hbm>> -> memref<256xi32, #tpu.memory_space<hbm>>
      %dma_start3A_433 = tpu.memref_slice %arg2[%select_n3A, %mul3A_22] : memref<200x4096xi32, #tpu.memory_space<hbm>> -> memref<1x256xi32, #tpu.memory_space<hbm>>
      %dma_start3A_434 = tpu.memref_squeeze %dma_start3A_433 : memref<1x256xi32, #tpu.memory_space<hbm>> -> memref<256xi32, #tpu.memory_space<hbm>>
      tpu.enqueue_dma source(%dma_start3A_434 : memref<256xi32, #tpu.memory_space<hbm>>) target(%arg5 : memref<256xi32, #tpu.memory_space<vmem>>) target_semaphore(%run_scoped3A : memref<!tpu.dma_semaphore, #tpu.memory_space<semaphore_mem>>)
      %dma_wait3A_435 = tpu.memref_slice %arg2[%select_n3A, %mul3A_22] : memref<200x4096xi32, #tpu.memory_space<hbm>> -> memref<1x256xi32, #tpu.memory_space<hbm>>
      %dma_wait3A_436 = tpu.memref_squeeze %dma_wait3A_435 : memref<1x256xi32, #tpu.memory_space<hbm>> -> memref<256xi32, #tpu.memory_space<hbm>>
      %dma_wait3A_437 = tpu.memref_slice %arg2[%select_n3A, %mul3A_22] : memref<200x4096xi32, #tpu.memory_space<hbm>> -> memref<1x256xi32, #tpu.memory_space<hbm>>
      %dma_wait3A_438 = tpu.memref_squeeze %dma_wait3A_437 : memref<1x256xi32, #tpu.memory_space<hbm>> -> memref<256xi32, #tpu.memory_space<hbm>>
      tpu.wait_dma2 semaphore(%run_scoped3A : memref<!tpu.dma_semaphore, #tpu.memory_space<semaphore_mem>>) src(%dma_wait3A_438 : memref<256xi32, #tpu.memory_space<hbm>>) dst(%arg5 : memref<256xi32, #tpu.memory_space<vmem>>)
      tpu.yield
    }) : () -> ()
    %dma_start3A = arith.constant 0 : i32
    %dma_start3A_23 = arith.constant 0 : i32
    %dma_start3A_24 = tpu.memref_slice %arg3[%dma_start3A, %dma_start3A_23] : memref<1000000x64xf32, #tpu.memory_space<hbm>> -> memref<1000000x64xf32, #tpu.memory_space<hbm>>
    tpu.enqueue_indirect_dma source(%dma_start3A_24 : memref<1000000x64xf32, #tpu.memory_space<hbm>>) target(%arg7 : memref<256x64xf32, #tpu.memory_space<vmem>>) offsets(%arg5 : memref<256xi32, #tpu.memory_space<vmem>>) semaphore(%arg14 : memref<!tpu.dma_semaphore, #tpu.memory_space<semaphore_mem>>)
    %add3A_25 = arith.constant 1 : i32
    %add3A_26 = arith.addi %mul3A_2, %add3A_25 : i32
    %jit3A_27 = arith.constant 16 : i32
    %div3A_28 = arith.divsi %add3A_26, %jit3A_27 : i32
    %sign3A_29 = arith.constant 0 : i32
    %sign3A_30 = arith.cmpi sgt, %add3A_26, %sign3A_29 : i32
    %sign3A_31 = arith.extui %sign3A_30 : i1 to i32
    %sign3A_32 = arith.constant 0 : i32
    %sign3A_33 = arith.cmpi slt, %add3A_26, %sign3A_32 : i32
    %sign3A_34 = arith.extui %sign3A_33 : i1 to i32
    %sign3A_35 = arith.subi %sign3A_31, %sign3A_34 : i32
    %sign3A_36 = arith.constant 0 : i32
    %sign3A_37 = arith.cmpi sgt, %jit3A_27, %sign3A_36 : i32
    %sign3A_38 = arith.extui %sign3A_37 : i1 to i32
    %sign3A_39 = arith.constant 0 : i32
    %sign3A_40 = arith.cmpi slt, %jit3A_27, %sign3A_39 : i32
    %sign3A_41 = arith.extui %sign3A_40 : i1 to i32
    %sign3A_42 = arith.subi %sign3A_38, %sign3A_41 : i32
    %ne3A_43 = arith.cmpi ne, %sign3A_35, %sign3A_42 : i32
    %rem3A_44 = arith.remsi %add3A_26, %jit3A_27 : i32
    %ne3A_45 = arith.constant 0 : i32
    %ne3A_46 = arith.cmpi ne, %rem3A_44, %ne3A_45 : i32
    %and3A_47 = arith.andi %ne3A_43, %ne3A_46 : i1
    %sub3A_48 = arith.constant 1 : i32
    %sub3A_49 = arith.subi %div3A_28, %sub3A_48 : i32
    %select_n3A_50 = arith.select %and3A_47, %sub3A_49, %div3A_28 : i32
    %rem3A_51 = arith.constant 16 : i32
    %rem3A_52 = arith.remsi %add3A_26, %rem3A_51 : i32
    %mul3A_53 = arith.constant 256 : i32
    %mul3A_54 = arith.muli %rem3A_52, %mul3A_53 : i32
    %dma_start3A_55 = tpu.memref_slice %arg2[%select_n3A_50, %mul3A_54] : memref<200x4096xi32, #tpu.memory_space<hbm>> -> memref<1x256xi32, #tpu.memory_space<hbm>>
    %dma_start3A_56 = tpu.memref_squeeze %dma_start3A_55 : memref<1x256xi32, #tpu.memory_space<hbm>> -> memref<256xi32, #tpu.memory_space<hbm>>
    %dma_start3A_57 = tpu.memref_slice %arg2[%select_n3A_50, %mul3A_54] : memref<200x4096xi32, #tpu.memory_space<hbm>> -> memref<1x256xi32, #tpu.memory_space<hbm>>
    %dma_start3A_58 = tpu.memref_squeeze %dma_start3A_57 : memref<1x256xi32, #tpu.memory_space<hbm>> -> memref<256xi32, #tpu.memory_space<hbm>>
    tpu.enqueue_dma source(%dma_start3A_58 : memref<256xi32, #tpu.memory_space<hbm>>) target(%arg6 : memref<256xi32, #tpu.memory_space<vmem>>) target_semaphore(%arg13 : memref<!tpu.dma_semaphore, #tpu.memory_space<semaphore_mem>>)
    %scan3A = arith.constant 0 : i32
    %scan3A_59 = arith.constant 0 : i32
    %scan3A_60 = arith.constant 100 : i32
    %scan3A_61 = arith.addi %scan3A_59, %scan3A_60 : i32
    %scan3A_62 = arith.constant 1 : i32
    scf.for %scan3A_431 = %scan3A_59 to %scan3A_61 step %scan3A_62  : i32 {
      %add3A_432 = arith.addi %mul3A_2, %scan3A_431 : i32
      %rem3A_433 = arith.constant 2 : i32
      %rem3A_434 = arith.remsi %scan3A_431, %rem3A_433 : i32
      %eq3A = arith.constant 0 : i32
      %eq3A_435 = arith.cmpi eq, %rem3A_434, %eq3A : i32
      %convert_element_type3A = arith.extui %eq3A_435 : i1 to i32
      %cond3A = arith.constant 0 : i32
      %cond3A_436 = arith.cmpi ne, %convert_element_type3A, %cond3A : i32
      scf.if %cond3A_436 {
        %add3A_442 = arith.constant 1 : i32
        %add3A_443 = arith.addi %scan3A_431, %add3A_442 : i32
        %lt3A = arith.constant 100 : i32
        %lt3A_444 = arith.cmpi slt, %add3A_443, %lt3A : i32
        %convert_element_type3A_445 = arith.extui %lt3A_444 : i1 to i32
        %cond3A_446 = arith.constant 0 : i32
        %cond3A_447 = arith.cmpi ne, %convert_element_type3A_445, %cond3A_446 : i32
        scf.if %cond3A_447 {
          %dma_wait3A_669 = arith.constant 0 : i32
          %dma_wait3A_670 = arith.constant 0 : i32
          %dma_wait3A_671 = tpu.memref_slice %arg2[%dma_wait3A_669, %dma_wait3A_670] : memref<200x4096xi32, #tpu.memory_space<hbm>> -> memref<1x256xi32, #tpu.memory_space<hbm>>
          %dma_wait3A_672 = tpu.memref_squeeze %dma_wait3A_671 : memref<1x256xi32, #tpu.memory_space<hbm>> -> memref<256xi32, #tpu.memory_space<hbm>>
          %dma_wait3A_673 = arith.constant 0 : i32
          %dma_wait3A_674 = tpu.memref_slice %arg2[%dma_wait3A_669, %dma_wait3A_673] : memref<200x4096xi32, #tpu.memory_space<hbm>> -> memref<1x256xi32, #tpu.memory_space<hbm>>
          %dma_wait3A_675 = tpu.memref_squeeze %dma_wait3A_674 : memref<1x256xi32, #tpu.memory_space<hbm>> -> memref<256xi32, #tpu.memory_space<hbm>>
          tpu.wait_dma2 semaphore(%arg13 : memref<!tpu.dma_semaphore, #tpu.memory_space<semaphore_mem>>) src(%dma_wait3A_675 : memref<256xi32, #tpu.memory_space<hbm>>) dst(%arg6 : memref<256xi32, #tpu.memory_space<vmem>>)
          %dma_start3A_676 = arith.constant 0 : i32
          %dma_start3A_677 = arith.constant 0 : i32
          %dma_start3A_678 = tpu.memref_slice %arg3[%dma_start3A_676, %dma_start3A_677] : memref<1000000x64xf32, #tpu.memory_space<hbm>> -> memref<1000000x64xf32, #tpu.memory_space<hbm>>
          tpu.enqueue_indirect_dma source(%dma_start3A_678 : memref<1000000x64xf32, #tpu.memory_space<hbm>>) target(%arg8 : memref<256x64xf32, #tpu.memory_space<vmem>>) offsets(%arg6 : memref<256xi32, #tpu.memory_space<vmem>>) semaphore(%arg15 : memref<!tpu.dma_semaphore, #tpu.memory_space<semaphore_mem>>)
        } else {
        }
        %dma_wait3A_448 = arith.constant 0 : i32
        %dma_wait3A_449 = arith.constant 0 : i32
        %dma_wait3A_450 = tpu.memref_slice %arg3[%dma_wait3A_448, %dma_wait3A_449] : memref<1000000x64xf32, #tpu.memory_space<hbm>> -> memref<1000000x64xf32, #tpu.memory_space<hbm>>
        tpu.wait_indirect_dma semaphore(%arg14 : memref<!tpu.dma_semaphore, #tpu.memory_space<semaphore_mem>>) src(%dma_wait3A_450 : memref<1000000x64xf32, #tpu.memory_space<hbm>>) dst(%arg7 : memref<256x64xf32, #tpu.memory_space<vmem>>)
        %add3A_451 = arith.constant 2 : i32
        %add3A_452 = arith.addi %scan3A_431, %add3A_451 : i32
        %lt3A_453 = arith.constant 100 : i32
        %lt3A_454 = arith.cmpi slt, %add3A_452, %lt3A_453 : i32
        %convert_element_type3A_455 = arith.extui %lt3A_454 : i1 to i32
        %cond3A_456 = arith.constant 0 : i32
        %cond3A_457 = arith.cmpi ne, %convert_element_type3A_455, %cond3A_456 : i32
        scf.if %cond3A_457 {
          %add3A_669 = arith.constant 2 : i32
          %add3A_670 = arith.addi %add3A_432, %add3A_669 : i32
          %jit3A_671 = arith.constant 16 : i32
          %div3A_672 = arith.divsi %add3A_670, %jit3A_671 : i32
          %sign3A_673 = arith.constant 0 : i32
          %sign3A_674 = arith.cmpi sgt, %add3A_670, %sign3A_673 : i32
          %sign3A_675 = arith.extui %sign3A_674 : i1 to i32
          %sign3A_676 = arith.constant 0 : i32
          %sign3A_677 = arith.cmpi slt, %add3A_670, %sign3A_676 : i32
          %sign3A_678 = arith.extui %sign3A_677 : i1 to i32
          %sign3A_679 = arith.subi %sign3A_675, %sign3A_678 : i32
          %sign3A_680 = arith.constant 0 : i32
          %sign3A_681 = arith.cmpi sgt, %jit3A_671, %sign3A_680 : i32
          %sign3A_682 = arith.extui %sign3A_681 : i1 to i32
          %sign3A_683 = arith.constant 0 : i32
          %sign3A_684 = arith.cmpi slt, %jit3A_671, %sign3A_683 : i32
          %sign3A_685 = arith.extui %sign3A_684 : i1 to i32
          %sign3A_686 = arith.subi %sign3A_682, %sign3A_685 : i32
          %ne3A_687 = arith.cmpi ne, %sign3A_679, %sign3A_686 : i32
          %rem3A_688 = arith.remsi %add3A_670, %jit3A_671 : i32
          %ne3A_689 = arith.constant 0 : i32
          %ne3A_690 = arith.cmpi ne, %rem3A_688, %ne3A_689 : i32
          %and3A_691 = arith.andi %ne3A_687, %ne3A_690 : i1
          %sub3A_692 = arith.constant 1 : i32
          %sub3A_693 = arith.subi %div3A_672, %sub3A_692 : i32
          %select_n3A_694 = arith.select %and3A_691, %sub3A_693, %div3A_672 : i32
          %rem3A_695 = arith.constant 16 : i32
          %rem3A_696 = arith.remsi %add3A_670, %rem3A_695 : i32
          %mul3A_697 = arith.constant 256 : i32
          %mul3A_698 = arith.muli %rem3A_696, %mul3A_697 : i32
          %dma_start3A_699 = tpu.memref_slice %arg2[%select_n3A_694, %mul3A_698] : memref<200x4096xi32, #tpu.memory_space<hbm>> -> memref<1x256xi32, #tpu.memory_space<hbm>>
          %dma_start3A_700 = tpu.memref_squeeze %dma_start3A_699 : memref<1x256xi32, #tpu.memory_space<hbm>> -> memref<256xi32, #tpu.memory_space<hbm>>
          %dma_start3A_701 = tpu.memref_slice %arg2[%select_n3A_694, %mul3A_698] : memref<200x4096xi32, #tpu.memory_space<hbm>> -> memref<1x256xi32, #tpu.memory_space<hbm>>
          %dma_start3A_702 = tpu.memref_squeeze %dma_start3A_701 : memref<1x256xi32, #tpu.memory_space<hbm>> -> memref<256xi32, #tpu.memory_space<hbm>>
          tpu.enqueue_dma source(%dma_start3A_702 : memref<256xi32, #tpu.memory_space<hbm>>) target(%arg5 : memref<256xi32, #tpu.memory_space<vmem>>) target_semaphore(%arg12 : memref<!tpu.dma_semaphore, #tpu.memory_space<semaphore_mem>>)
        } else {
        }
        %ge3A = arith.constant 2 : i32
        %ge3A_458 = arith.cmpi sge, %scan3A_431, %ge3A : i32
        %convert_element_type3A_459 = arith.extui %ge3A_458 : i1 to i32
        %cond3A_460 = arith.constant 0 : i32
        %cond3A_461 = arith.cmpi ne, %convert_element_type3A_459, %cond3A_460 : i32
        scf.if %cond3A_461 {
          %dma_wait3A_669 = arith.constant 0 : i32
          %dma_wait3A_670 = arith.constant 0 : i32
          %dma_wait3A_671 = arith.constant 0 : i32
          %dma_wait3A_672 = arith.constant 0 : i32
          %dma_wait3A_673 = arith.constant 0 : i32
          %dma_wait3A_674 = arith.constant 0 : i32
          %dma_wait3A_675 = tpu.memref_slice %arg10[%dma_wait3A_669, %dma_wait3A_672, %dma_wait3A_673, %dma_wait3A_674] : memref<8x2x8x128xf32, #tpu.memory_space<vmem>> -> memref<1x2x8x128xf32, #tpu.memory_space<vmem>>
          %dma_wait3A_676 = tpu.memref_squeeze %dma_wait3A_675 : memref<1x2x8x128xf32, #tpu.memory_space<vmem>> -> memref<2x8x128xf32, #tpu.memory_space<vmem>>
          %dma_wait3A_677 = arith.constant 0 : i32
          %dma_wait3A_678 = arith.constant 0 : i32
          %dma_wait3A_679 = arith.constant 0 : i32
          %dma_wait3A_680 = tpu.memref_slice %arg4[%dma_wait3A_670, %dma_wait3A_671, %dma_wait3A_677, %dma_wait3A_678, %dma_wait3A_679] : memref<200x8x32x8x128xf32, #tpu.memory_space<hbm>> -> memref<1x1x2x8x128xf32, #tpu.memory_space<hbm>>
          %dma_wait3A_681 = tpu.memref_squeeze %dma_wait3A_680 : memref<1x1x2x8x128xf32, #tpu.memory_space<hbm>> -> memref<2x8x128xf32, #tpu.memory_space<hbm>>
          %dma_wait3A_682 = arith.constant 0 : i32
          %dma_wait3A_683 = arith.constant 0 : i32
          %dma_wait3A_684 = arith.constant 0 : i32
          %dma_wait3A_685 = tpu.memref_slice %arg4[%dma_wait3A_670, %dma_wait3A_671, %dma_wait3A_682, %dma_wait3A_683, %dma_wait3A_684] : memref<200x8x32x8x128xf32, #tpu.memory_space<hbm>> -> memref<1x1x2x8x128xf32, #tpu.memory_space<hbm>>
          %dma_wait3A_686 = tpu.memref_squeeze %dma_wait3A_685 : memref<1x1x2x8x128xf32, #tpu.memory_space<hbm>> -> memref<2x8x128xf32, #tpu.memory_space<hbm>>
          %dma_wait3A_687 = arith.constant 0 : i32
          %dma_wait3A_688 = arith.constant 0 : i32
          %dma_wait3A_689 = arith.constant 0 : i32
          %dma_wait3A_690 = tpu.memref_slice %arg10[%dma_wait3A_669, %dma_wait3A_687, %dma_wait3A_688, %dma_wait3A_689] : memref<8x2x8x128xf32, #tpu.memory_space<vmem>> -> memref<1x2x8x128xf32, #tpu.memory_space<vmem>>
          %dma_wait3A_691 = tpu.memref_squeeze %dma_wait3A_690 : memref<1x2x8x128xf32, #tpu.memory_space<vmem>> -> memref<2x8x128xf32, #tpu.memory_space<vmem>>
          tpu.wait_dma2 semaphore(%arg16 : memref<!tpu.dma_semaphore, #tpu.memory_space<semaphore_mem>>) src(%dma_wait3A_691 : memref<2x8x128xf32, #tpu.memory_space<vmem>>) dst(%dma_wait3A_686 : memref<2x8x128xf32, #tpu.memory_space<hbm>>)
          %dma_wait3A_692 = arith.constant 1 : i32
          %dma_wait3A_693 = arith.constant 0 : i32
          %dma_wait3A_694 = arith.constant 1 : i32
          %dma_wait3A_695 = arith.constant 0 : i32
          %dma_wait3A_696 = arith.constant 0 : i32
          %dma_wait3A_697 = arith.constant 0 : i32
          %dma_wait3A_698 = tpu.memref_slice %arg10[%dma_wait3A_692, %dma_wait3A_695, %dma_wait3A_696, %dma_wait3A_697] : memref<8x2x8x128xf32, #tpu.memory_space<vmem>> -> memref<1x2x8x128xf32, #tpu.memory_space<vmem>>
          %dma_wait3A_699 = tpu.memref_squeeze %dma_wait3A_698 : memref<1x2x8x128xf32, #tpu.memory_space<vmem>> -> memref<2x8x128xf32, #tpu.memory_space<vmem>>
          %dma_wait3A_700 = arith.constant 0 : i32
          %dma_wait3A_701 = arith.constant 0 : i32
          %dma_wait3A_702 = arith.constant 0 : i32
          %dma_wait3A_703 = tpu.memref_slice %arg4[%dma_wait3A_693, %dma_wait3A_694, %dma_wait3A_700, %dma_wait3A_701, %dma_wait3A_702] : memref<200x8x32x8x128xf32, #tpu.memory_space<hbm>> -> memref<1x1x2x8x128xf32, #tpu.memory_space<hbm>>
          %dma_wait3A_704 = tpu.memref_squeeze %dma_wait3A_703 : memref<1x1x2x8x128xf32, #tpu.memory_space<hbm>> -> memref<2x8x128xf32, #tpu.memory_space<hbm>>
          %dma_wait3A_705 = arith.constant 0 : i32
          %dma_wait3A_706 = arith.constant 0 : i32
          %dma_wait3A_707 = arith.constant 0 : i32
          %dma_wait3A_708 = tpu.memref_slice %arg4[%dma_wait3A_693, %dma_wait3A_694, %dma_wait3A_705, %dma_wait3A_706, %dma_wait3A_707] : memref<200x8x32x8x128xf32, #tpu.memory_space<hbm>> -> memref<1x1x2x8x128xf32, #tpu.memory_space<hbm>>
          %dma_wait3A_709 = tpu.memref_squeeze %dma_wait3A_708 : memref<1x1x2x8x128xf32, #tpu.memory_space<hbm>> -> memref<2x8x128xf32, #tpu.memory_space<hbm>>
          %dma_wait3A_710 = arith.constant 0 : i32
          %dma_wait3A_711 = arith.constant 0 : i32
          %dma_wait3A_712 = arith.constant 0 : i32
          %dma_wait3A_713 = tpu.memref_slice %arg10[%dma_wait3A_692, %dma_wait3A_710, %dma_wait3A_711, %dma_wait3A_712] : memref<8x2x8x128xf32, #tpu.memory_space<vmem>> -> memref<1x2x8x128xf32, #tpu.memory_space<vmem>>
          %dma_wait3A_714 = tpu.memref_squeeze %dma_wait3A_713 : memref<1x2x8x128xf32, #tpu.memory_space<vmem>> -> memref<2x8x128xf32, #tpu.memory_space<vmem>>
          tpu.wait_dma2 semaphore(%arg16 : memref<!tpu.dma_semaphore, #tpu.memory_space<semaphore_mem>>) src(%dma_wait3A_714 : memref<2x8x128xf32, #tpu.memory_space<vmem>>) dst(%dma_wait3A_709 : memref<2x8x128xf32, #tpu.memory_space<hbm>>)
          %dma_wait3A_715 = arith.constant 2 : i32
          %dma_wait3A_716 = arith.constant 0 : i32
          %dma_wait3A_717 = arith.constant 2 : i32
          %dma_wait3A_718 = arith.constant 0 : i32
          %dma_wait3A_719 = arith.constant 0 : i32
          %dma_wait3A_720 = arith.constant 0 : i32
          %dma_wait3A_721 = tpu.memref_slice %arg10[%dma_wait3A_715, %dma_wait3A_718, %dma_wait3A_719, %dma_wait3A_720] : memref<8x2x8x128xf32, #tpu.memory_space<vmem>> -> memref<1x2x8x128xf32, #tpu.memory_space<vmem>>
          %dma_wait3A_722 = tpu.memref_squeeze %dma_wait3A_721 : memref<1x2x8x128xf32, #tpu.memory_space<vmem>> -> memref<2x8x128xf32, #tpu.memory_space<vmem>>
          %dma_wait3A_723 = arith.constant 0 : i32
          %dma_wait3A_724 = arith.constant 0 : i32
          %dma_wait3A_725 = arith.constant 0 : i32
          %dma_wait3A_726 = tpu.memref_slice %arg4[%dma_wait3A_716, %dma_wait3A_717, %dma_wait3A_723, %dma_wait3A_724, %dma_wait3A_725] : memref<200x8x32x8x128xf32, #tpu.memory_space<hbm>> -> memref<1x1x2x8x128xf32, #tpu.memory_space<hbm>>
          %dma_wait3A_727 = tpu.memref_squeeze %dma_wait3A_726 : memref<1x1x2x8x128xf32, #tpu.memory_space<hbm>> -> memref<2x8x128xf32, #tpu.memory_space<hbm>>
          %dma_wait3A_728 = arith.constant 0 : i32
          %dma_wait3A_729 = arith.constant 0 : i32
          %dma_wait3A_730 = arith.constant 0 : i32
          %dma_wait3A_731 = tpu.memref_slice %arg4[%dma_wait3A_716, %dma_wait3A_717, %dma_wait3A_728, %dma_wait3A_729, %dma_wait3A_730] : memref<200x8x32x8x128xf32, #tpu.memory_space<hbm>> -> memref<1x1x2x8x128xf32, #tpu.memory_space<hbm>>
          %dma_wait3A_732 = tpu.memref_squeeze %dma_wait3A_731 : memref<1x1x2x8x128xf32, #tpu.memory_space<hbm>> -> memref<2x8x128xf32, #tpu.memory_space<hbm>>
          %dma_wait3A_733 = arith.constant 0 : i32
          %dma_wait3A_734 = arith.constant 0 : i32
          %dma_wait3A_735 = arith.constant 0 : i32
          %dma_wait3A_736 = tpu.memref_slice %arg10[%dma_wait3A_715, %dma_wait3A_733, %dma_wait3A_734, %dma_wait3A_735] : memref<8x2x8x128xf32, #tpu.memory_space<vmem>> -> memref<1x2x8x128xf32, #tpu.memory_space<vmem>>
          %dma_wait3A_737 = tpu.memref_squeeze %dma_wait3A_736 : memref<1x2x8x128xf32, #tpu.memory_space<vmem>> -> memref<2x8x128xf32, #tpu.memory_space<vmem>>
          tpu.wait_dma2 semaphore(%arg16 : memref<!tpu.dma_semaphore, #tpu.memory_space<semaphore_mem>>) src(%dma_wait3A_737 : memref<2x8x128xf32, #tpu.memory_space<vmem>>) dst(%dma_wait3A_732 : memref<2x8x128xf32, #tpu.memory_space<hbm>>)
          %dma_wait3A_738 = arith.constant 3 : i32
          %dma_wait3A_739 = arith.constant 0 : i32
          %dma_wait3A_740 = arith.constant 3 : i32
          %dma_wait3A_741 = arith.constant 0 : i32
          %dma_wait3A_742 = arith.constant 0 : i32
          %dma_wait3A_743 = arith.constant 0 : i32
          %dma_wait3A_744 = tpu.memref_slice %arg10[%dma_wait3A_738, %dma_wait3A_741, %dma_wait3A_742, %dma_wait3A_743] : memref<8x2x8x128xf32, #tpu.memory_space<vmem>> -> memref<1x2x8x128xf32, #tpu.memory_space<vmem>>
          %dma_wait3A_745 = tpu.memref_squeeze %dma_wait3A_744 : memref<1x2x8x128xf32, #tpu.memory_space<vmem>> -> memref<2x8x128xf32, #tpu.memory_space<vmem>>
          %dma_wait3A_746 = arith.constant 0 : i32
          %dma_wait3A_747 = arith.constant 0 : i32
          %dma_wait3A_748 = arith.constant 0 : i32
          %dma_wait3A_749 = tpu.memref_slice %arg4[%dma_wait3A_739, %dma_wait3A_740, %dma_wait3A_746, %dma_wait3A_747, %dma_wait3A_748] : memref<200x8x32x8x128xf32, #tpu.memory_space<hbm>> -> memref<1x1x2x8x128xf32, #tpu.memory_space<hbm>>
          %dma_wait3A_750 = tpu.memref_squeeze %dma_wait3A_749 : memref<1x1x2x8x128xf32, #tpu.memory_space<hbm>> -> memref<2x8x128xf32, #tpu.memory_space<hbm>>
          %dma_wait3A_751 = arith.constant 0 : i32
          %dma_wait3A_752 = arith.constant 0 : i32
          %dma_wait3A_753 = arith.constant 0 : i32
          %dma_wait3A_754 = tpu.memref_slice %arg4[%dma_wait3A_739, %dma_wait3A_740, %dma_wait3A_751, %dma_wait3A_752, %dma_wait3A_753] : memref<200x8x32x8x128xf32, #tpu.memory_space<hbm>> -> memref<1x1x2x8x128xf32, #tpu.memory_space<hbm>>
          %dma_wait3A_755 = tpu.memref_squeeze %dma_wait3A_754 : memref<1x1x2x8x128xf32, #tpu.memory_space<hbm>> -> memref<2x8x128xf32, #tpu.memory_space<hbm>>
          %dma_wait3A_756 = arith.constant 0 : i32
          %dma_wait3A_757 = arith.constant 0 : i32
          %dma_wait3A_758 = arith.constant 0 : i32
          %dma_wait3A_759 = tpu.memref_slice %arg10[%dma_wait3A_738, %dma_wait3A_756, %dma_wait3A_757, %dma_wait3A_758] : memref<8x2x8x128xf32, #tpu.memory_space<vmem>> -> memref<1x2x8x128xf32, #tpu.memory_space<vmem>>
          %dma_wait3A_760 = tpu.memref_squeeze %dma_wait3A_759 : memref<1x2x8x128xf32, #tpu.memory_space<vmem>> -> memref<2x8x128xf32, #tpu.memory_space<vmem>>
          tpu.wait_dma2 semaphore(%arg16 : memref<!tpu.dma_semaphore, #tpu.memory_space<semaphore_mem>>) src(%dma_wait3A_760 : memref<2x8x128xf32, #tpu.memory_space<vmem>>) dst(%dma_wait3A_755 : memref<2x8x128xf32, #tpu.memory_space<hbm>>)
          %dma_wait3A_761 = arith.constant 4 : i32
          %dma_wait3A_762 = arith.constant 0 : i32
          %dma_wait3A_763 = arith.constant 4 : i32
          %dma_wait3A_764 = arith.constant 0 : i32
          %dma_wait3A_765 = arith.constant 0 : i32
          %dma_wait3A_766 = arith.constant 0 : i32
          %dma_wait3A_767 = tpu.memref_slice %arg10[%dma_wait3A_761, %dma_wait3A_764, %dma_wait3A_765, %dma_wait3A_766] : memref<8x2x8x128xf32, #tpu.memory_space<vmem>> -> memref<1x2x8x128xf32, #tpu.memory_space<vmem>>
          %dma_wait3A_768 = tpu.memref_squeeze %dma_wait3A_767 : memref<1x2x8x128xf32, #tpu.memory_space<vmem>> -> memref<2x8x128xf32, #tpu.memory_space<vmem>>
          %dma_wait3A_769 = arith.constant 0 : i32
          %dma_wait3A_770 = arith.constant 0 : i32
          %dma_wait3A_771 = arith.constant 0 : i32
          %dma_wait3A_772 = tpu.memref_slice %arg4[%dma_wait3A_762, %dma_wait3A_763, %dma_wait3A_769, %dma_wait3A_770, %dma_wait3A_771] : memref<200x8x32x8x128xf32, #tpu.memory_space<hbm>> -> memref<1x1x2x8x128xf32, #tpu.memory_space<hbm>>
          %dma_wait3A_773 = tpu.memref_squeeze %dma_wait3A_772 : memref<1x1x2x8x128xf32, #tpu.memory_space<hbm>> -> memref<2x8x128xf32, #tpu.memory_space<hbm>>
          %dma_wait3A_774 = arith.constant 0 : i32
          %dma_wait3A_775 = arith.constant 0 : i32
          %dma_wait3A_776 = arith.constant 0 : i32
          %dma_wait3A_777 = tpu.memref_slice %arg4[%dma_wait3A_762, %dma_wait3A_763, %dma_wait3A_774, %dma_wait3A_775, %dma_wait3A_776] : memref<200x8x32x8x128xf32, #tpu.memory_space<hbm>> -> memref<1x1x2x8x128xf32, #tpu.memory_space<hbm>>
          %dma_wait3A_778 = tpu.memref_squeeze %dma_wait3A_777 : memref<1x1x2x8x128xf32, #tpu.memory_space<hbm>> -> memref<2x8x128xf32, #tpu.memory_space<hbm>>
          %dma_wait3A_779 = arith.constant 0 : i32
          %dma_wait3A_780 = arith.constant 0 : i32
          %dma_wait3A_781 = arith.constant 0 : i32
          %dma_wait3A_782 = tpu.memref_slice %arg10[%dma_wait3A_761, %dma_wait3A_779, %dma_wait3A_780, %dma_wait3A_781] : memref<8x2x8x128xf32, #tpu.memory_space<vmem>> -> memref<1x2x8x128xf32, #tpu.memory_space<vmem>>
          %dma_wait3A_783 = tpu.memref_squeeze %dma_wait3A_782 : memref<1x2x8x128xf32, #tpu.memory_space<vmem>> -> memref<2x8x128xf32, #tpu.memory_space<vmem>>
          tpu.wait_dma2 semaphore(%arg16 : memref<!tpu.dma_semaphore, #tpu.memory_space<semaphore_mem>>) src(%dma_wait3A_783 : memref<2x8x128xf32, #tpu.memory_space<vmem>>) dst(%dma_wait3A_778 : memref<2x8x128xf32, #tpu.memory_space<hbm>>)
          %dma_wait3A_784 = arith.constant 5 : i32
          %dma_wait3A_785 = arith.constant 0 : i32
          %dma_wait3A_786 = arith.constant 5 : i32
          %dma_wait3A_787 = arith.constant 0 : i32
          %dma_wait3A_788 = arith.constant 0 : i32
          %dma_wait3A_789 = arith.constant 0 : i32
          %dma_wait3A_790 = tpu.memref_slice %arg10[%dma_wait3A_784, %dma_wait3A_787, %dma_wait3A_788, %dma_wait3A_789] : memref<8x2x8x128xf32, #tpu.memory_space<vmem>> -> memref<1x2x8x128xf32, #tpu.memory_space<vmem>>
          %dma_wait3A_791 = tpu.memref_squeeze %dma_wait3A_790 : memref<1x2x8x128xf32, #tpu.memory_space<vmem>> -> memref<2x8x128xf32, #tpu.memory_space<vmem>>
          %dma_wait3A_792 = arith.constant 0 : i32
          %dma_wait3A_793 = arith.constant 0 : i32
          %dma_wait3A_794 = arith.constant 0 : i32
          %dma_wait3A_795 = tpu.memref_slice %arg4[%dma_wait3A_785, %dma_wait3A_786, %dma_wait3A_792, %dma_wait3A_793, %dma_wait3A_794] : memref<200x8x32x8x128xf32, #tpu.memory_space<hbm>> -> memref<1x1x2x8x128xf32, #tpu.memory_space<hbm>>
          %dma_wait3A_796 = tpu.memref_squeeze %dma_wait3A_795 : memref<1x1x2x8x128xf32, #tpu.memory_space<hbm>> -> memref<2x8x128xf32, #tpu.memory_space<hbm>>
          %dma_wait3A_797 = arith.constant 0 : i32
          %dma_wait3A_798 = arith.constant 0 : i32
          %dma_wait3A_799 = arith.constant 0 : i32
          %dma_wait3A_800 = tpu.memref_slice %arg4[%dma_wait3A_785, %dma_wait3A_786, %dma_wait3A_797, %dma_wait3A_798, %dma_wait3A_799] : memref<200x8x32x8x128xf32, #tpu.memory_space<hbm>> -> memref<1x1x2x8x128xf32, #tpu.memory_space<hbm>>
          %dma_wait3A_801 = tpu.memref_squeeze %dma_wait3A_800 : memref<1x1x2x8x128xf32, #tpu.memory_space<hbm>> -> memref<2x8x128xf32, #tpu.memory_space<hbm>>
          %dma_wait3A_802 = arith.constant 0 : i32
          %dma_wait3A_803 = arith.constant 0 : i32
          %dma_wait3A_804 = arith.constant 0 : i32
          %dma_wait3A_805 = tpu.memref_slice %arg10[%dma_wait3A_784, %dma_wait3A_802, %dma_wait3A_803, %dma_wait3A_804] : memref<8x2x8x128xf32, #tpu.memory_space<vmem>> -> memref<1x2x8x128xf32, #tpu.memory_space<vmem>>
          %dma_wait3A_806 = tpu.memref_squeeze %dma_wait3A_805 : memref<1x2x8x128xf32, #tpu.memory_space<vmem>> -> memref<2x8x128xf32, #tpu.memory_space<vmem>>
          tpu.wait_dma2 semaphore(%arg16 : memref<!tpu.dma_semaphore, #tpu.memory_space<semaphore_mem>>) src(%dma_wait3A_806 : memref<2x8x128xf32, #tpu.memory_space<vmem>>) dst(%dma_wait3A_801 : memref<2x8x128xf32, #tpu.memory_space<hbm>>)
          %dma_wait3A_807 = arith.constant 6 : i32
          %dma_wait3A_808 = arith.constant 0 : i32
          %dma_wait3A_809 = arith.constant 6 : i32
          %dma_wait3A_810 = arith.constant 0 : i32
          %dma_wait3A_811 = arith.constant 0 : i32
          %dma_wait3A_812 = arith.constant 0 : i32
          %dma_wait3A_813 = tpu.memref_slice %arg10[%dma_wait3A_807, %dma_wait3A_810, %dma_wait3A_811, %dma_wait3A_812] : memref<8x2x8x128xf32, #tpu.memory_space<vmem>> -> memref<1x2x8x128xf32, #tpu.memory_space<vmem>>
          %dma_wait3A_814 = tpu.memref_squeeze %dma_wait3A_813 : memref<1x2x8x128xf32, #tpu.memory_space<vmem>> -> memref<2x8x128xf32, #tpu.memory_space<vmem>>
          %dma_wait3A_815 = arith.constant 0 : i32
          %dma_wait3A_816 = arith.constant 0 : i32
          %dma_wait3A_817 = arith.constant 0 : i32
          %dma_wait3A_818 = tpu.memref_slice %arg4[%dma_wait3A_808, %dma_wait3A_809, %dma_wait3A_815, %dma_wait3A_816, %dma_wait3A_817] : memref<200x8x32x8x128xf32, #tpu.memory_space<hbm>> -> memref<1x1x2x8x128xf32, #tpu.memory_space<hbm>>
          %dma_wait3A_819 = tpu.memref_squeeze %dma_wait3A_818 : memref<1x1x2x8x128xf32, #tpu.memory_space<hbm>> -> memref<2x8x128xf32, #tpu.memory_space<hbm>>
          %dma_wait3A_820 = arith.constant 0 : i32
          %dma_wait3A_821 = arith.constant 0 : i32
          %dma_wait3A_822 = arith.constant 0 : i32
          %dma_wait3A_823 = tpu.memref_slice %arg4[%dma_wait3A_808, %dma_wait3A_809, %dma_wait3A_820, %dma_wait3A_821, %dma_wait3A_822] : memref<200x8x32x8x128xf32, #tpu.memory_space<hbm>> -> memref<1x1x2x8x128xf32, #tpu.memory_space<hbm>>
          %dma_wait3A_824 = tpu.memref_squeeze %dma_wait3A_823 : memref<1x1x2x8x128xf32, #tpu.memory_space<hbm>> -> memref<2x8x128xf32, #tpu.memory_space<hbm>>
          %dma_wait3A_825 = arith.constant 0 : i32
          %dma_wait3A_826 = arith.constant 0 : i32
          %dma_wait3A_827 = arith.constant 0 : i32
          %dma_wait3A_828 = tpu.memref_slice %arg10[%dma_wait3A_807, %dma_wait3A_825, %dma_wait3A_826, %dma_wait3A_827] : memref<8x2x8x128xf32, #tpu.memory_space<vmem>> -> memref<1x2x8x128xf32, #tpu.memory_space<vmem>>
          %dma_wait3A_829 = tpu.memref_squeeze %dma_wait3A_828 : memref<1x2x8x128xf32, #tpu.memory_space<vmem>> -> memref<2x8x128xf32, #tpu.memory_space<vmem>>
          tpu.wait_dma2 semaphore(%arg16 : memref<!tpu.dma_semaphore, #tpu.memory_space<semaphore_mem>>) src(%dma_wait3A_829 : memref<2x8x128xf32, #tpu.memory_space<vmem>>) dst(%dma_wait3A_824 : memref<2x8x128xf32, #tpu.memory_space<hbm>>)
          %dma_wait3A_830 = arith.constant 7 : i32
          %dma_wait3A_831 = arith.constant 0 : i32
          %dma_wait3A_832 = arith.constant 7 : i32
          %dma_wait3A_833 = arith.constant 0 : i32
          %dma_wait3A_834 = arith.constant 0 : i32
          %dma_wait3A_835 = arith.constant 0 : i32
          %dma_wait3A_836 = tpu.memref_slice %arg10[%dma_wait3A_830, %dma_wait3A_833, %dma_wait3A_834, %dma_wait3A_835] : memref<8x2x8x128xf32, #tpu.memory_space<vmem>> -> memref<1x2x8x128xf32, #tpu.memory_space<vmem>>
          %dma_wait3A_837 = tpu.memref_squeeze %dma_wait3A_836 : memref<1x2x8x128xf32, #tpu.memory_space<vmem>> -> memref<2x8x128xf32, #tpu.memory_space<vmem>>
          %dma_wait3A_838 = arith.constant 0 : i32
          %dma_wait3A_839 = arith.constant 0 : i32
          %dma_wait3A_840 = arith.constant 0 : i32
          %dma_wait3A_841 = tpu.memref_slice %arg4[%dma_wait3A_831, %dma_wait3A_832, %dma_wait3A_838, %dma_wait3A_839, %dma_wait3A_840] : memref<200x8x32x8x128xf32, #tpu.memory_space<hbm>> -> memref<1x1x2x8x128xf32, #tpu.memory_space<hbm>>
          %dma_wait3A_842 = tpu.memref_squeeze %dma_wait3A_841 : memref<1x1x2x8x128xf32, #tpu.memory_space<hbm>> -> memref<2x8x128xf32, #tpu.memory_space<hbm>>
          %dma_wait3A_843 = arith.constant 0 : i32
          %dma_wait3A_844 = arith.constant 0 : i32
          %dma_wait3A_845 = arith.constant 0 : i32
          %dma_wait3A_846 = tpu.memref_slice %arg4[%dma_wait3A_831, %dma_wait3A_832, %dma_wait3A_843, %dma_wait3A_844, %dma_wait3A_845] : memref<200x8x32x8x128xf32, #tpu.memory_space<hbm>> -> memref<1x1x2x8x128xf32, #tpu.memory_space<hbm>>
          %dma_wait3A_847 = tpu.memref_squeeze %dma_wait3A_846 : memref<1x1x2x8x128xf32, #tpu.memory_space<hbm>> -> memref<2x8x128xf32, #tpu.memory_space<hbm>>
          %dma_wait3A_848 = arith.constant 0 : i32
          %dma_wait3A_849 = arith.constant 0 : i32
          %dma_wait3A_850 = arith.constant 0 : i32
          %dma_wait3A_851 = tpu.memref_slice %arg10[%dma_wait3A_830, %dma_wait3A_848, %dma_wait3A_849, %dma_wait3A_850] : memref<8x2x8x128xf32, #tpu.memory_space<vmem>> -> memref<1x2x8x128xf32, #tpu.memory_space<vmem>>
          %dma_wait3A_852 = tpu.memref_squeeze %dma_wait3A_851 : memref<1x2x8x128xf32, #tpu.memory_space<vmem>> -> memref<2x8x128xf32, #tpu.memory_space<vmem>>
          tpu.wait_dma2 semaphore(%arg16 : memref<!tpu.dma_semaphore, #tpu.memory_space<semaphore_mem>>) src(%dma_wait3A_852 : memref<2x8x128xf32, #tpu.memory_space<vmem>>) dst(%dma_wait3A_847 : memref<2x8x128xf32, #tpu.memory_space<hbm>>)
        } else {
        }
        %parallel_loop3A = arith.constant 0 : i32
        %parallel_loop3A_462 = arith.constant 256 : i32
        %parallel_loop3A_463 = arith.constant 1 : i32
        scf.for %parallel_loop3A_669 = %parallel_loop3A to %parallel_loop3A_462 step %parallel_loop3A_463  : i32 {
          %parallel_loop3A_670 = arith.index_cast %parallel_loop3A_669 : i32 to index
          %parallel_loop3A_671 = arith.constant 0 : index
          %parallel_loop3A_672 = tpu.vector_load %arg7[%parallel_loop3A_670, %parallel_loop3A_671] {strides = array<i32>} : memref<256x64xf32, #tpu.memory_space<vmem>>, vector<16xf32>,
          %parallel_loop3A_673 = arith.index_cast %parallel_loop3A_669 : i32 to index
          %parallel_loop3A_674 = arith.constant 0 : index
          %parallel_loop3A_675 = tpu.vector_load %arg9[%parallel_loop3A_673, %parallel_loop3A_674] {strides = array<i32>} : memref<256x65xf32, #tpu.memory_space<vmem>>, vector<16xf32>,
          tpu.vector_store %arg9[%parallel_loop3A_673, %parallel_loop3A_674], %parallel_loop3A_672 {strides = array<i32>} : memref<256x65xf32, #tpu.memory_space<vmem>>, vector<16xf32>,
          %parallel_loop3A_676 = arith.index_cast %parallel_loop3A_669 : i32 to index
          %parallel_loop3A_677 = arith.constant 16 : index
          %parallel_loop3A_678 = tpu.vector_load %arg7[%parallel_loop3A_676, %parallel_loop3A_677] {strides = array<i32>} : memref<256x64xf32, #tpu.memory_space<vmem>>, vector<16xf32>,
          %parallel_loop3A_679 = arith.index_cast %parallel_loop3A_669 : i32 to index
          %parallel_loop3A_680 = arith.constant 16 : index
          %parallel_loop3A_681 = tpu.vector_load %arg9[%parallel_loop3A_679, %parallel_loop3A_680] {strides = array<i32>} : memref<256x65xf32, #tpu.memory_space<vmem>>, vector<16xf32>,
          tpu.vector_store %arg9[%parallel_loop3A_679, %parallel_loop3A_680], %parallel_loop3A_678 {strides = array<i32>} : memref<256x65xf32, #tpu.memory_space<vmem>>, vector<16xf32>,
          %parallel_loop3A_682 = arith.index_cast %parallel_loop3A_669 : i32 to index
          %parallel_loop3A_683 = arith.constant 32 : index
          %parallel_loop3A_684 = tpu.vector_load %arg7[%parallel_loop3A_682, %parallel_loop3A_683] {strides = array<i32>} : memref<256x64xf32, #tpu.memory_space<vmem>>, vector<16xf32>,
          %parallel_loop3A_685 = arith.index_cast %parallel_loop3A_669 : i32 to index
          %parallel_loop3A_686 = arith.constant 32 : index
          %parallel_loop3A_687 = tpu.vector_load %arg9[%parallel_loop3A_685, %parallel_loop3A_686] {strides = array<i32>} : memref<256x65xf32, #tpu.memory_space<vmem>>, vector<16xf32>,
          tpu.vector_store %arg9[%parallel_loop3A_685, %parallel_loop3A_686], %parallel_loop3A_684 {strides = array<i32>} : memref<256x65xf32, #tpu.memory_space<vmem>>, vector<16xf32>,
          %parallel_loop3A_688 = arith.index_cast %parallel_loop3A_669 : i32 to index
          %parallel_loop3A_689 = arith.constant 48 : index
          %parallel_loop3A_690 = tpu.vector_load %arg7[%parallel_loop3A_688, %parallel_loop3A_689] {strides = array<i32>} : memref<256x64xf32, #tpu.memory_space<vmem>>, vector<16xf32>,
          %parallel_loop3A_691 = arith.index_cast %parallel_loop3A_669 : i32 to index
          %parallel_loop3A_692 = arith.constant 48 : index
          %parallel_loop3A_693 = tpu.vector_load %arg9[%parallel_loop3A_691, %parallel_loop3A_692] {strides = array<i32>} : memref<256x65xf32, #tpu.memory_space<vmem>>, vector<16xf32>,
          tpu.vector_store %arg9[%parallel_loop3A_691, %parallel_loop3A_692], %parallel_loop3A_690 {strides = array<i32>} : memref<256x65xf32, #tpu.memory_space<vmem>>, vector<16xf32>,
        } {sc.loop_unroll_factor = 8 : i64, sc.parallel_access}
        %parallel_loop3A_464 = arith.constant 0 : i32
        %parallel_loop3A_465 = arith.constant 64 : i32
        %parallel_loop3A_466 = arith.constant 1 : i32
        scf.for %parallel_loop3A_669 = %parallel_loop3A_464 to %parallel_loop3A_465 step %parallel_loop3A_466  : i32 {
          %parallel_loop3A_670 = arith.constant 8 : i32
          %parallel_loop3A_671 = arith.divsi %parallel_loop3A_669, %parallel_loop3A_670 : i32
          %parallel_loop3A_672 = arith.constant 0 : i32
          %parallel_loop3A_673 = arith.cmpi sgt, %parallel_loop3A_669, %parallel_loop3A_672 : i32
          %parallel_loop3A_674 = arith.extui %parallel_loop3A_673 : i1 to i32
          %parallel_loop3A_675 = arith.constant 0 : i32
          %parallel_loop3A_676 = arith.cmpi slt, %parallel_loop3A_669, %parallel_loop3A_675 : i32
          %parallel_loop3A_677 = arith.extui %parallel_loop3A_676 : i1 to i32
          %parallel_loop3A_678 = arith.subi %parallel_loop3A_674, %parallel_loop3A_677 : i32
          %parallel_loop3A_679 = arith.constant 0 : i32
          %parallel_loop3A_680 = arith.cmpi sgt, %parallel_loop3A_670, %parallel_loop3A_679 : i32
          %parallel_loop3A_681 = arith.extui %parallel_loop3A_680 : i1 to i32
          %parallel_loop3A_682 = arith.constant 0 : i32
          %parallel_loop3A_683 = arith.cmpi slt, %parallel_loop3A_670, %parallel_loop3A_682 : i32
          %parallel_loop3A_684 = arith.extui %parallel_loop3A_683 : i1 to i32
          %parallel_loop3A_685 = arith.subi %parallel_loop3A_681, %parallel_loop3A_684 : i32
          %parallel_loop3A_686 = arith.cmpi ne, %parallel_loop3A_678, %parallel_loop3A_685 : i32
          %parallel_loop3A_687 = arith.remsi %parallel_loop3A_669, %parallel_loop3A_670 : i32
          %parallel_loop3A_688 = arith.constant 0 : i32
          %parallel_loop3A_689 = arith.cmpi ne, %parallel_loop3A_687, %parallel_loop3A_688 : i32
          %parallel_loop3A_690 = arith.andi %parallel_loop3A_686, %parallel_loop3A_689 : i1
          %parallel_loop3A_691 = arith.constant 1 : i32
          %parallel_loop3A_692 = arith.subi %parallel_loop3A_671, %parallel_loop3A_691 : i32
          %parallel_loop3A_693 = arith.select %parallel_loop3A_690, %parallel_loop3A_692, %parallel_loop3A_671 : i32
          %parallel_loop3A_694 = arith.constant 8 : i32
          %parallel_loop3A_695 = arith.remsi %parallel_loop3A_669, %parallel_loop3A_694 : i32
          %parallel_loop3A_696 = vector.broadcast %parallel_loop3A_669 : i32 to vector<16xi32>
          %parallel_loop3A_697 = arith.constant 0 : i32
          %parallel_loop3A_698 = vector.broadcast %parallel_loop3A_697 : i32 to vector<16xi32>
          %parallel_loop3A_699 = arith.addi %iota3A, %parallel_loop3A_698 : vector<16xi32>
          %parallel_loop3A_700 = tpu.vector_load_idx %arg9[%parallel_loop3A_699, %parallel_loop3A_696] : memref<256x65xf32, #tpu.memory_space<vmem>>[vector<16xi32>, vector<16xi32>], vector<16xf32>,
          %parallel_loop3A_701 = arith.constant 0 : i32
          %parallel_loop3A_702 = arith.index_cast %parallel_loop3A_693 : i32 to index
          %parallel_loop3A_703 = arith.index_cast %parallel_loop3A_701 : i32 to index
          %parallel_loop3A_704 = arith.index_cast %parallel_loop3A_695 : i32 to index
          %parallel_loop3A_705 = arith.constant 0 : index
          %parallel_loop3A_706 = tpu.vector_load %arg10[%parallel_loop3A_702, %parallel_loop3A_703, %parallel_loop3A_704, %parallel_loop3A_705] {strides = array<i32>} : memref<8x2x8x128xf32, #tpu.memory_space<vmem>>, vector<16xf32>,
          tpu.vector_store %arg10[%parallel_loop3A_702, %parallel_loop3A_703, %parallel_loop3A_704, %parallel_loop3A_705], %parallel_loop3A_700 {strides = array<i32>} : memref<8x2x8x128xf32, #tpu.memory_space<vmem>>, vector<16xf32>,
          %parallel_loop3A_707 = arith.constant 16 : i32
          %parallel_loop3A_708 = vector.broadcast %parallel_loop3A_707 : i32 to vector<16xi32>
          %parallel_loop3A_709 = arith.addi %iota3A, %parallel_loop3A_708 : vector<16xi32>
          %parallel_loop3A_710 = tpu.vector_load_idx %arg9[%parallel_loop3A_709, %parallel_loop3A_696] : memref<256x65xf32, #tpu.memory_space<vmem>>[vector<16xi32>, vector<16xi32>], vector<16xf32>,
          %parallel_loop3A_711 = arith.constant 0 : i32
          %parallel_loop3A_712 = arith.index_cast %parallel_loop3A_693 : i32 to index
          %parallel_loop3A_713 = arith.index_cast %parallel_loop3A_711 : i32 to index
          %parallel_loop3A_714 = arith.index_cast %parallel_loop3A_695 : i32 to index
          %parallel_loop3A_715 = arith.constant 16 : index
          %parallel_loop3A_716 = tpu.vector_load %arg10[%parallel_loop3A_712, %parallel_loop3A_713, %parallel_loop3A_714, %parallel_loop3A_715] {strides = array<i32>} : memref<8x2x8x128xf32, #tpu.memory_space<vmem>>, vector<16xf32>,
          tpu.vector_store %arg10[%parallel_loop3A_712, %parallel_loop3A_713, %parallel_loop3A_714, %parallel_loop3A_715], %parallel_loop3A_710 {strides = array<i32>} : memref<8x2x8x128xf32, #tpu.memory_space<vmem>>, vector<16xf32>,
          %parallel_loop3A_717 = arith.constant 32 : i32
          %parallel_loop3A_718 = vector.broadcast %parallel_loop3A_717 : i32 to vector<16xi32>
          %parallel_loop3A_719 = arith.addi %iota3A, %parallel_loop3A_718 : vector<16xi32>
          %parallel_loop3A_720 = tpu.vector_load_idx %arg9[%parallel_loop3A_719, %parallel_loop3A_696] : memref<256x65xf32, #tpu.memory_space<vmem>>[vector<16xi32>, vector<16xi32>], vector<16xf32>,
          %parallel_loop3A_721 = arith.constant 0 : i32
          %parallel_loop3A_722 = arith.index_cast %parallel_loop3A_693 : i32 to index
          %parallel_loop3A_723 = arith.index_cast %parallel_loop3A_721 : i32 to index
          %parallel_loop3A_724 = arith.index_cast %parallel_loop3A_695 : i32 to index
          %parallel_loop3A_725 = arith.constant 32 : index
          %parallel_loop3A_726 = tpu.vector_load %arg10[%parallel_loop3A_722, %parallel_loop3A_723, %parallel_loop3A_724, %parallel_loop3A_725] {strides = array<i32>} : memref<8x2x8x128xf32, #tpu.memory_space<vmem>>, vector<16xf32>,
          tpu.vector_store %arg10[%parallel_loop3A_722, %parallel_loop3A_723, %parallel_loop3A_724, %parallel_loop3A_725], %parallel_loop3A_720 {strides = array<i32>} : memref<8x2x8x128xf32, #tpu.memory_space<vmem>>, vector<16xf32>,
          %parallel_loop3A_727 = arith.constant 48 : i32
          %parallel_loop3A_728 = vector.broadcast %parallel_loop3A_727 : i32 to vector<16xi32>
          %parallel_loop3A_729 = arith.addi %iota3A, %parallel_loop3A_728 : vector<16xi32>
          %parallel_loop3A_730 = tpu.vector_load_idx %arg9[%parallel_loop3A_729, %parallel_loop3A_696] : memref<256x65xf32, #tpu.memory_space<vmem>>[vector<16xi32>, vector<16xi32>], vector<16xf32>,
          %parallel_loop3A_731 = arith.constant 0 : i32
          %parallel_loop3A_732 = arith.index_cast %parallel_loop3A_693 : i32 to index
          %parallel_loop3A_733 = arith.index_cast %parallel_loop3A_731 : i32 to index
          %parallel_loop3A_734 = arith.index_cast %parallel_loop3A_695 : i32 to index
          %parallel_loop3A_735 = arith.constant 48 : index
          %parallel_loop3A_736 = tpu.vector_load %arg10[%parallel_loop3A_732, %parallel_loop3A_733, %parallel_loop3A_734, %parallel_loop3A_735] {strides = array<i32>} : memref<8x2x8x128xf32, #tpu.memory_space<vmem>>, vector<16xf32>,
          tpu.vector_store %arg10[%parallel_loop3A_732, %parallel_loop3A_733, %parallel_loop3A_734, %parallel_loop3A_735], %parallel_loop3A_730 {strides = array<i32>} : memref<8x2x8x128xf32, #tpu.memory_space<vmem>>, vector<16xf32>,
          %parallel_loop3A_737 = arith.constant 64 : i32
          %parallel_loop3A_738 = vector.broadcast %parallel_loop3A_737 : i32 to vector<16xi32>
          %parallel_loop3A_739 = arith.addi %iota3A, %parallel_loop3A_738 : vector<16xi32>
          %parallel_loop3A_740 = tpu.vector_load_idx %arg9[%parallel_loop3A_739, %parallel_loop3A_696] : memref<256x65xf32, #tpu.memory_space<vmem>>[vector<16xi32>, vector<16xi32>], vector<16xf32>,
          %parallel_loop3A_741 = arith.constant 0 : i32
          %parallel_loop3A_742 = arith.index_cast %parallel_loop3A_693 : i32 to index
          %parallel_loop3A_743 = arith.index_cast %parallel_loop3A_741 : i32 to index
          %parallel_loop3A_744 = arith.index_cast %parallel_loop3A_695 : i32 to index
          %parallel_loop3A_745 = arith.constant 64 : index
          %parallel_loop3A_746 = tpu.vector_load %arg10[%parallel_loop3A_742, %parallel_loop3A_743, %parallel_loop3A_744, %parallel_loop3A_745] {strides = array<i32>} : memref<8x2x8x128xf32, #tpu.memory_space<vmem>>, vector<16xf32>,
          tpu.vector_store %arg10[%parallel_loop3A_742, %parallel_loop3A_743, %parallel_loop3A_744, %parallel_loop3A_745], %parallel_loop3A_740 {strides = array<i32>} : memref<8x2x8x128xf32, #tpu.memory_space<vmem>>, vector<16xf32>,
          %parallel_loop3A_747 = arith.constant 80 : i32
          %parallel_loop3A_748 = vector.broadcast %parallel_loop3A_747 : i32 to vector<16xi32>
          %parallel_loop3A_749 = arith.addi %iota3A, %parallel_loop3A_748 : vector<16xi32>
          %parallel_loop3A_750 = tpu.vector_load_idx %arg9[%parallel_loop3A_749, %parallel_loop3A_696] : memref<256x65xf32, #tpu.memory_space<vmem>>[vector<16xi32>, vector<16xi32>], vector<16xf32>,
          %parallel_loop3A_751 = arith.constant 0 : i32
          %parallel_loop3A_752 = arith.index_cast %parallel_loop3A_693 : i32 to index
          %parallel_loop3A_753 = arith.index_cast %parallel_loop3A_751 : i32 to index
          %parallel_loop3A_754 = arith.index_cast %parallel_loop3A_695 : i32 to index
          %parallel_loop3A_755 = arith.constant 80 : index
          %parallel_loop3A_756 = tpu.vector_load %arg10[%parallel_loop3A_752, %parallel_loop3A_753, %parallel_loop3A_754, %parallel_loop3A_755] {strides = array<i32>} : memref<8x2x8x128xf32, #tpu.memory_space<vmem>>, vector<16xf32>,
          tpu.vector_store %arg10[%parallel_loop3A_752, %parallel_loop3A_753, %parallel_loop3A_754, %parallel_loop3A_755], %parallel_loop3A_750 {strides = array<i32>} : memref<8x2x8x128xf32, #tpu.memory_space<vmem>>, vector<16xf32>,
          %parallel_loop3A_757 = arith.constant 96 : i32
          %parallel_loop3A_758 = vector.broadcast %parallel_loop3A_757 : i32 to vector<16xi32>
          %parallel_loop3A_759 = arith.addi %iota3A, %parallel_loop3A_758 : vector<16xi32>
          %parallel_loop3A_760 = tpu.vector_load_idx %arg9[%parallel_loop3A_759, %parallel_loop3A_696] : memref<256x65xf32, #tpu.memory_space<vmem>>[vector<16xi32>, vector<16xi32>], vector<16xf32>,
          %parallel_loop3A_761 = arith.constant 0 : i32
          %parallel_loop3A_762 = arith.index_cast %parallel_loop3A_693 : i32 to index
          %parallel_loop3A_763 = arith.index_cast %parallel_loop3A_761 : i32 to index
          %parallel_loop3A_764 = arith.index_cast %parallel_loop3A_695 : i32 to index
          %parallel_loop3A_765 = arith.constant 96 : index
          %parallel_loop3A_766 = tpu.vector_load %arg10[%parallel_loop3A_762, %parallel_loop3A_763, %parallel_loop3A_764, %parallel_loop3A_765] {strides = array<i32>} : memref<8x2x8x128xf32, #tpu.memory_space<vmem>>, vector<16xf32>,
          tpu.vector_store %arg10[%parallel_loop3A_762, %parallel_loop3A_763, %parallel_loop3A_764, %parallel_loop3A_765], %parallel_loop3A_760 {strides = array<i32>} : memref<8x2x8x128xf32, #tpu.memory_space<vmem>>, vector<16xf32>,
          %parallel_loop3A_767 = arith.constant 112 : i32
          %parallel_loop3A_768 = vector.broadcast %parallel_loop3A_767 : i32 to vector<16xi32>
          %parallel_loop3A_769 = arith.addi %iota3A, %parallel_loop3A_768 : vector<16xi32>
          %parallel_loop3A_770 = tpu.vector_load_idx %arg9[%parallel_loop3A_769, %parallel_loop3A_696] : memref<256x65xf32, #tpu.memory_space<vmem>>[vector<16xi32>, vector<16xi32>], vector<16xf32>,
          %parallel_loop3A_771 = arith.constant 0 : i32
          %parallel_loop3A_772 = arith.index_cast %parallel_loop3A_693 : i32 to index
          %parallel_loop3A_773 = arith.index_cast %parallel_loop3A_771 : i32 to index
          %parallel_loop3A_774 = arith.index_cast %parallel_loop3A_695 : i32 to index
          %parallel_loop3A_775 = arith.constant 112 : index
          %parallel_loop3A_776 = tpu.vector_load %arg10[%parallel_loop3A_772, %parallel_loop3A_773, %parallel_loop3A_774, %parallel_loop3A_775] {strides = array<i32>} : memref<8x2x8x128xf32, #tpu.memory_space<vmem>>, vector<16xf32>,
          tpu.vector_store %arg10[%parallel_loop3A_772, %parallel_loop3A_773, %parallel_loop3A_774, %parallel_loop3A_775], %parallel_loop3A_770 {strides = array<i32>} : memref<8x2x8x128xf32, #tpu.memory_space<vmem>>, vector<16xf32>,
          %parallel_loop3A_777 = arith.constant 128 : i32
          %parallel_loop3A_778 = vector.broadcast %parallel_loop3A_777 : i32 to vector<16xi32>
          %parallel_loop3A_779 = arith.addi %iota3A, %parallel_loop3A_778 : vector<16xi32>
          %parallel_loop3A_780 = tpu.vector_load_idx %arg9[%parallel_loop3A_779, %parallel_loop3A_696] : memref<256x65xf32, #tpu.memory_space<vmem>>[vector<16xi32>, vector<16xi32>], vector<16xf32>,
          %parallel_loop3A_781 = arith.constant 1 : i32
          %parallel_loop3A_782 = arith.index_cast %parallel_loop3A_693 : i32 to index
          %parallel_loop3A_783 = arith.index_cast %parallel_loop3A_781 : i32 to index
          %parallel_loop3A_784 = arith.index_cast %parallel_loop3A_695 : i32 to index
          %parallel_loop3A_785 = arith.constant 0 : index
          %parallel_loop3A_786 = tpu.vector_load %arg10[%parallel_loop3A_782, %parallel_loop3A_783, %parallel_loop3A_784, %parallel_loop3A_785] {strides = array<i32>} : memref<8x2x8x128xf32, #tpu.memory_space<vmem>>, vector<16xf32>,
          tpu.vector_store %arg10[%parallel_loop3A_782, %parallel_loop3A_783, %parallel_loop3A_784, %parallel_loop3A_785], %parallel_loop3A_780 {strides = array<i32>} : memref<8x2x8x128xf32, #tpu.memory_space<vmem>>, vector<16xf32>,
          %parallel_loop3A_787 = arith.constant 144 : i32
          %parallel_loop3A_788 = vector.broadcast %parallel_loop3A_787 : i32 to vector<16xi32>
          %parallel_loop3A_789 = arith.addi %iota3A, %parallel_loop3A_788 : vector<16xi32>
          %parallel_loop3A_790 = tpu.vector_load_idx %arg9[%parallel_loop3A_789, %parallel_loop3A_696] : memref<256x65xf32, #tpu.memory_space<vmem>>[vector<16xi32>, vector<16xi32>], vector<16xf32>,
          %parallel_loop3A_791 = arith.constant 1 : i32
          %parallel_loop3A_792 = arith.index_cast %parallel_loop3A_693 : i32 to index
          %parallel_loop3A_793 = arith.index_cast %parallel_loop3A_791 : i32 to index
          %parallel_loop3A_794 = arith.index_cast %parallel_loop3A_695 : i32 to index
          %parallel_loop3A_795 = arith.constant 16 : index
          %parallel_loop3A_796 = tpu.vector_load %arg10[%parallel_loop3A_792, %parallel_loop3A_793, %parallel_loop3A_794, %parallel_loop3A_795] {strides = array<i32>} : memref<8x2x8x128xf32, #tpu.memory_space<vmem>>, vector<16xf32>,
          tpu.vector_store %arg10[%parallel_loop3A_792, %parallel_loop3A_793, %parallel_loop3A_794, %parallel_loop3A_795], %parallel_loop3A_790 {strides = array<i32>} : memref<8x2x8x128xf32, #tpu.memory_space<vmem>>, vector<16xf32>,
          %parallel_loop3A_797 = arith.constant 160 : i32
          %parallel_loop3A_798 = vector.broadcast %parallel_loop3A_797 : i32 to vector<16xi32>
          %parallel_loop3A_799 = arith.addi %iota3A, %parallel_loop3A_798 : vector<16xi32>
          %parallel_loop3A_800 = tpu.vector_load_idx %arg9[%parallel_loop3A_799, %parallel_loop3A_696] : memref<256x65xf32, #tpu.memory_space<vmem>>[vector<16xi32>, vector<16xi32>], vector<16xf32>,
          %parallel_loop3A_801 = arith.constant 1 : i32
          %parallel_loop3A_802 = arith.index_cast %parallel_loop3A_693 : i32 to index
          %parallel_loop3A_803 = arith.index_cast %parallel_loop3A_801 : i32 to index
          %parallel_loop3A_804 = arith.index_cast %parallel_loop3A_695 : i32 to index
          %parallel_loop3A_805 = arith.constant 32 : index
          %parallel_loop3A_806 = tpu.vector_load %arg10[%parallel_loop3A_802, %parallel_loop3A_803, %parallel_loop3A_804, %parallel_loop3A_805] {strides = array<i32>} : memref<8x2x8x128xf32, #tpu.memory_space<vmem>>, vector<16xf32>,
          tpu.vector_store %arg10[%parallel_loop3A_802, %parallel_loop3A_803, %parallel_loop3A_804, %parallel_loop3A_805], %parallel_loop3A_800 {strides = array<i32>} : memref<8x2x8x128xf32, #tpu.memory_space<vmem>>, vector<16xf32>,
          %parallel_loop3A_807 = arith.constant 176 : i32
          %parallel_loop3A_808 = vector.broadcast %parallel_loop3A_807 : i32 to vector<16xi32>
          %parallel_loop3A_809 = arith.addi %iota3A, %parallel_loop3A_808 : vector<16xi32>
          %parallel_loop3A_810 = tpu.vector_load_idx %arg9[%parallel_loop3A_809, %parallel_loop3A_696] : memref<256x65xf32, #tpu.memory_space<vmem>>[vector<16xi32>, vector<16xi32>], vector<16xf32>,
          %parallel_loop3A_811 = arith.constant 1 : i32
          %parallel_loop3A_812 = arith.index_cast %parallel_loop3A_693 : i32 to index
          %parallel_loop3A_813 = arith.index_cast %parallel_loop3A_811 : i32 to index
          %parallel_loop3A_814 = arith.index_cast %parallel_loop3A_695 : i32 to index
          %parallel_loop3A_815 = arith.constant 48 : index
          %parallel_loop3A_816 = tpu.vector_load %arg10[%parallel_loop3A_812, %parallel_loop3A_813, %parallel_loop3A_814, %parallel_loop3A_815] {strides = array<i32>} : memref<8x2x8x128xf32, #tpu.memory_space<vmem>>, vector<16xf32>,
          tpu.vector_store %arg10[%parallel_loop3A_812, %parallel_loop3A_813, %parallel_loop3A_814, %parallel_loop3A_815], %parallel_loop3A_810 {strides = array<i32>} : memref<8x2x8x128xf32, #tpu.memory_space<vmem>>, vector<16xf32>,
          %parallel_loop3A_817 = arith.constant 192 : i32
          %parallel_loop3A_818 = vector.broadcast %parallel_loop3A_817 : i32 to vector<16xi32>
          %parallel_loop3A_819 = arith.addi %iota3A, %parallel_loop3A_818 : vector<16xi32>
          %parallel_loop3A_820 = tpu.vector_load_idx %arg9[%parallel_loop3A_819, %parallel_loop3A_696] : memref<256x65xf32, #tpu.memory_space<vmem>>[vector<16xi32>, vector<16xi32>], vector<16xf32>,
          %parallel_loop3A_821 = arith.constant 1 : i32
          %parallel_loop3A_822 = arith.index_cast %parallel_loop3A_693 : i32 to index
          %parallel_loop3A_823 = arith.index_cast %parallel_loop3A_821 : i32 to index
          %parallel_loop3A_824 = arith.index_cast %parallel_loop3A_695 : i32 to index
          %parallel_loop3A_825 = arith.constant 64 : index
          %parallel_loop3A_826 = tpu.vector_load %arg10[%parallel_loop3A_822, %parallel_loop3A_823, %parallel_loop3A_824, %parallel_loop3A_825] {strides = array<i32>} : memref<8x2x8x128xf32, #tpu.memory_space<vmem>>, vector<16xf32>,
          tpu.vector_store %arg10[%parallel_loop3A_822, %parallel_loop3A_823, %parallel_loop3A_824, %parallel_loop3A_825], %parallel_loop3A_820 {strides = array<i32>} : memref<8x2x8x128xf32, #tpu.memory_space<vmem>>, vector<16xf32>,
          %parallel_loop3A_827 = arith.constant 208 : i32
          %parallel_loop3A_828 = vector.broadcast %parallel_loop3A_827 : i32 to vector<16xi32>
          %parallel_loop3A_829 = arith.addi %iota3A, %parallel_loop3A_828 : vector<16xi32>
          %parallel_loop3A_830 = tpu.vector_load_idx %arg9[%parallel_loop3A_829, %parallel_loop3A_696] : memref<256x65xf32, #tpu.memory_space<vmem>>[vector<16xi32>, vector<16xi32>], vector<16xf32>,
          %parallel_loop3A_831 = arith.constant 1 : i32
          %parallel_loop3A_832 = arith.index_cast %parallel_loop3A_693 : i32 to index
          %parallel_loop3A_833 = arith.index_cast %parallel_loop3A_831 : i32 to index
          %parallel_loop3A_834 = arith.index_cast %parallel_loop3A_695 : i32 to index
          %parallel_loop3A_835 = arith.constant 80 : index
          %parallel_loop3A_836 = tpu.vector_load %arg10[%parallel_loop3A_832, %parallel_loop3A_833, %parallel_loop3A_834, %parallel_loop3A_835] {strides = array<i32>} : memref<8x2x8x128xf32, #tpu.memory_space<vmem>>, vector<16xf32>,
          tpu.vector_store %arg10[%parallel_loop3A_832, %parallel_loop3A_833, %parallel_loop3A_834, %parallel_loop3A_835], %parallel_loop3A_830 {strides = array<i32>} : memref<8x2x8x128xf32, #tpu.memory_space<vmem>>, vector<16xf32>,
          %parallel_loop3A_837 = arith.constant 224 : i32
          %parallel_loop3A_838 = vector.broadcast %parallel_loop3A_837 : i32 to vector<16xi32>
          %parallel_loop3A_839 = arith.addi %iota3A, %parallel_loop3A_838 : vector<16xi32>
          %parallel_loop3A_840 = tpu.vector_load_idx %arg9[%parallel_loop3A_839, %parallel_loop3A_696] : memref<256x65xf32, #tpu.memory_space<vmem>>[vector<16xi32>, vector<16xi32>], vector<16xf32>,
          %parallel_loop3A_841 = arith.constant 1 : i32
          %parallel_loop3A_842 = arith.index_cast %parallel_loop3A_693 : i32 to index
          %parallel_loop3A_843 = arith.index_cast %parallel_loop3A_841 : i32 to index
          %parallel_loop3A_844 = arith.index_cast %parallel_loop3A_695 : i32 to index
          %parallel_loop3A_845 = arith.constant 96 : index
          %parallel_loop3A_846 = tpu.vector_load %arg10[%parallel_loop3A_842, %parallel_loop3A_843, %parallel_loop3A_844, %parallel_loop3A_845] {strides = array<i32>} : memref<8x2x8x128xf32, #tpu.memory_space<vmem>>, vector<16xf32>,
          tpu.vector_store %arg10[%parallel_loop3A_842, %parallel_loop3A_843, %parallel_loop3A_844, %parallel_loop3A_845], %parallel_loop3A_840 {strides = array<i32>} : memref<8x2x8x128xf32, #tpu.memory_space<vmem>>, vector<16xf32>,
          %parallel_loop3A_847 = arith.constant 240 : i32
          %parallel_loop3A_848 = vector.broadcast %parallel_loop3A_847 : i32 to vector<16xi32>
          %parallel_loop3A_849 = arith.addi %iota3A, %parallel_loop3A_848 : vector<16xi32>
          %parallel_loop3A_850 = tpu.vector_load_idx %arg9[%parallel_loop3A_849, %parallel_loop3A_696] : memref<256x65xf32, #tpu.memory_space<vmem>>[vector<16xi32>, vector<16xi32>], vector<16xf32>,
          %parallel_loop3A_851 = arith.constant 1 : i32
          %parallel_loop3A_852 = arith.index_cast %parallel_loop3A_693 : i32 to index
          %parallel_loop3A_853 = arith.index_cast %parallel_loop3A_851 : i32 to index
          %parallel_loop3A_854 = arith.index_cast %parallel_loop3A_695 : i32 to index
          %parallel_loop3A_855 = arith.constant 112 : index
          %parallel_loop3A_856 = tpu.vector_load %arg10[%parallel_loop3A_852, %parallel_loop3A_853, %parallel_loop3A_854, %parallel_loop3A_855] {strides = array<i32>} : memref<8x2x8x128xf32, #tpu.memory_space<vmem>>, vector<16xf32>,
          tpu.vector_store %arg10[%parallel_loop3A_852, %parallel_loop3A_853, %parallel_loop3A_854, %parallel_loop3A_855], %parallel_loop3A_850 {strides = array<i32>} : memref<8x2x8x128xf32, #tpu.memory_space<vmem>>, vector<16xf32>,
        } {sc.loop_unroll_factor = 2 : i64, sc.parallel_access}
        %jit3A_467 = arith.constant 16 : i32
        %div3A_468 = arith.divsi %add3A_432, %jit3A_467 : i32
        %sign3A_469 = arith.constant 0 : i32
        %sign3A_470 = arith.cmpi sgt, %add3A_432, %sign3A_469 : i32
        %sign3A_471 = arith.extui %sign3A_470 : i1 to i32
        %sign3A_472 = arith.constant 0 : i32
        %sign3A_473 = arith.cmpi slt, %add3A_432, %sign3A_472 : i32
        %sign3A_474 = arith.extui %sign3A_473 : i1 to i32
        %sign3A_475 = arith.subi %sign3A_471, %sign3A_474 : i32
        %sign3A_476 = arith.constant 0 : i32
        %sign3A_477 = arith.cmpi sgt, %jit3A_467, %sign3A_476 : i32
        %sign3A_478 = arith.extui %sign3A_477 : i1 to i32
        %sign3A_479 = arith.constant 0 : i32
        %sign3A_480 = arith.cmpi slt, %jit3A_467, %sign3A_479 : i32
        %sign3A_481 = arith.extui %sign3A_480 : i1 to i32
        %sign3A_482 = arith.subi %sign3A_478, %sign3A_481 : i32
        %ne3A_483 = arith.cmpi ne, %sign3A_475, %sign3A_482 : i32
        %rem3A_484 = arith.remsi %add3A_432, %jit3A_467 : i32
        %ne3A_485 = arith.constant 0 : i32
        %ne3A_486 = arith.cmpi ne, %rem3A_484, %ne3A_485 : i32
        %and3A_487 = arith.andi %ne3A_483, %ne3A_486 : i1
        %sub3A_488 = arith.constant 1 : i32
        %sub3A_489 = arith.subi %div3A_468, %sub3A_488 : i32
        %select_n3A_490 = arith.select %and3A_487, %sub3A_489, %div3A_468 : i32
        %rem3A_491 = arith.constant 16 : i32
        %rem3A_492 = arith.remsi %add3A_432, %rem3A_491 : i32
        %mul3A_493 = arith.constant 2 : i32
        %mul3A_494 = arith.muli %rem3A_492, %mul3A_493 : i32
        %dma_start3A_495 = arith.constant 0 : i32
        %dma_start3A_496 = arith.constant 0 : i32
        %dma_start3A_497 = arith.constant 0 : i32
        %dma_start3A_498 = arith.constant 0 : i32
        %dma_start3A_499 = arith.constant 0 : i32
        %dma_start3A_500 = tpu.memref_slice %arg10[%dma_start3A_495, %dma_start3A_497, %dma_start3A_498, %dma_start3A_499] : memref<8x2x8x128xf32, #tpu.memory_space<vmem>> -> memref<1x2x8x128xf32, #tpu.memory_space<vmem>>
        %dma_start3A_501 = tpu.memref_squeeze %dma_start3A_500 : memref<1x2x8x128xf32, #tpu.memory_space<vmem>> -> memref<2x8x128xf32, #tpu.memory_space<vmem>>
        %dma_start3A_502 = arith.constant 0 : i32
        %dma_start3A_503 = arith.constant 0 : i32
        %dma_start3A_504 = tpu.memref_slice %arg4[%select_n3A_490, %dma_start3A_496, %mul3A_494, %dma_start3A_502, %dma_start3A_503] : memref<200x8x32x8x128xf32, #tpu.memory_space<hbm>> -> memref<1x1x2x8x128xf32, #tpu.memory_space<hbm>>
        %dma_start3A_505 = tpu.memref_squeeze %dma_start3A_504 : memref<1x1x2x8x128xf32, #tpu.memory_space<hbm>> -> memref<2x8x128xf32, #tpu.memory_space<hbm>>
        %dma_start3A_506 = arith.constant 0 : i32
        %dma_start3A_507 = arith.constant 0 : i32
        %dma_start3A_508 = tpu.memref_slice %arg4[%select_n3A_490, %dma_start3A_496, %mul3A_494, %dma_start3A_506, %dma_start3A_507] : memref<200x8x32x8x128xf32, #tpu.memory_space<hbm>> -> memref<1x1x2x8x128xf32, #tpu.memory_space<hbm>>
        %dma_start3A_509 = tpu.memref_squeeze %dma_start3A_508 : memref<1x1x2x8x128xf32, #tpu.memory_space<hbm>> -> memref<2x8x128xf32, #tpu.memory_space<hbm>>
        %dma_start3A_510 = arith.constant 0 : i32
        %dma_start3A_511 = arith.constant 0 : i32
        %dma_start3A_512 = arith.constant 0 : i32
        %dma_start3A_513 = tpu.memref_slice %arg10[%dma_start3A_495, %dma_start3A_510, %dma_start3A_511, %dma_start3A_512] : memref<8x2x8x128xf32, #tpu.memory_space<vmem>> -> memref<1x2x8x128xf32, #tpu.memory_space<vmem>>
        %dma_start3A_514 = tpu.memref_squeeze %dma_start3A_513 : memref<1x2x8x128xf32, #tpu.memory_space<vmem>> -> memref<2x8x128xf32, #tpu.memory_space<vmem>>
        tpu.enqueue_dma source(%dma_start3A_514 : memref<2x8x128xf32, #tpu.memory_space<vmem>>) target(%dma_start3A_509 : memref<2x8x128xf32, #tpu.memory_space<hbm>>) target_semaphore(%arg16 : memref<!tpu.dma_semaphore, #tpu.memory_space<semaphore_mem>>)
        %mul3A_515 = arith.constant 2 : i32
        %mul3A_516 = arith.muli %rem3A_492, %mul3A_515 : i32
        %dma_start3A_517 = arith.constant 1 : i32
        %dma_start3A_518 = arith.constant 1 : i32
        %dma_start3A_519 = arith.constant 0 : i32
        %dma_start3A_520 = arith.constant 0 : i32
        %dma_start3A_521 = arith.constant 0 : i32
        %dma_start3A_522 = tpu.memref_slice %arg10[%dma_start3A_517, %dma_start3A_519, %dma_start3A_520, %dma_start3A_521] : memref<8x2x8x128xf32, #tpu.memory_space<vmem>> -> memref<1x2x8x128xf32, #tpu.memory_space<vmem>>
        %dma_start3A_523 = tpu.memref_squeeze %dma_start3A_522 : memref<1x2x8x128xf32, #tpu.memory_space<vmem>> -> memref<2x8x128xf32, #tpu.memory_space<vmem>>
        %dma_start3A_524 = arith.constant 0 : i32
        %dma_start3A_525 = arith.constant 0 : i32
        %dma_start3A_526 = tpu.memref_slice %arg4[%select_n3A_490, %dma_start3A_518, %mul3A_516, %dma_start3A_524, %dma_start3A_525] : memref<200x8x32x8x128xf32, #tpu.memory_space<hbm>> -> memref<1x1x2x8x128xf32, #tpu.memory_space<hbm>>
        %dma_start3A_527 = tpu.memref_squeeze %dma_start3A_526 : memref<1x1x2x8x128xf32, #tpu.memory_space<hbm>> -> memref<2x8x128xf32, #tpu.memory_space<hbm>>
        %dma_start3A_528 = arith.constant 0 : i32
        %dma_start3A_529 = arith.constant 0 : i32
        %dma_start3A_530 = tpu.memref_slice %arg4[%select_n3A_490, %dma_start3A_518, %mul3A_516, %dma_start3A_528, %dma_start3A_529] : memref<200x8x32x8x128xf32, #tpu.memory_space<hbm>> -> memref<1x1x2x8x128xf32, #tpu.memory_space<hbm>>
        %dma_start3A_531 = tpu.memref_squeeze %dma_start3A_530 : memref<1x1x2x8x128xf32, #tpu.memory_space<hbm>> -> memref<2x8x128xf32, #tpu.memory_space<hbm>>
        %dma_start3A_532 = arith.constant 0 : i32
        %dma_start3A_533 = arith.constant 0 : i32
        %dma_start3A_534 = arith.constant 0 : i32
        %dma_start3A_535 = tpu.memref_slice %arg10[%dma_start3A_517, %dma_start3A_532, %dma_start3A_533, %dma_start3A_534] : memref<8x2x8x128xf32, #tpu.memory_space<vmem>> -> memref<1x2x8x128xf32, #tpu.memory_space<vmem>>
        %dma_start3A_536 = tpu.memref_squeeze %dma_start3A_535 : memref<1x2x8x128xf32, #tpu.memory_space<vmem>> -> memref<2x8x128xf32, #tpu.memory_space<vmem>>
        tpu.enqueue_dma source(%dma_start3A_536 : memref<2x8x128xf32, #tpu.memory_space<vmem>>) target(%dma_start3A_531 : memref<2x8x128xf32, #tpu.memory_space<hbm>>) target_semaphore(%arg16 : memref<!tpu.dma_semaphore, #tpu.memory_space<semaphore_mem>>)
        %mul3A_537 = arith.constant 2 : i32
        %mul3A_538 = arith.muli %rem3A_492, %mul3A_537 : i32
        %dma_start3A_539 = arith.constant 2 : i32
        %dma_start3A_540 = arith.constant 2 : i32
        %dma_start3A_541 = arith.constant 0 : i32
        %dma_start3A_542 = arith.constant 0 : i32
        %dma_start3A_543 = arith.constant 0 : i32
        %dma_start3A_544 = tpu.memref_slice %arg10[%dma_start3A_539, %dma_start3A_541, %dma_start3A_542, %dma_start3A_543] : memref<8x2x8x128xf32, #tpu.memory_space<vmem>> -> memref<1x2x8x128xf32, #tpu.memory_space<vmem>>
        %dma_start3A_545 = tpu.memref_squeeze %dma_start3A_544 : memref<1x2x8x128xf32, #tpu.memory_space<vmem>> -> memref<2x8x128xf32, #tpu.memory_space<vmem>>
        %dma_start3A_546 = arith.constant 0 : i32
        %dma_start3A_547 = arith.constant 0 : i32
        %dma_start3A_548 = tpu.memref_slice %arg4[%select_n3A_490, %dma_start3A_540, %mul3A_538, %dma_start3A_546, %dma_start3A_547] : memref<200x8x32x8x128xf32, #tpu.memory_space<hbm>> -> memref<1x1x2x8x128xf32, #tpu.memory_space<hbm>>
        %dma_start3A_549 = tpu.memref_squeeze %dma_start3A_548 : memref<1x1x2x8x128xf32, #tpu.memory_space<hbm>> -> memref<2x8x128xf32, #tpu.memory_space<hbm>>
        %dma_start3A_550 = arith.constant 0 : i32
        %dma_start3A_551 = arith.constant 0 : i32
        %dma_start3A_552 = tpu.memref_slice %arg4[%select_n3A_490, %dma_start3A_540, %mul3A_538, %dma_start3A_550, %dma_start3A_551] : memref<200x8x32x8x128xf32, #tpu.memory_space<hbm>> -> memref<1x1x2x8x128xf32, #tpu.memory_space<hbm>>
        %dma_start3A_553 = tpu.memref_squeeze %dma_start3A_552 : memref<1x1x2x8x128xf32, #tpu.memory_space<hbm>> -> memref<2x8x128xf32, #tpu.memory_space<hbm>>
        %dma_start3A_554 = arith.constant 0 : i32
        %dma_start3A_555 = arith.constant 0 : i32
        %dma_start3A_556 = arith.constant 0 : i32
        %dma_start3A_557 = tpu.memref_slice %arg10[%dma_start3A_539, %dma_start3A_554, %dma_start3A_555, %dma_start3A_556] : memref<8x2x8x128xf32, #tpu.memory_space<vmem>> -> memref<1x2x8x128xf32, #tpu.memory_space<vmem>>
        %dma_start3A_558 = tpu.memref_squeeze %dma_start3A_557 : memref<1x2x8x128xf32, #tpu.memory_space<vmem>> -> memref<2x8x128xf32, #tpu.memory_space<vmem>>
        tpu.enqueue_dma source(%dma_start3A_558 : memref<2x8x128xf32, #tpu.memory_space<vmem>>) target(%dma_start3A_553 : memref<2x8x128xf32, #tpu.memory_space<hbm>>) target_semaphore(%arg16 : memref<!tpu.dma_semaphore, #tpu.memory_space<semaphore_mem>>)
        %mul3A_559 = arith.constant 2 : i32
        %mul3A_560 = arith.muli %rem3A_492, %mul3A_559 : i32
        %dma_start3A_561 = arith.constant 3 : i32
        %dma_start3A_562 = arith.constant 3 : i32
        %dma_start3A_563 = arith.constant 0 : i32
        %dma_start3A_564 = arith.constant 0 : i32
        %dma_start3A_565 = arith.constant 0 : i32
        %dma_start3A_566 = tpu.memref_slice %arg10[%dma_start3A_561, %dma_start3A_563, %dma_start3A_564, %dma_start3A_565] : memref<8x2x8x128xf32, #tpu.memory_space<vmem>> -> memref<1x2x8x128xf32, #tpu.memory_space<vmem>>
        %dma_start3A_567 = tpu.memref_squeeze %dma_start3A_566 : memref<1x2x8x128xf32, #tpu.memory_space<vmem>> -> memref<2x8x128xf32, #tpu.memory_space<vmem>>
        %dma_start3A_568 = arith.constant 0 : i32
        %dma_start3A_569 = arith.constant 0 : i32
        %dma_start3A_570 = tpu.memref_slice %arg4[%select_n3A_490, %dma_start3A_562, %mul3A_560, %dma_start3A_568, %dma_start3A_569] : memref<200x8x32x8x128xf32, #tpu.memory_space<hbm>> -> memref<1x1x2x8x128xf32, #tpu.memory_space<hbm>>
        %dma_start3A_571 = tpu.memref_squeeze %dma_start3A_570 : memref<1x1x2x8x128xf32, #tpu.memory_space<hbm>> -> memref<2x8x128xf32, #tpu.memory_space<hbm>>
        %dma_start3A_572 = arith.constant 0 : i32
        %dma_start3A_573 = arith.constant 0 : i32
        %dma_start3A_574 = tpu.memref_slice %arg4[%select_n3A_490, %dma_start3A_562, %mul3A_560, %dma_start3A_572, %dma_start3A_573] : memref<200x8x32x8x128xf32, #tpu.memory_space<hbm>> -> memref<1x1x2x8x128xf32, #tpu.memory_space<hbm>>
        %dma_start3A_575 = tpu.memref_squeeze %dma_start3A_574 : memref<1x1x2x8x128xf32, #tpu.memory_space<hbm>> -> memref<2x8x128xf32, #tpu.memory_space<hbm>>
        %dma_start3A_576 = arith.constant 0 : i32
        %dma_start3A_577 = arith.constant 0 : i32
        %dma_start3A_578 = arith.constant 0 : i32
        %dma_start3A_579 = tpu.memref_slice %arg10[%dma_start3A_561, %dma_start3A_576, %dma_start3A_577, %dma_start3A_578] : memref<8x2x8x128xf32, #tpu.memory_space<vmem>> -> memref<1x2x8x128xf32, #tpu.memory_space<vmem>>
        %dma_start3A_580 = tpu.memref_squeeze %dma_start3A_579 : memref<1x2x8x128xf32, #tpu.memory_space<vmem>> -> memref<2x8x128xf32, #tpu.memory_space<vmem>>
        tpu.enqueue_dma source(%dma_start3A_580 : memref<2x8x128xf32, #tpu.memory_space<vmem>>) target(%dma_start3A_575 : memref<2x8x128xf32, #tpu.memory_space<hbm>>) target_semaphore(%arg16 : memref<!tpu.dma_semaphore, #tpu.memory_space<semaphore_mem>>)
        %mul3A_581 = arith.constant 2 : i32
        %mul3A_582 = arith.muli %rem3A_492, %mul3A_581 : i32
        %dma_start3A_583 = arith.constant 4 : i32
        %dma_start3A_584 = arith.constant 4 : i32
        %dma_start3A_585 = arith.constant 0 : i32
        %dma_start3A_586 = arith.constant 0 : i32
        %dma_start3A_587 = arith.constant 0 : i32
        %dma_start3A_588 = tpu.memref_slice %arg10[%dma_start3A_583, %dma_start3A_585, %dma_start3A_586, %dma_start3A_587] : memref<8x2x8x128xf32, #tpu.memory_space<vmem>> -> memref<1x2x8x128xf32, #tpu.memory_space<vmem>>
        %dma_start3A_589 = tpu.memref_squeeze %dma_start3A_588 : memref<1x2x8x128xf32, #tpu.memory_space<vmem>> -> memref<2x8x128xf32, #tpu.memory_space<vmem>>
        %dma_start3A_590 = arith.constant 0 : i32
        %dma_start3A_591 = arith.constant 0 : i32
        %dma_start3A_592 = tpu.memref_slice %arg4[%select_n3A_490, %dma_start3A_584, %mul3A_582, %dma_start3A_590, %dma_start3A_591] : memref<200x8x32x8x128xf32, #tpu.memory_space<hbm>> -> memref<1x1x2x8x128xf32, #tpu.memory_space<hbm>>
        %dma_start3A_593 = tpu.memref_squeeze %dma_start3A_592 : memref<1x1x2x8x128xf32, #tpu.memory_space<hbm>> -> memref<2x8x128xf32, #tpu.memory_space<hbm>>
        %dma_start3A_594 = arith.constant 0 : i32
        %dma_start3A_595 = arith.constant 0 : i32
        %dma_start3A_596 = tpu.memref_slice %arg4[%select_n3A_490, %dma_start3A_584, %mul3A_582, %dma_start3A_594, %dma_start3A_595] : memref<200x8x32x8x128xf32, #tpu.memory_space<hbm>> -> memref<1x1x2x8x128xf32, #tpu.memory_space<hbm>>
        %dma_start3A_597 = tpu.memref_squeeze %dma_start3A_596 : memref<1x1x2x8x128xf32, #tpu.memory_space<hbm>> -> memref<2x8x128xf32, #tpu.memory_space<hbm>>
        %dma_start3A_598 = arith.constant 0 : i32
        %dma_start3A_599 = arith.constant 0 : i32
        %dma_start3A_600 = arith.constant 0 : i32
        %dma_start3A_601 = tpu.memref_slice %arg10[%dma_start3A_583, %dma_start3A_598, %dma_start3A_599, %dma_start3A_600] : memref<8x2x8x128xf32, #tpu.memory_space<vmem>> -> memref<1x2x8x128xf32, #tpu.memory_space<vmem>>
        %dma_start3A_602 = tpu.memref_squeeze %dma_start3A_601 : memref<1x2x8x128xf32, #tpu.memory_space<vmem>> -> memref<2x8x128xf32, #tpu.memory_space<vmem>>
        tpu.enqueue_dma source(%dma_start3A_602 : memref<2x8x128xf32, #tpu.memory_space<vmem>>) target(%dma_start3A_597 : memref<2x8x128xf32, #tpu.memory_space<hbm>>) target_semaphore(%arg16 : memref<!tpu.dma_semaphore, #tpu.memory_space<semaphore_mem>>)
        %mul3A_603 = arith.constant 2 : i32
        %mul3A_604 = arith.muli %rem3A_492, %mul3A_603 : i32
        %dma_start3A_605 = arith.constant 5 : i32
        %dma_start3A_606 = arith.constant 5 : i32
        %dma_start3A_607 = arith.constant 0 : i32
        %dma_start3A_608 = arith.constant 0 : i32
        %dma_start3A_609 = arith.constant 0 : i32
        %dma_start3A_610 = tpu.memref_slice %arg10[%dma_start3A_605, %dma_start3A_607, %dma_start3A_608, %dma_start3A_609] : memref<8x2x8x128xf32, #tpu.memory_space<vmem>> -> memref<1x2x8x128xf32, #tpu.memory_space<vmem>>
        %dma_start3A_611 = tpu.memref_squeeze %dma_start3A_610 : memref<1x2x8x128xf32, #tpu.memory_space<vmem>> -> memref<2x8x128xf32, #tpu.memory_space<vmem>>
        %dma_start3A_612 = arith.constant 0 : i32
        %dma_start3A_613 = arith.constant 0 : i32
        %dma_start3A_614 = tpu.memref_slice %arg4[%select_n3A_490, %dma_start3A_606, %mul3A_604, %dma_start3A_612, %dma_start3A_613] : memref<200x8x32x8x128xf32, #tpu.memory_space<hbm>> -> memref<1x1x2x8x128xf32, #tpu.memory_space<hbm>>
        %dma_start3A_615 = tpu.memref_squeeze %dma_start3A_614 : memref<1x1x2x8x128xf32, #tpu.memory_space<hbm>> -> memref<2x8x128xf32, #tpu.memory_space<hbm>>
        %dma_start3A_616 = arith.constant 0 : i32
        %dma_start3A_617 = arith.constant 0 : i32
        %dma_start3A_618 = tpu.memref_slice %arg4[%select_n3A_490, %dma_start3A_606, %mul3A_604, %dma_start3A_616, %dma_start3A_617] : memref<200x8x32x8x128xf32, #tpu.memory_space<hbm>> -> memref<1x1x2x8x128xf32, #tpu.memory_space<hbm>>
        %dma_start3A_619 = tpu.memref_squeeze %dma_start3A_618 : memref<1x1x2x8x128xf32, #tpu.memory_space<hbm>> -> memref<2x8x128xf32, #tpu.memory_space<hbm>>
        %dma_start3A_620 = arith.constant 0 : i32
        %dma_start3A_621 = arith.constant 0 : i32
        %dma_start3A_622 = arith.constant 0 : i32
        %dma_start3A_623 = tpu.memref_slice %arg10[%dma_start3A_605, %dma_start3A_620, %dma_start3A_621, %dma_start3A_622] : memref<8x2x8x128xf32, #tpu.memory_space<vmem>> -> memref<1x2x8x128xf32, #tpu.memory_space<vmem>>
        %dma_start3A_624 = tpu.memref_squeeze %dma_start3A_623 : memref<1x2x8x128xf32, #tpu.memory_space<vmem>> -> memref<2x8x128xf32, #tpu.memory_space<vmem>>
        tpu.enqueue_dma source(%dma_start3A_624 : memref<2x8x128xf32, #tpu.memory_space<vmem>>) target(%dma_start3A_619 : memref<2x8x128xf32, #tpu.memory_space<hbm>>) target_semaphore(%arg16 : memref<!tpu.dma_semaphore, #tpu.memory_space<semaphore_mem>>)
        %mul3A_625 = arith.constant 2 : i32
        %mul3A_626 = arith.muli %rem3A_492, %mul3A_625 : i32
        %dma_start3A_627 = arith.constant 6 : i32
        %dma_start3A_628 = arith.constant 6 : i32
        %dma_start3A_629 = arith.constant 0 : i32
        %dma_start3A_630 = arith.constant 0 : i32
        %dma_start3A_631 = arith.constant 0 : i32
        %dma_start3A_632 = tpu.memref_slice %arg10[%dma_start3A_627, %dma_start3A_629, %dma_start3A_630, %dma_start3A_631] : memref<8x2x8x128xf32, #tpu.memory_space<vmem>> -> memref<1x2x8x128xf32, #tpu.memory_space<vmem>>
        %dma_start3A_633 = tpu.memref_squeeze %dma_start3A_632 : memref<1x2x8x128xf32, #tpu.memory_space<vmem>> -> memref<2x8x128xf32, #tpu.memory_space<vmem>>
        %dma_start3A_634 = arith.constant 0 : i32
        %dma_start3A_635 = arith.constant 0 : i32
        %dma_start3A_636 = tpu.memref_slice %arg4[%select_n3A_490, %dma_start3A_628, %mul3A_626, %dma_start3A_634, %dma_start3A_635] : memref<200x8x32x8x128xf32, #tpu.memory_space<hbm>> -> memref<1x1x2x8x128xf32, #tpu.memory_space<hbm>>
        %dma_start3A_637 = tpu.memref_squeeze %dma_start3A_636 : memref<1x1x2x8x128xf32, #tpu.memory_space<hbm>> -> memref<2x8x128xf32, #tpu.memory_space<hbm>>
        %dma_start3A_638 = arith.constant 0 : i32
        %dma_start3A_639 = arith.constant 0 : i32
        %dma_start3A_640 = tpu.memref_slice %arg4[%select_n3A_490, %dma_start3A_628, %mul3A_626, %dma_start3A_638, %dma_start3A_639] : memref<200x8x32x8x128xf32, #tpu.memory_space<hbm>> -> memref<1x1x2x8x128xf32, #tpu.memory_space<hbm>>
        %dma_start3A_641 = tpu.memref_squeeze %dma_start3A_640 : memref<1x1x2x8x128xf32, #tpu.memory_space<hbm>> -> memref<2x8x128xf32, #tpu.memory_space<hbm>>
        %dma_start3A_642 = arith.constant 0 : i32
        %dma_start3A_643 = arith.constant 0 : i32
        %dma_start3A_644 = arith.constant 0 : i32
        %dma_start3A_645 = tpu.memref_slice %arg10[%dma_start3A_627, %dma_start3A_642, %dma_start3A_643, %dma_start3A_644] : memref<8x2x8x128xf32, #tpu.memory_space<vmem>> -> memref<1x2x8x128xf32, #tpu.memory_space<vmem>>
        %dma_start3A_646 = tpu.memref_squeeze %dma_start3A_645 : memref<1x2x8x128xf32, #tpu.memory_space<vmem>> -> memref<2x8x128xf32, #tpu.memory_space<vmem>>
        tpu.enqueue_dma source(%dma_start3A_646 : memref<2x8x128xf32, #tpu.memory_space<vmem>>) target(%dma_start3A_641 : memref<2x8x128xf32, #tpu.memory_space<hbm>>) target_semaphore(%arg16 : memref<!tpu.dma_semaphore, #tpu.memory_space<semaphore_mem>>)
        %mul3A_647 = arith.constant 2 : i32
        %mul3A_648 = arith.muli %rem3A_492, %mul3A_647 : i32
        %dma_start3A_649 = arith.constant 7 : i32
        %dma_start3A_650 = arith.constant 7 : i32
        %dma_start3A_651 = arith.constant 0 : i32
        %dma_start3A_652 = arith.constant 0 : i32
        %dma_start3A_653 = arith.constant 0 : i32
        %dma_start3A_654 = tpu.memref_slice %arg10[%dma_start3A_649, %dma_start3A_651, %dma_start3A_652, %dma_start3A_653] : memref<8x2x8x128xf32, #tpu.memory_space<vmem>> -> memref<1x2x8x128xf32, #tpu.memory_space<vmem>>
        %dma_start3A_655 = tpu.memref_squeeze %dma_start3A_654 : memref<1x2x8x128xf32, #tpu.memory_space<vmem>> -> memref<2x8x128xf32, #tpu.memory_space<vmem>>
        %dma_start3A_656 = arith.constant 0 : i32
        %dma_start3A_657 = arith.constant 0 : i32
        %dma_start3A_658 = tpu.memref_slice %arg4[%select_n3A_490, %dma_start3A_650, %mul3A_648, %dma_start3A_656, %dma_start3A_657] : memref<200x8x32x8x128xf32, #tpu.memory_space<hbm>> -> memref<1x1x2x8x128xf32, #tpu.memory_space<hbm>>
        %dma_start3A_659 = tpu.memref_squeeze %dma_start3A_658 : memref<1x1x2x8x128xf32, #tpu.memory_space<hbm>> -> memref<2x8x128xf32, #tpu.memory_space<hbm>>
        %dma_start3A_660 = arith.constant 0 : i32
        %dma_start3A_661 = arith.constant 0 : i32
        %dma_start3A_662 = tpu.memref_slice %arg4[%select_n3A_490, %dma_start3A_650, %mul3A_648, %dma_start3A_660, %dma_start3A_661] : memref<200x8x32x8x128xf32, #tpu.memory_space<hbm>> -> memref<1x1x2x8x128xf32, #tpu.memory_space<hbm>>
        %dma_start3A_663 = tpu.memref_squeeze %dma_start3A_662 : memref<1x1x2x8x128xf32, #tpu.memory_space<hbm>> -> memref<2x8x128xf32, #tpu.memory_space<hbm>>
        %dma_start3A_664 = arith.constant 0 : i32
        %dma_start3A_665 = arith.constant 0 : i32
        %dma_start3A_666 = arith.constant 0 : i32
        %dma_start3A_667 = tpu.memref_slice %arg10[%dma_start3A_649, %dma_start3A_664, %dma_start3A_665, %dma_start3A_666] : memref<8x2x8x128xf32, #tpu.memory_space<vmem>> -> memref<1x2x8x128xf32, #tpu.memory_space<vmem>>
        %dma_start3A_668 = tpu.memref_squeeze %dma_start3A_667 : memref<1x2x8x128xf32, #tpu.memory_space<vmem>> -> memref<2x8x128xf32, #tpu.memory_space<vmem>>
        tpu.enqueue_dma source(%dma_start3A_668 : memref<2x8x128xf32, #tpu.memory_space<vmem>>) target(%dma_start3A_663 : memref<2x8x128xf32, #tpu.memory_space<hbm>>) target_semaphore(%arg16 : memref<!tpu.dma_semaphore, #tpu.memory_space<semaphore_mem>>)
      } else {
      }
      %eq3A_437 = arith.constant 1 : i32
      %eq3A_438 = arith.cmpi eq, %rem3A_434, %eq3A_437 : i32
      %convert_element_type3A_439 = arith.extui %eq3A_438 : i1 to i32
      %cond3A_440 = arith.constant 0 : i32
      %cond3A_441 = arith.cmpi ne, %convert_element_type3A_439, %cond3A_440 : i32
      scf.if %cond3A_441 {
        %add3A_442 = arith.constant 1 : i32
        %add3A_443 = arith.addi %scan3A_431, %add3A_442 : i32
        %lt3A = arith.constant 100 : i32
        %lt3A_444 = arith.cmpi slt, %add3A_443, %lt3A : i32
        %convert_element_type3A_445 = arith.extui %lt3A_444 : i1 to i32
        %cond3A_446 = arith.constant 0 : i32
        %cond3A_447 = arith.cmpi ne, %convert_element_type3A_445, %cond3A_446 : i32
        scf.if %cond3A_447 {
          %dma_wait3A_669 = arith.constant 0 : i32
          %dma_wait3A_670 = arith.constant 0 : i32
          %dma_wait3A_671 = tpu.memref_slice %arg2[%dma_wait3A_669, %dma_wait3A_670] : memref<200x4096xi32, #tpu.memory_space<hbm>> -> memref<1x256xi32, #tpu.memory_space<hbm>>
          %dma_wait3A_672 = tpu.memref_squeeze %dma_wait3A_671 : memref<1x256xi32, #tpu.memory_space<hbm>> -> memref<256xi32, #tpu.memory_space<hbm>>
          %dma_wait3A_673 = arith.constant 0 : i32
          %dma_wait3A_674 = tpu.memref_slice %arg2[%dma_wait3A_669, %dma_wait3A_673] : memref<200x4096xi32, #tpu.memory_space<hbm>> -> memref<1x256xi32, #tpu.memory_space<hbm>>
          %dma_wait3A_675 = tpu.memref_squeeze %dma_wait3A_674 : memref<1x256xi32, #tpu.memory_space<hbm>> -> memref<256xi32, #tpu.memory_space<hbm>>
          tpu.wait_dma2 semaphore(%arg12 : memref<!tpu.dma_semaphore, #tpu.memory_space<semaphore_mem>>) src(%dma_wait3A_675 : memref<256xi32, #tpu.memory_space<hbm>>) dst(%arg5 : memref<256xi32, #tpu.memory_space<vmem>>)
          %dma_start3A_676 = arith.constant 0 : i32
          %dma_start3A_677 = arith.constant 0 : i32
          %dma_start3A_678 = tpu.memref_slice %arg3[%dma_start3A_676, %dma_start3A_677] : memref<1000000x64xf32, #tpu.memory_space<hbm>> -> memref<1000000x64xf32, #tpu.memory_space<hbm>>
          tpu.enqueue_indirect_dma source(%dma_start3A_678 : memref<1000000x64xf32, #tpu.memory_space<hbm>>) target(%arg7 : memref<256x64xf32, #tpu.memory_space<vmem>>) offsets(%arg5 : memref<256xi32, #tpu.memory_space<vmem>>) semaphore(%arg14 : memref<!tpu.dma_semaphore, #tpu.memory_space<semaphore_mem>>)
        } else {
        }
        %dma_wait3A_448 = arith.constant 0 : i32
        %dma_wait3A_449 = arith.constant 0 : i32
        %dma_wait3A_450 = tpu.memref_slice %arg3[%dma_wait3A_448, %dma_wait3A_449] : memref<1000000x64xf32, #tpu.memory_space<hbm>> -> memref<1000000x64xf32, #tpu.memory_space<hbm>>
        tpu.wait_indirect_dma semaphore(%arg15 : memref<!tpu.dma_semaphore, #tpu.memory_space<semaphore_mem>>) src(%dma_wait3A_450 : memref<1000000x64xf32, #tpu.memory_space<hbm>>) dst(%arg8 : memref<256x64xf32, #tpu.memory_space<vmem>>)
        %add3A_451 = arith.constant 2 : i32
        %add3A_452 = arith.addi %scan3A_431, %add3A_451 : i32
        %lt3A_453 = arith.constant 100 : i32
        %lt3A_454 = arith.cmpi slt, %add3A_452, %lt3A_453 : i32
        %convert_element_type3A_455 = arith.extui %lt3A_454 : i1 to i32
        %cond3A_456 = arith.constant 0 : i32
        %cond3A_457 = arith.cmpi ne, %convert_element_type3A_455, %cond3A_456 : i32
        scf.if %cond3A_457 {
          %add3A_669 = arith.constant 2 : i32
          %add3A_670 = arith.addi %add3A_432, %add3A_669 : i32
          %jit3A_671 = arith.constant 16 : i32
          %div3A_672 = arith.divsi %add3A_670, %jit3A_671 : i32
          %sign3A_673 = arith.constant 0 : i32
          %sign3A_674 = arith.cmpi sgt, %add3A_670, %sign3A_673 : i32
          %sign3A_675 = arith.extui %sign3A_674 : i1 to i32
          %sign3A_676 = arith.constant 0 : i32
          %sign3A_677 = arith.cmpi slt, %add3A_670, %sign3A_676 : i32
          %sign3A_678 = arith.extui %sign3A_677 : i1 to i32
          %sign3A_679 = arith.subi %sign3A_675, %sign3A_678 : i32
          %sign3A_680 = arith.constant 0 : i32
          %sign3A_681 = arith.cmpi sgt, %jit3A_671, %sign3A_680 : i32
          %sign3A_682 = arith.extui %sign3A_681 : i1 to i32
          %sign3A_683 = arith.constant 0 : i32
          %sign3A_684 = arith.cmpi slt, %jit3A_671, %sign3A_683 : i32
          %sign3A_685 = arith.extui %sign3A_684 : i1 to i32
          %sign3A_686 = arith.subi %sign3A_682, %sign3A_685 : i32
          %ne3A_687 = arith.cmpi ne, %sign3A_679, %sign3A_686 : i32
          %rem3A_688 = arith.remsi %add3A_670, %jit3A_671 : i32
          %ne3A_689 = arith.constant 0 : i32
          %ne3A_690 = arith.cmpi ne, %rem3A_688, %ne3A_689 : i32
          %and3A_691 = arith.andi %ne3A_687, %ne3A_690 : i1
          %sub3A_692 = arith.constant 1 : i32
          %sub3A_693 = arith.subi %div3A_672, %sub3A_692 : i32
          %select_n3A_694 = arith.select %and3A_691, %sub3A_693, %div3A_672 : i32
          %rem3A_695 = arith.constant 16 : i32
          %rem3A_696 = arith.remsi %add3A_670, %rem3A_695 : i32
          %mul3A_697 = arith.constant 256 : i32
          %mul3A_698 = arith.muli %rem3A_696, %mul3A_697 : i32
          %dma_start3A_699 = tpu.memref_slice %arg2[%select_n3A_694, %mul3A_698] : memref<200x4096xi32, #tpu.memory_space<hbm>> -> memref<1x256xi32, #tpu.memory_space<hbm>>
          %dma_start3A_700 = tpu.memref_squeeze %dma_start3A_699 : memref<1x256xi32, #tpu.memory_space<hbm>> -> memref<256xi32, #tpu.memory_space<hbm>>
          %dma_start3A_701 = tpu.memref_slice %arg2[%select_n3A_694, %mul3A_698] : memref<200x4096xi32, #tpu.memory_space<hbm>> -> memref<1x256xi32, #tpu.memory_space<hbm>>
          %dma_start3A_702 = tpu.memref_squeeze %dma_start3A_701 : memref<1x256xi32, #tpu.memory_space<hbm>> -> memref<256xi32, #tpu.memory_space<hbm>>
          tpu.enqueue_dma source(%dma_start3A_702 : memref<256xi32, #tpu.memory_space<hbm>>) target(%arg6 : memref<256xi32, #tpu.memory_space<vmem>>) target_semaphore(%arg13 : memref<!tpu.dma_semaphore, #tpu.memory_space<semaphore_mem>>)
        } else {
        }
        %ge3A = arith.constant 2 : i32
        %ge3A_458 = arith.cmpi sge, %scan3A_431, %ge3A : i32
        %convert_element_type3A_459 = arith.extui %ge3A_458 : i1 to i32
        %cond3A_460 = arith.constant 0 : i32
        %cond3A_461 = arith.cmpi ne, %convert_element_type3A_459, %cond3A_460 : i32
        scf.if %cond3A_461 {
          %dma_wait3A_669 = arith.constant 0 : i32
          %dma_wait3A_670 = arith.constant 0 : i32
          %dma_wait3A_671 = arith.constant 0 : i32
          %dma_wait3A_672 = arith.constant 0 : i32
          %dma_wait3A_673 = arith.constant 0 : i32
          %dma_wait3A_674 = arith.constant 0 : i32
          %dma_wait3A_675 = tpu.memref_slice %arg11[%dma_wait3A_669, %dma_wait3A_672, %dma_wait3A_673, %dma_wait3A_674] : memref<8x2x8x128xf32, #tpu.memory_space<vmem>> -> memref<1x2x8x128xf32, #tpu.memory_space<vmem>>
          %dma_wait3A_676 = tpu.memref_squeeze %dma_wait3A_675 : memref<1x2x8x128xf32, #tpu.memory_space<vmem>> -> memref<2x8x128xf32, #tpu.memory_space<vmem>>
          %dma_wait3A_677 = arith.constant 0 : i32
          %dma_wait3A_678 = arith.constant 0 : i32
          %dma_wait3A_679 = arith.constant 0 : i32
          %dma_wait3A_680 = tpu.memref_slice %arg4[%dma_wait3A_670, %dma_wait3A_671, %dma_wait3A_677, %dma_wait3A_678, %dma_wait3A_679] : memref<200x8x32x8x128xf32, #tpu.memory_space<hbm>> -> memref<1x1x2x8x128xf32, #tpu.memory_space<hbm>>
          %dma_wait3A_681 = tpu.memref_squeeze %dma_wait3A_680 : memref<1x1x2x8x128xf32, #tpu.memory_space<hbm>> -> memref<2x8x128xf32, #tpu.memory_space<hbm>>
          %dma_wait3A_682 = arith.constant 0 : i32
          %dma_wait3A_683 = arith.constant 0 : i32
          %dma_wait3A_684 = arith.constant 0 : i32
          %dma_wait3A_685 = tpu.memref_slice %arg4[%dma_wait3A_670, %dma_wait3A_671, %dma_wait3A_682, %dma_wait3A_683, %dma_wait3A_684] : memref<200x8x32x8x128xf32, #tpu.memory_space<hbm>> -> memref<1x1x2x8x128xf32, #tpu.memory_space<hbm>>
          %dma_wait3A_686 = tpu.memref_squeeze %dma_wait3A_685 : memref<1x1x2x8x128xf32, #tpu.memory_space<hbm>> -> memref<2x8x128xf32, #tpu.memory_space<hbm>>
          %dma_wait3A_687 = arith.constant 0 : i32
          %dma_wait3A_688 = arith.constant 0 : i32
          %dma_wait3A_689 = arith.constant 0 : i32
          %dma_wait3A_690 = tpu.memref_slice %arg11[%dma_wait3A_669, %dma_wait3A_687, %dma_wait3A_688, %dma_wait3A_689] : memref<8x2x8x128xf32, #tpu.memory_space<vmem>> -> memref<1x2x8x128xf32, #tpu.memory_space<vmem>>
          %dma_wait3A_691 = tpu.memref_squeeze %dma_wait3A_690 : memref<1x2x8x128xf32, #tpu.memory_space<vmem>> -> memref<2x8x128xf32, #tpu.memory_space<vmem>>
          tpu.wait_dma2 semaphore(%arg17 : memref<!tpu.dma_semaphore, #tpu.memory_space<semaphore_mem>>) src(%dma_wait3A_691 : memref<2x8x128xf32, #tpu.memory_space<vmem>>) dst(%dma_wait3A_686 : memref<2x8x128xf32, #tpu.memory_space<hbm>>)
          %dma_wait3A_692 = arith.constant 1 : i32
          %dma_wait3A_693 = arith.constant 0 : i32
          %dma_wait3A_694 = arith.constant 1 : i32
          %dma_wait3A_695 = arith.constant 0 : i32
          %dma_wait3A_696 = arith.constant 0 : i32
          %dma_wait3A_697 = arith.constant 0 : i32
          %dma_wait3A_698 = tpu.memref_slice %arg11[%dma_wait3A_692, %dma_wait3A_695, %dma_wait3A_696, %dma_wait3A_697] : memref<8x2x8x128xf32, #tpu.memory_space<vmem>> -> memref<1x2x8x128xf32, #tpu.memory_space<vmem>>
          %dma_wait3A_699 = tpu.memref_squeeze %dma_wait3A_698 : memref<1x2x8x128xf32, #tpu.memory_space<vmem>> -> memref<2x8x128xf32, #tpu.memory_space<vmem>>
          %dma_wait3A_700 = arith.constant 0 : i32
          %dma_wait3A_701 = arith.constant 0 : i32
          %dma_wait3A_702 = arith.constant 0 : i32
          %dma_wait3A_703 = tpu.memref_slice %arg4[%dma_wait3A_693, %dma_wait3A_694, %dma_wait3A_700, %dma_wait3A_701, %dma_wait3A_702] : memref<200x8x32x8x128xf32, #tpu.memory_space<hbm>> -> memref<1x1x2x8x128xf32, #tpu.memory_space<hbm>>
          %dma_wait3A_704 = tpu.memref_squeeze %dma_wait3A_703 : memref<1x1x2x8x128xf32, #tpu.memory_space<hbm>> -> memref<2x8x128xf32, #tpu.memory_space<hbm>>
          %dma_wait3A_705 = arith.constant 0 : i32
          %dma_wait3A_706 = arith.constant 0 : i32
          %dma_wait3A_707 = arith.constant 0 : i32
          %dma_wait3A_708 = tpu.memref_slice %arg4[%dma_wait3A_693, %dma_wait3A_694, %dma_wait3A_705, %dma_wait3A_706, %dma_wait3A_707] : memref<200x8x32x8x128xf32, #tpu.memory_space<hbm>> -> memref<1x1x2x8x128xf32, #tpu.memory_space<hbm>>
          %dma_wait3A_709 = tpu.memref_squeeze %dma_wait3A_708 : memref<1x1x2x8x128xf32, #tpu.memory_space<hbm>> -> memref<2x8x128xf32, #tpu.memory_space<hbm>>
          %dma_wait3A_710 = arith.constant 0 : i32
          %dma_wait3A_711 = arith.constant 0 : i32
          %dma_wait3A_712 = arith.constant 0 : i32
          %dma_wait3A_713 = tpu.memref_slice %arg11[%dma_wait3A_692, %dma_wait3A_710, %dma_wait3A_711, %dma_wait3A_712] : memref<8x2x8x128xf32, #tpu.memory_space<vmem>> -> memref<1x2x8x128xf32, #tpu.memory_space<vmem>>
          %dma_wait3A_714 = tpu.memref_squeeze %dma_wait3A_713 : memref<1x2x8x128xf32, #tpu.memory_space<vmem>> -> memref<2x8x128xf32, #tpu.memory_space<vmem>>
          tpu.wait_dma2 semaphore(%arg17 : memref<!tpu.dma_semaphore, #tpu.memory_space<semaphore_mem>>) src(%dma_wait3A_714 : memref<2x8x128xf32, #tpu.memory_space<vmem>>) dst(%dma_wait3A_709 : memref<2x8x128xf32, #tpu.memory_space<hbm>>)
          %dma_wait3A_715 = arith.constant 2 : i32
          %dma_wait3A_716 = arith.constant 0 : i32
          %dma_wait3A_717 = arith.constant 2 : i32
          %dma_wait3A_718 = arith.constant 0 : i32
          %dma_wait3A_719 = arith.constant 0 : i32
          %dma_wait3A_720 = arith.constant 0 : i32
          %dma_wait3A_721 = tpu.memref_slice %arg11[%dma_wait3A_715, %dma_wait3A_718, %dma_wait3A_719, %dma_wait3A_720] : memref<8x2x8x128xf32, #tpu.memory_space<vmem>> -> memref<1x2x8x128xf32, #tpu.memory_space<vmem>>
          %dma_wait3A_722 = tpu.memref_squeeze %dma_wait3A_721 : memref<1x2x8x128xf32, #tpu.memory_space<vmem>> -> memref<2x8x128xf32, #tpu.memory_space<vmem>>
          %dma_wait3A_723 = arith.constant 0 : i32
          %dma_wait3A_724 = arith.constant 0 : i32
          %dma_wait3A_725 = arith.constant 0 : i32
          %dma_wait3A_726 = tpu.memref_slice %arg4[%dma_wait3A_716, %dma_wait3A_717, %dma_wait3A_723, %dma_wait3A_724, %dma_wait3A_725] : memref<200x8x32x8x128xf32, #tpu.memory_space<hbm>> -> memref<1x1x2x8x128xf32, #tpu.memory_space<hbm>>
          %dma_wait3A_727 = tpu.memref_squeeze %dma_wait3A_726 : memref<1x1x2x8x128xf32, #tpu.memory_space<hbm>> -> memref<2x8x128xf32, #tpu.memory_space<hbm>>
          %dma_wait3A_728 = arith.constant 0 : i32
          %dma_wait3A_729 = arith.constant 0 : i32
          %dma_wait3A_730 = arith.constant 0 : i32
          %dma_wait3A_731 = tpu.memref_slice %arg4[%dma_wait3A_716, %dma_wait3A_717, %dma_wait3A_728, %dma_wait3A_729, %dma_wait3A_730] : memref<200x8x32x8x128xf32, #tpu.memory_space<hbm>> -> memref<1x1x2x8x128xf32, #tpu.memory_space<hbm>>
          %dma_wait3A_732 = tpu.memref_squeeze %dma_wait3A_731 : memref<1x1x2x8x128xf32, #tpu.memory_space<hbm>> -> memref<2x8x128xf32, #tpu.memory_space<hbm>>
          %dma_wait3A_733 = arith.constant 0 : i32
          %dma_wait3A_734 = arith.constant 0 : i32
          %dma_wait3A_735 = arith.constant 0 : i32
          %dma_wait3A_736 = tpu.memref_slice %arg11[%dma_wait3A_715, %dma_wait3A_733, %dma_wait3A_734, %dma_wait3A_735] : memref<8x2x8x128xf32, #tpu.memory_space<vmem>> -> memref<1x2x8x128xf32, #tpu.memory_space<vmem>>
          %dma_wait3A_737 = tpu.memref_squeeze %dma_wait3A_736 : memref<1x2x8x128xf32, #tpu.memory_space<vmem>> -> memref<2x8x128xf32, #tpu.memory_space<vmem>>
          tpu.wait_dma2 semaphore(%arg17 : memref<!tpu.dma_semaphore, #tpu.memory_space<semaphore_mem>>) src(%dma_wait3A_737 : memref<2x8x128xf32, #tpu.memory_space<vmem>>) dst(%dma_wait3A_732 : memref<2x8x128xf32, #tpu.memory_space<hbm>>)
          %dma_wait3A_738 = arith.constant 3 : i32
          %dma_wait3A_739 = arith.constant 0 : i32
          %dma_wait3A_740 = arith.constant 3 : i32
          %dma_wait3A_741 = arith.constant 0 : i32
          %dma_wait3A_742 = arith.constant 0 : i32
          %dma_wait3A_743 = arith.constant 0 : i32
          %dma_wait3A_744 = tpu.memref_slice %arg11[%dma_wait3A_738, %dma_wait3A_741, %dma_wait3A_742, %dma_wait3A_743] : memref<8x2x8x128xf32, #tpu.memory_space<vmem>> -> memref<1x2x8x128xf32, #tpu.memory_space<vmem>>
          %dma_wait3A_745 = tpu.memref_squeeze %dma_wait3A_744 : memref<1x2x8x128xf32, #tpu.memory_space<vmem>> -> memref<2x8x128xf32, #tpu.memory_space<vmem>>
          %dma_wait3A_746 = arith.constant 0 : i32
          %dma_wait3A_747 = arith.constant 0 : i32
          %dma_wait3A_748 = arith.constant 0 : i32
          %dma_wait3A_749 = tpu.memref_slice %arg4[%dma_wait3A_739, %dma_wait3A_740, %dma_wait3A_746, %dma_wait3A_747, %dma_wait3A_748] : memref<200x8x32x8x128xf32, #tpu.memory_space<hbm>> -> memref<1x1x2x8x128xf32, #tpu.memory_space<hbm>>
          %dma_wait3A_750 = tpu.memref_squeeze %dma_wait3A_749 : memref<1x1x2x8x128xf32, #tpu.memory_space<hbm>> -> memref<2x8x128xf32, #tpu.memory_space<hbm>>
          %dma_wait3A_751 = arith.constant 0 : i32
          %dma_wait3A_752 = arith.constant 0 : i32
          %dma_wait3A_753 = arith.constant 0 : i32
          %dma_wait3A_754 = tpu.memref_slice %arg4[%dma_wait3A_739, %dma_wait3A_740, %dma_wait3A_751, %dma_wait3A_752, %dma_wait3A_753] : memref<200x8x32x8x128xf32, #tpu.memory_space<hbm>> -> memref<1x1x2x8x128xf32, #tpu.memory_space<hbm>>
          %dma_wait3A_755 = tpu.memref_squeeze %dma_wait3A_754 : memref<1x1x2x8x128xf32, #tpu.memory_space<hbm>> -> memref<2x8x128xf32, #tpu.memory_space<hbm>>
          %dma_wait3A_756 = arith.constant 0 : i32
          %dma_wait3A_757 = arith.constant 0 : i32
          %dma_wait3A_758 = arith.constant 0 : i32
          %dma_wait3A_759 = tpu.memref_slice %arg11[%dma_wait3A_738, %dma_wait3A_756, %dma_wait3A_757, %dma_wait3A_758] : memref<8x2x8x128xf32, #tpu.memory_space<vmem>> -> memref<1x2x8x128xf32, #tpu.memory_space<vmem>>
          %dma_wait3A_760 = tpu.memref_squeeze %dma_wait3A_759 : memref<1x2x8x128xf32, #tpu.memory_space<vmem>> -> memref<2x8x128xf32, #tpu.memory_space<vmem>>
          tpu.wait_dma2 semaphore(%arg17 : memref<!tpu.dma_semaphore, #tpu.memory_space<semaphore_mem>>) src(%dma_wait3A_760 : memref<2x8x128xf32, #tpu.memory_space<vmem>>) dst(%dma_wait3A_755 : memref<2x8x128xf32, #tpu.memory_space<hbm>>)
          %dma_wait3A_761 = arith.constant 4 : i32
          %dma_wait3A_762 = arith.constant 0 : i32
          %dma_wait3A_763 = arith.constant 4 : i32
          %dma_wait3A_764 = arith.constant 0 : i32
          %dma_wait3A_765 = arith.constant 0 : i32
          %dma_wait3A_766 = arith.constant 0 : i32
          %dma_wait3A_767 = tpu.memref_slice %arg11[%dma_wait3A_761, %dma_wait3A_764, %dma_wait3A_765, %dma_wait3A_766] : memref<8x2x8x128xf32, #tpu.memory_space<vmem>> -> memref<1x2x8x128xf32, #tpu.memory_space<vmem>>
          %dma_wait3A_768 = tpu.memref_squeeze %dma_wait3A_767 : memref<1x2x8x128xf32, #tpu.memory_space<vmem>> -> memref<2x8x128xf32, #tpu.memory_space<vmem>>
          %dma_wait3A_769 = arith.constant 0 : i32
          %dma_wait3A_770 = arith.constant 0 : i32
          %dma_wait3A_771 = arith.constant 0 : i32
          %dma_wait3A_772 = tpu.memref_slice %arg4[%dma_wait3A_762, %dma_wait3A_763, %dma_wait3A_769, %dma_wait3A_770, %dma_wait3A_771] : memref<200x8x32x8x128xf32, #tpu.memory_space<hbm>> -> memref<1x1x2x8x128xf32, #tpu.memory_space<hbm>>
          %dma_wait3A_773 = tpu.memref_squeeze %dma_wait3A_772 : memref<1x1x2x8x128xf32, #tpu.memory_space<hbm>> -> memref<2x8x128xf32, #tpu.memory_space<hbm>>
          %dma_wait3A_774 = arith.constant 0 : i32
          %dma_wait3A_775 = arith.constant 0 : i32
          %dma_wait3A_776 = arith.constant 0 : i32
          %dma_wait3A_777 = tpu.memref_slice %arg4[%dma_wait3A_762, %dma_wait3A_763, %dma_wait3A_774, %dma_wait3A_775, %dma_wait3A_776] : memref<200x8x32x8x128xf32, #tpu.memory_space<hbm>> -> memref<1x1x2x8x128xf32, #tpu.memory_space<hbm>>
          %dma_wait3A_778 = tpu.memref_squeeze %dma_wait3A_777 : memref<1x1x2x8x128xf32, #tpu.memory_space<hbm>> -> memref<2x8x128xf32, #tpu.memory_space<hbm>>
          %dma_wait3A_779 = arith.constant 0 : i32
          %dma_wait3A_780 = arith.constant 0 : i32
          %dma_wait3A_781 = arith.constant 0 : i32
          %dma_wait3A_782 = tpu.memref_slice %arg11[%dma_wait3A_761, %dma_wait3A_779, %dma_wait3A_780, %dma_wait3A_781] : memref<8x2x8x128xf32, #tpu.memory_space<vmem>> -> memref<1x2x8x128xf32, #tpu.memory_space<vmem>>
          %dma_wait3A_783 = tpu.memref_squeeze %dma_wait3A_782 : memref<1x2x8x128xf32, #tpu.memory_space<vmem>> -> memref<2x8x128xf32, #tpu.memory_space<vmem>>
          tpu.wait_dma2 semaphore(%arg17 : memref<!tpu.dma_semaphore, #tpu.memory_space<semaphore_mem>>) src(%dma_wait3A_783 : memref<2x8x128xf32, #tpu.memory_space<vmem>>) dst(%dma_wait3A_778 : memref<2x8x128xf32, #tpu.memory_space<hbm>>)
          %dma_wait3A_784 = arith.constant 5 : i32
          %dma_wait3A_785 = arith.constant 0 : i32
          %dma_wait3A_786 = arith.constant 5 : i32
          %dma_wait3A_787 = arith.constant 0 : i32
          %dma_wait3A_788 = arith.constant 0 : i32
          %dma_wait3A_789 = arith.constant 0 : i32
          %dma_wait3A_790 = tpu.memref_slice %arg11[%dma_wait3A_784, %dma_wait3A_787, %dma_wait3A_788, %dma_wait3A_789] : memref<8x2x8x128xf32, #tpu.memory_space<vmem>> -> memref<1x2x8x128xf32, #tpu.memory_space<vmem>>
          %dma_wait3A_791 = tpu.memref_squeeze %dma_wait3A_790 : memref<1x2x8x128xf32, #tpu.memory_space<vmem>> -> memref<2x8x128xf32, #tpu.memory_space<vmem>>
          %dma_wait3A_792 = arith.constant 0 : i32
          %dma_wait3A_793 = arith.constant 0 : i32
          %dma_wait3A_794 = arith.constant 0 : i32
          %dma_wait3A_795 = tpu.memref_slice %arg4[%dma_wait3A_785, %dma_wait3A_786, %dma_wait3A_792, %dma_wait3A_793, %dma_wait3A_794] : memref<200x8x32x8x128xf32, #tpu.memory_space<hbm>> -> memref<1x1x2x8x128xf32, #tpu.memory_space<hbm>>
          %dma_wait3A_796 = tpu.memref_squeeze %dma_wait3A_795 : memref<1x1x2x8x128xf32, #tpu.memory_space<hbm>> -> memref<2x8x128xf32, #tpu.memory_space<hbm>>
          %dma_wait3A_797 = arith.constant 0 : i32
          %dma_wait3A_798 = arith.constant 0 : i32
          %dma_wait3A_799 = arith.constant 0 : i32
          %dma_wait3A_800 = tpu.memref_slice %arg4[%dma_wait3A_785, %dma_wait3A_786, %dma_wait3A_797, %dma_wait3A_798, %dma_wait3A_799] : memref<200x8x32x8x128xf32, #tpu.memory_space<hbm>> -> memref<1x1x2x8x128xf32, #tpu.memory_space<hbm>>
          %dma_wait3A_801 = tpu.memref_squeeze %dma_wait3A_800 : memref<1x1x2x8x128xf32, #tpu.memory_space<hbm>> -> memref<2x8x128xf32, #tpu.memory_space<hbm>>
          %dma_wait3A_802 = arith.constant 0 : i32
          %dma_wait3A_803 = arith.constant 0 : i32
          %dma_wait3A_804 = arith.constant 0 : i32
          %dma_wait3A_805 = tpu.memref_slice %arg11[%dma_wait3A_784, %dma_wait3A_802, %dma_wait3A_803, %dma_wait3A_804] : memref<8x2x8x128xf32, #tpu.memory_space<vmem>> -> memref<1x2x8x128xf32, #tpu.memory_space<vmem>>
          %dma_wait3A_806 = tpu.memref_squeeze %dma_wait3A_805 : memref<1x2x8x128xf32, #tpu.memory_space<vmem>> -> memref<2x8x128xf32, #tpu.memory_space<vmem>>
          tpu.wait_dma2 semaphore(%arg17 : memref<!tpu.dma_semaphore, #tpu.memory_space<semaphore_mem>>) src(%dma_wait3A_806 : memref<2x8x128xf32, #tpu.memory_space<vmem>>) dst(%dma_wait3A_801 : memref<2x8x128xf32, #tpu.memory_space<hbm>>)
          %dma_wait3A_807 = arith.constant 6 : i32
          %dma_wait3A_808 = arith.constant 0 : i32
          %dma_wait3A_809 = arith.constant 6 : i32
          %dma_wait3A_810 = arith.constant 0 : i32
          %dma_wait3A_811 = arith.constant 0 : i32
          %dma_wait3A_812 = arith.constant 0 : i32
          %dma_wait3A_813 = tpu.memref_slice %arg11[%dma_wait3A_807, %dma_wait3A_810, %dma_wait3A_811, %dma_wait3A_812] : memref<8x2x8x128xf32, #tpu.memory_space<vmem>> -> memref<1x2x8x128xf32, #tpu.memory_space<vmem>>
          %dma_wait3A_814 = tpu.memref_squeeze %dma_wait3A_813 : memref<1x2x8x128xf32, #tpu.memory_space<vmem>> -> memref<2x8x128xf32, #tpu.memory_space<vmem>>
          %dma_wait3A_815 = arith.constant 0 : i32
          %dma_wait3A_816 = arith.constant 0 : i32
          %dma_wait3A_817 = arith.constant 0 : i32
          %dma_wait3A_818 = tpu.memref_slice %arg4[%dma_wait3A_808, %dma_wait3A_809, %dma_wait3A_815, %dma_wait3A_816, %dma_wait3A_817] : memref<200x8x32x8x128xf32, #tpu.memory_space<hbm>> -> memref<1x1x2x8x128xf32, #tpu.memory_space<hbm>>
          %dma_wait3A_819 = tpu.memref_squeeze %dma_wait3A_818 : memref<1x1x2x8x128xf32, #tpu.memory_space<hbm>> -> memref<2x8x128xf32, #tpu.memory_space<hbm>>
          %dma_wait3A_820 = arith.constant 0 : i32
          %dma_wait3A_821 = arith.constant 0 : i32
          %dma_wait3A_822 = arith.constant 0 : i32
          %dma_wait3A_823 = tpu.memref_slice %arg4[%dma_wait3A_808, %dma_wait3A_809, %dma_wait3A_820, %dma_wait3A_821, %dma_wait3A_822] : memref<200x8x32x8x128xf32, #tpu.memory_space<hbm>> -> memref<1x1x2x8x128xf32, #tpu.memory_space<hbm>>
          %dma_wait3A_824 = tpu.memref_squeeze %dma_wait3A_823 : memref<1x1x2x8x128xf32, #tpu.memory_space<hbm>> -> memref<2x8x128xf32, #tpu.memory_space<hbm>>
          %dma_wait3A_825 = arith.constant 0 : i32
          %dma_wait3A_826 = arith.constant 0 : i32
          %dma_wait3A_827 = arith.constant 0 : i32
          %dma_wait3A_828 = tpu.memref_slice %arg11[%dma_wait3A_807, %dma_wait3A_825, %dma_wait3A_826, %dma_wait3A_827] : memref<8x2x8x128xf32, #tpu.memory_space<vmem>> -> memref<1x2x8x128xf32, #tpu.memory_space<vmem>>
          %dma_wait3A_829 = tpu.memref_squeeze %dma_wait3A_828 : memref<1x2x8x128xf32, #tpu.memory_space<vmem>> -> memref<2x8x128xf32, #tpu.memory_space<vmem>>
          tpu.wait_dma2 semaphore(%arg17 : memref<!tpu.dma_semaphore, #tpu.memory_space<semaphore_mem>>) src(%dma_wait3A_829 : memref<2x8x128xf32, #tpu.memory_space<vmem>>) dst(%dma_wait3A_824 : memref<2x8x128xf32, #tpu.memory_space<hbm>>)
          %dma_wait3A_830 = arith.constant 7 : i32
          %dma_wait3A_831 = arith.constant 0 : i32
          %dma_wait3A_832 = arith.constant 7 : i32
          %dma_wait3A_833 = arith.constant 0 : i32
          %dma_wait3A_834 = arith.constant 0 : i32
          %dma_wait3A_835 = arith.constant 0 : i32
          %dma_wait3A_836 = tpu.memref_slice %arg11[%dma_wait3A_830, %dma_wait3A_833, %dma_wait3A_834, %dma_wait3A_835] : memref<8x2x8x128xf32, #tpu.memory_space<vmem>> -> memref<1x2x8x128xf32, #tpu.memory_space<vmem>>
          %dma_wait3A_837 = tpu.memref_squeeze %dma_wait3A_836 : memref<1x2x8x128xf32, #tpu.memory_space<vmem>> -> memref<2x8x128xf32, #tpu.memory_space<vmem>>
          %dma_wait3A_838 = arith.constant 0 : i32
          %dma_wait3A_839 = arith.constant 0 : i32
          %dma_wait3A_840 = arith.constant 0 : i32
          %dma_wait3A_841 = tpu.memref_slice %arg4[%dma_wait3A_831, %dma_wait3A_832, %dma_wait3A_838, %dma_wait3A_839, %dma_wait3A_840] : memref<200x8x32x8x128xf32, #tpu.memory_space<hbm>> -> memref<1x1x2x8x128xf32, #tpu.memory_space<hbm>>
          %dma_wait3A_842 = tpu.memref_squeeze %dma_wait3A_841 : memref<1x1x2x8x128xf32, #tpu.memory_space<hbm>> -> memref<2x8x128xf32, #tpu.memory_space<hbm>>
          %dma_wait3A_843 = arith.constant 0 : i32
          %dma_wait3A_844 = arith.constant 0 : i32
          %dma_wait3A_845 = arith.constant 0 : i32
          %dma_wait3A_846 = tpu.memref_slice %arg4[%dma_wait3A_831, %dma_wait3A_832, %dma_wait3A_843, %dma_wait3A_844, %dma_wait3A_845] : memref<200x8x32x8x128xf32, #tpu.memory_space<hbm>> -> memref<1x1x2x8x128xf32, #tpu.memory_space<hbm>>
          %dma_wait3A_847 = tpu.memref_squeeze %dma_wait3A_846 : memref<1x1x2x8x128xf32, #tpu.memory_space<hbm>> -> memref<2x8x128xf32, #tpu.memory_space<hbm>>
          %dma_wait3A_848 = arith.constant 0 : i32
          %dma_wait3A_849 = arith.constant 0 : i32
          %dma_wait3A_850 = arith.constant 0 : i32
          %dma_wait3A_851 = tpu.memref_slice %arg11[%dma_wait3A_830, %dma_wait3A_848, %dma_wait3A_849, %dma_wait3A_850] : memref<8x2x8x128xf32, #tpu.memory_space<vmem>> -> memref<1x2x8x128xf32, #tpu.memory_space<vmem>>
          %dma_wait3A_852 = tpu.memref_squeeze %dma_wait3A_851 : memref<1x2x8x128xf32, #tpu.memory_space<vmem>> -> memref<2x8x128xf32, #tpu.memory_space<vmem>>
          tpu.wait_dma2 semaphore(%arg17 : memref<!tpu.dma_semaphore, #tpu.memory_space<semaphore_mem>>) src(%dma_wait3A_852 : memref<2x8x128xf32, #tpu.memory_space<vmem>>) dst(%dma_wait3A_847 : memref<2x8x128xf32, #tpu.memory_space<hbm>>)
        } else {
        }
        %parallel_loop3A = arith.constant 0 : i32
        %parallel_loop3A_462 = arith.constant 256 : i32
        %parallel_loop3A_463 = arith.constant 1 : i32
        scf.for %parallel_loop3A_669 = %parallel_loop3A to %parallel_loop3A_462 step %parallel_loop3A_463  : i32 {
          %parallel_loop3A_670 = arith.index_cast %parallel_loop3A_669 : i32 to index
          %parallel_loop3A_671 = arith.constant 0 : index
          %parallel_loop3A_672 = tpu.vector_load %arg8[%parallel_loop3A_670, %parallel_loop3A_671] {strides = array<i32>} : memref<256x64xf32, #tpu.memory_space<vmem>>, vector<16xf32>,
          %parallel_loop3A_673 = arith.index_cast %parallel_loop3A_669 : i32 to index
          %parallel_loop3A_674 = arith.constant 0 : index
          %parallel_loop3A_675 = tpu.vector_load %arg9[%parallel_loop3A_673, %parallel_loop3A_674] {strides = array<i32>} : memref<256x65xf32, #tpu.memory_space<vmem>>, vector<16xf32>,
          tpu.vector_store %arg9[%parallel_loop3A_673, %parallel_loop3A_674], %parallel_loop3A_672 {strides = array<i32>} : memref<256x65xf32, #tpu.memory_space<vmem>>, vector<16xf32>,
          %parallel_loop3A_676 = arith.index_cast %parallel_loop3A_669 : i32 to index
          %parallel_loop3A_677 = arith.constant 16 : index
          %parallel_loop3A_678 = tpu.vector_load %arg8[%parallel_loop3A_676, %parallel_loop3A_677] {strides = array<i32>} : memref<256x64xf32, #tpu.memory_space<vmem>>, vector<16xf32>,
          %parallel_loop3A_679 = arith.index_cast %parallel_loop3A_669 : i32 to index
          %parallel_loop3A_680 = arith.constant 16 : index
          %parallel_loop3A_681 = tpu.vector_load %arg9[%parallel_loop3A_679, %parallel_loop3A_680] {strides = array<i32>} : memref<256x65xf32, #tpu.memory_space<vmem>>, vector<16xf32>,
          tpu.vector_store %arg9[%parallel_loop3A_679, %parallel_loop3A_680], %parallel_loop3A_678 {strides = array<i32>} : memref<256x65xf32, #tpu.memory_space<vmem>>, vector<16xf32>,
          %parallel_loop3A_682 = arith.index_cast %parallel_loop3A_669 : i32 to index
          %parallel_loop3A_683 = arith.constant 32 : index
          %parallel_loop3A_684 = tpu.vector_load %arg8[%parallel_loop3A_682, %parallel_loop3A_683] {strides = array<i32>} : memref<256x64xf32, #tpu.memory_space<vmem>>, vector<16xf32>,
          %parallel_loop3A_685 = arith.index_cast %parallel_loop3A_669 : i32 to index
          %parallel_loop3A_686 = arith.constant 32 : index
          %parallel_loop3A_687 = tpu.vector_load %arg9[%parallel_loop3A_685, %parallel_loop3A_686] {strides = array<i32>} : memref<256x65xf32, #tpu.memory_space<vmem>>, vector<16xf32>,
          tpu.vector_store %arg9[%parallel_loop3A_685, %parallel_loop3A_686], %parallel_loop3A_684 {strides = array<i32>} : memref<256x65xf32, #tpu.memory_space<vmem>>, vector<16xf32>,
          %parallel_loop3A_688 = arith.index_cast %parallel_loop3A_669 : i32 to index
          %parallel_loop3A_689 = arith.constant 48 : index
          %parallel_loop3A_690 = tpu.vector_load %arg8[%parallel_loop3A_688, %parallel_loop3A_689] {strides = array<i32>} : memref<256x64xf32, #tpu.memory_space<vmem>>, vector<16xf32>,
          %parallel_loop3A_691 = arith.index_cast %parallel_loop3A_669 : i32 to index
          %parallel_loop3A_692 = arith.constant 48 : index
          %parallel_loop3A_693 = tpu.vector_load %arg9[%parallel_loop3A_691, %parallel_loop3A_692] {strides = array<i32>} : memref<256x65xf32, #tpu.memory_space<vmem>>, vector<16xf32>,
          tpu.vector_store %arg9[%parallel_loop3A_691, %parallel_loop3A_692], %parallel_loop3A_690 {strides = array<i32>} : memref<256x65xf32, #tpu.memory_space<vmem>>, vector<16xf32>,
        } {sc.loop_unroll_factor = 8 : i64, sc.parallel_access}
        %parallel_loop3A_464 = arith.constant 0 : i32
        %parallel_loop3A_465 = arith.constant 64 : i32
        %parallel_loop3A_466 = arith.constant 1 : i32
        scf.for %parallel_loop3A_669 = %parallel_loop3A_464 to %parallel_loop3A_465 step %parallel_loop3A_466  : i32 {
          %parallel_loop3A_670 = arith.constant 8 : i32
          %parallel_loop3A_671 = arith.divsi %parallel_loop3A_669, %parallel_loop3A_670 : i32
          %parallel_loop3A_672 = arith.constant 0 : i32
          %parallel_loop3A_673 = arith.cmpi sgt, %parallel_loop3A_669, %parallel_loop3A_672 : i32
          %parallel_loop3A_674 = arith.extui %parallel_loop3A_673 : i1 to i32
          %parallel_loop3A_675 = arith.constant 0 : i32
          %parallel_loop3A_676 = arith.cmpi slt, %parallel_loop3A_669, %parallel_loop3A_675 : i32
          %parallel_loop3A_677 = arith.extui %parallel_loop3A_676 : i1 to i32
          %parallel_loop3A_678 = arith.subi %parallel_loop3A_674, %parallel_loop3A_677 : i32
          %parallel_loop3A_679 = arith.constant 0 : i32
          %parallel_loop3A_680 = arith.cmpi sgt, %parallel_loop3A_670, %parallel_loop3A_679 : i32
          %parallel_loop3A_681 = arith.extui %parallel_loop3A_680 : i1 to i32
          %parallel_loop3A_682 = arith.constant 0 : i32
          %parallel_loop3A_683 = arith.cmpi slt, %parallel_loop3A_670, %parallel_loop3A_682 : i32
          %parallel_loop3A_684 = arith.extui %parallel_loop3A_683 : i1 to i32
          %parallel_loop3A_685 = arith.subi %parallel_loop3A_681, %parallel_loop3A_684 : i32
          %parallel_loop3A_686 = arith.cmpi ne, %parallel_loop3A_678, %parallel_loop3A_685 : i32
          %parallel_loop3A_687 = arith.remsi %parallel_loop3A_669, %parallel_loop3A_670 : i32
          %parallel_loop3A_688 = arith.constant 0 : i32
          %parallel_loop3A_689 = arith.cmpi ne, %parallel_loop3A_687, %parallel_loop3A_688 : i32
          %parallel_loop3A_690 = arith.andi %parallel_loop3A_686, %parallel_loop3A_689 : i1
          %parallel_loop3A_691 = arith.constant 1 : i32
          %parallel_loop3A_692 = arith.subi %parallel_loop3A_671, %parallel_loop3A_691 : i32
          %parallel_loop3A_693 = arith.select %parallel_loop3A_690, %parallel_loop3A_692, %parallel_loop3A_671 : i32
          %parallel_loop3A_694 = arith.constant 8 : i32
          %parallel_loop3A_695 = arith.remsi %parallel_loop3A_669, %parallel_loop3A_694 : i32
          %parallel_loop3A_696 = vector.broadcast %parallel_loop3A_669 : i32 to vector<16xi32>
          %parallel_loop3A_697 = arith.constant 0 : i32
          %parallel_loop3A_698 = vector.broadcast %parallel_loop3A_697 : i32 to vector<16xi32>
          %parallel_loop3A_699 = arith.addi %iota3A, %parallel_loop3A_698 : vector<16xi32>
          %parallel_loop3A_700 = tpu.vector_load_idx %arg9[%parallel_loop3A_699, %parallel_loop3A_696] : memref<256x65xf32, #tpu.memory_space<vmem>>[vector<16xi32>, vector<16xi32>], vector<16xf32>,
          %parallel_loop3A_701 = arith.constant 0 : i32
          %parallel_loop3A_702 = arith.index_cast %parallel_loop3A_693 : i32 to index
          %parallel_loop3A_703 = arith.index_cast %parallel_loop3A_701 : i32 to index
          %parallel_loop3A_704 = arith.index_cast %parallel_loop3A_695 : i32 to index
          %parallel_loop3A_705 = arith.constant 0 : index
          %parallel_loop3A_706 = tpu.vector_load %arg11[%parallel_loop3A_702, %parallel_loop3A_703, %parallel_loop3A_704, %parallel_loop3A_705] {strides = array<i32>} : memref<8x2x8x128xf32, #tpu.memory_space<vmem>>, vector<16xf32>,
          tpu.vector_store %arg11[%parallel_loop3A_702, %parallel_loop3A_703, %parallel_loop3A_704, %parallel_loop3A_705], %parallel_loop3A_700 {strides = array<i32>} : memref<8x2x8x128xf32, #tpu.memory_space<vmem>>, vector<16xf32>,
          %parallel_loop3A_707 = arith.constant 16 : i32
          %parallel_loop3A_708 = vector.broadcast %parallel_loop3A_707 : i32 to vector<16xi32>
          %parallel_loop3A_709 = arith.addi %iota3A, %parallel_loop3A_708 : vector<16xi32>
          %parallel_loop3A_710 = tpu.vector_load_idx %arg9[%parallel_loop3A_709, %parallel_loop3A_696] : memref<256x65xf32, #tpu.memory_space<vmem>>[vector<16xi32>, vector<16xi32>], vector<16xf32>,
          %parallel_loop3A_711 = arith.constant 0 : i32
          %parallel_loop3A_712 = arith.index_cast %parallel_loop3A_693 : i32 to index
          %parallel_loop3A_713 = arith.index_cast %parallel_loop3A_711 : i32 to index
          %parallel_loop3A_714 = arith.index_cast %parallel_loop3A_695 : i32 to index
          %parallel_loop3A_715 = arith.constant 16 : index
          %parallel_loop3A_716 = tpu.vector_load %arg11[%parallel_loop3A_712, %parallel_loop3A_713, %parallel_loop3A_714, %parallel_loop3A_715] {strides = array<i32>} : memref<8x2x8x128xf32, #tpu.memory_space<vmem>>, vector<16xf32>,
          tpu.vector_store %arg11[%parallel_loop3A_712, %parallel_loop3A_713, %parallel_loop3A_714, %parallel_loop3A_715], %parallel_loop3A_710 {strides = array<i32>} : memref<8x2x8x128xf32, #tpu.memory_space<vmem>>, vector<16xf32>,
          %parallel_loop3A_717 = arith.constant 32 : i32
          %parallel_loop3A_718 = vector.broadcast %parallel_loop3A_717 : i32 to vector<16xi32>
          %parallel_loop3A_719 = arith.addi %iota3A, %parallel_loop3A_718 : vector<16xi32>
          %parallel_loop3A_720 = tpu.vector_load_idx %arg9[%parallel_loop3A_719, %parallel_loop3A_696] : memref<256x65xf32, #tpu.memory_space<vmem>>[vector<16xi32>, vector<16xi32>], vector<16xf32>,
          %parallel_loop3A_721 = arith.constant 0 : i32
          %parallel_loop3A_722 = arith.index_cast %parallel_loop3A_693 : i32 to index
          %parallel_loop3A_723 = arith.index_cast %parallel_loop3A_721 : i32 to index
          %parallel_loop3A_724 = arith.index_cast %parallel_loop3A_695 : i32 to index
          %parallel_loop3A_725 = arith.constant 32 : index
          %parallel_loop3A_726 = tpu.vector_load %arg11[%parallel_loop3A_722, %parallel_loop3A_723, %parallel_loop3A_724, %parallel_loop3A_725] {strides = array<i32>} : memref<8x2x8x128xf32, #tpu.memory_space<vmem>>, vector<16xf32>,
          tpu.vector_store %arg11[%parallel_loop3A_722, %parallel_loop3A_723, %parallel_loop3A_724, %parallel_loop3A_725], %parallel_loop3A_720 {strides = array<i32>} : memref<8x2x8x128xf32, #tpu.memory_space<vmem>>, vector<16xf32>,
          %parallel_loop3A_727 = arith.constant 48 : i32
          %parallel_loop3A_728 = vector.broadcast %parallel_loop3A_727 : i32 to vector<16xi32>
          %parallel_loop3A_729 = arith.addi %iota3A, %parallel_loop3A_728 : vector<16xi32>
          %parallel_loop3A_730 = tpu.vector_load_idx %arg9[%parallel_loop3A_729, %parallel_loop3A_696] : memref<256x65xf32, #tpu.memory_space<vmem>>[vector<16xi32>, vector<16xi32>], vector<16xf32>,
          %parallel_loop3A_731 = arith.constant 0 : i32
          %parallel_loop3A_732 = arith.index_cast %parallel_loop3A_693 : i32 to index
          %parallel_loop3A_733 = arith.index_cast %parallel_loop3A_731 : i32 to index
          %parallel_loop3A_734 = arith.index_cast %parallel_loop3A_695 : i32 to index
          %parallel_loop3A_735 = arith.constant 48 : index
          %parallel_loop3A_736 = tpu.vector_load %arg11[%parallel_loop3A_732, %parallel_loop3A_733, %parallel_loop3A_734, %parallel_loop3A_735] {strides = array<i32>} : memref<8x2x8x128xf32, #tpu.memory_space<vmem>>, vector<16xf32>,
          tpu.vector_store %arg11[%parallel_loop3A_732, %parallel_loop3A_733, %parallel_loop3A_734, %parallel_loop3A_735], %parallel_loop3A_730 {strides = array<i32>} : memref<8x2x8x128xf32, #tpu.memory_space<vmem>>, vector<16xf32>,
          %parallel_loop3A_737 = arith.constant 64 : i32
          %parallel_loop3A_738 = vector.broadcast %parallel_loop3A_737 : i32 to vector<16xi32>
          %parallel_loop3A_739 = arith.addi %iota3A, %parallel_loop3A_738 : vector<16xi32>
          %parallel_loop3A_740 = tpu.vector_load_idx %arg9[%parallel_loop3A_739, %parallel_loop3A_696] : memref<256x65xf32, #tpu.memory_space<vmem>>[vector<16xi32>, vector<16xi32>], vector<16xf32>,
          %parallel_loop3A_741 = arith.constant 0 : i32
          %parallel_loop3A_742 = arith.index_cast %parallel_loop3A_693 : i32 to index
          %parallel_loop3A_743 = arith.index_cast %parallel_loop3A_741 : i32 to index
          %parallel_loop3A_744 = arith.index_cast %parallel_loop3A_695 : i32 to index
          %parallel_loop3A_745 = arith.constant 64 : index
          %parallel_loop3A_746 = tpu.vector_load %arg11[%parallel_loop3A_742, %parallel_loop3A_743, %parallel_loop3A_744, %parallel_loop3A_745] {strides = array<i32>} : memref<8x2x8x128xf32, #tpu.memory_space<vmem>>, vector<16xf32>,
          tpu.vector_store %arg11[%parallel_loop3A_742, %parallel_loop3A_743, %parallel_loop3A_744, %parallel_loop3A_745], %parallel_loop3A_740 {strides = array<i32>} : memref<8x2x8x128xf32, #tpu.memory_space<vmem>>, vector<16xf32>,
          %parallel_loop3A_747 = arith.constant 80 : i32
          %parallel_loop3A_748 = vector.broadcast %parallel_loop3A_747 : i32 to vector<16xi32>
          %parallel_loop3A_749 = arith.addi %iota3A, %parallel_loop3A_748 : vector<16xi32>
          %parallel_loop3A_750 = tpu.vector_load_idx %arg9[%parallel_loop3A_749, %parallel_loop3A_696] : memref<256x65xf32, #tpu.memory_space<vmem>>[vector<16xi32>, vector<16xi32>], vector<16xf32>,
          %parallel_loop3A_751 = arith.constant 0 : i32
          %parallel_loop3A_752 = arith.index_cast %parallel_loop3A_693 : i32 to index
          %parallel_loop3A_753 = arith.index_cast %parallel_loop3A_751 : i32 to index
          %parallel_loop3A_754 = arith.index_cast %parallel_loop3A_695 : i32 to index
          %parallel_loop3A_755 = arith.constant 80 : index
          %parallel_loop3A_756 = tpu.vector_load %arg11[%parallel_loop3A_752, %parallel_loop3A_753, %parallel_loop3A_754, %parallel_loop3A_755] {strides = array<i32>} : memref<8x2x8x128xf32, #tpu.memory_space<vmem>>, vector<16xf32>,
          tpu.vector_store %arg11[%parallel_loop3A_752, %parallel_loop3A_753, %parallel_loop3A_754, %parallel_loop3A_755], %parallel_loop3A_750 {strides = array<i32>} : memref<8x2x8x128xf32, #tpu.memory_space<vmem>>, vector<16xf32>,
          %parallel_loop3A_757 = arith.constant 96 : i32
          %parallel_loop3A_758 = vector.broadcast %parallel_loop3A_757 : i32 to vector<16xi32>
          %parallel_loop3A_759 = arith.addi %iota3A, %parallel_loop3A_758 : vector<16xi32>
          %parallel_loop3A_760 = tpu.vector_load_idx %arg9[%parallel_loop3A_759, %parallel_loop3A_696] : memref<256x65xf32, #tpu.memory_space<vmem>>[vector<16xi32>, vector<16xi32>], vector<16xf32>,
          %parallel_loop3A_761 = arith.constant 0 : i32
          %parallel_loop3A_762 = arith.index_cast %parallel_loop3A_693 : i32 to index
          %parallel_loop3A_763 = arith.index_cast %parallel_loop3A_761 : i32 to index
          %parallel_loop3A_764 = arith.index_cast %parallel_loop3A_695 : i32 to index
          %parallel_loop3A_765 = arith.constant 96 : index
          %parallel_loop3A_766 = tpu.vector_load %arg11[%parallel_loop3A_762, %parallel_loop3A_763, %parallel_loop3A_764, %parallel_loop3A_765] {strides = array<i32>} : memref<8x2x8x128xf32, #tpu.memory_space<vmem>>, vector<16xf32>,
          tpu.vector_store %arg11[%parallel_loop3A_762, %parallel_loop3A_763, %parallel_loop3A_764, %parallel_loop3A_765], %parallel_loop3A_760 {strides = array<i32>} : memref<8x2x8x128xf32, #tpu.memory_space<vmem>>, vector<16xf32>,
          %parallel_loop3A_767 = arith.constant 112 : i32
          %parallel_loop3A_768 = vector.broadcast %parallel_loop3A_767 : i32 to vector<16xi32>
          %parallel_loop3A_769 = arith.addi %iota3A, %parallel_loop3A_768 : vector<16xi32>
          %parallel_loop3A_770 = tpu.vector_load_idx %arg9[%parallel_loop3A_769, %parallel_loop3A_696] : memref<256x65xf32, #tpu.memory_space<vmem>>[vector<16xi32>, vector<16xi32>], vector<16xf32>,
          %parallel_loop3A_771 = arith.constant 0 : i32
          %parallel_loop3A_772 = arith.index_cast %parallel_loop3A_693 : i32 to index
          %parallel_loop3A_773 = arith.index_cast %parallel_loop3A_771 : i32 to index
          %parallel_loop3A_774 = arith.index_cast %parallel_loop3A_695 : i32 to index
          %parallel_loop3A_775 = arith.constant 112 : index
          %parallel_loop3A_776 = tpu.vector_load %arg11[%parallel_loop3A_772, %parallel_loop3A_773, %parallel_loop3A_774, %parallel_loop3A_775] {strides = array<i32>} : memref<8x2x8x128xf32, #tpu.memory_space<vmem>>, vector<16xf32>,
          tpu.vector_store %arg11[%parallel_loop3A_772, %parallel_loop3A_773, %parallel_loop3A_774, %parallel_loop3A_775], %parallel_loop3A_770 {strides = array<i32>} : memref<8x2x8x128xf32, #tpu.memory_space<vmem>>, vector<16xf32>,
          %parallel_loop3A_777 = arith.constant 128 : i32
          %parallel_loop3A_778 = vector.broadcast %parallel_loop3A_777 : i32 to vector<16xi32>
          %parallel_loop3A_779 = arith.addi %iota3A, %parallel_loop3A_778 : vector<16xi32>
          %parallel_loop3A_780 = tpu.vector_load_idx %arg9[%parallel_loop3A_779, %parallel_loop3A_696] : memref<256x65xf32, #tpu.memory_space<vmem>>[vector<16xi32>, vector<16xi32>], vector<16xf32>,
          %parallel_loop3A_781 = arith.constant 1 : i32
          %parallel_loop3A_782 = arith.index_cast %parallel_loop3A_693 : i32 to index
          %parallel_loop3A_783 = arith.index_cast %parallel_loop3A_781 : i32 to index
          %parallel_loop3A_784 = arith.index_cast %parallel_loop3A_695 : i32 to index
          %parallel_loop3A_785 = arith.constant 0 : index
          %parallel_loop3A_786 = tpu.vector_load %arg11[%parallel_loop3A_782, %parallel_loop3A_783, %parallel_loop3A_784, %parallel_loop3A_785] {strides = array<i32>} : memref<8x2x8x128xf32, #tpu.memory_space<vmem>>, vector<16xf32>,
          tpu.vector_store %arg11[%parallel_loop3A_782, %parallel_loop3A_783, %parallel_loop3A_784, %parallel_loop3A_785], %parallel_loop3A_780 {strides = array<i32>} : memref<8x2x8x128xf32, #tpu.memory_space<vmem>>, vector<16xf32>,
          %parallel_loop3A_787 = arith.constant 144 : i32
          %parallel_loop3A_788 = vector.broadcast %parallel_loop3A_787 : i32 to vector<16xi32>
          %parallel_loop3A_789 = arith.addi %iota3A, %parallel_loop3A_788 : vector<16xi32>
          %parallel_loop3A_790 = tpu.vector_load_idx %arg9[%parallel_loop3A_789, %parallel_loop3A_696] : memref<256x65xf32, #tpu.memory_space<vmem>>[vector<16xi32>, vector<16xi32>], vector<16xf32>,
          %parallel_loop3A_791 = arith.constant 1 : i32
          %parallel_loop3A_792 = arith.index_cast %parallel_loop3A_693 : i32 to index
          %parallel_loop3A_793 = arith.index_cast %parallel_loop3A_791 : i32 to index
          %parallel_loop3A_794 = arith.index_cast %parallel_loop3A_695 : i32 to index
          %parallel_loop3A_795 = arith.constant 16 : index
          %parallel_loop3A_796 = tpu.vector_load %arg11[%parallel_loop3A_792, %parallel_loop3A_793, %parallel_loop3A_794, %parallel_loop3A_795] {strides = array<i32>} : memref<8x2x8x128xf32, #tpu.memory_space<vmem>>, vector<16xf32>,
          tpu.vector_store %arg11[%parallel_loop3A_792, %parallel_loop3A_793, %parallel_loop3A_794, %parallel_loop3A_795], %parallel_loop3A_790 {strides = array<i32>} : memref<8x2x8x128xf32, #tpu.memory_space<vmem>>, vector<16xf32>,
          %parallel_loop3A_797 = arith.constant 160 : i32
          %parallel_loop3A_798 = vector.broadcast %parallel_loop3A_797 : i32 to vector<16xi32>
          %parallel_loop3A_799 = arith.addi %iota3A, %parallel_loop3A_798 : vector<16xi32>
          %parallel_loop3A_800 = tpu.vector_load_idx %arg9[%parallel_loop3A_799, %parallel_loop3A_696] : memref<256x65xf32, #tpu.memory_space<vmem>>[vector<16xi32>, vector<16xi32>], vector<16xf32>,
          %parallel_loop3A_801 = arith.constant 1 : i32
          %parallel_loop3A_802 = arith.index_cast %parallel_loop3A_693 : i32 to index
          %parallel_loop3A_803 = arith.index_cast %parallel_loop3A_801 : i32 to index
          %parallel_loop3A_804 = arith.index_cast %parallel_loop3A_695 : i32 to index
          %parallel_loop3A_805 = arith.constant 32 : index
          %parallel_loop3A_806 = tpu.vector_load %arg11[%parallel_loop3A_802, %parallel_loop3A_803, %parallel_loop3A_804, %parallel_loop3A_805] {strides = array<i32>} : memref<8x2x8x128xf32, #tpu.memory_space<vmem>>, vector<16xf32>,
          tpu.vector_store %arg11[%parallel_loop3A_802, %parallel_loop3A_803, %parallel_loop3A_804, %parallel_loop3A_805], %parallel_loop3A_800 {strides = array<i32>} : memref<8x2x8x128xf32, #tpu.memory_space<vmem>>, vector<16xf32>,
          %parallel_loop3A_807 = arith.constant 176 : i32
          %parallel_loop3A_808 = vector.broadcast %parallel_loop3A_807 : i32 to vector<16xi32>
          %parallel_loop3A_809 = arith.addi %iota3A, %parallel_loop3A_808 : vector<16xi32>
          %parallel_loop3A_810 = tpu.vector_load_idx %arg9[%parallel_loop3A_809, %parallel_loop3A_696] : memref<256x65xf32, #tpu.memory_space<vmem>>[vector<16xi32>, vector<16xi32>], vector<16xf32>,
          %parallel_loop3A_811 = arith.constant 1 : i32
          %parallel_loop3A_812 = arith.index_cast %parallel_loop3A_693 : i32 to index
          %parallel_loop3A_813 = arith.index_cast %parallel_loop3A_811 : i32 to index
          %parallel_loop3A_814 = arith.index_cast %parallel_loop3A_695 : i32 to index
          %parallel_loop3A_815 = arith.constant 48 : index
          %parallel_loop3A_816 = tpu.vector_load %arg11[%parallel_loop3A_812, %parallel_loop3A_813, %parallel_loop3A_814, %parallel_loop3A_815] {strides = array<i32>} : memref<8x2x8x128xf32, #tpu.memory_space<vmem>>, vector<16xf32>,
          tpu.vector_store %arg11[%parallel_loop3A_812, %parallel_loop3A_813, %parallel_loop3A_814, %parallel_loop3A_815], %parallel_loop3A_810 {strides = array<i32>} : memref<8x2x8x128xf32, #tpu.memory_space<vmem>>, vector<16xf32>,
          %parallel_loop3A_817 = arith.constant 192 : i32
          %parallel_loop3A_818 = vector.broadcast %parallel_loop3A_817 : i32 to vector<16xi32>
          %parallel_loop3A_819 = arith.addi %iota3A, %parallel_loop3A_818 : vector<16xi32>
          %parallel_loop3A_820 = tpu.vector_load_idx %arg9[%parallel_loop3A_819, %parallel_loop3A_696] : memref<256x65xf32, #tpu.memory_space<vmem>>[vector<16xi32>, vector<16xi32>], vector<16xf32>,
          %parallel_loop3A_821 = arith.constant 1 : i32
          %parallel_loop3A_822 = arith.index_cast %parallel_loop3A_693 : i32 to index
          %parallel_loop3A_823 = arith.index_cast %parallel_loop3A_821 : i32 to index
          %parallel_loop3A_824 = arith.index_cast %parallel_loop3A_695 : i32 to index
          %parallel_loop3A_825 = arith.constant 64 : index
          %parallel_loop3A_826 = tpu.vector_load %arg11[%parallel_loop3A_822, %parallel_loop3A_823, %parallel_loop3A_824, %parallel_loop3A_825] {strides = array<i32>} : memref<8x2x8x128xf32, #tpu.memory_space<vmem>>, vector<16xf32>,
          tpu.vector_store %arg11[%parallel_loop3A_822, %parallel_loop3A_823, %parallel_loop3A_824, %parallel_loop3A_825], %parallel_loop3A_820 {strides = array<i32>} : memref<8x2x8x128xf32, #tpu.memory_space<vmem>>, vector<16xf32>,
          %parallel_loop3A_827 = arith.constant 208 : i32
          %parallel_loop3A_828 = vector.broadcast %parallel_loop3A_827 : i32 to vector<16xi32>
          %parallel_loop3A_829 = arith.addi %iota3A, %parallel_loop3A_828 : vector<16xi32>
          %parallel_loop3A_830 = tpu.vector_load_idx %arg9[%parallel_loop3A_829, %parallel_loop3A_696] : memref<256x65xf32, #tpu.memory_space<vmem>>[vector<16xi32>, vector<16xi32>], vector<16xf32>,
          %parallel_loop3A_831 = arith.constant 1 : i32
          %parallel_loop3A_832 = arith.index_cast %parallel_loop3A_693 : i32 to index
          %parallel_loop3A_833 = arith.index_cast %parallel_loop3A_831 : i32 to index
          %parallel_loop3A_834 = arith.index_cast %parallel_loop3A_695 : i32 to index
          %parallel_loop3A_835 = arith.constant 80 : index
          %parallel_loop3A_836 = tpu.vector_load %arg11[%parallel_loop3A_832, %parallel_loop3A_833, %parallel_loop3A_834, %parallel_loop3A_835] {strides = array<i32>} : memref<8x2x8x128xf32, #tpu.memory_space<vmem>>, vector<16xf32>,
          tpu.vector_store %arg11[%parallel_loop3A_832, %parallel_loop3A_833, %parallel_loop3A_834, %parallel_loop3A_835], %parallel_loop3A_830 {strides = array<i32>} : memref<8x2x8x128xf32, #tpu.memory_space<vmem>>, vector<16xf32>,
          %parallel_loop3A_837 = arith.constant 224 : i32
          %parallel_loop3A_838 = vector.broadcast %parallel_loop3A_837 : i32 to vector<16xi32>
          %parallel_loop3A_839 = arith.addi %iota3A, %parallel_loop3A_838 : vector<16xi32>
          %parallel_loop3A_840 = tpu.vector_load_idx %arg9[%parallel_loop3A_839, %parallel_loop3A_696] : memref<256x65xf32, #tpu.memory_space<vmem>>[vector<16xi32>, vector<16xi32>], vector<16xf32>,
          %parallel_loop3A_841 = arith.constant 1 : i32
          %parallel_loop3A_842 = arith.index_cast %parallel_loop3A_693 : i32 to index
          %parallel_loop3A_843 = arith.index_cast %parallel_loop3A_841 : i32 to index
          %parallel_loop3A_844 = arith.index_cast %parallel_loop3A_695 : i32 to index
          %parallel_loop3A_845 = arith.constant 96 : index
          %parallel_loop3A_846 = tpu.vector_load %arg11[%parallel_loop3A_842, %parallel_loop3A_843, %parallel_loop3A_844, %parallel_loop3A_845] {strides = array<i32>} : memref<8x2x8x128xf32, #tpu.memory_space<vmem>>, vector<16xf32>,
          tpu.vector_store %arg11[%parallel_loop3A_842, %parallel_loop3A_843, %parallel_loop3A_844, %parallel_loop3A_845], %parallel_loop3A_840 {strides = array<i32>} : memref<8x2x8x128xf32, #tpu.memory_space<vmem>>, vector<16xf32>,
          %parallel_loop3A_847 = arith.constant 240 : i32
          %parallel_loop3A_848 = vector.broadcast %parallel_loop3A_847 : i32 to vector<16xi32>
          %parallel_loop3A_849 = arith.addi %iota3A, %parallel_loop3A_848 : vector<16xi32>
          %parallel_loop3A_850 = tpu.vector_load_idx %arg9[%parallel_loop3A_849, %parallel_loop3A_696] : memref<256x65xf32, #tpu.memory_space<vmem>>[vector<16xi32>, vector<16xi32>], vector<16xf32>,
          %parallel_loop3A_851 = arith.constant 1 : i32
          %parallel_loop3A_852 = arith.index_cast %parallel_loop3A_693 : i32 to index
          %parallel_loop3A_853 = arith.index_cast %parallel_loop3A_851 : i32 to index
          %parallel_loop3A_854 = arith.index_cast %parallel_loop3A_695 : i32 to index
          %parallel_loop3A_855 = arith.constant 112 : index
          %parallel_loop3A_856 = tpu.vector_load %arg11[%parallel_loop3A_852, %parallel_loop3A_853, %parallel_loop3A_854, %parallel_loop3A_855] {strides = array<i32>} : memref<8x2x8x128xf32, #tpu.memory_space<vmem>>, vector<16xf32>,
          tpu.vector_store %arg11[%parallel_loop3A_852, %parallel_loop3A_853, %parallel_loop3A_854, %parallel_loop3A_855], %parallel_loop3A_850 {strides = array<i32>} : memref<8x2x8x128xf32, #tpu.memory_space<vmem>>, vector<16xf32>,
        } {sc.loop_unroll_factor = 2 : i64, sc.parallel_access}
        %jit3A_467 = arith.constant 16 : i32
        %div3A_468 = arith.divsi %add3A_432, %jit3A_467 : i32
        %sign3A_469 = arith.constant 0 : i32
        %sign3A_470 = arith.cmpi sgt, %add3A_432, %sign3A_469 : i32
        %sign3A_471 = arith.extui %sign3A_470 : i1 to i32
        %sign3A_472 = arith.constant 0 : i32
        %sign3A_473 = arith.cmpi slt, %add3A_432, %sign3A_472 : i32
        %sign3A_474 = arith.extui %sign3A_473 : i1 to i32
        %sign3A_475 = arith.subi %sign3A_471, %sign3A_474 : i32
        %sign3A_476 = arith.constant 0 : i32
        %sign3A_477 = arith.cmpi sgt, %jit3A_467, %sign3A_476 : i32
        %sign3A_478 = arith.extui %sign3A_477 : i1 to i32
        %sign3A_479 = arith.constant 0 : i32
        %sign3A_480 = arith.cmpi slt, %jit3A_467, %sign3A_479 : i32
        %sign3A_481 = arith.extui %sign3A_480 : i1 to i32
        %sign3A_482 = arith.subi %sign3A_478, %sign3A_481 : i32
        %ne3A_483 = arith.cmpi ne, %sign3A_475, %sign3A_482 : i32
        %rem3A_484 = arith.remsi %add3A_432, %jit3A_467 : i32
        %ne3A_485 = arith.constant 0 : i32
        %ne3A_486 = arith.cmpi ne, %rem3A_484, %ne3A_485 : i32
        %and3A_487 = arith.andi %ne3A_483, %ne3A_486 : i1
        %sub3A_488 = arith.constant 1 : i32
        %sub3A_489 = arith.subi %div3A_468, %sub3A_488 : i32
        %select_n3A_490 = arith.select %and3A_487, %sub3A_489, %div3A_468 : i32
        %rem3A_491 = arith.constant 16 : i32
        %rem3A_492 = arith.remsi %add3A_432, %rem3A_491 : i32
        %mul3A_493 = arith.constant 2 : i32
        %mul3A_494 = arith.muli %rem3A_492, %mul3A_493 : i32
        %dma_start3A_495 = arith.constant 0 : i32
        %dma_start3A_496 = arith.constant 0 : i32
        %dma_start3A_497 = arith.constant 0 : i32
        %dma_start3A_498 = arith.constant 0 : i32
        %dma_start3A_499 = arith.constant 0 : i32
        %dma_start3A_500 = tpu.memref_slice %arg11[%dma_start3A_495, %dma_start3A_497, %dma_start3A_498, %dma_start3A_499] : memref<8x2x8x128xf32, #tpu.memory_space<vmem>> -> memref<1x2x8x128xf32, #tpu.memory_space<vmem>>
        %dma_start3A_501 = tpu.memref_squeeze %dma_start3A_500 : memref<1x2x8x128xf32, #tpu.memory_space<vmem>> -> memref<2x8x128xf32, #tpu.memory_space<vmem>>
        %dma_start3A_502 = arith.constant 0 : i32
        %dma_start3A_503 = arith.constant 0 : i32
        %dma_start3A_504 = tpu.memref_slice %arg4[%select_n3A_490, %dma_start3A_496, %mul3A_494, %dma_start3A_502, %dma_start3A_503] : memref<200x8x32x8x128xf32, #tpu.memory_space<hbm>> -> memref<1x1x2x8x128xf32, #tpu.memory_space<hbm>>
        %dma_start3A_505 = tpu.memref_squeeze %dma_start3A_504 : memref<1x1x2x8x128xf32, #tpu.memory_space<hbm>> -> memref<2x8x128xf32, #tpu.memory_space<hbm>>
        %dma_start3A_506 = arith.constant 0 : i32
        %dma_start3A_507 = arith.constant 0 : i32
        %dma_start3A_508 = tpu.memref_slice %arg4[%select_n3A_490, %dma_start3A_496, %mul3A_494, %dma_start3A_506, %dma_start3A_507] : memref<200x8x32x8x128xf32, #tpu.memory_space<hbm>> -> memref<1x1x2x8x128xf32, #tpu.memory_space<hbm>>
        %dma_start3A_509 = tpu.memref_squeeze %dma_start3A_508 : memref<1x1x2x8x128xf32, #tpu.memory_space<hbm>> -> memref<2x8x128xf32, #tpu.memory_space<hbm>>
        %dma_start3A_510 = arith.constant 0 : i32
        %dma_start3A_511 = arith.constant 0 : i32
        %dma_start3A_512 = arith.constant 0 : i32
        %dma_start3A_513 = tpu.memref_slice %arg11[%dma_start3A_495, %dma_start3A_510, %dma_start3A_511, %dma_start3A_512] : memref<8x2x8x128xf32, #tpu.memory_space<vmem>> -> memref<1x2x8x128xf32, #tpu.memory_space<vmem>>
        %dma_start3A_514 = tpu.memref_squeeze %dma_start3A_513 : memref<1x2x8x128xf32, #tpu.memory_space<vmem>> -> memref<2x8x128xf32, #tpu.memory_space<vmem>>
        tpu.enqueue_dma source(%dma_start3A_514 : memref<2x8x128xf32, #tpu.memory_space<vmem>>) target(%dma_start3A_509 : memref<2x8x128xf32, #tpu.memory_space<hbm>>) target_semaphore(%arg17 : memref<!tpu.dma_semaphore, #tpu.memory_space<semaphore_mem>>)
        %mul3A_515 = arith.constant 2 : i32
        %mul3A_516 = arith.muli %rem3A_492, %mul3A_515 : i32
        %dma_start3A_517 = arith.constant 1 : i32
        %dma_start3A_518 = arith.constant 1 : i32
        %dma_start3A_519 = arith.constant 0 : i32
        %dma_start3A_520 = arith.constant 0 : i32
        %dma_start3A_521 = arith.constant 0 : i32
        %dma_start3A_522 = tpu.memref_slice %arg11[%dma_start3A_517, %dma_start3A_519, %dma_start3A_520, %dma_start3A_521] : memref<8x2x8x128xf32, #tpu.memory_space<vmem>> -> memref<1x2x8x128xf32, #tpu.memory_space<vmem>>
        %dma_start3A_523 = tpu.memref_squeeze %dma_start3A_522 : memref<1x2x8x128xf32, #tpu.memory_space<vmem>> -> memref<2x8x128xf32, #tpu.memory_space<vmem>>
        %dma_start3A_524 = arith.constant 0 : i32
        %dma_start3A_525 = arith.constant 0 : i32
        %dma_start3A_526 = tpu.memref_slice %arg4[%select_n3A_490, %dma_start3A_518, %mul3A_516, %dma_start3A_524, %dma_start3A_525] : memref<200x8x32x8x128xf32, #tpu.memory_space<hbm>> -> memref<1x1x2x8x128xf32, #tpu.memory_space<hbm>>
        %dma_start3A_527 = tpu.memref_squeeze %dma_start3A_526 : memref<1x1x2x8x128xf32, #tpu.memory_space<hbm>> -> memref<2x8x128xf32, #tpu.memory_space<hbm>>
        %dma_start3A_528 = arith.constant 0 : i32
        %dma_start3A_529 = arith.constant 0 : i32
        %dma_start3A_530 = tpu.memref_slice %arg4[%select_n3A_490, %dma_start3A_518, %mul3A_516, %dma_start3A_528, %dma_start3A_529] : memref<200x8x32x8x128xf32, #tpu.memory_space<hbm>> -> memref<1x1x2x8x128xf32, #tpu.memory_space<hbm>>
        %dma_start3A_531 = tpu.memref_squeeze %dma_start3A_530 : memref<1x1x2x8x128xf32, #tpu.memory_space<hbm>> -> memref<2x8x128xf32, #tpu.memory_space<hbm>>
        %dma_start3A_532 = arith.constant 0 : i32
        %dma_start3A_533 = arith.constant 0 : i32
        %dma_start3A_534 = arith.constant 0 : i32
        %dma_start3A_535 = tpu.memref_slice %arg11[%dma_start3A_517, %dma_start3A_532, %dma_start3A_533, %dma_start3A_534] : memref<8x2x8x128xf32, #tpu.memory_space<vmem>> -> memref<1x2x8x128xf32, #tpu.memory_space<vmem>>
        %dma_start3A_536 = tpu.memref_squeeze %dma_start3A_535 : memref<1x2x8x128xf32, #tpu.memory_space<vmem>> -> memref<2x8x128xf32, #tpu.memory_space<vmem>>
        tpu.enqueue_dma source(%dma_start3A_536 : memref<2x8x128xf32, #tpu.memory_space<vmem>>) target(%dma_start3A_531 : memref<2x8x128xf32, #tpu.memory_space<hbm>>) target_semaphore(%arg17 : memref<!tpu.dma_semaphore, #tpu.memory_space<semaphore_mem>>)
        %mul3A_537 = arith.constant 2 : i32
        %mul3A_538 = arith.muli %rem3A_492, %mul3A_537 : i32
        %dma_start3A_539 = arith.constant 2 : i32
        %dma_start3A_540 = arith.constant 2 : i32
        %dma_start3A_541 = arith.constant 0 : i32
        %dma_start3A_542 = arith.constant 0 : i32
        %dma_start3A_543 = arith.constant 0 : i32
        %dma_start3A_544 = tpu.memref_slice %arg11[%dma_start3A_539, %dma_start3A_541, %dma_start3A_542, %dma_start3A_543] : memref<8x2x8x128xf32, #tpu.memory_space<vmem>> -> memref<1x2x8x128xf32, #tpu.memory_space<vmem>>
        %dma_start3A_545 = tpu.memref_squeeze %dma_start3A_544 : memref<1x2x8x128xf32, #tpu.memory_space<vmem>> -> memref<2x8x128xf32, #tpu.memory_space<vmem>>
        %dma_start3A_546 = arith.constant 0 : i32
        %dma_start3A_547 = arith.constant 0 : i32
        %dma_start3A_548 = tpu.memref_slice %arg4[%select_n3A_490, %dma_start3A_540, %mul3A_538, %dma_start3A_546, %dma_start3A_547] : memref<200x8x32x8x128xf32, #tpu.memory_space<hbm>> -> memref<1x1x2x8x128xf32, #tpu.memory_space<hbm>>
        %dma_start3A_549 = tpu.memref_squeeze %dma_start3A_548 : memref<1x1x2x8x128xf32, #tpu.memory_space<hbm>> -> memref<2x8x128xf32, #tpu.memory_space<hbm>>
        %dma_start3A_550 = arith.constant 0 : i32
        %dma_start3A_551 = arith.constant 0 : i32
        %dma_start3A_552 = tpu.memref_slice %arg4[%select_n3A_490, %dma_start3A_540, %mul3A_538, %dma_start3A_550, %dma_start3A_551] : memref<200x8x32x8x128xf32, #tpu.memory_space<hbm>> -> memref<1x1x2x8x128xf32, #tpu.memory_space<hbm>>
        %dma_start3A_553 = tpu.memref_squeeze %dma_start3A_552 : memref<1x1x2x8x128xf32, #tpu.memory_space<hbm>> -> memref<2x8x128xf32, #tpu.memory_space<hbm>>
        %dma_start3A_554 = arith.constant 0 : i32
        %dma_start3A_555 = arith.constant 0 : i32
        %dma_start3A_556 = arith.constant 0 : i32
        %dma_start3A_557 = tpu.memref_slice %arg11[%dma_start3A_539, %dma_start3A_554, %dma_start3A_555, %dma_start3A_556] : memref<8x2x8x128xf32, #tpu.memory_space<vmem>> -> memref<1x2x8x128xf32, #tpu.memory_space<vmem>>
        %dma_start3A_558 = tpu.memref_squeeze %dma_start3A_557 : memref<1x2x8x128xf32, #tpu.memory_space<vmem>> -> memref<2x8x128xf32, #tpu.memory_space<vmem>>
        tpu.enqueue_dma source(%dma_start3A_558 : memref<2x8x128xf32, #tpu.memory_space<vmem>>) target(%dma_start3A_553 : memref<2x8x128xf32, #tpu.memory_space<hbm>>) target_semaphore(%arg17 : memref<!tpu.dma_semaphore, #tpu.memory_space<semaphore_mem>>)
        %mul3A_559 = arith.constant 2 : i32
        %mul3A_560 = arith.muli %rem3A_492, %mul3A_559 : i32
        %dma_start3A_561 = arith.constant 3 : i32
        %dma_start3A_562 = arith.constant 3 : i32
        %dma_start3A_563 = arith.constant 0 : i32
        %dma_start3A_564 = arith.constant 0 : i32
        %dma_start3A_565 = arith.constant 0 : i32
        %dma_start3A_566 = tpu.memref_slice %arg11[%dma_start3A_561, %dma_start3A_563, %dma_start3A_564, %dma_start3A_565] : memref<8x2x8x128xf32, #tpu.memory_space<vmem>> -> memref<1x2x8x128xf32, #tpu.memory_space<vmem>>
        %dma_start3A_567 = tpu.memref_squeeze %dma_start3A_566 : memref<1x2x8x128xf32, #tpu.memory_space<vmem>> -> memref<2x8x128xf32, #tpu.memory_space<vmem>>
        %dma_start3A_568 = arith.constant 0 : i32
        %dma_start3A_569 = arith.constant 0 : i32
        %dma_start3A_570 = tpu.memref_slice %arg4[%select_n3A_490, %dma_start3A_562, %mul3A_560, %dma_start3A_568, %dma_start3A_569] : memref<200x8x32x8x128xf32, #tpu.memory_space<hbm>> -> memref<1x1x2x8x128xf32, #tpu.memory_space<hbm>>
        %dma_start3A_571 = tpu.memref_squeeze %dma_start3A_570 : memref<1x1x2x8x128xf32, #tpu.memory_space<hbm>> -> memref<2x8x128xf32, #tpu.memory_space<hbm>>
        %dma_start3A_572 = arith.constant 0 : i32
        %dma_start3A_573 = arith.constant 0 : i32
        %dma_start3A_574 = tpu.memref_slice %arg4[%select_n3A_490, %dma_start3A_562, %mul3A_560, %dma_start3A_572, %dma_start3A_573] : memref<200x8x32x8x128xf32, #tpu.memory_space<hbm>> -> memref<1x1x2x8x128xf32, #tpu.memory_space<hbm>>
        %dma_start3A_575 = tpu.memref_squeeze %dma_start3A_574 : memref<1x1x2x8x128xf32, #tpu.memory_space<hbm>> -> memref<2x8x128xf32, #tpu.memory_space<hbm>>
        %dma_start3A_576 = arith.constant 0 : i32
        %dma_start3A_577 = arith.constant 0 : i32
        %dma_start3A_578 = arith.constant 0 : i32
        %dma_start3A_579 = tpu.memref_slice %arg11[%dma_start3A_561, %dma_start3A_576, %dma_start3A_577, %dma_start3A_578] : memref<8x2x8x128xf32, #tpu.memory_space<vmem>> -> memref<1x2x8x128xf32, #tpu.memory_space<vmem>>
        %dma_start3A_580 = tpu.memref_squeeze %dma_start3A_579 : memref<1x2x8x128xf32, #tpu.memory_space<vmem>> -> memref<2x8x128xf32, #tpu.memory_space<vmem>>
        tpu.enqueue_dma source(%dma_start3A_580 : memref<2x8x128xf32, #tpu.memory_space<vmem>>) target(%dma_start3A_575 : memref<2x8x128xf32, #tpu.memory_space<hbm>>) target_semaphore(%arg17 : memref<!tpu.dma_semaphore, #tpu.memory_space<semaphore_mem>>)
        %mul3A_581 = arith.constant 2 : i32
        %mul3A_582 = arith.muli %rem3A_492, %mul3A_581 : i32
        %dma_start3A_583 = arith.constant 4 : i32
        %dma_start3A_584 = arith.constant 4 : i32
        %dma_start3A_585 = arith.constant 0 : i32
        %dma_start3A_586 = arith.constant 0 : i32
        %dma_start3A_587 = arith.constant 0 : i32
        %dma_start3A_588 = tpu.memref_slice %arg11[%dma_start3A_583, %dma_start3A_585, %dma_start3A_586, %dma_start3A_587] : memref<8x2x8x128xf32, #tpu.memory_space<vmem>> -> memref<1x2x8x128xf32, #tpu.memory_space<vmem>>
        %dma_start3A_589 = tpu.memref_squeeze %dma_start3A_588 : memref<1x2x8x128xf32, #tpu.memory_space<vmem>> -> memref<2x8x128xf32, #tpu.memory_space<vmem>>
        %dma_start3A_590 = arith.constant 0 : i32
        %dma_start3A_591 = arith.constant 0 : i32
        %dma_start3A_592 = tpu.memref_slice %arg4[%select_n3A_490, %dma_start3A_584, %mul3A_582, %dma_start3A_590, %dma_start3A_591] : memref<200x8x32x8x128xf32, #tpu.memory_space<hbm>> -> memref<1x1x2x8x128xf32, #tpu.memory_space<hbm>>
        %dma_start3A_593 = tpu.memref_squeeze %dma_start3A_592 : memref<1x1x2x8x128xf32, #tpu.memory_space<hbm>> -> memref<2x8x128xf32, #tpu.memory_space<hbm>>
        %dma_start3A_594 = arith.constant 0 : i32
        %dma_start3A_595 = arith.constant 0 : i32
        %dma_start3A_596 = tpu.memref_slice %arg4[%select_n3A_490, %dma_start3A_584, %mul3A_582, %dma_start3A_594, %dma_start3A_595] : memref<200x8x32x8x128xf32, #tpu.memory_space<hbm>> -> memref<1x1x2x8x128xf32, #tpu.memory_space<hbm>>
        %dma_start3A_597 = tpu.memref_squeeze %dma_start3A_596 : memref<1x1x2x8x128xf32, #tpu.memory_space<hbm>> -> memref<2x8x128xf32, #tpu.memory_space<hbm>>
        %dma_start3A_598 = arith.constant 0 : i32
        %dma_start3A_599 = arith.constant 0 : i32
        %dma_start3A_600 = arith.constant 0 : i32
        %dma_start3A_601 = tpu.memref_slice %arg11[%dma_start3A_583, %dma_start3A_598, %dma_start3A_599, %dma_start3A_600] : memref<8x2x8x128xf32, #tpu.memory_space<vmem>> -> memref<1x2x8x128xf32, #tpu.memory_space<vmem>>
        %dma_start3A_602 = tpu.memref_squeeze %dma_start3A_601 : memref<1x2x8x128xf32, #tpu.memory_space<vmem>> -> memref<2x8x128xf32, #tpu.memory_space<vmem>>
        tpu.enqueue_dma source(%dma_start3A_602 : memref<2x8x128xf32, #tpu.memory_space<vmem>>) target(%dma_start3A_597 : memref<2x8x128xf32, #tpu.memory_space<hbm>>) target_semaphore(%arg17 : memref<!tpu.dma_semaphore, #tpu.memory_space<semaphore_mem>>)
        %mul3A_603 = arith.constant 2 : i32
        %mul3A_604 = arith.muli %rem3A_492, %mul3A_603 : i32
        %dma_start3A_605 = arith.constant 5 : i32
        %dma_start3A_606 = arith.constant 5 : i32
        %dma_start3A_607 = arith.constant 0 : i32
        %dma_start3A_608 = arith.constant 0 : i32
        %dma_start3A_609 = arith.constant 0 : i32
        %dma_start3A_610 = tpu.memref_slice %arg11[%dma_start3A_605, %dma_start3A_607, %dma_start3A_608, %dma_start3A_609] : memref<8x2x8x128xf32, #tpu.memory_space<vmem>> -> memref<1x2x8x128xf32, #tpu.memory_space<vmem>>
        %dma_start3A_611 = tpu.memref_squeeze %dma_start3A_610 : memref<1x2x8x128xf32, #tpu.memory_space<vmem>> -> memref<2x8x128xf32, #tpu.memory_space<vmem>>
        %dma_start3A_612 = arith.constant 0 : i32
        %dma_start3A_613 = arith.constant 0 : i32
        %dma_start3A_614 = tpu.memref_slice %arg4[%select_n3A_490, %dma_start3A_606, %mul3A_604, %dma_start3A_612, %dma_start3A_613] : memref<200x8x32x8x128xf32, #tpu.memory_space<hbm>> -> memref<1x1x2x8x128xf32, #tpu.memory_space<hbm>>
        %dma_start3A_615 = tpu.memref_squeeze %dma_start3A_614 : memref<1x1x2x8x128xf32, #tpu.memory_space<hbm>> -> memref<2x8x128xf32, #tpu.memory_space<hbm>>
        %dma_start3A_616 = arith.constant 0 : i32
        %dma_start3A_617 = arith.constant 0 : i32
        %dma_start3A_618 = tpu.memref_slice %arg4[%select_n3A_490, %dma_start3A_606, %mul3A_604, %dma_start3A_616, %dma_start3A_617] : memref<200x8x32x8x128xf32, #tpu.memory_space<hbm>> -> memref<1x1x2x8x128xf32, #tpu.memory_space<hbm>>
        %dma_start3A_619 = tpu.memref_squeeze %dma_start3A_618 : memref<1x1x2x8x128xf32, #tpu.memory_space<hbm>> -> memref<2x8x128xf32, #tpu.memory_space<hbm>>
        %dma_start3A_620 = arith.constant 0 : i32
        %dma_start3A_621 = arith.constant 0 : i32
        %dma_start3A_622 = arith.constant 0 : i32
        %dma_start3A_623 = tpu.memref_slice %arg11[%dma_start3A_605, %dma_start3A_620, %dma_start3A_621, %dma_start3A_622] : memref<8x2x8x128xf32, #tpu.memory_space<vmem>> -> memref<1x2x8x128xf32, #tpu.memory_space<vmem>>
        %dma_start3A_624 = tpu.memref_squeeze %dma_start3A_623 : memref<1x2x8x128xf32, #tpu.memory_space<vmem>> -> memref<2x8x128xf32, #tpu.memory_space<vmem>>
        tpu.enqueue_dma source(%dma_start3A_624 : memref<2x8x128xf32, #tpu.memory_space<vmem>>) target(%dma_start3A_619 : memref<2x8x128xf32, #tpu.memory_space<hbm>>) target_semaphore(%arg17 : memref<!tpu.dma_semaphore, #tpu.memory_space<semaphore_mem>>)
        %mul3A_625 = arith.constant 2 : i32
        %mul3A_626 = arith.muli %rem3A_492, %mul3A_625 : i32
        %dma_start3A_627 = arith.constant 6 : i32
        %dma_start3A_628 = arith.constant 6 : i32
        %dma_start3A_629 = arith.constant 0 : i32
        %dma_start3A_630 = arith.constant 0 : i32
        %dma_start3A_631 = arith.constant 0 : i32
        %dma_start3A_632 = tpu.memref_slice %arg11[%dma_start3A_627, %dma_start3A_629, %dma_start3A_630, %dma_start3A_631] : memref<8x2x8x128xf32, #tpu.memory_space<vmem>> -> memref<1x2x8x128xf32, #tpu.memory_space<vmem>>
        %dma_start3A_633 = tpu.memref_squeeze %dma_start3A_632 : memref<1x2x8x128xf32, #tpu.memory_space<vmem>> -> memref<2x8x128xf32, #tpu.memory_space<vmem>>
        %dma_start3A_634 = arith.constant 0 : i32
        %dma_start3A_635 = arith.constant 0 : i32
        %dma_start3A_636 = tpu.memref_slice %arg4[%select_n3A_490, %dma_start3A_628, %mul3A_626, %dma_start3A_634, %dma_start3A_635] : memref<200x8x32x8x128xf32, #tpu.memory_space<hbm>> -> memref<1x1x2x8x128xf32, #tpu.memory_space<hbm>>
        %dma_start3A_637 = tpu.memref_squeeze %dma_start3A_636 : memref<1x1x2x8x128xf32, #tpu.memory_space<hbm>> -> memref<2x8x128xf32, #tpu.memory_space<hbm>>
        %dma_start3A_638 = arith.constant 0 : i32
        %dma_start3A_639 = arith.constant 0 : i32
        %dma_start3A_640 = tpu.memref_slice %arg4[%select_n3A_490, %dma_start3A_628, %mul3A_626, %dma_start3A_638, %dma_start3A_639] : memref<200x8x32x8x128xf32, #tpu.memory_space<hbm>> -> memref<1x1x2x8x128xf32, #tpu.memory_space<hbm>>
        %dma_start3A_641 = tpu.memref_squeeze %dma_start3A_640 : memref<1x1x2x8x128xf32, #tpu.memory_space<hbm>> -> memref<2x8x128xf32, #tpu.memory_space<hbm>>
        %dma_start3A_642 = arith.constant 0 : i32
        %dma_start3A_643 = arith.constant 0 : i32
        %dma_start3A_644 = arith.constant 0 : i32
        %dma_start3A_645 = tpu.memref_slice %arg11[%dma_start3A_627, %dma_start3A_642, %dma_start3A_643, %dma_start3A_644] : memref<8x2x8x128xf32, #tpu.memory_space<vmem>> -> memref<1x2x8x128xf32, #tpu.memory_space<vmem>>
        %dma_start3A_646 = tpu.memref_squeeze %dma_start3A_645 : memref<1x2x8x128xf32, #tpu.memory_space<vmem>> -> memref<2x8x128xf32, #tpu.memory_space<vmem>>
        tpu.enqueue_dma source(%dma_start3A_646 : memref<2x8x128xf32, #tpu.memory_space<vmem>>) target(%dma_start3A_641 : memref<2x8x128xf32, #tpu.memory_space<hbm>>) target_semaphore(%arg17 : memref<!tpu.dma_semaphore, #tpu.memory_space<semaphore_mem>>)
        %mul3A_647 = arith.constant 2 : i32
        %mul3A_648 = arith.muli %rem3A_492, %mul3A_647 : i32
        %dma_start3A_649 = arith.constant 7 : i32
        %dma_start3A_650 = arith.constant 7 : i32
        %dma_start3A_651 = arith.constant 0 : i32
        %dma_start3A_652 = arith.constant 0 : i32
        %dma_start3A_653 = arith.constant 0 : i32
        %dma_start3A_654 = tpu.memref_slice %arg11[%dma_start3A_649, %dma_start3A_651, %dma_start3A_652, %dma_start3A_653] : memref<8x2x8x128xf32, #tpu.memory_space<vmem>> -> memref<1x2x8x128xf32, #tpu.memory_space<vmem>>
        %dma_start3A_655 = tpu.memref_squeeze %dma_start3A_654 : memref<1x2x8x128xf32, #tpu.memory_space<vmem>> -> memref<2x8x128xf32, #tpu.memory_space<vmem>>
        %dma_start3A_656 = arith.constant 0 : i32
        %dma_start3A_657 = arith.constant 0 : i32
        %dma_start3A_658 = tpu.memref_slice %arg4[%select_n3A_490, %dma_start3A_650, %mul3A_648, %dma_start3A_656, %dma_start3A_657] : memref<200x8x32x8x128xf32, #tpu.memory_space<hbm>> -> memref<1x1x2x8x128xf32, #tpu.memory_space<hbm>>
        %dma_start3A_659 = tpu.memref_squeeze %dma_start3A_658 : memref<1x1x2x8x128xf32, #tpu.memory_space<hbm>> -> memref<2x8x128xf32, #tpu.memory_space<hbm>>
        %dma_start3A_660 = arith.constant 0 : i32
        %dma_start3A_661 = arith.constant 0 : i32
        %dma_start3A_662 = tpu.memref_slice %arg4[%select_n3A_490, %dma_start3A_650, %mul3A_648, %dma_start3A_660, %dma_start3A_661] : memref<200x8x32x8x128xf32, #tpu.memory_space<hbm>> -> memref<1x1x2x8x128xf32, #tpu.memory_space<hbm>>
        %dma_start3A_663 = tpu.memref_squeeze %dma_start3A_662 : memref<1x1x2x8x128xf32, #tpu.memory_space<hbm>> -> memref<2x8x128xf32, #tpu.memory_space<hbm>>
        %dma_start3A_664 = arith.constant 0 : i32
        %dma_start3A_665 = arith.constant 0 : i32
        %dma_start3A_666 = arith.constant 0 : i32
        %dma_start3A_667 = tpu.memref_slice %arg11[%dma_start3A_649, %dma_start3A_664, %dma_start3A_665, %dma_start3A_666] : memref<8x2x8x128xf32, #tpu.memory_space<vmem>> -> memref<1x2x8x128xf32, #tpu.memory_space<vmem>>
        %dma_start3A_668 = tpu.memref_squeeze %dma_start3A_667 : memref<1x2x8x128xf32, #tpu.memory_space<vmem>> -> memref<2x8x128xf32, #tpu.memory_space<vmem>>
        tpu.enqueue_dma source(%dma_start3A_668 : memref<2x8x128xf32, #tpu.memory_space<vmem>>) target(%dma_start3A_663 : memref<2x8x128xf32, #tpu.memory_space<hbm>>) target_semaphore(%arg17 : memref<!tpu.dma_semaphore, #tpu.memory_space<semaphore_mem>>)
      } else {
      }
    }
    %scan3A_63 = arith.constant 100 : i32
    %dma_wait3A = arith.constant 0 : i32
    %dma_wait3A_64 = arith.constant 0 : i32
    %dma_wait3A_65 = arith.constant 0 : i32
    %dma_wait3A_66 = arith.constant 0 : i32
    %dma_wait3A_67 = arith.constant 0 : i32
    %dma_wait3A_68 = arith.constant 0 : i32
    %dma_wait3A_69 = tpu.memref_slice %arg10[%dma_wait3A, %dma_wait3A_66, %dma_wait3A_67, %dma_wait3A_68] : memref<8x2x8x128xf32, #tpu.memory_space<vmem>> -> memref<1x2x8x128xf32, #tpu.memory_space<vmem>>
    %dma_wait3A_70 = tpu.memref_squeeze %dma_wait3A_69 : memref<1x2x8x128xf32, #tpu.memory_space<vmem>> -> memref<2x8x128xf32, #tpu.memory_space<vmem>>
    %dma_wait3A_71 = arith.constant 0 : i32
    %dma_wait3A_72 = arith.constant 0 : i32
    %dma_wait3A_73 = arith.constant 0 : i32
    %dma_wait3A_74 = tpu.memref_slice %arg4[%dma_wait3A_64, %dma_wait3A_65, %dma_wait3A_71, %dma_wait3A_72, %dma_wait3A_73] : memref<200x8x32x8x128xf32, #tpu.memory_space<hbm>> -> memref<1x1x2x8x128xf32, #tpu.memory_space<hbm>>
    %dma_wait3A_75 = tpu.memref_squeeze %dma_wait3A_74 : memref<1x1x2x8x128xf32, #tpu.memory_space<hbm>> -> memref<2x8x128xf32, #tpu.memory_space<hbm>>
    %dma_wait3A_76 = arith.constant 0 : i32
    %dma_wait3A_77 = arith.constant 0 : i32
    %dma_wait3A_78 = arith.constant 0 : i32
    %dma_wait3A_79 = tpu.memref_slice %arg4[%dma_wait3A_64, %dma_wait3A_65, %dma_wait3A_76, %dma_wait3A_77, %dma_wait3A_78] : memref<200x8x32x8x128xf32, #tpu.memory_space<hbm>> -> memref<1x1x2x8x128xf32, #tpu.memory_space<hbm>>
    %dma_wait3A_80 = tpu.memref_squeeze %dma_wait3A_79 : memref<1x1x2x8x128xf32, #tpu.memory_space<hbm>> -> memref<2x8x128xf32, #tpu.memory_space<hbm>>
    %dma_wait3A_81 = arith.constant 0 : i32
    %dma_wait3A_82 = arith.constant 0 : i32
    %dma_wait3A_83 = arith.constant 0 : i32
    %dma_wait3A_84 = tpu.memref_slice %arg10[%dma_wait3A, %dma_wait3A_81, %dma_wait3A_82, %dma_wait3A_83] : memref<8x2x8x128xf32, #tpu.memory_space<vmem>> -> memref<1x2x8x128xf32, #tpu.memory_space<vmem>>
    %dma_wait3A_85 = tpu.memref_squeeze %dma_wait3A_84 : memref<1x2x8x128xf32, #tpu.memory_space<vmem>> -> memref<2x8x128xf32, #tpu.memory_space<vmem>>
    tpu.wait_dma2 semaphore(%arg16 : memref<!tpu.dma_semaphore, #tpu.memory_space<semaphore_mem>>) src(%dma_wait3A_85 : memref<2x8x128xf32, #tpu.memory_space<vmem>>) dst(%dma_wait3A_80 : memref<2x8x128xf32, #tpu.memory_space<hbm>>)
    %dma_wait3A_86 = arith.constant 1 : i32
    %dma_wait3A_87 = arith.constant 0 : i32
    %dma_wait3A_88 = arith.constant 1 : i32
    %dma_wait3A_89 = arith.constant 0 : i32
    %dma_wait3A_90 = arith.constant 0 : i32
    %dma_wait3A_91 = arith.constant 0 : i32
    %dma_wait3A_92 = tpu.memref_slice %arg10[%dma_wait3A_86, %dma_wait3A_89, %dma_wait3A_90, %dma_wait3A_91] : memref<8x2x8x128xf32, #tpu.memory_space<vmem>> -> memref<1x2x8x128xf32, #tpu.memory_space<vmem>>
    %dma_wait3A_93 = tpu.memref_squeeze %dma_wait3A_92 : memref<1x2x8x128xf32, #tpu.memory_space<vmem>> -> memref<2x8x128xf32, #tpu.memory_space<vmem>>
    %dma_wait3A_94 = arith.constant 0 : i32
    %dma_wait3A_95 = arith.constant 0 : i32
    %dma_wait3A_96 = arith.constant 0 : i32
    %dma_wait3A_97 = tpu.memref_slice %arg4[%dma_wait3A_87, %dma_wait3A_88, %dma_wait3A_94, %dma_wait3A_95, %dma_wait3A_96] : memref<200x8x32x8x128xf32, #tpu.memory_space<hbm>> -> memref<1x1x2x8x128xf32, #tpu.memory_space<hbm>>
    %dma_wait3A_98 = tpu.memref_squeeze %dma_wait3A_97 : memref<1x1x2x8x128xf32, #tpu.memory_space<hbm>> -> memref<2x8x128xf32, #tpu.memory_space<hbm>>
    %dma_wait3A_99 = arith.constant 0 : i32
    %dma_wait3A_100 = arith.constant 0 : i32
    %dma_wait3A_101 = arith.constant 0 : i32
    %dma_wait3A_102 = tpu.memref_slice %arg4[%dma_wait3A_87, %dma_wait3A_88, %dma_wait3A_99, %dma_wait3A_100, %dma_wait3A_101] : memref<200x8x32x8x128xf32, #tpu.memory_space<hbm>> -> memref<1x1x2x8x128xf32, #tpu.memory_space<hbm>>
    %dma_wait3A_103 = tpu.memref_squeeze %dma_wait3A_102 : memref<1x1x2x8x128xf32, #tpu.memory_space<hbm>> -> memref<2x8x128xf32, #tpu.memory_space<hbm>>
    %dma_wait3A_104 = arith.constant 0 : i32
    %dma_wait3A_105 = arith.constant 0 : i32
    %dma_wait3A_106 = arith.constant 0 : i32
    %dma_wait3A_107 = tpu.memref_slice %arg10[%dma_wait3A_86, %dma_wait3A_104, %dma_wait3A_105, %dma_wait3A_106] : memref<8x2x8x128xf32, #tpu.memory_space<vmem>> -> memref<1x2x8x128xf32, #tpu.memory_space<vmem>>
    %dma_wait3A_108 = tpu.memref_squeeze %dma_wait3A_107 : memref<1x2x8x128xf32, #tpu.memory_space<vmem>> -> memref<2x8x128xf32, #tpu.memory_space<vmem>>
    tpu.wait_dma2 semaphore(%arg16 : memref<!tpu.dma_semaphore, #tpu.memory_space<semaphore_mem>>) src(%dma_wait3A_108 : memref<2x8x128xf32, #tpu.memory_space<vmem>>) dst(%dma_wait3A_103 : memref<2x8x128xf32, #tpu.memory_space<hbm>>)
    %dma_wait3A_109 = arith.constant 2 : i32
    %dma_wait3A_110 = arith.constant 0 : i32
    %dma_wait3A_111 = arith.constant 2 : i32
    %dma_wait3A_112 = arith.constant 0 : i32
    %dma_wait3A_113 = arith.constant 0 : i32
    %dma_wait3A_114 = arith.constant 0 : i32
    %dma_wait3A_115 = tpu.memref_slice %arg10[%dma_wait3A_109, %dma_wait3A_112, %dma_wait3A_113, %dma_wait3A_114] : memref<8x2x8x128xf32, #tpu.memory_space<vmem>> -> memref<1x2x8x128xf32, #tpu.memory_space<vmem>>
    %dma_wait3A_116 = tpu.memref_squeeze %dma_wait3A_115 : memref<1x2x8x128xf32, #tpu.memory_space<vmem>> -> memref<2x8x128xf32, #tpu.memory_space<vmem>>
    %dma_wait3A_117 = arith.constant 0 : i32
    %dma_wait3A_118 = arith.constant 0 : i32
    %dma_wait3A_119 = arith.constant 0 : i32
    %dma_wait3A_120 = tpu.memref_slice %arg4[%dma_wait3A_110, %dma_wait3A_111, %dma_wait3A_117, %dma_wait3A_118, %dma_wait3A_119] : memref<200x8x32x8x128xf32, #tpu.memory_space<hbm>> -> memref<1x1x2x8x128xf32, #tpu.memory_space<hbm>>
    %dma_wait3A_121 = tpu.memref_squeeze %dma_wait3A_120 : memref<1x1x2x8x128xf32, #tpu.memory_space<hbm>> -> memref<2x8x128xf32, #tpu.memory_space<hbm>>
    %dma_wait3A_122 = arith.constant 0 : i32
    %dma_wait3A_123 = arith.constant 0 : i32
    %dma_wait3A_124 = arith.constant 0 : i32
    %dma_wait3A_125 = tpu.memref_slice %arg4[%dma_wait3A_110, %dma_wait3A_111, %dma_wait3A_122, %dma_wait3A_123, %dma_wait3A_124] : memref<200x8x32x8x128xf32, #tpu.memory_space<hbm>> -> memref<1x1x2x8x128xf32, #tpu.memory_space<hbm>>
    %dma_wait3A_126 = tpu.memref_squeeze %dma_wait3A_125 : memref<1x1x2x8x128xf32, #tpu.memory_space<hbm>> -> memref<2x8x128xf32, #tpu.memory_space<hbm>>
    %dma_wait3A_127 = arith.constant 0 : i32
    %dma_wait3A_128 = arith.constant 0 : i32
    %dma_wait3A_129 = arith.constant 0 : i32
    %dma_wait3A_130 = tpu.memref_slice %arg10[%dma_wait3A_109, %dma_wait3A_127, %dma_wait3A_128, %dma_wait3A_129] : memref<8x2x8x128xf32, #tpu.memory_space<vmem>> -> memref<1x2x8x128xf32, #tpu.memory_space<vmem>>
    %dma_wait3A_131 = tpu.memref_squeeze %dma_wait3A_130 : memref<1x2x8x128xf32, #tpu.memory_space<vmem>> -> memref<2x8x128xf32, #tpu.memory_space<vmem>>
    tpu.wait_dma2 semaphore(%arg16 : memref<!tpu.dma_semaphore, #tpu.memory_space<semaphore_mem>>) src(%dma_wait3A_131 : memref<2x8x128xf32, #tpu.memory_space<vmem>>) dst(%dma_wait3A_126 : memref<2x8x128xf32, #tpu.memory_space<hbm>>)
    %dma_wait3A_132 = arith.constant 3 : i32
    %dma_wait3A_133 = arith.constant 0 : i32
    %dma_wait3A_134 = arith.constant 3 : i32
    %dma_wait3A_135 = arith.constant 0 : i32
    %dma_wait3A_136 = arith.constant 0 : i32
    %dma_wait3A_137 = arith.constant 0 : i32
    %dma_wait3A_138 = tpu.memref_slice %arg10[%dma_wait3A_132, %dma_wait3A_135, %dma_wait3A_136, %dma_wait3A_137] : memref<8x2x8x128xf32, #tpu.memory_space<vmem>> -> memref<1x2x8x128xf32, #tpu.memory_space<vmem>>
    %dma_wait3A_139 = tpu.memref_squeeze %dma_wait3A_138 : memref<1x2x8x128xf32, #tpu.memory_space<vmem>> -> memref<2x8x128xf32, #tpu.memory_space<vmem>>
    %dma_wait3A_140 = arith.constant 0 : i32
    %dma_wait3A_141 = arith.constant 0 : i32
    %dma_wait3A_142 = arith.constant 0 : i32
    %dma_wait3A_143 = tpu.memref_slice %arg4[%dma_wait3A_133, %dma_wait3A_134, %dma_wait3A_140, %dma_wait3A_141, %dma_wait3A_142] : memref<200x8x32x8x128xf32, #tpu.memory_space<hbm>> -> memref<1x1x2x8x128xf32, #tpu.memory_space<hbm>>
    %dma_wait3A_144 = tpu.memref_squeeze %dma_wait3A_143 : memref<1x1x2x8x128xf32, #tpu.memory_space<hbm>> -> memref<2x8x128xf32, #tpu.memory_space<hbm>>
    %dma_wait3A_145 = arith.constant 0 : i32
    %dma_wait3A_146 = arith.constant 0 : i32
    %dma_wait3A_147 = arith.constant 0 : i32
    %dma_wait3A_148 = tpu.memref_slice %arg4[%dma_wait3A_133, %dma_wait3A_134, %dma_wait3A_145, %dma_wait3A_146, %dma_wait3A_147] : memref<200x8x32x8x128xf32, #tpu.memory_space<hbm>> -> memref<1x1x2x8x128xf32, #tpu.memory_space<hbm>>
    %dma_wait3A_149 = tpu.memref_squeeze %dma_wait3A_148 : memref<1x1x2x8x128xf32, #tpu.memory_space<hbm>> -> memref<2x8x128xf32, #tpu.memory_space<hbm>>
    %dma_wait3A_150 = arith.constant 0 : i32
    %dma_wait3A_151 = arith.constant 0 : i32
    %dma_wait3A_152 = arith.constant 0 : i32
    %dma_wait3A_153 = tpu.memref_slice %arg10[%dma_wait3A_132, %dma_wait3A_150, %dma_wait3A_151, %dma_wait3A_152] : memref<8x2x8x128xf32, #tpu.memory_space<vmem>> -> memref<1x2x8x128xf32, #tpu.memory_space<vmem>>
    %dma_wait3A_154 = tpu.memref_squeeze %dma_wait3A_153 : memref<1x2x8x128xf32, #tpu.memory_space<vmem>> -> memref<2x8x128xf32, #tpu.memory_space<vmem>>
    tpu.wait_dma2 semaphore(%arg16 : memref<!tpu.dma_semaphore, #tpu.memory_space<semaphore_mem>>) src(%dma_wait3A_154 : memref<2x8x128xf32, #tpu.memory_space<vmem>>) dst(%dma_wait3A_149 : memref<2x8x128xf32, #tpu.memory_space<hbm>>)
    %dma_wait3A_155 = arith.constant 4 : i32
    %dma_wait3A_156 = arith.constant 0 : i32
    %dma_wait3A_157 = arith.constant 4 : i32
    %dma_wait3A_158 = arith.constant 0 : i32
    %dma_wait3A_159 = arith.constant 0 : i32
    %dma_wait3A_160 = arith.constant 0 : i32
    %dma_wait3A_161 = tpu.memref_slice %arg10[%dma_wait3A_155, %dma_wait3A_158, %dma_wait3A_159, %dma_wait3A_160] : memref<8x2x8x128xf32, #tpu.memory_space<vmem>> -> memref<1x2x8x128xf32, #tpu.memory_space<vmem>>
    %dma_wait3A_162 = tpu.memref_squeeze %dma_wait3A_161 : memref<1x2x8x128xf32, #tpu.memory_space<vmem>> -> memref<2x8x128xf32, #tpu.memory_space<vmem>>
    %dma_wait3A_163 = arith.constant 0 : i32
    %dma_wait3A_164 = arith.constant 0 : i32
    %dma_wait3A_165 = arith.constant 0 : i32
    %dma_wait3A_166 = tpu.memref_slice %arg4[%dma_wait3A_156, %dma_wait3A_157, %dma_wait3A_163, %dma_wait3A_164, %dma_wait3A_165] : memref<200x8x32x8x128xf32, #tpu.memory_space<hbm>> -> memref<1x1x2x8x128xf32, #tpu.memory_space<hbm>>
    %dma_wait3A_167 = tpu.memref_squeeze %dma_wait3A_166 : memref<1x1x2x8x128xf32, #tpu.memory_space<hbm>> -> memref<2x8x128xf32, #tpu.memory_space<hbm>>
    %dma_wait3A_168 = arith.constant 0 : i32
    %dma_wait3A_169 = arith.constant 0 : i32
    %dma_wait3A_170 = arith.constant 0 : i32
    %dma_wait3A_171 = tpu.memref_slice %arg4[%dma_wait3A_156, %dma_wait3A_157, %dma_wait3A_168, %dma_wait3A_169, %dma_wait3A_170] : memref<200x8x32x8x128xf32, #tpu.memory_space<hbm>> -> memref<1x1x2x8x128xf32, #tpu.memory_space<hbm>>
    %dma_wait3A_172 = tpu.memref_squeeze %dma_wait3A_171 : memref<1x1x2x8x128xf32, #tpu.memory_space<hbm>> -> memref<2x8x128xf32, #tpu.memory_space<hbm>>
    %dma_wait3A_173 = arith.constant 0 : i32
    %dma_wait3A_174 = arith.constant 0 : i32
    %dma_wait3A_175 = arith.constant 0 : i32
    %dma_wait3A_176 = tpu.memref_slice %arg10[%dma_wait3A_155, %dma_wait3A_173, %dma_wait3A_174, %dma_wait3A_175] : memref<8x2x8x128xf32, #tpu.memory_space<vmem>> -> memref<1x2x8x128xf32, #tpu.memory_space<vmem>>
    %dma_wait3A_177 = tpu.memref_squeeze %dma_wait3A_176 : memref<1x2x8x128xf32, #tpu.memory_space<vmem>> -> memref<2x8x128xf32, #tpu.memory_space<vmem>>
    tpu.wait_dma2 semaphore(%arg16 : memref<!tpu.dma_semaphore, #tpu.memory_space<semaphore_mem>>) src(%dma_wait3A_177 : memref<2x8x128xf32, #tpu.memory_space<vmem>>) dst(%dma_wait3A_172 : memref<2x8x128xf32, #tpu.memory_space<hbm>>)
    %dma_wait3A_178 = arith.constant 5 : i32
    %dma_wait3A_179 = arith.constant 0 : i32
    %dma_wait3A_180 = arith.constant 5 : i32
    %dma_wait3A_181 = arith.constant 0 : i32
    %dma_wait3A_182 = arith.constant 0 : i32
    %dma_wait3A_183 = arith.constant 0 : i32
    %dma_wait3A_184 = tpu.memref_slice %arg10[%dma_wait3A_178, %dma_wait3A_181, %dma_wait3A_182, %dma_wait3A_183] : memref<8x2x8x128xf32, #tpu.memory_space<vmem>> -> memref<1x2x8x128xf32, #tpu.memory_space<vmem>>
    %dma_wait3A_185 = tpu.memref_squeeze %dma_wait3A_184 : memref<1x2x8x128xf32, #tpu.memory_space<vmem>> -> memref<2x8x128xf32, #tpu.memory_space<vmem>>
    %dma_wait3A_186 = arith.constant 0 : i32
    %dma_wait3A_187 = arith.constant 0 : i32
    %dma_wait3A_188 = arith.constant 0 : i32
    %dma_wait3A_189 = tpu.memref_slice %arg4[%dma_wait3A_179, %dma_wait3A_180, %dma_wait3A_186, %dma_wait3A_187, %dma_wait3A_188] : memref<200x8x32x8x128xf32, #tpu.memory_space<hbm>> -> memref<1x1x2x8x128xf32, #tpu.memory_space<hbm>>
    %dma_wait3A_190 = tpu.memref_squeeze %dma_wait3A_189 : memref<1x1x2x8x128xf32, #tpu.memory_space<hbm>> -> memref<2x8x128xf32, #tpu.memory_space<hbm>>
    %dma_wait3A_191 = arith.constant 0 : i32
    %dma_wait3A_192 = arith.constant 0 : i32
    %dma_wait3A_193 = arith.constant 0 : i32
    %dma_wait3A_194 = tpu.memref_slice %arg4[%dma_wait3A_179, %dma_wait3A_180, %dma_wait3A_191, %dma_wait3A_192, %dma_wait3A_193] : memref<200x8x32x8x128xf32, #tpu.memory_space<hbm>> -> memref<1x1x2x8x128xf32, #tpu.memory_space<hbm>>
    %dma_wait3A_195 = tpu.memref_squeeze %dma_wait3A_194 : memref<1x1x2x8x128xf32, #tpu.memory_space<hbm>> -> memref<2x8x128xf32, #tpu.memory_space<hbm>>
    %dma_wait3A_196 = arith.constant 0 : i32
    %dma_wait3A_197 = arith.constant 0 : i32
    %dma_wait3A_198 = arith.constant 0 : i32
    %dma_wait3A_199 = tpu.memref_slice %arg10[%dma_wait3A_178, %dma_wait3A_196, %dma_wait3A_197, %dma_wait3A_198] : memref<8x2x8x128xf32, #tpu.memory_space<vmem>> -> memref<1x2x8x128xf32, #tpu.memory_space<vmem>>
    %dma_wait3A_200 = tpu.memref_squeeze %dma_wait3A_199 : memref<1x2x8x128xf32, #tpu.memory_space<vmem>> -> memref<2x8x128xf32, #tpu.memory_space<vmem>>
    tpu.wait_dma2 semaphore(%arg16 : memref<!tpu.dma_semaphore, #tpu.memory_space<semaphore_mem>>) src(%dma_wait3A_200 : memref<2x8x128xf32, #tpu.memory_space<vmem>>) dst(%dma_wait3A_195 : memref<2x8x128xf32, #tpu.memory_space<hbm>>)
    %dma_wait3A_201 = arith.constant 6 : i32
    %dma_wait3A_202 = arith.constant 0 : i32
    %dma_wait3A_203 = arith.constant 6 : i32
    %dma_wait3A_204 = arith.constant 0 : i32
    %dma_wait3A_205 = arith.constant 0 : i32
    %dma_wait3A_206 = arith.constant 0 : i32
    %dma_wait3A_207 = tpu.memref_slice %arg10[%dma_wait3A_201, %dma_wait3A_204, %dma_wait3A_205, %dma_wait3A_206] : memref<8x2x8x128xf32, #tpu.memory_space<vmem>> -> memref<1x2x8x128xf32, #tpu.memory_space<vmem>>
    %dma_wait3A_208 = tpu.memref_squeeze %dma_wait3A_207 : memref<1x2x8x128xf32, #tpu.memory_space<vmem>> -> memref<2x8x128xf32, #tpu.memory_space<vmem>>
    %dma_wait3A_209 = arith.constant 0 : i32
    %dma_wait3A_210 = arith.constant 0 : i32
    %dma_wait3A_211 = arith.constant 0 : i32
    %dma_wait3A_212 = tpu.memref_slice %arg4[%dma_wait3A_202, %dma_wait3A_203, %dma_wait3A_209, %dma_wait3A_210, %dma_wait3A_211] : memref<200x8x32x8x128xf32, #tpu.memory_space<hbm>> -> memref<1x1x2x8x128xf32, #tpu.memory_space<hbm>>
    %dma_wait3A_213 = tpu.memref_squeeze %dma_wait3A_212 : memref<1x1x2x8x128xf32, #tpu.memory_space<hbm>> -> memref<2x8x128xf32, #tpu.memory_space<hbm>>
    %dma_wait3A_214 = arith.constant 0 : i32
    %dma_wait3A_215 = arith.constant 0 : i32
    %dma_wait3A_216 = arith.constant 0 : i32
    %dma_wait3A_217 = tpu.memref_slice %arg4[%dma_wait3A_202, %dma_wait3A_203, %dma_wait3A_214, %dma_wait3A_215, %dma_wait3A_216] : memref<200x8x32x8x128xf32, #tpu.memory_space<hbm>> -> memref<1x1x2x8x128xf32, #tpu.memory_space<hbm>>
    %dma_wait3A_218 = tpu.memref_squeeze %dma_wait3A_217 : memref<1x1x2x8x128xf32, #tpu.memory_space<hbm>> -> memref<2x8x128xf32, #tpu.memory_space<hbm>>
    %dma_wait3A_219 = arith.constant 0 : i32
    %dma_wait3A_220 = arith.constant 0 : i32
    %dma_wait3A_221 = arith.constant 0 : i32
    %dma_wait3A_222 = tpu.memref_slice %arg10[%dma_wait3A_201, %dma_wait3A_219, %dma_wait3A_220, %dma_wait3A_221] : memref<8x2x8x128xf32, #tpu.memory_space<vmem>> -> memref<1x2x8x128xf32, #tpu.memory_space<vmem>>
    %dma_wait3A_223 = tpu.memref_squeeze %dma_wait3A_222 : memref<1x2x8x128xf32, #tpu.memory_space<vmem>> -> memref<2x8x128xf32, #tpu.memory_space<vmem>>
    tpu.wait_dma2 semaphore(%arg16 : memref<!tpu.dma_semaphore, #tpu.memory_space<semaphore_mem>>) src(%dma_wait3A_223 : memref<2x8x128xf32, #tpu.memory_space<vmem>>) dst(%dma_wait3A_218 : memref<2x8x128xf32, #tpu.memory_space<hbm>>)
    %dma_wait3A_224 = arith.constant 7 : i32
    %dma_wait3A_225 = arith.constant 0 : i32
    %dma_wait3A_226 = arith.constant 7 : i32
    %dma_wait3A_227 = arith.constant 0 : i32
    %dma_wait3A_228 = arith.constant 0 : i32
    %dma_wait3A_229 = arith.constant 0 : i32
    %dma_wait3A_230 = tpu.memref_slice %arg10[%dma_wait3A_224, %dma_wait3A_227, %dma_wait3A_228, %dma_wait3A_229] : memref<8x2x8x128xf32, #tpu.memory_space<vmem>> -> memref<1x2x8x128xf32, #tpu.memory_space<vmem>>
    %dma_wait3A_231 = tpu.memref_squeeze %dma_wait3A_230 : memref<1x2x8x128xf32, #tpu.memory_space<vmem>> -> memref<2x8x128xf32, #tpu.memory_space<vmem>>
    %dma_wait3A_232 = arith.constant 0 : i32
    %dma_wait3A_233 = arith.constant 0 : i32
    %dma_wait3A_234 = arith.constant 0 : i32
    %dma_wait3A_235 = tpu.memref_slice %arg4[%dma_wait3A_225, %dma_wait3A_226, %dma_wait3A_232, %dma_wait3A_233, %dma_wait3A_234] : memref<200x8x32x8x128xf32, #tpu.memory_space<hbm>> -> memref<1x1x2x8x128xf32, #tpu.memory_space<hbm>>
    %dma_wait3A_236 = tpu.memref_squeeze %dma_wait3A_235 : memref<1x1x2x8x128xf32, #tpu.memory_space<hbm>> -> memref<2x8x128xf32, #tpu.memory_space<hbm>>
    %dma_wait3A_237 = arith.constant 0 : i32
    %dma_wait3A_238 = arith.constant 0 : i32
    %dma_wait3A_239 = arith.constant 0 : i32
    %dma_wait3A_240 = tpu.memref_slice %arg4[%dma_wait3A_225, %dma_wait3A_226, %dma_wait3A_237, %dma_wait3A_238, %dma_wait3A_239] : memref<200x8x32x8x128xf32, #tpu.memory_space<hbm>> -> memref<1x1x2x8x128xf32, #tpu.memory_space<hbm>>
    %dma_wait3A_241 = tpu.memref_squeeze %dma_wait3A_240 : memref<1x1x2x8x128xf32, #tpu.memory_space<hbm>> -> memref<2x8x128xf32, #tpu.memory_space<hbm>>
    %dma_wait3A_242 = arith.constant 0 : i32
    %dma_wait3A_243 = arith.constant 0 : i32
    %dma_wait3A_244 = arith.constant 0 : i32
    %dma_wait3A_245 = tpu.memref_slice %arg10[%dma_wait3A_224, %dma_wait3A_242, %dma_wait3A_243, %dma_wait3A_244] : memref<8x2x8x128xf32, #tpu.memory_space<vmem>> -> memref<1x2x8x128xf32, #tpu.memory_space<vmem>>
    %dma_wait3A_246 = tpu.memref_squeeze %dma_wait3A_245 : memref<1x2x8x128xf32, #tpu.memory_space<vmem>> -> memref<2x8x128xf32, #tpu.memory_space<vmem>>
    tpu.wait_dma2 semaphore(%arg16 : memref<!tpu.dma_semaphore, #tpu.memory_space<semaphore_mem>>) src(%dma_wait3A_246 : memref<2x8x128xf32, #tpu.memory_space<vmem>>) dst(%dma_wait3A_241 : memref<2x8x128xf32, #tpu.memory_space<hbm>>)
    %dma_wait3A_247 = arith.constant 0 : i32
    %dma_wait3A_248 = arith.constant 0 : i32
    %dma_wait3A_249 = arith.constant 0 : i32
    %dma_wait3A_250 = arith.constant 0 : i32
    %dma_wait3A_251 = arith.constant 0 : i32
    %dma_wait3A_252 = arith.constant 0 : i32
    %dma_wait3A_253 = tpu.memref_slice %arg11[%dma_wait3A_247, %dma_wait3A_250, %dma_wait3A_251, %dma_wait3A_252] : memref<8x2x8x128xf32, #tpu.memory_space<vmem>> -> memref<1x2x8x128xf32, #tpu.memory_space<vmem>>
    %dma_wait3A_254 = tpu.memref_squeeze %dma_wait3A_253 : memref<1x2x8x128xf32, #tpu.memory_space<vmem>> -> memref<2x8x128xf32, #tpu.memory_space<vmem>>
    %dma_wait3A_255 = arith.constant 0 : i32
    %dma_wait3A_256 = arith.constant 0 : i32
    %dma_wait3A_257 = arith.constant 0 : i32
    %dma_wait3A_258 = tpu.memref_slice %arg4[%dma_wait3A_248, %dma_wait3A_249, %dma_wait3A_255, %dma_wait3A_256, %dma_wait3A_257] : memref<200x8x32x8x128xf32, #tpu.memory_space<hbm>> -> memref<1x1x2x8x128xf32, #tpu.memory_space<hbm>>
    %dma_wait3A_259 = tpu.memref_squeeze %dma_wait3A_258 : memref<1x1x2x8x128xf32, #tpu.memory_space<hbm>> -> memref<2x8x128xf32, #tpu.memory_space<hbm>>
    %dma_wait3A_260 = arith.constant 0 : i32
    %dma_wait3A_261 = arith.constant 0 : i32
    %dma_wait3A_262 = arith.constant 0 : i32
    %dma_wait3A_263 = tpu.memref_slice %arg4[%dma_wait3A_248, %dma_wait3A_249, %dma_wait3A_260, %dma_wait3A_261, %dma_wait3A_262] : memref<200x8x32x8x128xf32, #tpu.memory_space<hbm>> -> memref<1x1x2x8x128xf32, #tpu.memory_space<hbm>>
    %dma_wait3A_264 = tpu.memref_squeeze %dma_wait3A_263 : memref<1x1x2x8x128xf32, #tpu.memory_space<hbm>> -> memref<2x8x128xf32, #tpu.memory_space<hbm>>
    %dma_wait3A_265 = arith.constant 0 : i32
    %dma_wait3A_266 = arith.constant 0 : i32
    %dma_wait3A_267 = arith.constant 0 : i32
    %dma_wait3A_268 = tpu.memref_slice %arg11[%dma_wait3A_247, %dma_wait3A_265, %dma_wait3A_266, %dma_wait3A_267] : memref<8x2x8x128xf32, #tpu.memory_space<vmem>> -> memref<1x2x8x128xf32, #tpu.memory_space<vmem>>
    %dma_wait3A_269 = tpu.memref_squeeze %dma_wait3A_268 : memref<1x2x8x128xf32, #tpu.memory_space<vmem>> -> memref<2x8x128xf32, #tpu.memory_space<vmem>>
    tpu.wait_dma2 semaphore(%arg17 : memref<!tpu.dma_semaphore, #tpu.memory_space<semaphore_mem>>) src(%dma_wait3A_269 : memref<2x8x128xf32, #tpu.memory_space<vmem>>) dst(%dma_wait3A_264 : memref<2x8x128xf32, #tpu.memory_space<hbm>>)
    %dma_wait3A_270 = arith.constant 1 : i32
    %dma_wait3A_271 = arith.constant 0 : i32
    %dma_wait3A_272 = arith.constant 1 : i32
    %dma_wait3A_273 = arith.constant 0 : i32
    %dma_wait3A_274 = arith.constant 0 : i32
    %dma_wait3A_275 = arith.constant 0 : i32
    %dma_wait3A_276 = tpu.memref_slice %arg11[%dma_wait3A_270, %dma_wait3A_273, %dma_wait3A_274, %dma_wait3A_275] : memref<8x2x8x128xf32, #tpu.memory_space<vmem>> -> memref<1x2x8x128xf32, #tpu.memory_space<vmem>>
    %dma_wait3A_277 = tpu.memref_squeeze %dma_wait3A_276 : memref<1x2x8x128xf32, #tpu.memory_space<vmem>> -> memref<2x8x128xf32, #tpu.memory_space<vmem>>
    %dma_wait3A_278 = arith.constant 0 : i32
    %dma_wait3A_279 = arith.constant 0 : i32
    %dma_wait3A_280 = arith.constant 0 : i32
    %dma_wait3A_281 = tpu.memref_slice %arg4[%dma_wait3A_271, %dma_wait3A_272, %dma_wait3A_278, %dma_wait3A_279, %dma_wait3A_280] : memref<200x8x32x8x128xf32, #tpu.memory_space<hbm>> -> memref<1x1x2x8x128xf32, #tpu.memory_space<hbm>>
    %dma_wait3A_282 = tpu.memref_squeeze %dma_wait3A_281 : memref<1x1x2x8x128xf32, #tpu.memory_space<hbm>> -> memref<2x8x128xf32, #tpu.memory_space<hbm>>
    %dma_wait3A_283 = arith.constant 0 : i32
    %dma_wait3A_284 = arith.constant 0 : i32
    %dma_wait3A_285 = arith.constant 0 : i32
    %dma_wait3A_286 = tpu.memref_slice %arg4[%dma_wait3A_271, %dma_wait3A_272, %dma_wait3A_283, %dma_wait3A_284, %dma_wait3A_285] : memref<200x8x32x8x128xf32, #tpu.memory_space<hbm>> -> memref<1x1x2x8x128xf32, #tpu.memory_space<hbm>>
    %dma_wait3A_287 = tpu.memref_squeeze %dma_wait3A_286 : memref<1x1x2x8x128xf32, #tpu.memory_space<hbm>> -> memref<2x8x128xf32, #tpu.memory_space<hbm>>
    %dma_wait3A_288 = arith.constant 0 : i32
    %dma_wait3A_289 = arith.constant 0 : i32
    %dma_wait3A_290 = arith.constant 0 : i32
    %dma_wait3A_291 = tpu.memref_slice %arg11[%dma_wait3A_270, %dma_wait3A_288, %dma_wait3A_289, %dma_wait3A_290] : memref<8x2x8x128xf32, #tpu.memory_space<vmem>> -> memref<1x2x8x128xf32, #tpu.memory_space<vmem>>
    %dma_wait3A_292 = tpu.memref_squeeze %dma_wait3A_291 : memref<1x2x8x128xf32, #tpu.memory_space<vmem>> -> memref<2x8x128xf32, #tpu.memory_space<vmem>>
    tpu.wait_dma2 semaphore(%arg17 : memref<!tpu.dma_semaphore, #tpu.memory_space<semaphore_mem>>) src(%dma_wait3A_292 : memref<2x8x128xf32, #tpu.memory_space<vmem>>) dst(%dma_wait3A_287 : memref<2x8x128xf32, #tpu.memory_space<hbm>>)
    %dma_wait3A_293 = arith.constant 2 : i32
    %dma_wait3A_294 = arith.constant 0 : i32
    %dma_wait3A_295 = arith.constant 2 : i32
    %dma_wait3A_296 = arith.constant 0 : i32
    %dma_wait3A_297 = arith.constant 0 : i32
    %dma_wait3A_298 = arith.constant 0 : i32
    %dma_wait3A_299 = tpu.memref_slice %arg11[%dma_wait3A_293, %dma_wait3A_296, %dma_wait3A_297, %dma_wait3A_298] : memref<8x2x8x128xf32, #tpu.memory_space<vmem>> -> memref<1x2x8x128xf32, #tpu.memory_space<vmem>>
    %dma_wait3A_300 = tpu.memref_squeeze %dma_wait3A_299 : memref<1x2x8x128xf32, #tpu.memory_space<vmem>> -> memref<2x8x128xf32, #tpu.memory_space<vmem>>
    %dma_wait3A_301 = arith.constant 0 : i32
    %dma_wait3A_302 = arith.constant 0 : i32
    %dma_wait3A_303 = arith.constant 0 : i32
    %dma_wait3A_304 = tpu.memref_slice %arg4[%dma_wait3A_294, %dma_wait3A_295, %dma_wait3A_301, %dma_wait3A_302, %dma_wait3A_303] : memref<200x8x32x8x128xf32, #tpu.memory_space<hbm>> -> memref<1x1x2x8x128xf32, #tpu.memory_space<hbm>>
    %dma_wait3A_305 = tpu.memref_squeeze %dma_wait3A_304 : memref<1x1x2x8x128xf32, #tpu.memory_space<hbm>> -> memref<2x8x128xf32, #tpu.memory_space<hbm>>
    %dma_wait3A_306 = arith.constant 0 : i32
    %dma_wait3A_307 = arith.constant 0 : i32
    %dma_wait3A_308 = arith.constant 0 : i32
    %dma_wait3A_309 = tpu.memref_slice %arg4[%dma_wait3A_294, %dma_wait3A_295, %dma_wait3A_306, %dma_wait3A_307, %dma_wait3A_308] : memref<200x8x32x8x128xf32, #tpu.memory_space<hbm>> -> memref<1x1x2x8x128xf32, #tpu.memory_space<hbm>>
    %dma_wait3A_310 = tpu.memref_squeeze %dma_wait3A_309 : memref<1x1x2x8x128xf32, #tpu.memory_space<hbm>> -> memref<2x8x128xf32, #tpu.memory_space<hbm>>
    %dma_wait3A_311 = arith.constant 0 : i32
    %dma_wait3A_312 = arith.constant 0 : i32
    %dma_wait3A_313 = arith.constant 0 : i32
    %dma_wait3A_314 = tpu.memref_slice %arg11[%dma_wait3A_293, %dma_wait3A_311, %dma_wait3A_312, %dma_wait3A_313] : memref<8x2x8x128xf32, #tpu.memory_space<vmem>> -> memref<1x2x8x128xf32, #tpu.memory_space<vmem>>
    %dma_wait3A_315 = tpu.memref_squeeze %dma_wait3A_314 : memref<1x2x8x128xf32, #tpu.memory_space<vmem>> -> memref<2x8x128xf32, #tpu.memory_space<vmem>>
    tpu.wait_dma2 semaphore(%arg17 : memref<!tpu.dma_semaphore, #tpu.memory_space<semaphore_mem>>) src(%dma_wait3A_315 : memref<2x8x128xf32, #tpu.memory_space<vmem>>) dst(%dma_wait3A_310 : memref<2x8x128xf32, #tpu.memory_space<hbm>>)
    %dma_wait3A_316 = arith.constant 3 : i32
    %dma_wait3A_317 = arith.constant 0 : i32
    %dma_wait3A_318 = arith.constant 3 : i32
    %dma_wait3A_319 = arith.constant 0 : i32
    %dma_wait3A_320 = arith.constant 0 : i32
    %dma_wait3A_321 = arith.constant 0 : i32
    %dma_wait3A_322 = tpu.memref_slice %arg11[%dma_wait3A_316, %dma_wait3A_319, %dma_wait3A_320, %dma_wait3A_321] : memref<8x2x8x128xf32, #tpu.memory_space<vmem>> -> memref<1x2x8x128xf32, #tpu.memory_space<vmem>>
    %dma_wait3A_323 = tpu.memref_squeeze %dma_wait3A_322 : memref<1x2x8x128xf32, #tpu.memory_space<vmem>> -> memref<2x8x128xf32, #tpu.memory_space<vmem>>
    %dma_wait3A_324 = arith.constant 0 : i32
    %dma_wait3A_325 = arith.constant 0 : i32
    %dma_wait3A_326 = arith.constant 0 : i32
    %dma_wait3A_327 = tpu.memref_slice %arg4[%dma_wait3A_317, %dma_wait3A_318, %dma_wait3A_324, %dma_wait3A_325, %dma_wait3A_326] : memref<200x8x32x8x128xf32, #tpu.memory_space<hbm>> -> memref<1x1x2x8x128xf32, #tpu.memory_space<hbm>>
    %dma_wait3A_328 = tpu.memref_squeeze %dma_wait3A_327 : memref<1x1x2x8x128xf32, #tpu.memory_space<hbm>> -> memref<2x8x128xf32, #tpu.memory_space<hbm>>
    %dma_wait3A_329 = arith.constant 0 : i32
    %dma_wait3A_330 = arith.constant 0 : i32
    %dma_wait3A_331 = arith.constant 0 : i32
    %dma_wait3A_332 = tpu.memref_slice %arg4[%dma_wait3A_317, %dma_wait3A_318, %dma_wait3A_329, %dma_wait3A_330, %dma_wait3A_331] : memref<200x8x32x8x128xf32, #tpu.memory_space<hbm>> -> memref<1x1x2x8x128xf32, #tpu.memory_space<hbm>>
    %dma_wait3A_333 = tpu.memref_squeeze %dma_wait3A_332 : memref<1x1x2x8x128xf32, #tpu.memory_space<hbm>> -> memref<2x8x128xf32, #tpu.memory_space<hbm>>
    %dma_wait3A_334 = arith.constant 0 : i32
    %dma_wait3A_335 = arith.constant 0 : i32
    %dma_wait3A_336 = arith.constant 0 : i32
    %dma_wait3A_337 = tpu.memref_slice %arg11[%dma_wait3A_316, %dma_wait3A_334, %dma_wait3A_335, %dma_wait3A_336] : memref<8x2x8x128xf32, #tpu.memory_space<vmem>> -> memref<1x2x8x128xf32, #tpu.memory_space<vmem>>
    %dma_wait3A_338 = tpu.memref_squeeze %dma_wait3A_337 : memref<1x2x8x128xf32, #tpu.memory_space<vmem>> -> memref<2x8x128xf32, #tpu.memory_space<vmem>>
    tpu.wait_dma2 semaphore(%arg17 : memref<!tpu.dma_semaphore, #tpu.memory_space<semaphore_mem>>) src(%dma_wait3A_338 : memref<2x8x128xf32, #tpu.memory_space<vmem>>) dst(%dma_wait3A_333 : memref<2x8x128xf32, #tpu.memory_space<hbm>>)
    %dma_wait3A_339 = arith.constant 4 : i32
    %dma_wait3A_340 = arith.constant 0 : i32
    %dma_wait3A_341 = arith.constant 4 : i32
    %dma_wait3A_342 = arith.constant 0 : i32
    %dma_wait3A_343 = arith.constant 0 : i32
    %dma_wait3A_344 = arith.constant 0 : i32
    %dma_wait3A_345 = tpu.memref_slice %arg11[%dma_wait3A_339, %dma_wait3A_342, %dma_wait3A_343, %dma_wait3A_344] : memref<8x2x8x128xf32, #tpu.memory_space<vmem>> -> memref<1x2x8x128xf32, #tpu.memory_space<vmem>>
    %dma_wait3A_346 = tpu.memref_squeeze %dma_wait3A_345 : memref<1x2x8x128xf32, #tpu.memory_space<vmem>> -> memref<2x8x128xf32, #tpu.memory_space<vmem>>
    %dma_wait3A_347 = arith.constant 0 : i32
    %dma_wait3A_348 = arith.constant 0 : i32
    %dma_wait3A_349 = arith.constant 0 : i32
    %dma_wait3A_350 = tpu.memref_slice %arg4[%dma_wait3A_340, %dma_wait3A_341, %dma_wait3A_347, %dma_wait3A_348, %dma_wait3A_349] : memref<200x8x32x8x128xf32, #tpu.memory_space<hbm>> -> memref<1x1x2x8x128xf32, #tpu.memory_space<hbm>>
    %dma_wait3A_351 = tpu.memref_squeeze %dma_wait3A_350 : memref<1x1x2x8x128xf32, #tpu.memory_space<hbm>> -> memref<2x8x128xf32, #tpu.memory_space<hbm>>
    %dma_wait3A_352 = arith.constant 0 : i32
    %dma_wait3A_353 = arith.constant 0 : i32
    %dma_wait3A_354 = arith.constant 0 : i32
    %dma_wait3A_355 = tpu.memref_slice %arg4[%dma_wait3A_340, %dma_wait3A_341, %dma_wait3A_352, %dma_wait3A_353, %dma_wait3A_354] : memref<200x8x32x8x128xf32, #tpu.memory_space<hbm>> -> memref<1x1x2x8x128xf32, #tpu.memory_space<hbm>>
    %dma_wait3A_356 = tpu.memref_squeeze %dma_wait3A_355 : memref<1x1x2x8x128xf32, #tpu.memory_space<hbm>> -> memref<2x8x128xf32, #tpu.memory_space<hbm>>
    %dma_wait3A_357 = arith.constant 0 : i32
    %dma_wait3A_358 = arith.constant 0 : i32
    %dma_wait3A_359 = arith.constant 0 : i32
    %dma_wait3A_360 = tpu.memref_slice %arg11[%dma_wait3A_339, %dma_wait3A_357, %dma_wait3A_358, %dma_wait3A_359] : memref<8x2x8x128xf32, #tpu.memory_space<vmem>> -> memref<1x2x8x128xf32, #tpu.memory_space<vmem>>
    %dma_wait3A_361 = tpu.memref_squeeze %dma_wait3A_360 : memref<1x2x8x128xf32, #tpu.memory_space<vmem>> -> memref<2x8x128xf32, #tpu.memory_space<vmem>>
    tpu.wait_dma2 semaphore(%arg17 : memref<!tpu.dma_semaphore, #tpu.memory_space<semaphore_mem>>) src(%dma_wait3A_361 : memref<2x8x128xf32, #tpu.memory_space<vmem>>) dst(%dma_wait3A_356 : memref<2x8x128xf32, #tpu.memory_space<hbm>>)
    %dma_wait3A_362 = arith.constant 5 : i32
    %dma_wait3A_363 = arith.constant 0 : i32
    %dma_wait3A_364 = arith.constant 5 : i32
    %dma_wait3A_365 = arith.constant 0 : i32
    %dma_wait3A_366 = arith.constant 0 : i32
    %dma_wait3A_367 = arith.constant 0 : i32
    %dma_wait3A_368 = tpu.memref_slice %arg11[%dma_wait3A_362, %dma_wait3A_365, %dma_wait3A_366, %dma_wait3A_367] : memref<8x2x8x128xf32, #tpu.memory_space<vmem>> -> memref<1x2x8x128xf32, #tpu.memory_space<vmem>>
    %dma_wait3A_369 = tpu.memref_squeeze %dma_wait3A_368 : memref<1x2x8x128xf32, #tpu.memory_space<vmem>> -> memref<2x8x128xf32, #tpu.memory_space<vmem>>
    %dma_wait3A_370 = arith.constant 0 : i32
    %dma_wait3A_371 = arith.constant 0 : i32
    %dma_wait3A_372 = arith.constant 0 : i32
    %dma_wait3A_373 = tpu.memref_slice %arg4[%dma_wait3A_363, %dma_wait3A_364, %dma_wait3A_370, %dma_wait3A_371, %dma_wait3A_372] : memref<200x8x32x8x128xf32, #tpu.memory_space<hbm>> -> memref<1x1x2x8x128xf32, #tpu.memory_space<hbm>>
    %dma_wait3A_374 = tpu.memref_squeeze %dma_wait3A_373 : memref<1x1x2x8x128xf32, #tpu.memory_space<hbm>> -> memref<2x8x128xf32, #tpu.memory_space<hbm>>
    %dma_wait3A_375 = arith.constant 0 : i32
    %dma_wait3A_376 = arith.constant 0 : i32
    %dma_wait3A_377 = arith.constant 0 : i32
    %dma_wait3A_378 = tpu.memref_slice %arg4[%dma_wait3A_363, %dma_wait3A_364, %dma_wait3A_375, %dma_wait3A_376, %dma_wait3A_377] : memref<200x8x32x8x128xf32, #tpu.memory_space<hbm>> -> memref<1x1x2x8x128xf32, #tpu.memory_space<hbm>>
    %dma_wait3A_379 = tpu.memref_squeeze %dma_wait3A_378 : memref<1x1x2x8x128xf32, #tpu.memory_space<hbm>> -> memref<2x8x128xf32, #tpu.memory_space<hbm>>
    %dma_wait3A_380 = arith.constant 0 : i32
    %dma_wait3A_381 = arith.constant 0 : i32
    %dma_wait3A_382 = arith.constant 0 : i32
    %dma_wait3A_383 = tpu.memref_slice %arg11[%dma_wait3A_362, %dma_wait3A_380, %dma_wait3A_381, %dma_wait3A_382] : memref<8x2x8x128xf32, #tpu.memory_space<vmem>> -> memref<1x2x8x128xf32, #tpu.memory_space<vmem>>
    %dma_wait3A_384 = tpu.memref_squeeze %dma_wait3A_383 : memref<1x2x8x128xf32, #tpu.memory_space<vmem>> -> memref<2x8x128xf32, #tpu.memory_space<vmem>>
    tpu.wait_dma2 semaphore(%arg17 : memref<!tpu.dma_semaphore, #tpu.memory_space<semaphore_mem>>) src(%dma_wait3A_384 : memref<2x8x128xf32, #tpu.memory_space<vmem>>) dst(%dma_wait3A_379 : memref<2x8x128xf32, #tpu.memory_space<hbm>>)
    %dma_wait3A_385 = arith.constant 6 : i32
    %dma_wait3A_386 = arith.constant 0 : i32
    %dma_wait3A_387 = arith.constant 6 : i32
    %dma_wait3A_388 = arith.constant 0 : i32
    %dma_wait3A_389 = arith.constant 0 : i32
    %dma_wait3A_390 = arith.constant 0 : i32
    %dma_wait3A_391 = tpu.memref_slice %arg11[%dma_wait3A_385, %dma_wait3A_388, %dma_wait3A_389, %dma_wait3A_390] : memref<8x2x8x128xf32, #tpu.memory_space<vmem>> -> memref<1x2x8x128xf32, #tpu.memory_space<vmem>>
    %dma_wait3A_392 = tpu.memref_squeeze %dma_wait3A_391 : memref<1x2x8x128xf32, #tpu.memory_space<vmem>> -> memref<2x8x128xf32, #tpu.memory_space<vmem>>
    %dma_wait3A_393 = arith.constant 0 : i32
    %dma_wait3A_394 = arith.constant 0 : i32
    %dma_wait3A_395 = arith.constant 0 : i32
    %dma_wait3A_396 = tpu.memref_slice %arg4[%dma_wait3A_386, %dma_wait3A_387, %dma_wait3A_393, %dma_wait3A_394, %dma_wait3A_395] : memref<200x8x32x8x128xf32, #tpu.memory_space<hbm>> -> memref<1x1x2x8x128xf32, #tpu.memory_space<hbm>>
    %dma_wait3A_397 = tpu.memref_squeeze %dma_wait3A_396 : memref<1x1x2x8x128xf32, #tpu.memory_space<hbm>> -> memref<2x8x128xf32, #tpu.memory_space<hbm>>
    %dma_wait3A_398 = arith.constant 0 : i32
    %dma_wait3A_399 = arith.constant 0 : i32
    %dma_wait3A_400 = arith.constant 0 : i32
    %dma_wait3A_401 = tpu.memref_slice %arg4[%dma_wait3A_386, %dma_wait3A_387, %dma_wait3A_398, %dma_wait3A_399, %dma_wait3A_400] : memref<200x8x32x8x128xf32, #tpu.memory_space<hbm>> -> memref<1x1x2x8x128xf32, #tpu.memory_space<hbm>>
    %dma_wait3A_402 = tpu.memref_squeeze %dma_wait3A_401 : memref<1x1x2x8x128xf32, #tpu.memory_space<hbm>> -> memref<2x8x128xf32, #tpu.memory_space<hbm>>
    %dma_wait3A_403 = arith.constant 0 : i32
    %dma_wait3A_404 = arith.constant 0 : i32
    %dma_wait3A_405 = arith.constant 0 : i32
    %dma_wait3A_406 = tpu.memref_slice %arg11[%dma_wait3A_385, %dma_wait3A_403, %dma_wait3A_404, %dma_wait3A_405] : memref<8x2x8x128xf32, #tpu.memory_space<vmem>> -> memref<1x2x8x128xf32, #tpu.memory_space<vmem>>
    %dma_wait3A_407 = tpu.memref_squeeze %dma_wait3A_406 : memref<1x2x8x128xf32, #tpu.memory_space<vmem>> -> memref<2x8x128xf32, #tpu.memory_space<vmem>>
    tpu.wait_dma2 semaphore(%arg17 : memref<!tpu.dma_semaphore, #tpu.memory_space<semaphore_mem>>) src(%dma_wait3A_407 : memref<2x8x128xf32, #tpu.memory_space<vmem>>) dst(%dma_wait3A_402 : memref<2x8x128xf32, #tpu.memory_space<hbm>>)
    %dma_wait3A_408 = arith.constant 7 : i32
    %dma_wait3A_409 = arith.constant 0 : i32
    %dma_wait3A_410 = arith.constant 7 : i32
    %dma_wait3A_411 = arith.constant 0 : i32
    %dma_wait3A_412 = arith.constant 0 : i32
    %dma_wait3A_413 = arith.constant 0 : i32
    %dma_wait3A_414 = tpu.memref_slice %arg11[%dma_wait3A_408, %dma_wait3A_411, %dma_wait3A_412, %dma_wait3A_413] : memref<8x2x8x128xf32, #tpu.memory_space<vmem>> -> memref<1x2x8x128xf32, #tpu.memory_space<vmem>>
    %dma_wait3A_415 = tpu.memref_squeeze %dma_wait3A_414 : memref<1x2x8x128xf32, #tpu.memory_space<vmem>> -> memref<2x8x128xf32, #tpu.memory_space<vmem>>
    %dma_wait3A_416 = arith.constant 0 : i32
    %dma_wait3A_417 = arith.constant 0 : i32
    %dma_wait3A_418 = arith.constant 0 : i32
    %dma_wait3A_419 = tpu.memref_slice %arg4[%dma_wait3A_409, %dma_wait3A_410, %dma_wait3A_416, %dma_wait3A_417, %dma_wait3A_418] : memref<200x8x32x8x128xf32, #tpu.memory_space<hbm>> -> memref<1x1x2x8x128xf32, #tpu.memory_space<hbm>>
    %dma_wait3A_420 = tpu.memref_squeeze %dma_wait3A_419 : memref<1x1x2x8x128xf32, #tpu.memory_space<hbm>> -> memref<2x8x128xf32, #tpu.memory_space<hbm>>
    %dma_wait3A_421 = arith.constant 0 : i32
    %dma_wait3A_422 = arith.constant 0 : i32
    %dma_wait3A_423 = arith.constant 0 : i32
    %dma_wait3A_424 = tpu.memref_slice %arg4[%dma_wait3A_409, %dma_wait3A_410, %dma_wait3A_421, %dma_wait3A_422, %dma_wait3A_423] : memref<200x8x32x8x128xf32, #tpu.memory_space<hbm>> -> memref<1x1x2x8x128xf32, #tpu.memory_space<hbm>>
    %dma_wait3A_425 = tpu.memref_squeeze %dma_wait3A_424 : memref<1x1x2x8x128xf32, #tpu.memory_space<hbm>> -> memref<2x8x128xf32, #tpu.memory_space<hbm>>
    %dma_wait3A_426 = arith.constant 0 : i32
    %dma_wait3A_427 = arith.constant 0 : i32
    %dma_wait3A_428 = arith.constant 0 : i32
    %dma_wait3A_429 = tpu.memref_slice %arg11[%dma_wait3A_408, %dma_wait3A_426, %dma_wait3A_427, %dma_wait3A_428] : memref<8x2x8x128xf32, #tpu.memory_space<vmem>> -> memref<1x2x8x128xf32, #tpu.memory_space<vmem>>
    %dma_wait3A_430 = tpu.memref_squeeze %dma_wait3A_429 : memref<1x2x8x128xf32, #tpu.memory_space<vmem>> -> memref<2x8x128xf32, #tpu.memory_space<vmem>>
    tpu.wait_dma2 semaphore(%arg17 : memref<!tpu.dma_semaphore, #tpu.memory_space<semaphore_mem>>) src(%dma_wait3A_430 : memref<2x8x128xf32, #tpu.memory_space<vmem>>) dst(%dma_wait3A_425 : memref<2x8x128xf32, #tpu.memory_space<hbm>>)
    return
  }
}

</mosaic_0001>

<sc_bundles>
// kernel: _run.4.cloned.1.call-start
scs
__scs_entry_jumppad:
0x0: {  	(pc) =	sbr.rel $0x88, $3  }
0x1: {  	(tag) =	ssettag $0x0;
	lr =	simm.s32 $0x1  }
0x2: {  	[smem:$0x3F9F] =	sst lr;
	_ =	strace $0xD0000000  }
0x3: {  	_ = 	snop  }
0x4: {  	_ = 	snop  }
0x5: {  	_ = 	snop  }
0x6: {  	_ = 	snop  }
0x7: {  	_ = 	snop  }
__scs_overlays_trampoline_lowered:
0x8: {  	[smem:$0x3FAE] =	sst s0  }
0x9: {  	[smem:$0x3FAF] =	sst s1  }
0xa: {  	[smem:$0x3FB0] =	sst s2  }
0xb: {  	[smem:$0x3FB1] =	sst s3  }
0xc: {  	[smem:$0x3FB2] =	sst s4  }
0xd: {  	[smem:$0x3FB3] =	sst s5  }
0xe: {  	[smem:$0x3FB4] =	sst s6  }
0xf: {  	[smem:$0x3FB5] =	sst s7  }
0x10: {  	[smem:$0x3FB6] =	sst s8  }
0x11: {  	[smem:$0x3FB7] =	sst s9;
	s0 =	simm.s32 @!p0 $0x0  }
0x12: {  	s1 =	sld [smem:$0x3F9D];
	s0 =	simm.s32 @p0 $0x1  }
0x13: {  	[smem:$0x3FB8] =	sst s0;
	s0 =	simm.s32 @!p1 $0x0  }
0x14: {  	s2 =	sld [smem:$0x3F9C];
	s0 =	simm.s32 @p1 $0x1  }
0x15: {  	[smem:$0x3FB9] =	sst s0;
	s0 =	simm.s32 @!p2 $0x0  }
0x16: {  	s3 =	sld [smem:$0x3FDB];
	s0 =	simm.s32 @p2 $0x1  }
0x17: {  	s4 =	simm.s32 $0x1BF5;
	[smem:$0x3FBB] =	sst s0  }
0x18: {  	s0 =	sld [smem:$0x3F9E];
	_ =	swait.ge [sflag:s4], $0x0  }
0x19: {  	s7 =	sld [smem:$0x3F9F]  }
0x1a: {  	s8 =	sadd.s32 $0xFFFFE003, lr  }
0x1b: {  	s9 =	sadd.s32 $0xFFFFFEF7, lr;
	s5 =	simm.s32 $0xFFFFFFFF;
	p2 =	slt.u32 s8, $0xFFFFF086  }
0x1c: {  	p1 =	slt.u32 s9, $0xF7A;
	s5 =	simm.s32 @!p2 $0x0  }
0x1d: {  	s5 =	simm.s32 @p1 $0x1;
	p0 =	seq.s32 s7, s2  }
0x1e: {  	s7 =	smul.u32 @!p0 $0xF7A, s2;
	p2 =	seq.s32 @!p0 s5, $0x0  }
0x1f: {  	s9 =	smul.u32 $0xF7A, s1;
	s8 =	simm.s32 @!p0 $0x1BF5;
	p2 =	por !p2, p0  }
0x20: {  	[sflag:s8] =	ssyncset.s32 @!p0 $0xFFFFF086;
	s6 =	sadd.s32 @!p0 s3, s7;
	s7 =	simm.s32 @!p0 $0x108  }
0x21: {  	s3 =	sadd.s32 s3, s9;
	s6 =	sadd.s32 @!p0 $0x88, s6;
	s7 =	simm.s32 @p2 $0x1082  }
0x22: {  	[simem:s7], [sflag:s8] =	dma.local @!p0 [hbm:s6], $0xF7A  }
0x23: {  	s9 =	sor.u32 $0xD0000000, s2;
	s6 =	simm.s32 $0x108;
	_ =	swait.ge @!p0 [sflag:s8], $0x0  }
0x24: {  	s3 =	sadd.s32 $0x88, s3;
	s6 =	simm.s32 @!p1 $0x1082;
	[sflag:s4] =	ssyncset.s32 $0xFFFFF086  }
0x25: {  	[simem:s6], [sflag:s4] =	dma.local [hbm:s3], $0xF7A  }
0x26: {  	[smem:$0x3F9F] =	sst s1;
	(tag) =	ssettag s2;
	_ =	strace s9  }
0x27: {  	s1 =	sld [smem:$0x3FAF]  }
0x28: {  	s2 =	sld [smem:$0x3FB0]  }
0x29: {  	s4 =	sld [smem:$0x3FB2]  }
0x2a: {  	p0 =	seq.s32 s5, $0x0;
	s5 =	sld [smem:$0x3FB3]  }
0x2b: {  	s6 =	sld [smem:$0x3FB4]  }
0x2c: {  	s7 =	sld [smem:$0x3FB5]  }
0x2d: {  	s3 =	simm.s32 $0x108;
	s8 =	sld [smem:$0x3FB6]  }
0x2e: {  	s3 =	simm.s32 @!p0 $0x1082;
	s9 =	sld [smem:$0x3FB7]  }
0x2f: {  	lr =	sadd.s32 s0, s3;
	s0 =	sld [smem:$0x3FAE]  }
0x30: {  	s3 =	sld [smem:$0x3FB1]  }
0x31: {  	[smem:$0x3FBA] =	sst s10  }
0x32: {  	s10 =	sld [smem:$0x3FB8];
	_ =	sdelay $0x3  }
0x33: {  	p0 =	seq.s32 s10, $0x1;
	s10 =	sld [smem:$0x3FBA];
	_ =	sdelay $0x3  }
0x34: {  	[smem:$0x3FBA] =	sst s10  }
0x35: {  	s10 =	sld [smem:$0x3FB9];
	_ =	sdelay $0x3  }
0x36: {  	p1 =	seq.s32 s10, $0x1;
	s10 =	sld [smem:$0x3FBA];
	_ =	sdelay $0x3  }
0x37: {  	[smem:$0x3FBA] =	sst s10  }
0x38: {  	s10 =	sld [smem:$0x3FBB]  }
0x39: {  	_ = 	snop;
	(pc) =	sbr.ind lr, $3  }
0x3a: {  	_ = 	snop  }
0x3b: {  	_ = 	snop  }
0x3c: {  	p2 =	seq.s32 s10, $0x1;
	s10 =	sld [smem:$0x3FBA]  }
0x3d: {  	_ =	shalt  }
0x3e: {  	_ =	shalt  }
0x3f: {  	_ =	shalt  }
0x40: {  	_ =	shalt  }
0x41: {  	_ =	shalt  }
0x42: {  	_ =	shalt  }
0x43: {  	_ =	shalt  }
0x44: {  	_ =	shalt  }
0x45: {  	_ =	shalt  }
0x46: {  	_ =	shalt  }
0x47: {  	_ =	shalt  }
0x48: {  	_ =	shalt  }
0x49: {  	_ =	shalt  }
0x4a: {  	_ =	shalt  }
0x4b: {  	_ =	shalt  }
0x4c: {  	_ =	shalt  }
0x4d: {  	_ =	shalt  }
0x4e: {  	_ =	shalt  }
0x4f: {  	_ =	shalt  }
0x50: {  	_ =	shalt  }
0x51: {  	_ =	shalt  }
0x52: {  	_ =	shalt  }
0x53: {  	_ =	shalt  }
0x54: {  	_ =	shalt  }
0x55: {  	_ =	shalt  }
0x56: {  	_ =	shalt  }
0x57: {  	_ =	shalt  }
0x58: {  	_ =	shalt  }
0x59: {  	_ =	shalt  }
0x5a: {  	_ =	shalt  }
0x5b: {  	_ =	shalt  }
0x5c: {  	_ =	shalt  }
0x5d: {  	_ =	shalt  }
0x5e: {  	_ =	shalt  }
0x5f: {  	_ =	shalt  }
0x60: {  	_ =	shalt  }
0x61: {  	_ =	shalt  }
0x62: {  	_ =	shalt  }
0x63: {  	_ =	shalt  }
0x64: {  	_ =	shalt  }
0x65: {  	_ =	shalt  }
0x66: {  	_ =	shalt  }
0x67: {  	_ =	shalt  }
0x68: {  	_ =	shalt  }
0x69: {  	_ =	shalt  }
0x6a: {  	_ =	shalt  }
0x6b: {  	_ =	shalt  }
0x6c: {  	_ =	shalt  }
0x6d: {  	_ =	shalt  }
0x6e: {  	_ =	shalt  }
0x6f: {  	_ =	shalt  }
0x70: {  	_ =	shalt  }
0x71: {  	_ =	shalt  }
0x72: {  	_ =	shalt  }
0x73: {  	_ =	shalt  }
0x74: {  	_ =	shalt  }
0x75: {  	_ =	shalt  }
0x76: {  	_ =	shalt  }
0x77: {  	_ =	shalt  }
0x78: {  	_ =	shalt  }
0x79: {  	_ =	shalt  }
0x7a: {  	_ =	shalt  }
0x7b: {  	_ =	shalt  }
0x7c: {  	_ =	shalt  }
0x7d: {  	_ =	shalt  }
0x7e: {  	_ =	shalt  }
0x7f: {  	_ =	shalt  }
0x80: {  	_ =	shalt  }
0x81: {  	_ =	shalt  }
0x82: {  	_ =	shalt  }
0x83: {  	_ =	shalt  }
0x84: {  	_ =	shalt  }
0x85: {  	_ =	shalt  }
0x86: {  	_ =	shalt  }
0x87: {  	_ =	shalt  }
.Lfunc_end0:
.L_simem_size_0:
called_computation_lowered:
.L_overlay_start_0:
0x88: {  	s2 =	sld [smem:$0x3FD9]  }
0x89: {  	s3 =	sld [smem:$0x3FFE];
	_ =	sdelay $0x1  }
0x8a: {  	s1 =	srdreg.scid  }
0x8b: {  	s0 =	sand.u32 $0x1, s1  }
0x8c: {  	s17 =	sshll.u32 s0, $0xA;
	s2 =	sadd.s32 s3, s2  }
0x8d: {  	s2 =	sadd.s32 s2, s17  }
0x8e: {  	[smem:$0x3FC6] =	sst s2  }
0x8f: {  	_ = 	snop  }
0x90: {  	s2 =	sld [smem:$0x3FC8];
	(tm) =	ssettm $0x1  }
0x91: {  	s18 =	sld [smem:$0x3FFB];
	_ =	sdelay $0x3  }
0x92: {  	_ =	strace s18  }
0x93: {  	s3 =	sld [smem:$0x3FFC];
	_ =	sdelay $0x3  }
0x94: {  	_ =	strace s3  }
0x95: {  	s3 =	sld [smem:$0x3FFD];
	_ =	sdelay $0x3  }
0x96: {  	_ =	strace s3  }
0x97: {  	_ =	strace $0x8FFFFFFF  }
0x98: {  	s19 =	sld [smem:$0x3FDB];
	_ =	sdelay $0x1  }
0x99: {  	s4 =	simm.s32 $_scs_section_size  }
0x9a: {  	s5 =	simm.s32 $_size__tile_overlayer_lowered;
	s6 =	simm.s32 $_tile_overlayer_lowered  }
0x9b: {  	s22 =	simm.s32 $0x1BFF;
	s21 =	sshll.u32 s6, $0x1;
	s3 =	sadd.s32 s4, s19  }
0x9c: {  	s7 =	simm.s32 $0x0;
	s20 =	sshll.u32 s5, $0x1;
	s5 =	sadd.s32 s21, s3  }
0x9d: {  	[timem:s7], [sflag:s22] =	dma.local [hbm:s5], s20  }
0x9e: {  	_ =	swait.ge [sflag:s22], s20  }
0x9f: {  	s4 =	ssub.s32 $0x0, s20;
	[sflag:s22] =	ssyncset.done $0x0  }
0xa0: {  	[sflag:s22] =	ssyncadd.s32 s4;
	_ =	sdelay $0x1  }
0xa1: {  	s23 =	simm.s32 $0x1B8B  }
0xa2: {  	_ =	swait.ge [sflag:s23], $0x1  }
0xa3: {  	[sflag:s23] =	ssyncset.done $0x0  }
0xa4: {  	s25 =	simm.s32 $0x1B8E;
	s24 =	sld [smem:$0x3FFE];
	[sflag:s23] =	ssyncadd.s32 $0xFFFFFFFF  }
0xa5: {  	s26 =	simm.s32 $execute0_lowered;
	[smem:$0x3FD2] =	sst s25  }
0xa6: {  	s5 =	sshll.u32 s26, $0x1;
	_ =	strace $0x80000046;
	[dreg:$0x1] =	wrdreg $0xFFFFFFFF  }
0xa7: {  	s28 =	simm.s32 $_size_execute0_lowered;
	s3 =	sadd.s32 s3, s5;
	[dreg:$0x0] =	wrdreg $0x0  }
0xa8: {  	s5 =	sshll.u32 s28, $0x1;
	[dreg:$0x2] =	wrdreg s3  }
0xa9: {  	[dreg:$0x3] =	wrdreg s5  }
0xaa: {  	[dreg:$0x4] =	wrdreg $0xC0  }
0xab: {  	_ =	task [dreg:s7], $0x5FFFF  }
0xac: {  	[dreg:$0x1] =	wrdreg $0xFFFFFFFF  }
0xad: {  	[dreg:$0x0] =	wrdreg $0x60  }
0xae: {  	[dreg:$0x2] =	wrdreg s2  }
0xaf: {  	[dreg:$0x3] =	wrdreg s24  }
0xb0: {  	[dreg:$0x4] =	wrdreg $0x9  }
0xb1: {  	_ =	task.clear_ibuf [dreg:s7], $0x5FFFF;
	_ =	strace $0x90000046  }
0xb2: {  	s29 =	simm.s32 $0x9;
	_ =	strace $0x80000048  }
0xb3: {  	_ =	swait.ge [sflag:s29], $0x1  }
0xb4: {  	[sflag:s29] =	ssyncadd.s32 $0xFFFFFFFF  }
0xb5: {  	_ =	strace $0x90000048  }
0xb6: {  	_ =	sfence  }
0xb7: {  	s30 =	sld [smem:$0x0];
	_ =	sdelay $0x2  }
0xb8: {  	s31 =	sshll.u32 s1, $0xD;
	s1 =	sshrl.u32 s1, $0x2  }
0xb9: {  	s3 =	sand.u32 $0x4000, s31;
	s1 =	sadd.s32 s1, s30  }
0xba: {  	s0 =	sor.u32 s3, s0;
	s1 =	sshll.u32 s1, $0x11  }
0xbb: {  	s0 =	sor.u32 s1, s0  }
0xbc: {  	s0 =	sadd.s32 $0x8F2B, s0  }
0xbd: {  	[sflag:s0] =	ssyncadd.remote.s32 $0x1  }
0xbe: {  	_ =	sfence.sel $0xFFFF  }
0xbf: {  	[dreg:$0x0] =	wrdreg $0xFFFFFFFF;
	(pc) =	sbr.abs _section_cstart, $3  }
0xc0: {  	[dreg:$0x1] =	wrdreg $0xFFFFFFFF  }
0xc1: {  	_ =	task.clear_ibuf [dreg:s7], $0x2FFFF;
	_ =	strace $0x9FFFFFFF  }
0xc2: {  	(tm) =	ssettm $0x7FFFFFFF  }
0xc3: {  	_ =	shalt  }
tec
execute0_lowered:
.L_overlay_start_1:
0x0: {  	(tag) =	ssettag $0x1  }
0x1: {  	v0 =	vimm.s32 $0xB80;
	vm14 =	vcmask $0x300  }
0x2: {  	v1 =	vimm.s32 $0x1B80;
	vm13 =	vcmask $0x704;
	vm12 =	vcmask $0xB08  }
0x3: {  	vm11 =	vcmask $0xF0C;
	vm10 =	vcmask $0x1310;
	vm9 =	vcmask $0x1714  }
0x4: {  	vm8 =	vcmask $0x1B18;
	vm7 =	vcmask $0x1F1C;
	vm6 =	vcmask $0x2320  }
0x5: {  	vm5 =	vcmask $0x2724;
	vm4 =	vcmask $0x2B28;
	vm3 =	vcmask $0x2F2C  }
0x6: {  	vm2 =	vcmask $0x3330;
	vm1 =	vcmask $0x3734;
	vm0 =	vcmask $0x3B38  }
0x7: {  	v2 =	vimm.s32 $0x2B80;
	v3 =	vimm.s32 $0x3B80;
	v4 =	vimm.s32 $0xB81  }
0x8: {  	v5 =	vimm.s32 $0x1B81;
	v6 =	vimm.s32 $0x2B81;
	v7 =	vimm.s32 $0x3B81  }
0x9: {  	v0 =	vsel vm14, $0x0, v0;
	v1 =	vsel vm14, $0x1000, v1;
	v2 =	vsel vm14, $0x2000, v2  }
0xa: {  	v3 =	vsel vm14, $0x3000, v3;
	v4 =	vsel vm14, $0x1, v4;
	v5 =	vsel vm14, $0x1001, v5  }
0xb: {  	v6 =	vsel vm14, $0x2001, v6;
	v7 =	vsel vm14, $0x3001, v7;
	v0 =	vsel vm13, $0x80, v0  }
0xc: {  	v1 =	vsel vm13, $0x1080, v1;
	v2 =	vsel vm13, $0x2080, v2;
	v3 =	vsel vm13, $0x3080, v3  }
0xd: {  	v4 =	vsel vm13, $0x81, v4;
	v5 =	vsel vm13, $0x1081, v5;
	v6 =	vsel vm13, $0x2081, v6  }
0xe: {  	v7 =	vsel vm13, $0x3081, v7;
	v0 =	vsel vm12, $0x100, v0;
	v1 =	vsel vm12, $0x1100, v1  }
0xf: {  	v2 =	vsel vm12, $0x2100, v2;
	v3 =	vsel vm12, $0x3100, v3;
	v4 =	vsel vm12, $0x101, v4  }
0x10: {  	v5 =	vsel vm12, $0x1101, v5;
	v6 =	vsel vm12, $0x2101, v6;
	v7 =	vsel vm12, $0x3101, v7  }
0x11: {  	v0 =	vsel vm11, $0x180, v0;
	v1 =	vsel vm11, $0x1180, v1;
	v2 =	vsel vm11, $0x2180, v2  }
0x12: {  	v3 =	vsel vm11, $0x3180, v3;
	v4 =	vsel vm11, $0x181, v4;
	v5 =	vsel vm11, $0x1181, v5  }
0x13: {  	v6 =	vsel vm11, $0x2181, v6;
	v7 =	vsel vm11, $0x3181, v7;
	v0 =	vsel vm10, $0x200, v0  }
0x14: {  	v1 =	vsel vm10, $0x1200, v1;
	v2 =	vsel vm10, $0x2200, v2;
	v3 =	vsel vm10, $0x3200, v3  }
0x15: {  	v4 =	vsel vm10, $0x201, v4;
	v5 =	vsel vm10, $0x1201, v5;
	v6 =	vsel vm10, $0x2201, v6  }
0x16: {  	v7 =	vsel vm10, $0x3201, v7;
	v0 =	vsel vm9, $0x280, v0;
	v1 =	vsel vm9, $0x1280, v1  }
0x17: {  	v2 =	vsel vm9, $0x2280, v2;
	v3 =	vsel vm9, $0x3280, v3;
	v4 =	vsel vm9, $0x281, v4  }
0x18: {  	v5 =	vsel vm9, $0x1281, v5;
	v6 =	vsel vm9, $0x2281, v6;
	v7 =	vsel vm9, $0x3281, v7  }
0x19: {  	v0 =	vsel vm8, $0x300, v0;
	v1 =	vsel vm8, $0x1300, v1;
	v2 =	vsel vm8, $0x2300, v2  }
0x1a: {  	v3 =	vsel vm8, $0x3300, v3;
	v4 =	vsel vm8, $0x301, v4;
	v5 =	vsel vm8, $0x1301, v5  }
0x1b: {  	v6 =	vsel vm8, $0x2301, v6;
	v7 =	vsel vm8, $0x3301, v7;
	v0 =	vsel vm7, $0x380, v0  }
0x1c: {  	v1 =	vsel vm7, $0x1380, v1;
	v2 =	vsel vm7, $0x2380, v2;
	v3 =	vsel vm7, $0x3380, v3  }
0x1d: {  	v4 =	vsel vm7, $0x381, v4;
	v5 =	vsel vm7, $0x1381, v5;
	v6 =	vsel vm7, $0x2381, v6  }
0x1e: {  	v7 =	vsel vm7, $0x3381, v7;
	v0 =	vsel vm6, $0x800, v0;
	v1 =	vsel vm6, $0x1800, v1  }
0x1f: {  	v2 =	vsel vm6, $0x2800, v2;
	v3 =	vsel vm6, $0x3800, v3;
	v4 =	vsel vm6, $0x801, v4  }
0x20: {  	v5 =	vsel vm6, $0x1801, v5;
	v6 =	vsel vm6, $0x2801, v6;
	v7 =	vsel vm6, $0x3801, v7  }
0x21: {  	v0 =	vsel vm5, $0x880, v0;
	v1 =	vsel vm5, $0x1880, v1;
	v2 =	vsel vm5, $0x2880, v2  }
0x22: {  	v3 =	vsel vm5, $0x3880, v3;
	v4 =	vsel vm5, $0x881, v4;
	v5 =	vsel vm5, $0x1881, v5  }
0x23: {  	v6 =	vsel vm5, $0x2881, v6;
	v7 =	vsel vm5, $0x3881, v7;
	v0 =	vsel vm4, $0x900, v0  }
0x24: {  	s0 =	rddreg [dreg:$0x0];
	v1 =	vsel vm4, $0x1900, v1;
	v2 =	vsel vm4, $0x2900, v2;
	v3 =	vsel vm4, $0x3900, v3  }
0x25: {  	s1 =	rddreg [dreg:$0x1];
	s2 =	srdreg.scid;
	v4 =	vsel vm4, $0x901, v4;
	v5 =	vsel vm4, $0x1901, v5;
	v6 =	vsel vm4, $0x2901, v6  }
0x26: {  	s3 =	simm.s32 $0x0;
	s9 =	stileid.u32;
	s13 =	simm.s32 $0x7A1400;
	v7 =	vsel vm4, $0x3901, v7;
	v0 =	vsel vm3, $0x980, v0;
	v1 =	vsel vm3, $0x1980, v1  }
0x27: {  	s14 =	simm.s32 $0x2;
	s15 =	simm.s32 $0x4000;
	s17 =	simm.s32 $0x1;
	v2 =	vsel vm3, $0x2980, v2;
	v3 =	vsel vm3, $0x3980, v3;
	v4 =	vsel vm3, $0x981, v4  }
0x28: {  	s20 =	simm.s32 $0x6;
	s2 =	sand.u32 $0x1, s2;
	[smem:$0x7FF] =	sst s3;
	v5 =	vsel vm3, $0x1981, v5;
	v6 =	vsel vm3, $0x2981, v6;
	v7 =	vsel vm3, $0x3981, v7  }
0x29: {  	s4 =	sshll.u32 s9, $0x1;
	s5 =	sadd.s32 $0xA00, s1;
	s8 =	sadd.s32 $0x7A1A00, s1;
	v0 =	vsel vm2, $0xA00, v0;
	v1 =	vsel vm2, $0x1A00, v1;
	v2 =	vsel vm2, $0x2A00, v2  }
0x2a: {  	p0 =	sgt.u32 s9, $0x1;
	s1 =	simm.s32 $0x4;
	s6 =	ssub.s32 $0x2, s2;
	v3 =	vsel vm2, $0x3A00, v3;
	v4 =	vsel vm2, $0xA01, v4;
	v5 =	vsel vm2, $0x1A01, v5  }
0x2b: {  	_ =	strace $0x80000047;
	s4 =	sor.u32 s2, s4;
	s1 =	simm.s32 @!p0 $0x3;
	v6 =	vsel vm2, $0x2A01, v6;
	v7 =	vsel vm2, $0x3A01, v7;
	v0 =	vsel vm1, $0xA80, v0  }
.Ltmp0:
0x2c: {  	s7 =	sshrl.u32 s6, $0x1;
	s31 =	sshll.u32 s4, $0x7;
	v1 =	vsel vm1, $0x1A80, v1;
	v2 =	vsel vm1, $0x2A80, v2;
	v3 =	vsel vm1, $0x3A80, v3;
	(pc) =	sbr.rel .LBB2_1-.Ltmp0, $4  }
0x2d: {  	[dreg:$0x4] =	wrdreg s1;
	s30 =	ssub.s32 s6, s7;
	s6 =	sadd.s32 s0, s31;
	v4 =	vsel vm1, $0xA81, v4;
	v5 =	vsel vm1, $0x1A81, v5;
	v6 =	vsel vm1, $0x2A81, v6  }
0x2e: {  	[dreg:$0x3] =	wrdreg s6;
	s6 =	simm.s32 $0x3;
	s2 =	smax.u32 s30, $0x1;
	v7 =	vsel vm1, $0x3A81, v7;
	v0 =	vsel vm0, $0xB00, v0;
	v1 =	vsel vm0, $0x1B00, v1  }
0x2f: {  	s22 =	simm.s32 $0x5;
	[dreg:$0x6] =	wrdreg s2;
	s6 =	simm.s32 @!p0 $0x4;
	v2 =	vsel vm0, $0x2B00, v2;
	v3 =	vsel vm0, $0x3B00, v3;
	v4 =	vsel vm0, $0xB01, v4  }
0x30: {  	s23 =	simm.s32 $0x0;
	s7 =	sadd.s32 $0xF4200, s0;
	[dreg:$0x5] =	wrdreg s6;
	v5 =	vsel vm0, $0x1B01, v5;
	v6 =	vsel vm0, $0x2B01, v6;
	v7 =	vsel vm0, $0x3B01, v7  }
.LBB2_21:
0x31: {  	s1 =	rddreg [dreg:$0x4]  }
0x32: {  	_ =	swait.ge [sflag:s1], $0x2000  }
0x33: {  	[sflag:s1] =	ssyncset.done $0x0  }
0x34: {  	s31 =	rddreg [dreg:$0x5];
	[sflag:s1] =	ssyncadd.s32 $0xFFFFE000  }
0x35: {  	_ =	swait.ge [sflag:s31], $0x2000  }
0x36: {  	s23 =	sadd.s32 $0x1, s23;
	s2 =	rddreg [dreg:$0x6]  }
0x37: {  	p0 =	sne.s32 s23, s2  }
.Ltmp1:
0x38: {  	_ = 	snop;
	(pc) =	sbr.rel @!p0 .LBB2_22-.Ltmp1, $3  }
0x39: {  	_ =	sdelay $0x1  }
0x3a: {  	[sflag:s31] =	ssyncset.done $0x0  }
0x3b: {  	[sflag:s31] =	ssyncadd.s32 $0xFFFFE000  }
.LBB2_1:
.Ltmp2:
0x3c: {  	(pc) =	sbr.rel .LBB2_2-.Ltmp2, $3  }
0x3d: {  	_ =	sdelay $0x1  }
0x3e: {  	s1 =	rddreg [dreg:$0x3];
	s2 =	simm.s32 $0x400;
	s24 =	simm.s32 $0x0  }
0x3f: {  	[tilespmem:s3], [sflag:$0x1] =	stream.strided.gather [hbm4b:s1+s2], $0x2000, s13, s2, $0x38;
	[tilespmem:$0xF000] =	vst v63  }
.LBB2_19:
0x40: {  	v23 =	vor.u32 s2, v3  }
0x41: {  	v18 =	vmul.f32 $8.000000000e+00, v18  }
0x42: {  	v24 =	vor.u32 s11, v3;
	v9 =	vmul.f32 $8.000000000e+00, v9  }
0x43: {  	v17 =	vmul.f32 $8.000000000e+00, v17;
	[tilespmem:s9+$0xFFFFFFA0] =	vst v18  }
0x44: {  	v59 =	vmul.f32 $8.000000000e+00, v19;
	[tilespmem:s9+$0xFFFFFF20] =	vst v9;
	v8 =	vld.idx.msk [tilespmem:v8+s15+$0x0], $0xffff  }
0x45: {  	[tilespmem:s9+$0xA0] =	vst v17;
	v9 =	vld.idx.msk [tilespmem:v23+s15+$0x0], $0xffff  }
0x46: {  	[tilespmem:s9+$0x20] =	vst v59;
	v17 =	vld.idx.msk [tilespmem:v21+s15+$0x0], $0xffff  }
0x47: {  	v60 =	vor.u32 s10, v4;
	v61 =	vld.idx.msk [tilespmem:v24+s15+$0x0], $0xffff  }
0x48: {  	v62 =	vor.u32 s2, v4  }
0x49: {  	v63 =	vor.u32 s6, v4;
	v8 =	vmul.f32 $8.000000000e+00, v8  }
0x4a: {  	[tilespmem:s26+$0xFFFFFFD0] =	vst v22;
	v24 =	vor.u32 s11, v4;
	v9 =	vmul.f32 $8.000000000e+00, v9  }
0x4b: {  	v17 =	vmul.f32 $8.000000000e+00, v17;
	[tilespmem:s9+$0xFFFFFFB0] =	vst v8  }
0x4c: {  	v8 =	vor.u32 s1, v5;
	v19 =	vmul.f32 $8.000000000e+00, v61;
	v18 =	vld.idx.msk [tilespmem:v60+s15+$0x0], $0xffff;
	[tilespmem:s9+$0xFFFFFF30] =	vst v9  }
0x4d: {  	[tilespmem:s9+$0xB0] =	vst v17;
	v9 =	vld.idx.msk [tilespmem:v62+s15+$0x0], $0xffff  }
0x4e: {  	v15 =	vmul.f32 $8.000000000e+00, v15;
	v25 =	vor.u32 s29, v5;
	v26 =	vld.idx.msk [tilespmem:v63+s15+$0x0], $0xffff;
	[tilespmem:s9+$0x30] =	vst v19  }
0x4f: {  	v12 =	vmul.f32 $8.000000000e+00, v12;
	[tilespmem:s25+$0x60] =	vst v20;
	v27 =	vor.u32 s10, v5;
	v28 =	vld.idx.msk [tilespmem:v24+s15+$0x0], $0xffff  }
0x50: {  	v14 =	vld.idx.msk [tilespmem:v14+s15+$0x0], $0xffff;
	v16 =	vmul.f32 $8.000000000e+00, v16;
	v29 =	vor.u32 s2, v5;
	[tilespmem:s26+$0xFFFFFF40] =	vst v15  }
0x51: {  	v31 =	vor.u32 s6, v5;
	[tilespmem:s26+$0xD0] =	vst v12;
	v8 =	vld.idx.msk [tilespmem:v8+s15+$0x0], $0xffff;
	v30 =	vmul.f32 $8.000000000e+00, v18  }
0x52: {  	v32 =	vor.u32 s11, v5;
	v13 =	vld.idx.msk [tilespmem:v13+s15+$0x0], $0xffff;
	[tilespmem:s25+$0xFFFFFF70] =	vst v16;
	v9 =	vmul.f32 $8.000000000e+00, v9  }
0x53: {  	v17 =	vld.idx.msk [tilespmem:v25+s15+$0x0], $0xffff;
	v33 =	vmul.f32 $8.000000000e+00, v26;
	[tilespmem:s9+$0xFFFFFFC0] =	vst v30  }
0x54: {  	v34 =	vor.u32 s1, v6;
	v20 =	vmul.f32 $8.000000000e+00, v28;
	v19 =	vld.idx.msk [tilespmem:v27+s15+$0x0], $0xffff;
	[tilespmem:s9+$0xFFFFFF40] =	vst v9  }
0x55: {  	v35 =	vmul.f32 $8.000000000e+00, v14;
	[tilespmem:s9+$0xC0] =	vst v33;
	v36 =	vld.idx.msk [tilespmem:v29+s15+$0x0], $0xffff  }
0x56: {  	v37 =	vor.u32 s29, v6;
	v38 =	vld.idx.msk [tilespmem:v31+s15+$0x0], $0xffff;
	v8 =	vmul.f32 $8.000000000e+00, v8;
	[tilespmem:s9+$0x40] =	vst v20  }
0x57: {  	v39 =	vor.u32 s10, v6;
	v13 =	vmul.f32 $8.000000000e+00, v13;
	[tilespmem:s25+$0xF0] =	vst v35;
	v16 =	vld.idx.msk [tilespmem:v32+s15+$0x0], $0xffff  }
0x58: {  	v40 =	vor.u32 s2, v6;
	v11 =	vld.idx.msk [tilespmem:v11+s15+$0x0], $0xffff;
	[tilespmem:s26+$0xFFFFFF50] =	vst v8;
	v8 =	vmul.f32 $8.000000000e+00, v17  }
0x59: {  	v43 =	vor.u32 s6, v6;
	[tilespmem:s26+$0xFFFFFFE0] =	vst v13;
	v41 =	vld.idx.msk [tilespmem:v34+s15+$0x0], $0xffff;
	v42 =	vmul.f32 $8.000000000e+00, v19  }
0x5a: {  	v44 =	vor.u32 s11, v6;
	v10 =	vld.idx.msk [tilespmem:v10+s15+$0x0], $0xffff;
	[tilespmem:s26+$0x50] =	vst v8;
	v8 =	vmul.f32 $8.000000000e+00, v36  }
0x5b: {  	v45 =	vor.u32 s30, v7;
	v15 =	vmul.f32 $8.000000000e+00, v38;
	v14 =	vld.idx.msk [tilespmem:v37+s15+$0x0], $0xffff;
	[tilespmem:s9+$0xFFFFFFD0] =	vst v42  }
0x5c: {  	v46 =	vor.u32 s1, v7;
	v9 =	vld.idx.msk [tilespmem:v39+s15+$0x0], $0xffff;
	[tilespmem:s9+$0xFFFFFF50] =	vst v8;
	v8 =	vmul.f32 $8.000000000e+00, v16  }
0x5d: {  	v47 =	vor.u32 s28, v7;
	v11 =	vmul.f32 $8.000000000e+00, v11;
	[tilespmem:s9+$0xD0] =	vst v15;
	v48 =	vld.idx.msk [tilespmem:v40+s15+$0x0], $0xffff  }
0x5e: {  	v49 =	vor.u32 s29, v7;
	v19 =	vld.idx.msk [tilespmem:v43+s15+$0x0], $0xffff;
	v13 =	vmul.f32 $8.000000000e+00, v41;
	[tilespmem:s9+$0x50] =	vst v8  }
0x5f: {  	v50 =	vor.u32 s10, v7;
	[tilespmem:s25+$0x70] =	vst v11;
	v8 =	vmul.f32 $8.000000000e+00, v10;
	v51 =	vld.idx.msk [tilespmem:v44+s15+$0x0], $0xffff  }
0x60: {  	v54 =	vor.u32 s2, v7;
	v52 =	vld.idx.msk [tilespmem:v45+s15+$0x0], $0xffff;
	[tilespmem:s26+$0xFFFFFF60] =	vst v13;
	v53 =	vmul.f32 $8.000000000e+00, v14  }
0x61: {  	v55 =	vor.u32 s6, v7;
	[tilespmem:s26+$0xE0] =	vst v8;
	v8 =	vld.idx.msk [tilespmem:v46+s15+$0x0], $0xffff;
	v9 =	vmul.f32 $8.000000000e+00, v9  }
0x62: {  	v57 =	vor.u32 s11, v7;
	[tilespmem:s26+$0x60] =	vst v53;
	v16 =	vld.idx.msk [tilespmem:v47+s15+$0x0], $0xffff;
	v56 =	vmul.f32 $8.000000000e+00, v48  }
0x63: {  	v58 =	vmul.f32 $8.000000000e+00, v19;
	v17 =	vld.idx.msk [tilespmem:v49+s15+$0x0], $0xffff;
	[tilespmem:s9+$0xFFFFFFE0] =	vst v9  }
0x64: {  	v10 =	vld.idx.msk [tilespmem:v50+s15+$0x0], $0xffff;
	[tilespmem:s9+$0xFFFFFF60] =	vst v56;
	v11 =	vmul.f32 $8.000000000e+00, v51  }
0x65: {  	v12 =	vmul.f32 $8.000000000e+00, v52;
	[tilespmem:s9+$0xE0] =	vst v58;
	v59 =	vld.idx.msk [tilespmem:v54+s15+$0x0], $0xffff  }
0x66: {  	v60 =	vld.idx.msk [tilespmem:v55+s15+$0x0], $0xffff;
	v8 =	vmul.f32 $8.000000000e+00, v8;
	[tilespmem:s9+$0x60] =	vst v11  }
0x67: {  	[tilespmem:s26+$0xFFFFFFF0] =	vst v12;
	v61 =	vmul.f32 $8.000000000e+00, v16;
	v62 =	vld.idx.msk [tilespmem:v57+s15+$0x0], $0xffff  }
0x68: {  	[tilespmem:s26+$0xFFFFFF70] =	vst v8;
	v8 =	vmul.f32 $8.000000000e+00, v17  }
0x69: {  	[tilespmem:s26+$0xF0] =	vst v61;
	v10 =	vmul.f32 $8.000000000e+00, v10  }
0x6a: {  	[tilespmem:s26+$0x70] =	vst v8;
	v8 =	vmul.f32 $8.000000000e+00, v59  }
0x6b: {  	v63 =	vmul.f32 $8.000000000e+00, v60;
	[tilespmem:s9+$0xFFFFFFF0] =	vst v10  }
0x6c: {  	[tilespmem:s9+$0xFFFFFF70] =	vst v8;
	v8 =	vmul.f32 $8.000000000e+00, v62  }
0x6d: {  	[tilespmem:s9+$0xF0] =	vst v63  }
0x6e: {  	s31 =	simm.s32 $0xE000;
	[tilespmem:s9+$0x70] =	vst v8  }
0x6f: {  	[hbm4b:s8+s3] =	stream.linear.scatter [tilespmem:s31], [sflag:$0x5], $0x1000, $0x38;
	[tilespmem:$0xF000] =	vst v63  }
0x70: {  	_ =	swait.ge [sflag:s22], $0x1000  }
0x71: {  	[sflag:s22] =	ssyncset.done $0x0  }
0x72: {  	[sflag:s22] =	ssyncadd.s32 $0xFFFFF000  }
.LBB2_20:
0x73: {  	s24 =	sadd.s32 $0x1, s24  }
0x74: {  	p0 =	sne.s32 s24, $0xF5  }
.Ltmp3:
0x75: {  	_ = 	snop;
	(pc) =	sbr.rel @!p0 .LBB2_21-.Ltmp3, $1  }
0x76: {  	_ =	sdelay $0x3  }
.LBB2_2:
0x77: {  	s1 =	sshll.u32 s24, $0x5  }
0x78: {  	s25 =	sor.u32 s4, s1  }
0x79: {  	p0 =	sgt.u32 s25, $0x1E83  }
.Ltmp4:
0x7a: {  	_ = 	snop;
	(pc) =	sbr.rel @p0 .LBB2_14-.Ltmp4, $1  }
0x7b: {  	_ =	sdelay $0x3  }
0x7c: {  	s1 =	sand.u32 $0x1, s24  }
0x7d: {  	p1 =	seq.s32 s1, $0x1  }
.Ltmp5:
0x7e: {  	_ = 	snop;
	(pc) =	sbr.rel @!p1 .LBB2_4-.Ltmp5, $3  }
0x7f: {  	_ =	sdelay $0x1  }
0x80: {  	s2 =	sadd.s32 $0x20, s25;
	p0 =	sgt.u32 s25, $0x1E63  }
0x81: {  	s1 =	sshll.u32 @!p0 s2, $0x7  }
0x82: {  	s1 =	sadd.s32 @!p0 s0, s1  }
0x83: {  	s2 =	simm.s32 @!p0 $0x400;
	s6 =	simm.s32 @!p0 $0x7A1400;
	s9 =	simm.s32 @!p0 $0x0  }
0x84: {  	[tilespmem:s9], [sflag:$0x1] =	stream.strided.gather @!p0 [hbm4b:s1+s2], $0x2000, s6, s2, $0x38;
	[tilespmem:$0xF000] =	vst v63  }
0x85: {  	_ =	swait.ge [sflag:s14], $0x2000  }
0x86: {  	p0 =	slt.u32 s24, $0x2;
	[sflag:s14] =	ssyncset.done $0x0  }
0x87: {  	s1 =	simm.s32 @!p0 $0x4;
	[sflag:s14] =	ssyncadd.s32 $0xFFFFE000  }
0x88: {  	_ =	swait.ge @!p0 [sflag:s1], $0x2000  }
0x89: {  	[sflag:s1] =	ssyncset.done @!p0 $0x0  }
0x8a: {  	s31 =	simm.s32 $0x2200;
	[sflag:s1] =	ssyncadd.s32 @!p0 $0xFFFFE000  }
0x8b: {  	v8 =	vld [tilespmem:s31+$0x180]  }
0x8c: {  	v9 =	vld [tilespmem:s31+$0xFFFFFE80]  }
0x8d: {  	v10 =	vld [tilespmem:s31+$0xFFFFFF00]  }
0x8e: {  	v11 =	vld [tilespmem:s31+$0xFFFFFF80]  }
0x8f: {  	s1 =	simm.s32 $0x4200;
	v12 =	vld [tilespmem:s31+$0x0]  }
0x90: {  	v13 =	vld [tilespmem:s31+$0x80];
	[tilespmem:s1+$0x180] =	vst v8  }
0x91: {  	[tilespmem:s1+$0xFFFFFE80] =	vst v9;
	v9 =	vld [tilespmem:s31+$0x100]  }
0x92: {  	[tilespmem:s1+$0xFFFFFF00] =	vst v10;
	v10 =	vld [tilespmem:s31+$0xFFFFFE00]  }
0x93: {  	[tilespmem:s1+$0xFFFFFF80] =	vst v11;
	v8 =	vld [tilespmem:s31+$0x190]  }
0x94: {  	[tilespmem:s1+$0x0] =	vst v12;
	v11 =	vld [tilespmem:s31+$0xFFFFFE90]  }
0x95: {  	[tilespmem:s1+$0x80] =	vst v13;
	v12 =	vld [tilespmem:s31+$0xFFFFFF10]  }
0x96: {  	v13 =	vld [tilespmem:s31+$0xFFFFFF90];
	[tilespmem:s1+$0x100] =	vst v9  }
0x97: {  	[tilespmem:s1+$0xFFFFFE00] =	vst v10;
	v9 =	vld [tilespmem:s31+$0x10]  }
0x98: {  	[tilespmem:s1+$0x190] =	vst v8;
	v10 =	vld [tilespmem:s31+$0xFFFFFE10]  }
0x99: {  	[tilespmem:s1+$0xFFFFFE90] =	vst v11;
	v11 =	vld [tilespmem:s31+$0x90]  }
0x9a: {  	[tilespmem:s1+$0xFFFFFF10] =	vst v12;
	v8 =	vld [tilespmem:s31+$0x1A0]  }
0x9b: {  	[tilespmem:s1+$0xFFFFFF90] =	vst v13;
	v12 =	vld [tilespmem:s31+$0x110]  }
0x9c: {  	v13 =	vld [tilespmem:s31+$0xFFFFFEA0];
	[tilespmem:s1+$0x10] =	vst v9  }
0x9d: {  	v9 =	vld [tilespmem:s31+$0xFFFFFF20];
	[tilespmem:s1+$0xFFFFFE10] =	vst v10  }
0x9e: {  	[tilespmem:s1+$0x90] =	vst v11;
	v11 =	vld [tilespmem:s31+$0xFFFFFFA0]  }
0x9f: {  	[tilespmem:s1+$0x1A0] =	vst v8;
	v10 =	vld [tilespmem:s31+$0xFFFFFE20]  }
0xa0: {  	[tilespmem:s1+$0x110] =	vst v12;
	v8 =	vld [tilespmem:s31+$0x1B0]  }
0xa1: {  	v12 =	vld [tilespmem:s31+$0x20];
	[tilespmem:s1+$0xFFFFFEA0] =	vst v13  }
0xa2: {  	v13 =	vld [tilespmem:s31+$0xA0];
	[tilespmem:s1+$0xFFFFFF20] =	vst v9  }
0xa3: {  	v9 =	vld [tilespmem:s31+$0x120];
	[tilespmem:s1+$0xFFFFFFA0] =	vst v11  }
0xa4: {  	v11 =	vld [tilespmem:s31+$0xFFFFFEB0];
	[tilespmem:s1+$0xFFFFFE20] =	vst v10  }
0xa5: {  	[tilespmem:s1+$0x1B0] =	vst v8;
	v10 =	vld [tilespmem:s31+$0xFFFFFE30]  }
0xa6: {  	[tilespmem:s1+$0x20] =	vst v12;
	v8 =	vld [tilespmem:s31+$0x1C0]  }
0xa7: {  	v12 =	vld [tilespmem:s31+$0xFFFFFF30];
	[tilespmem:s1+$0xA0] =	vst v13  }
0xa8: {  	v13 =	vld [tilespmem:s31+$0xFFFFFFB0];
	[tilespmem:s1+$0x120] =	vst v9  }
0xa9: {  	v9 =	vld [tilespmem:s31+$0x30];
	[tilespmem:s1+$0xFFFFFEB0] =	vst v11  }
0xaa: {  	v11 =	vld [tilespmem:s31+$0x130];
	[tilespmem:s1+$0xFFFFFE30] =	vst v10  }
0xab: {  	v10 =	vld [tilespmem:s31+$0xB0];
	[tilespmem:s1+$0x1C0] =	vst v8  }
0xac: {  	[tilespmem:s1+$0xFFFFFF30] =	vst v12;
	v8 =	vld [tilespmem:s31+$0x1D0]  }
0xad: {  	[tilespmem:s1+$0xFFFFFFB0] =	vst v13;
	v13 =	vld [tilespmem:s31+$0xFFFFFEC0]  }
0xae: {  	v12 =	vld [tilespmem:s31+$0xFFFFFE40];
	[tilespmem:s1+$0x30] =	vst v9  }
0xaf: {  	v9 =	vld [tilespmem:s31+$0xFFFFFF40];
	[tilespmem:s1+$0x130] =	vst v11  }
0xb0: {  	v11 =	vld [tilespmem:s31+$0x40];
	[tilespmem:s1+$0xB0] =	vst v10  }
0xb1: {  	v10 =	vld [tilespmem:s31+$0xFFFFFFC0];
	[tilespmem:s1+$0x1D0] =	vst v8  }
0xb2: {  	[tilespmem:s1+$0xFFFFFEC0] =	vst v13;
	v8 =	vld [tilespmem:s31+$0x1E0]  }
0xb3: {  	v13 =	vld [tilespmem:s31+$0x140];
	[tilespmem:s1+$0xFFFFFE40] =	vst v12  }
0xb4: {  	v12 =	vld [tilespmem:s31+$0xC0];
	[tilespmem:s1+$0xFFFFFF40] =	vst v9  }
0xb5: {  	v9 =	vld [tilespmem:s31+$0xFFFFFE50];
	[tilespmem:s1+$0x40] =	vst v11  }
0xb6: {  	[tilespmem:s1+$0xFFFFFFC0] =	vst v10;
	v10 =	vld [tilespmem:s31+$0xFFFFFED0]  }
0xb7: {  	v11 =	vld [tilespmem:s31+$0xFFFFFF50];
	[tilespmem:s1+$0x1E0] =	vst v8  }
0xb8: {  	[tilespmem:s1+$0x140] =	vst v13;
	v8 =	vld [tilespmem:s31+$0x1F0]  }
0xb9: {  	v13 =	vld [tilespmem:s31+$0x50];
	[tilespmem:s1+$0xC0] =	vst v12  }
0xba: {  	v12 =	vld [tilespmem:s31+$0xFFFFFFD0];
	[tilespmem:s1+$0xFFFFFE50] =	vst v9  }
0xbb: {  	v9 =	vld [tilespmem:s31+$0x150];
	[tilespmem:s1+$0xFFFFFED0] =	vst v10  }
0xbc: {  	[tilespmem:s1+$0xFFFFFF50] =	vst v11;
	v11 =	vld [tilespmem:s31+$0xFFFFFEE0]  }
0xbd: {  	[tilespmem:s1+$0x1F0] =	vst v8;
	v8 =	vld [tilespmem:s31+$0xD0]  }
0xbe: {  	[tilespmem:s1+$0x50] =	vst v13;
	v10 =	vld [tilespmem:s31+$0xFFFFFE60]  }
0xbf: {  	[tilespmem:s1+$0xFFFFFFD0] =	vst v12;
	v12 =	vld [tilespmem:s31+$0xFFFFFF60]  }
0xc0: {  	v13 =	vld [tilespmem:s31+$0xFFFFFFE0];
	[tilespmem:s1+$0x150] =	vst v9  }
0xc1: {  	[tilespmem:s1+$0xFFFFFEE0] =	vst v11;
	v11 =	vld [tilespmem:s31+$0x160]  }
0xc2: {  	[tilespmem:s1+$0xD0] =	vst v8;
	v8 =	vld [tilespmem:s31+$0x60]  }
0xc3: {  	[tilespmem:s1+$0xFFFFFE60] =	vst v10;
	v9 =	vld [tilespmem:s31+$0xE0]  }
0xc4: {  	v14 =	vld [tilespmem:s31+$0xFFFFFE70];
	[tilespmem:s1+$0xFFFFFF60] =	vst v12  }
0xc5: {  	v12 =	vld [tilespmem:s31+$0xFFFFFEF0];
	[tilespmem:s1+$0xFFFFFFE0] =	vst v13  }
0xc6: {  	v10 =	vld [tilespmem:s31+$0xFFFFFF70];
	[tilespmem:s1+$0x160] =	vst v11  }
0xc7: {  	[tilespmem:s1+$0x60] =	vst v8;
	v8 =	vld [tilespmem:s31+$0xFFFFFFF0]  }
0xc8: {  	[tilespmem:s1+$0xE0] =	vst v9;
	v9 =	vld [tilespmem:s31+$0x70]  }
0xc9: {  	[tilespmem:s1+$0xFFFFFE70] =	vst v14;
	v11 =	vld [tilespmem:s31+$0xF0]  }
0xca: {  	s26 =	simm.s32 $0xA100;
	s2 =	simm.s32 $0x0;
	s6 =	simm.s32 $0x2600;
	[tilespmem:s1+$0xFFFFFEF0] =	vst v12;
	v12 =	vld [tilespmem:s31+$0x170]  }
.LBB2_10:
0xcb: {  	v13 =	vld [tilespmem:s6+$0x180];
	s2 =	sadd.s32 $0x8, s2;
	[tilespmem:s1+$0xFFFFFF70] =	vst v10  }
0xcc: {  	v10 =	vld [tilespmem:s6+$0xFFFFFE80];
	p0 =	slt.u32 s2, $0x38;
	[tilespmem:s1+$0xFFFFFFF0] =	vst v8  }
0xcd: {  	v8 =	vld [tilespmem:s6+$0xFFFFFF00];
	[tilespmem:s1+$0x70] =	vst v9  }
0xce: {  	v9 =	vld [tilespmem:s6+$0xFFFFFF80];
	[tilespmem:s1+$0xF0] =	vst v11  }
0xcf: {  	v11 =	vld [tilespmem:s6+$0x0];
	[tilespmem:s1+$0x170] =	vst v12;
	s1 =	sadd.s32 $0x800, s1  }
0xd0: {  	v12 =	vld [tilespmem:s6+$0x80];
	[tilespmem:s1+$0x180] =	vst v13  }
0xd1: {  	[tilespmem:s1+$0xFFFFFE80] =	vst v10;
	v10 =	vld [tilespmem:s6+$0x190]  }
0xd2: {  	[tilespmem:s1+$0xFFFFFF00] =	vst v8;
	v8 =	vld [tilespmem:s6+$0x100]  }
0xd3: {  	v13 =	vld [tilespmem:s6+$0xFFFFFE00];
	[tilespmem:s1+$0xFFFFFF80] =	vst v9  }
0xd4: {  	v9 =	vld [tilespmem:s6+$0xFFFFFE90];
	[tilespmem:s1+$0x0] =	vst v11  }
0xd5: {  	v11 =	vld [tilespmem:s6+$0xFFFFFF10];
	[tilespmem:s1+$0x80] =	vst v12  }
0xd6: {  	v12 =	vld [tilespmem:s6+$0xFFFFFF90];
	[tilespmem:s1+$0x190] =	vst v10  }
0xd7: {  	[tilespmem:s1+$0x100] =	vst v8;
	v8 =	vld [tilespmem:s6+$0x1A0]  }
0xd8: {  	[tilespmem:s1+$0xFFFFFE00] =	vst v13;
	v10 =	vld [tilespmem:s6+$0x10]  }
0xd9: {  	v13 =	vld [tilespmem:s6+$0xFFFFFE10];
	[tilespmem:s1+$0xFFFFFE90] =	vst v9  }
0xda: {  	[tilespmem:s1+$0xFFFFFF10] =	vst v11;
	v9 =	vld [tilespmem:s6+$0x90]  }
0xdb: {  	[tilespmem:s1+$0xFFFFFF90] =	vst v12;
	v11 =	vld [tilespmem:s6+$0x110]  }
0xdc: {  	v12 =	vld [tilespmem:s6+$0xFFFFFEA0];
	[tilespmem:s1+$0x1A0] =	vst v8  }
0xdd: {  	[tilespmem:s1+$0x10] =	vst v10;
	v8 =	vld [tilespmem:s6+$0x1B0]  }
0xde: {  	[tilespmem:s1+$0xFFFFFE10] =	vst v13;
	v10 =	vld [tilespmem:s6+$0xFFFFFF20]  }
0xdf: {  	v13 =	vld [tilespmem:s6+$0xFFFFFE20];
	[tilespmem:s1+$0x90] =	vst v9  }
0xe0: {  	v9 =	vld [tilespmem:s6+$0xFFFFFFA0];
	[tilespmem:s1+$0x110] =	vst v11  }
0xe1: {  	[tilespmem:s1+$0xFFFFFEA0] =	vst v12;
	v11 =	vld [tilespmem:s6+$0x20]  }
0xe2: {  	v12 =	vld [tilespmem:s6+$0xA0];
	[tilespmem:s1+$0x1B0] =	vst v8  }
0xe3: {  	[tilespmem:s1+$0xFFFFFF20] =	vst v10;
	v8 =	vld [tilespmem:s6+$0x1C0]  }
0xe4: {  	[tilespmem:s1+$0xFFFFFE20] =	vst v13;
	v10 =	vld [tilespmem:s6+$0x120]  }
0xe5: {  	v13 =	vld [tilespmem:s6+$0xFFFFFE30];
	[tilespmem:s1+$0xFFFFFFA0] =	vst v9  }
0xe6: {  	v9 =	vld [tilespmem:s6+$0xFFFFFEB0];
	[tilespmem:s1+$0x20] =	vst v11  }
0xe7: {  	v11 =	vld [tilespmem:s6+$0xFFFFFF30];
	[tilespmem:s1+$0xA0] =	vst v12  }
0xe8: {  	v12 =	vld [tilespmem:s6+$0xFFFFFFB0];
	[tilespmem:s1+$0x1C0] =	vst v8  }
0xe9: {  	[tilespmem:s1+$0x120] =	vst v10;
	v8 =	vld [tilespmem:s6+$0x1D0]  }
0xea: {  	[tilespmem:s1+$0xFFFFFE30] =	vst v13;
	v10 =	vld [tilespmem:s6+$0x30]  }
0xeb: {  	[tilespmem:s1+$0xFFFFFEB0] =	vst v9;
	v9 =	vld [tilespmem:s6+$0xB0]  }
0xec: {  	[tilespmem:s1+$0xFFFFFF30] =	vst v11;
	v11 =	vld [tilespmem:s6+$0x130]  }
0xed: {  	v13 =	vld [tilespmem:s6+$0xFFFFFE40];
	[tilespmem:s1+$0xFFFFFFB0] =	vst v12  }
0xee: {  	v12 =	vld [tilespmem:s6+$0xFFFFFEC0];
	[tilespmem:s1+$0x1D0] =	vst v8  }
0xef: {  	[tilespmem:s1+$0x30] =	vst v10;
	v8 =	vld [tilespmem:s6+$0x1E0]  }
0xf0: {  	v10 =	vld [tilespmem:s6+$0xFFFFFF40];
	[tilespmem:s1+$0xB0] =	vst v9  }
0xf1: {  	v9 =	vld [tilespmem:s6+$0xFFFFFFC0];
	[tilespmem:s1+$0x130] =	vst v11  }
0xf2: {  	[tilespmem:s1+$0xFFFFFE40] =	vst v13;
	v11 =	vld [tilespmem:s6+$0x40]  }
0xf3: {  	[tilespmem:s1+$0xFFFFFEC0] =	vst v12;
	v12 =	vld [tilespmem:s6+$0xC0]  }
0xf4: {  	v13 =	vld [tilespmem:s6+$0x140];
	[tilespmem:s1+$0x1E0] =	vst v8  }
0xf5: {  	[tilespmem:s1+$0xFFFFFF40] =	vst v10;
	v8 =	vld [tilespmem:s6+$0x1F0]  }
0xf6: {  	v10 =	vld [tilespmem:s6+$0xFFFFFE50];
	[tilespmem:s1+$0xFFFFFFC0] =	vst v9  }
0xf7: {  	v9 =	vld [tilespmem:s6+$0xFFFFFED0];
	[tilespmem:s1+$0x40] =	vst v11  }
0xf8: {  	v11 =	vld [tilespmem:s6+$0xFFFFFF50];
	[tilespmem:s1+$0xC0] =	vst v12  }
0xf9: {  	v12 =	vld [tilespmem:s6+$0xFFFFFFD0];
	[tilespmem:s1+$0x140] =	vst v13  }
0xfa: {  	s16 =	simm.s32 $0x0;
	v13 =	vld [tilespmem:s6+$0x50];
	[tilespmem:s1+$0x1F0] =	vst v8  }
0xfb: {  	[tilespmem:s1+$0xFFFFFE50] =	vst v10;
	v8 =	vld [tilespmem:s6+$0xD0]  }
0xfc: {  	[tilespmem:s1+$0xFFFFFED0] =	vst v9;
	v9 =	vld [tilespmem:s6+$0x150]  }
0xfd: {  	v10 =	vld [tilespmem:s6+$0xFFFFFE60];
	[tilespmem:s1+$0xFFFFFF50] =	vst v11  }
0xfe: {  	v11 =	vld [tilespmem:s6+$0xFFFFFEE0];
	[tilespmem:s1+$0xFFFFFFD0] =	vst v12  }
0xff: {  	v12 =	vld [tilespmem:s6+$0xFFFFFF60];
	[tilespmem:s1+$0x50] =	vst v13  }
0x100: {  	v13 =	vld [tilespmem:s6+$0xFFFFFFE0];
	[tilespmem:s1+$0xD0] =	vst v8  }
0x101: {  	v8 =	vld [tilespmem:s6+$0x60];
	[tilespmem:s1+$0x150] =	vst v9  }
0x102: {  	[tilespmem:s1+$0xFFFFFE60] =	vst v10;
	v9 =	vld [tilespmem:s6+$0xE0]  }
0x103: {  	[tilespmem:s1+$0xFFFFFEE0] =	vst v11;
	v11 =	vld [tilespmem:s6+$0x160]  }
0x104: {  	v14 =	vld [tilespmem:s6+$0xFFFFFE70];
	[tilespmem:s1+$0xFFFFFF60] =	vst v12  }
0x105: {  	v12 =	vld [tilespmem:s6+$0xFFFFFEF0];
	[tilespmem:s1+$0xFFFFFFE0] =	vst v13  }
.Ltmp6:
0x106: {  	v10 =	vld [tilespmem:s6+$0xFFFFFF70];
	[tilespmem:s1+$0x60] =	vst v8;
	(pc) =	sbr.rel @p0 .LBB2_10-.Ltmp6, $4  }
0x107: {  	v8 =	vld [tilespmem:s6+$0xFFFFFFF0];
	[tilespmem:s1+$0xE0] =	vst v9  }
0x108: {  	v9 =	vld [tilespmem:s6+$0x70];
	[tilespmem:s1+$0x160] =	vst v11  }
0x109: {  	[tilespmem:s1+$0xFFFFFE70] =	vst v14;
	v11 =	vld [tilespmem:s6+$0xF0]  }
0x10a: {  	[tilespmem:s1+$0xFFFFFEF0] =	vst v12;
	v12 =	vld [tilespmem:s6+$0x170];
	s6 =	sadd.s32 $0x400, s6  }
0x10b: {  	s9 =	simm.s32 $0x2  }
0x10c: {  	[tilespmem:s1+$0xFFFFFF70] =	vst v10;
	s18 =	simm.s32 $0x6;
	v10 =	vor.u32 s9, v0  }
0x10d: {  	[tilespmem:s1+$0xFFFFFFF0] =	vst v8;
	v8 =	vor.u32 s18, v0  }
0x10e: {  	[tilespmem:s1+$0x70] =	vst v9  }
0x10f: {  	[tilespmem:s1+$0xF0] =	vst v11  }
0x110: {  	[tilespmem:s1+$0x170] =	vst v12  }
0x111: {  	v9 =	vld.idx.msk [tilespmem:v10+s15+$0x0], $0xffff  }
0x112: {  	v8 =	vld.idx.msk [tilespmem:v8+s15+$0x0], $0xffff;
	_ =	sdelay $0x1  }
0x113: {  	v10 =	vor.u32 s9, v1  }
0x114: {  	v11 =	vor.u32 s18, v1  }
0x115: {  	v9 =	vmul.f32 $8.000000000e+00, v9  }
0x116: {  	s19 =	simm.s32 $0x4;
	v8 =	vmul.f32 $8.000000000e+00, v8  }
0x117: {  	v12 =	vor.u32 s19, v0;
	[tilespmem:s26+$0xFFFFFF80] =	vst v9  }
0x118: {  	v9 =	vor.u32 s16, v0;
	[tilespmem:s26+$0x80] =	vst v8;
	v8 =	vld.idx.msk [tilespmem:v10+s15+$0x0], $0xffff  }
0x119: {  	v10 =	vld.idx.msk [tilespmem:v11+s15+$0x0], $0xffff;
	_ =	sdelay $0x1  }
0x11a: {  	v11 =	vor.u32 s9, v2  }
0x11b: {  	v13 =	vor.u32 s18, v2;
	v12 =	vld.idx.msk [tilespmem:v12+s15+$0x0], $0xffff  }
0x11c: {  	v9 =	vld.idx.msk [tilespmem:v9+s15+$0x0], $0xffff;
	v8 =	vmul.f32 $8.000000000e+00, v8  }
0x11d: {  	v10 =	vmul.f32 $8.000000000e+00, v10  }
0x11e: {  	v14 =	vor.u32 s19, v1;
	[tilespmem:s26+$0xFFFFFF90] =	vst v8  }
0x11f: {  	v8 =	vor.u32 s16, v1;
	[tilespmem:s26+$0x90] =	vst v10;
	v10 =	vld.idx.msk [tilespmem:v11+s15+$0x0], $0xffff  }
0x120: {  	v11 =	vmul.f32 $8.000000000e+00, v12;
	v12 =	vld.idx.msk [tilespmem:v13+s15+$0x0], $0xffff  }
0x121: {  	v9 =	vmul.f32 $8.000000000e+00, v9  }
0x122: {  	v13 =	vor.u32 s9, v3;
	[tilespmem:s26+$0x0] =	vst v11  }
0x123: {  	s29 =	simm.s32 $0xE;
	v11 =	vor.u32 s18, v3;
	[tilespmem:s26+$0xFFFFFF00] =	vst v9;
	v9 =	vld.idx.msk [tilespmem:v14+s15+$0x0], $0xffff  }
0x124: {  	s31 =	simm.s32 $0xA;
	v14 =	vor.u32 s29, v0;
	v8 =	vld.idx.msk [tilespmem:v8+s15+$0x0], $0xffff;
	v10 =	vmul.f32 $8.000000000e+00, v10  }
0x125: {  	v15 =	vor.u32 s31, v0;
	v12 =	vmul.f32 $8.000000000e+00, v12  }
0x126: {  	v16 =	vor.u32 s19, v2;
	[tilespmem:s26+$0xFFFFFFA0] =	vst v10  }
0x127: {  	s1 =	simm.s32 $0x8;
	v10 =	vor.u32 s16, v2;
	[tilespmem:s26+$0xA0] =	vst v12;
	v12 =	vld.idx.msk [tilespmem:v13+s15+$0x0], $0xffff  }
0x128: {  	s30 =	simm.s32 $0xC;
	v9 =	vmul.f32 $8.000000000e+00, v9;
	v13 =	vor.u32 s1, v0;
	v11 =	vld.idx.msk [tilespmem:v11+s15+$0x0], $0xffff  }
0x129: {  	v17 =	vor.u32 s30, v0;
	v14 =	vld.idx.msk [tilespmem:v14+s15+$0x0], $0xffff;
	v8 =	vmul.f32 $8.000000000e+00, v8  }
0x12a: {  	[tilespmem:s26+$0x10] =	vst v9;
	v9 =	vld.idx.msk [tilespmem:v15+s15+$0x0], $0xffff;
	v15 =	vor.u32 s9, v4  }
0x12b: {  	[tilespmem:s26+$0xFFFFFF10] =	vst v8;
	v8 =	vld.idx.msk [tilespmem:v16+s15+$0x0], $0xffff;
	v16 =	vor.u32 s18, v4  }
0x12c: {  	v18 =	vor.u32 s29, v1;
	v10 =	vld.idx.msk [tilespmem:v10+s15+$0x0], $0xffff;
	v12 =	vmul.f32 $8.000000000e+00, v12  }
0x12d: {  	v19 =	vor.u32 s31, v1;
	v13 =	vld.idx.msk [tilespmem:v13+s15+$0x0], $0xffff;
	v11 =	vmul.f32 $8.000000000e+00, v11  }
0x12e: {  	v20 =	vor.u32 s19, v3;
	v17 =	vld.idx.msk [tilespmem:v17+s15+$0x0], $0xffff;
	[tilespmem:s26+$0xFFFFFFB0] =	vst v12;
	v12 =	vmul.f32 $8.000000000e+00, v14  }
0x12f: {  	s28 =	simm.s32 $0xA300;
	[tilespmem:s26+$0xB0] =	vst v11;
	v9 =	vmul.f32 $8.000000000e+00, v9;
	v14 =	vor.u32 s16, v3;
	v11 =	vld.idx.msk [tilespmem:v15+s15+$0x0], $0xffff  }
0x130: {  	v8 =	vmul.f32 $8.000000000e+00, v8;
	v15 =	vor.u32 s1, v1;
	v16 =	vld.idx.msk [tilespmem:v16+s15+$0x0], $0xffff;
	[tilespmem:s28+$0x80] =	vst v12  }
0x131: {  	v10 =	vmul.f32 $8.000000000e+00, v10;
	v12 =	vor.u32 s30, v1;
	[tilespmem:s28+$0xFFFFFF80] =	vst v9;
	v9 =	vld.idx.msk [tilespmem:v18+s15+$0x0], $0xffff  }
0x132: {  	[tilespmem:s26+$0x20] =	vst v8;
	v8 =	vmul.f32 $8.000000000e+00, v13;
	v13 =	vld.idx.msk [tilespmem:v19+s15+$0x0], $0xffff;
	v18 =	vor.u32 s9, v5  }
0x133: {  	v19 =	vld.idx.msk [tilespmem:v20+s15+$0x0], $0xffff;
	[tilespmem:s26+$0xFFFFFF20] =	vst v10;
	v10 =	vmul.f32 $8.000000000e+00, v17;
	v17 =	vor.u32 s18, v5  }
0x134: {  	[tilespmem:s28+$0xFFFFFF00] =	vst v8;
	v8 =	vld.idx.msk [tilespmem:v14+s15+$0x0], $0xffff;
	v14 =	vor.u32 s29, v2;
	v11 =	vmul.f32 $8.000000000e+00, v11  }
0x135: {  	v15 =	vld.idx.msk [tilespmem:v15+s15+$0x0], $0xffff;
	[tilespmem:s28+$0x0] =	vst v10;
	v10 =	vor.u32 s31, v2;
	v16 =	vmul.f32 $8.000000000e+00, v16  }
0x136: {  	v20 =	vor.u32 s19, v4;
	v12 =	vld.idx.msk [tilespmem:v12+s15+$0x0], $0xffff;
	[tilespmem:s26+$0xFFFFFFC0] =	vst v11;
	v9 =	vmul.f32 $8.000000000e+00, v9  }
0x137: {  	v13 =	vmul.f32 $8.000000000e+00, v13;
	[tilespmem:s26+$0xC0] =	vst v16;
	v11 =	vld.idx.msk [tilespmem:v18+s15+$0x0], $0xffff;
	v18 =	vor.u32 s16, v4  }
0x138: {  	v16 =	vmul.f32 $8.000000000e+00, v19;
	v19 =	vor.u32 s1, v2;
	[tilespmem:s28+$0x90] =	vst v9;
	v9 =	vld.idx.msk [tilespmem:v17+s15+$0x0], $0xffff  }
0x139: {  	v17 =	vor.u32 s30, v2;
	v8 =	vmul.f32 $8.000000000e+00, v8;
	[tilespmem:s28+$0xFFFFFF90] =	vst v13;
	v13 =	vld.idx.msk [tilespmem:v14+s15+$0x0], $0xffff  }
0x13a: {  	[tilespmem:s26+$0x30] =	vst v16;
	v14 =	vmul.f32 $8.000000000e+00, v15;
	v10 =	vld.idx.msk [tilespmem:v10+s15+$0x0], $0xffff;
	v15 =	vor.u32 s9, v6  }
0x13b: {  	v16 =	vld.idx.msk [tilespmem:v20+s15+$0x0], $0xffff;
	v12 =	vmul.f32 $8.000000000e+00, v12;
	[tilespmem:s26+$0xFFFFFF30] =	vst v8;
	v8 =	vor.u32 s18, v6  }
0x13c: {  	[tilespmem:s28+$0xFFFFFF10] =	vst v14;
	v14 =	vld.idx.msk [tilespmem:v18+s15+$0x0], $0xffff;
	v11 =	vmul.f32 $8.000000000e+00, v11;
	v18 =	vor.u32 s29, v3  }
0x13d: {  	s2 =	simm.s32 $0x10;
	v20 =	vor.u32 s31, v3;
	v19 =	vld.idx.msk [tilespmem:v19+s15+$0x0], $0xffff;
	[tilespmem:s28+$0x10] =	vst v12;
	v9 =	vmul.f32 $8.000000000e+00, v9  }
0x13e: {  	v12 =	vld.idx.msk [tilespmem:v17+s15+$0x0], $0xffff;
	v17 =	vor.u32 s2, v0;
	[tilespmem:s26+$0xFFFFFFD0] =	vst v11;
	v11 =	vmul.f32 $8.000000000e+00, v13  }
0x13f: {  	s6 =	simm.s32 $0x16;
	v13 =	vor.u32 s16, v5;
	v10 =	vmul.f32 $8.000000000e+00, v10;
	v15 =	vld.idx.msk [tilespmem:v15+s15+$0x0], $0xffff;
	[tilespmem:s26+$0xD0] =	vst v9  }
0x140: {  	s10 =	simm.s32 $0x12;
	v9 =	vor.u32 s6, v0;
	[tilespmem:s28+$0xA0] =	vst v11;
	v8 =	vld.idx.msk [tilespmem:v8+s15+$0x0], $0xffff  }
0x141: {  	s11 =	simm.s32 $0x14;
	v11 =	vor.u32 s10, v0;
	[tilespmem:s28+$0xFFFFFFA0] =	vst v10;
	v10 =	vld.idx.msk [tilespmem:v18+s15+$0x0], $0xffff;
	v14 =	vmul.f32 $8.000000000e+00, v14  }
0x142: {  	v16 =	vmul.f32 $8.000000000e+00, v16;
	v18 =	vor.u32 s11, v0;
	v20 =	vld.idx.msk [tilespmem:v20+s15+$0x0], $0xffff  }
0x143: {  	v21 =	vor.u32 s30, v3;
	v19 =	vmul.f32 $8.000000000e+00, v19;
	v17 =	vld.idx.msk [tilespmem:v17+s15+$0x0], $0xffff;
	[tilespmem:s26+$0xFFFFFF40] =	vst v14  }
0x144: {  	[tilespmem:s26+$0x40] =	vst v16;
	v12 =	vmul.f32 $8.000000000e+00, v12;
	v14 =	vor.u32 s9, v7;
	v13 =	vld.idx.msk [tilespmem:v13+s15+$0x0], $0xffff  }
0x145: {  	v16 =	vor.u32 s29, v4;
	[tilespmem:s28+$0xFFFFFF20] =	vst v19;
	v15 =	vmul.f32 $8.000000000e+00, v15;
	v9 =	vld.idx.msk [tilespmem:v9+s15+$0x0], $0xffff  }
0x146: {  	[tilespmem:s28+$0x20] =	vst v12;
	v12 =	vor.u32 s31, v4;
	v11 =	vld.idx.msk [tilespmem:v11+s15+$0x0], $0xffff;
	v8 =	vmul.f32 $8.000000000e+00, v8  }
0x147: {  	v22 =	vor.u32 s2, v1;
	[tilespmem:s26+$0xFFFFFFE0] =	vst v15;
	v15 =	vld.idx.msk [tilespmem:v18+s15+$0x0], $0xffff;
	v10 =	vmul.f32 $8.000000000e+00, v10  }
0x148: {  	v18 =	vmul.f32 $8.000000000e+00, v20;
	v20 =	vld.idx.msk [tilespmem:v21+s15+$0x0], $0xffff;
	v21 =	vor.u32 s19, v5;
	[tilespmem:s26+$0xE0] =	vst v8  }
0x149: {  	v8 =	vmul.f32 $8.000000000e+00, v17;
	v17 =	vor.u32 s6, v1;
	[tilespmem:s28+$0xB0] =	vst v10;
	v10 =	vld.idx.msk [tilespmem:v14+s15+$0x0], $0xffff  }
0x14a: {  	s9 =	simm.s32 $0xA500;
	v19 =	vor.u32 s1, v3;
	[tilespmem:s28+$0xFFFFFFB0] =	vst v18;
	v16 =	vld.idx.msk [tilespmem:v16+s15+$0x0], $0xffff;
	v9 =	vmul.f32 $8.000000000e+00, v9  }
0x14b: {  	v14 =	vor.u32 s10, v1;
	[tilespmem:s9+$0xFFFFFF00] =	vst v8;
	v12 =	vld.idx.msk [tilespmem:v12+s15+$0x0], $0xffff;
	v13 =	vmul.f32 $8.000000000e+00, v13  }
0x14c: {  	v8 =	vor.u32 s11, v1;
	v18 =	vld.idx.msk [tilespmem:v22+s15+$0x0], $0xffff;
	v11 =	vmul.f32 $8.000000000e+00, v11;
	[tilespmem:s9+$0x80] =	vst v9  }
0x14d: {  	v15 =	vmul.f32 $8.000000000e+00, v15;
	v9 =	vor.u32 s16, v6;
	v21 =	vld.idx.msk [tilespmem:v21+s15+$0x0], $0xffff;
	[tilespmem:s26+$0xFFFFFF50] =	vst v13  }
0x14e: {  	[tilespmem:s9+$0xFFFFFF80] =	vst v11;
	v11 =	vld.idx.msk [tilespmem:v17+s15+$0x0], $0xffff;
	v17 =	vor.u32 s30, v4  }
0x14f: {  	v20 =	vmul.f32 $8.000000000e+00, v20;
	v13 =	vld.idx.msk [tilespmem:v19+s15+$0x0], $0xffff;
	[tilespmem:s9+$0x0] =	vst v15;
	v15 =	vor.u32 s31, v5  }
0x150: {  	v22 =	vor.u32 s2, v2;
	v14 =	vld.idx.msk [tilespmem:v14+s15+$0x0], $0xffff;
	v10 =	vmul.f32 $8.000000000e+00, v10  }
0x151: {  	v19 =	vor.u32 s19, v6;
	[tilespmem:s28+$0x30] =	vst v20;
	v8 =	vld.idx.msk [tilespmem:v8+s15+$0x0], $0xffff;
	v12 =	vmul.f32 $8.000000000e+00, v12  }
0x152: {  	v20 =	vor.u32 s29, v5;
	v18 =	vmul.f32 $8.000000000e+00, v18;
	[tilespmem:s26+$0xFFFFFFF0] =	vst v10;
	v23 =	vld.idx.msk [tilespmem:v9+s15+$0x0], $0xffff  }
0x153: {  	v10 =	vor.u32 s6, v2;
	[tilespmem:s28+$0xFFFFFFC0] =	vst v12;
	v12 =	vmul.f32 $8.000000000e+00, v21;
	v24 =	vld.idx.msk [tilespmem:v17+s15+$0x0], $0xffff  }
0x154: {  	[tilespmem:s9+$0xFFFFFF10] =	vst v18;
	v18 =	vor.u32 s10, v2;
	v21 =	vld.idx.msk [tilespmem:v15+s15+$0x0], $0xffff;
	v15 =	vmul.f32 $8.000000000e+00, v16  }
0x155: {  	v11 =	vmul.f32 $8.000000000e+00, v11;
	v9 =	vld.idx.msk [tilespmem:v22+s15+$0x0], $0xffff;
	v16 =	vor.u32 s11, v2;
	[tilespmem:s26+$0x50] =	vst v12  }
0x156: {  	v14 =	vmul.f32 $8.000000000e+00, v14;
	v22 =	vor.u32 s1, v4;
	v25 =	vld.idx.msk [tilespmem:v19+s15+$0x0], $0xffff;
	[tilespmem:s28+$0xC0] =	vst v15  }
0x157: {  	v8 =	vmul.f32 $8.000000000e+00, v8;
	[tilespmem:s9+$0x90] =	vst v11;
	v12 =	vld.idx.msk [tilespmem:v20+s15+$0x0], $0xffff;
	v20 =	vor.u32 s16, v7  }
0x158: {  	v11 =	vmul.f32 $8.000000000e+00, v13;
	[tilespmem:s9+$0xFFFFFF90] =	vst v14;
	v17 =	vld.idx.msk [tilespmem:v10+s15+$0x0], $0xffff;
	v14 =	vor.u32 s18, v7  }
0x159: {  	v13 =	vor.u32 s31, v6;
	[tilespmem:s9+$0x10] =	vst v8;
	v10 =	vmul.f32 $8.000000000e+00, v23;
	v18 =	vld.idx.msk [tilespmem:v18+s15+$0x0], $0xffff  }
0x15a: {  	[tilespmem:s28+$0xFFFFFF30] =	vst v11;
	v11 =	vor.u32 s19, v7;
	v19 =	vld.idx.msk [tilespmem:v16+s15+$0x0], $0xffff;
	v16 =	vmul.f32 $8.000000000e+00, v24  }
0x15b: {  	v15 =	vld.idx.msk [tilespmem:v22+s15+$0x0], $0xffff;
	v22 =	vmul.f32 $8.000000000e+00, v21;
	[tilespmem:s26+$0xFFFFFF60] =	vst v10;
	v10 =	vor.u32 s29, v6  }
0x15c: {  	s18 =	simm.s32 $0x18;
	v8 =	vor.u32 s10, v3;
	s16 =	simm.s32 $0x8;
	v21 =	vor.u32 s6, v3;
	[tilespmem:s28+$0x40] =	vst v16;
	v16 =	vld.idx.msk [tilespmem:v20+s15+$0x0], $0xffff;
	v20 =	vmul.f32 $8.000000000e+00, v25  }
.LBB2_12:
0x15d: {  	v23 =	vor.u32 s18, v0;
	s12 =	sadd.s32 $0x2, s18;
	s21 =	sadd.s32 $0x6, s18;
	s16 =	sadd.s32 $0x4, s16;
	v24 =	vor.u32 s1, v5;
	[tilespmem:s28+$0xFFFFFFD0] =	vst v22;
	v12 =	vmul.f32 $8.000000000e+00, v12;
	v14 =	vld.idx.msk [tilespmem:v14+s15+$0x0], $0xffff  }
0x15e: {  	s19 =	sadd.s32 $0x4, s18;
	v17 =	vmul.f32 $8.000000000e+00, v17;
	v22 =	vor.u32 s12, v0;
	v25 =	vor.u32 s21, v0;
	p0 =	slt.u32 s16, $0x3C;
	v13 =	vld.idx.msk [tilespmem:v13+s15+$0x0], $0xffff;
	[tilespmem:s26+$0x60] =	vst v20  }
0x15f: {  	v20 =	vor.u32 s12, v3;
	v26 =	vor.u32 s19, v0;
	v18 =	vmul.f32 $8.000000000e+00, v18;
	[tilespmem:s28+$0xD0] =	vst v12;
	v11 =	vld.idx.msk [tilespmem:v11+s15+$0x0], $0xffff  }
0x160: {  	v12 =	vmul.f32 $8.000000000e+00, v19;
	[tilespmem:s9+$0xA0] =	vst v17;
	v10 =	vld.idx.msk [tilespmem:v10+s15+$0x0], $0xffff  }
0x161: {  	v15 =	vmul.f32 $8.000000000e+00, v15;
	[tilespmem:s9+$0xFFFFFFA0] =	vst v18;
	v17 =	vld.idx.msk [tilespmem:v21+s15+$0x0], $0xffff  }
0x162: {  	v18 =	vld.idx.msk [tilespmem:v8+s15+$0x0], $0xffff;
	[tilespmem:s9+$0x20] =	vst v12;
	v12 =	vmul.f32 $8.000000000e+00, v16;
	v8 =	vmov v20  }
0x163: {  	v19 =	vor.u32 s11, v3;
	v14 =	vmul.f32 $8.000000000e+00, v14;
	v16 =	vld.idx.msk [tilespmem:v23+s15+$0x0], $0xffff;
	[tilespmem:s28+$0xFFFFFF40] =	vst v15  }
0x164: {  	v20 =	vor.u32 s31, v7;
	s31 =	smov.u32 s10;
	s10 =	smov.u32 s12;
	v13 =	vmul.f32 $8.000000000e+00, v13;
	v15 =	vld.idx.msk [tilespmem:v24+s15+$0x0], $0xffff;
	[tilespmem:s26+$0xFFFFFF70] =	vst v12  }
0x165: {  	v21 =	vor.u32 s6, v4;
	v11 =	vmul.f32 $8.000000000e+00, v11;
	v12 =	vld.idx.msk [tilespmem:v25+s15+$0x0], $0xffff;
	[tilespmem:s26+$0xF0] =	vst v14  }
0x166: {  	v23 =	vor.u32 s31, v4;
	v14 =	vor.u32 s18, v1;
	v10 =	vmul.f32 $8.000000000e+00, v10;
	v22 =	vld.idx.msk [tilespmem:v22+s15+$0x0], $0xffff;
	[tilespmem:s28+$0xFFFFFFE0] =	vst v13  }
0x167: {  	v17 =	vmul.f32 $8.000000000e+00, v17;
	v13 =	vld.idx.msk [tilespmem:v26+s15+$0x0], $0xffff;
	[tilespmem:s26+$0x70] =	vst v11;
	s26 =	smov.u32 s28;
	s28 =	smov.u32 s9  }
0x168: {  	v24 =	vor.u32 s30, v5;
	v11 =	vor.u32 s10, v1;
	v18 =	vmul.f32 $8.000000000e+00, v18;
	v19 =	vld.idx.msk [tilespmem:v19+s15+$0x0], $0xffff;
	[tilespmem:s26+$0xE0] =	vst v10  }
0x169: {  	s9 =	sadd.s32 $0x200, s9;
	v10 =	vmul.f32 $8.000000000e+00, v16;
	v16 =	vor.u32 s21, v1;
	[tilespmem:s28+$0xB0] =	vst v17;
	v17 =	vld.idx.msk [tilespmem:v20+s15+$0x0], $0xffff  }
0x16a: {  	v9 =	vmul.f32 $8.000000000e+00, v9;
	[tilespmem:s28+$0xFFFFFFB0] =	vst v18;
	v18 =	vld.idx.msk [tilespmem:v21+s15+$0x0], $0xffff  }
0x16b: {  	v12 =	vmul.f32 $8.000000000e+00, v12;
	[tilespmem:s9+$0xFFFFFF00] =	vst v10;
	v10 =	vor.u32 s19, v1;
	v20 =	vld.idx.msk [tilespmem:v23+s15+$0x0], $0xffff  }
0x16c: {  	v21 =	vmul.f32 $8.000000000e+00, v22;
	v14 =	vld.idx.msk [tilespmem:v14+s15+$0x0], $0xffff;
	[tilespmem:s28+$0xFFFFFF20] =	vst v9;
	v9 =	vor.u32 s2, v3  }
0x16d: {  	v13 =	vmul.f32 $8.000000000e+00, v13;
	[tilespmem:s9+$0x80] =	vst v12;
	v12 =	vor.u32 s1, v6;
	v22 =	vld.idx.msk [tilespmem:v24+s15+$0x0], $0xffff  }
0x16e: {  	v15 =	vmul.f32 $8.000000000e+00, v15;
	[tilespmem:s9+$0xFFFFFF80] =	vst v21;
	v16 =	vld.idx.msk [tilespmem:v16+s15+$0x0], $0xffff;
	v21 =	vor.u32 s11, v4  }
0x16f: {  	v19 =	vmul.f32 $8.000000000e+00, v19;
	v11 =	vld.idx.msk [tilespmem:v11+s15+$0x0], $0xffff;
	[tilespmem:s9+$0x0] =	vst v13;
	v13 =	vor.u32 s31, v5  }
0x170: {  	v23 =	vor.u32 s18, v2;
	v10 =	vld.idx.msk [tilespmem:v10+s15+$0x0], $0xffff;
	[tilespmem:s26+$0xFFFFFF50] =	vst v15;
	v15 =	vmul.f32 $8.000000000e+00, v17  }
0x171: {  	v17 =	vld.idx.msk [tilespmem:v9+s15+$0x0], $0xffff;
	v9 =	vmul.f32 $8.000000000e+00, v20;
	[tilespmem:s28+$0x30] =	vst v19;
	v19 =	vor.u32 s30, v6  }
0x172: {  	v14 =	vmul.f32 $8.000000000e+00, v14;
	v20 =	vor.u32 s6, v5;
	v24 =	vld.idx.msk [tilespmem:v12+s15+$0x0], $0xffff;
	[tilespmem:s26+$0xFFFFFFF0] =	vst v15  }
0x173: {  	v15 =	vor.u32 s21, v2;
	v12 =	vmul.f32 $8.000000000e+00, v22;
	[tilespmem:s28+$0xFFFFFFC0] =	vst v9;
	v21 =	vld.idx.msk [tilespmem:v21+s15+$0x0], $0xffff  }
0x174: {  	v22 =	vor.u32 s10, v2;
	[tilespmem:s9+$0xFFFFFF10] =	vst v14;
	v14 =	vmul.f32 $8.000000000e+00, v16;
	v16 =	vld.idx.msk [tilespmem:v13+s15+$0x0], $0xffff;
	v13 =	vmul.f32 $8.000000000e+00, v18  }
0x175: {  	v11 =	vmul.f32 $8.000000000e+00, v11;
	v9 =	vld.idx.msk [tilespmem:v23+s15+$0x0], $0xffff;
	v23 =	vor.u32 s19, v2;
	[tilespmem:s26+$0x50] =	vst v12  }
0x176: {  	v25 =	vor.u32 s2, v4;
	v10 =	vmul.f32 $8.000000000e+00, v10;
	[tilespmem:s28+$0xC0] =	vst v13;
	v26 =	vld.idx.msk [tilespmem:v19+s15+$0x0], $0xffff  }
0x177: {  	v27 =	vmul.f32 $8.000000000e+00, v17;
	[tilespmem:s9+$0x90] =	vst v14;
	v12 =	vld.idx.msk [tilespmem:v20+s15+$0x0], $0xffff;
	v20 =	vor.u32 s1, v7;
	s1 =	smov.u32 s2;
	s2 =	smov.u32 s18  }
.Ltmp7:
0x178: {  	v14 =	vor.u32 s29, v7;
	s29 =	smov.u32 s6;
	s6 =	smov.u32 s21;
	[tilespmem:s9+$0xFFFFFF90] =	vst v11;
	v17 =	vld.idx.msk [tilespmem:v15+s15+$0x0], $0xffff;
	(pc) =	sbr.rel @p0 .LBB2_12-.Ltmp7, $4  }
0x179: {  	v13 =	vor.u32 s31, v6;
	v24 =	vmul.f32 $8.000000000e+00, v24;
	v18 =	vld.idx.msk [tilespmem:v22+s15+$0x0], $0xffff;
	[tilespmem:s9+$0x10] =	vst v10  }
0x17a: {  	v11 =	vor.u32 s30, v7;
	s30 =	smov.u32 s11;
	s11 =	smov.u32 s19;
	v19 =	vld.idx.msk [tilespmem:v23+s15+$0x0], $0xffff;
	[tilespmem:s28+$0xFFFFFF30] =	vst v27;
	v23 =	vmul.f32 $8.000000000e+00, v21  }
0x17b: {  	v22 =	vmul.f32 $8.000000000e+00, v16;
	v10 =	vor.u32 s29, v6;
	v15 =	vld.idx.msk [tilespmem:v25+s15+$0x0], $0xffff;
	[tilespmem:s26+$0xFFFFFF60] =	vst v24  }
0x17c: {  	s18 =	sadd.s32 $0x8, s18;
	v21 =	vor.u32 s6, v3;
	[tilespmem:s28+$0x40] =	vst v23;
	v16 =	vld.idx.msk [tilespmem:v20+s15+$0x0], $0xffff;
	v20 =	vmul.f32 $8.000000000e+00, v26  }
0x17d: {  	_ = 	snop  }
0x17e: {  	v23 =	vor.u32 s2, v3;
	v17 =	vmul.f32 $8.000000000e+00, v17  }
0x17f: {  	v18 =	vmul.f32 $8.000000000e+00, v18  }
0x180: {  	v24 =	vor.u32 s11, v3;
	v9 =	vmul.f32 $8.000000000e+00, v9;
	[tilespmem:s9+$0xA0] =	vst v17  }
0x181: {  	[tilespmem:s9+$0xFFFFFFA0] =	vst v18;
	v17 =	vld.idx.msk [tilespmem:v21+s15+$0x0], $0xffff  }
0x182: {  	v59 =	vmul.f32 $8.000000000e+00, v19;
	[tilespmem:s9+$0xFFFFFF20] =	vst v9;
	v8 =	vld.idx.msk [tilespmem:v8+s15+$0x0], $0xffff  }
0x183: {  	v9 =	vld.idx.msk [tilespmem:v23+s15+$0x0], $0xffff  }
0x184: {  	[tilespmem:s9+$0x20] =	vst v59  }
0x185: {  	v63 =	vor.u32 s6, v4;
	v61 =	vld.idx.msk [tilespmem:v24+s15+$0x0], $0xffff  }
0x186: {  	v62 =	vor.u32 s2, v4;
	v17 =	vmul.f32 $8.000000000e+00, v17  }
0x187: {  	v60 =	vor.u32 s10, v4;
	v8 =	vmul.f32 $8.000000000e+00, v8  }
0x188: {  	v24 =	vor.u32 s11, v4;
	v9 =	vmul.f32 $8.000000000e+00, v9;
	[tilespmem:s9+$0xB0] =	vst v17  }
0x189: {  	[tilespmem:s9+$0xFFFFFFB0] =	vst v8  }
0x18a: {  	v19 =	vmul.f32 $8.000000000e+00, v61;
	v8 =	vor.u32 s1, v5;
	v26 =	vld.idx.msk [tilespmem:v63+s15+$0x0], $0xffff;
	[tilespmem:s9+$0xFFFFFF30] =	vst v9  }
0x18b: {  	[tilespmem:s28+$0xFFFFFFD0] =	vst v22;
	v9 =	vld.idx.msk [tilespmem:v62+s15+$0x0], $0xffff  }
0x18c: {  	v25 =	vor.u32 s30, v5;
	v15 =	vmul.f32 $8.000000000e+00, v15;
	v18 =	vld.idx.msk [tilespmem:v60+s15+$0x0], $0xffff;
	[tilespmem:s9+$0x30] =	vst v19  }
0x18d: {  	v12 =	vmul.f32 $8.000000000e+00, v12;
	v31 =	vor.u32 s6, v5;
	[tilespmem:s26+$0x60] =	vst v20;
	v28 =	vld.idx.msk [tilespmem:v24+s15+$0x0], $0xffff  }
0x18e: {  	v14 =	vld.idx.msk [tilespmem:v14+s15+$0x0], $0xffff;
	v29 =	vor.u32 s2, v5;
	v16 =	vmul.f32 $8.000000000e+00, v16;
	[tilespmem:s28+$0xFFFFFF40] =	vst v15  }
0x18f: {  	v27 =	vor.u32 s10, v5;
	[tilespmem:s28+$0xD0] =	vst v12;
	v8 =	vld.idx.msk [tilespmem:v8+s15+$0x0], $0xffff;
	v33 =	vmul.f32 $8.000000000e+00, v26  }
0x190: {  	v32 =	vor.u32 s11, v5;
	v13 =	vld.idx.msk [tilespmem:v13+s15+$0x0], $0xffff;
	[tilespmem:s26+$0xFFFFFF70] =	vst v16;
	v9 =	vmul.f32 $8.000000000e+00, v9  }
0x191: {  	v17 =	vld.idx.msk [tilespmem:v25+s15+$0x0], $0xffff;
	v30 =	vmul.f32 $8.000000000e+00, v18;
	[tilespmem:s9+$0xC0] =	vst v33  }
0x192: {  	v34 =	vor.u32 s1, v6;
	v20 =	vmul.f32 $8.000000000e+00, v28;
	v38 =	vld.idx.msk [tilespmem:v31+s15+$0x0], $0xffff;
	[tilespmem:s9+$0xFFFFFF40] =	vst v9  }
0x193: {  	v35 =	vmul.f32 $8.000000000e+00, v14;
	[tilespmem:s9+$0xFFFFFFC0] =	vst v30;
	v36 =	vld.idx.msk [tilespmem:v29+s15+$0x0], $0xffff  }
0x194: {  	v37 =	vor.u32 s30, v6;
	v19 =	vld.idx.msk [tilespmem:v27+s15+$0x0], $0xffff;
	[tilespmem:s9+$0x40] =	vst v20;
	v8 =	vmul.f32 $8.000000000e+00, v8  }
0x195: {  	v43 =	vor.u32 s6, v6;
	v13 =	vmul.f32 $8.000000000e+00, v13;
	[tilespmem:s26+$0xF0] =	vst v35;
	v16 =	vld.idx.msk [tilespmem:v32+s15+$0x0], $0xffff  }
0x196: {  	v40 =	vor.u32 s2, v6;
	v11 =	vld.idx.msk [tilespmem:v11+s15+$0x0], $0xffff;
	[tilespmem:s28+$0xFFFFFF50] =	vst v8;
	v8 =	vmul.f32 $8.000000000e+00, v17  }
0x197: {  	v39 =	vor.u32 s10, v6;
	[tilespmem:s28+$0xFFFFFFE0] =	vst v13;
	v41 =	vld.idx.msk [tilespmem:v34+s15+$0x0], $0xffff;
	v15 =	vmul.f32 $8.000000000e+00, v38  }
0x198: {  	v44 =	vor.u32 s11, v6;
	v10 =	vld.idx.msk [tilespmem:v10+s15+$0x0], $0xffff;
	[tilespmem:s28+$0x50] =	vst v8;
	v8 =	vmul.f32 $8.000000000e+00, v36  }
0x199: {  	v45 =	vor.u32 s31, v7;
	v42 =	vmul.f32 $8.000000000e+00, v19;
	v14 =	vld.idx.msk [tilespmem:v37+s15+$0x0], $0xffff;
	[tilespmem:s9+$0xD0] =	vst v15  }
0x19a: {  	v46 =	vor.u32 s1, v7;
	v19 =	vld.idx.msk [tilespmem:v43+s15+$0x0], $0xffff;
	[tilespmem:s9+$0xFFFFFF50] =	vst v8;
	v8 =	vmul.f32 $8.000000000e+00, v16  }
0x19b: {  	v47 =	vor.u32 s29, v7;
	v11 =	vmul.f32 $8.000000000e+00, v11;
	[tilespmem:s9+$0xFFFFFFD0] =	vst v42;
	v48 =	vld.idx.msk [tilespmem:v40+s15+$0x0], $0xffff  }
0x19c: {  	v49 =	vor.u32 s30, v7;
	v9 =	vld.idx.msk [tilespmem:v39+s15+$0x0], $0xffff;
	v13 =	vmul.f32 $8.000000000e+00, v41;
	[tilespmem:s9+$0x50] =	vst v8  }
0x19d: {  	v55 =	vor.u32 s6, v7;
	[tilespmem:s26+$0x70] =	vst v11;
	v8 =	vmul.f32 $8.000000000e+00, v10;
	v51 =	vld.idx.msk [tilespmem:v44+s15+$0x0], $0xffff  }
0x19e: {  	v54 =	vor.u32 s2, v7;
	v52 =	vld.idx.msk [tilespmem:v45+s15+$0x0], $0xffff;
	[tilespmem:s28+$0xFFFFFF60] =	vst v13;
	v53 =	vmul.f32 $8.000000000e+00, v14  }
0x19f: {  	v50 =	vor.u32 s10, v7;
	[tilespmem:s28+$0xE0] =	vst v8;
	v8 =	vld.idx.msk [tilespmem:v46+s15+$0x0], $0xffff;
	v58 =	vmul.f32 $8.000000000e+00, v19  }
0x1a0: {  	v57 =	vor.u32 s11, v7;
	v16 =	vld.idx.msk [tilespmem:v47+s15+$0x0], $0xffff;
	[tilespmem:s28+$0x60] =	vst v53;
	v56 =	vmul.f32 $8.000000000e+00, v48  }
0x1a1: {  	v9 =	vmul.f32 $8.000000000e+00, v9;
	v17 =	vld.idx.msk [tilespmem:v49+s15+$0x0], $0xffff;
	[tilespmem:s9+$0xE0] =	vst v58  }
0x1a2: {  	v60 =	vld.idx.msk [tilespmem:v55+s15+$0x0], $0xffff;
	[tilespmem:s9+$0xFFFFFF60] =	vst v56;
	v11 =	vmul.f32 $8.000000000e+00, v51  }
0x1a3: {  	v12 =	vmul.f32 $8.000000000e+00, v52;
	[tilespmem:s9+$0xFFFFFFE0] =	vst v9;
	v59 =	vld.idx.msk [tilespmem:v54+s15+$0x0], $0xffff  }
0x1a4: {  	v10 =	vld.idx.msk [tilespmem:v50+s15+$0x0], $0xffff;
	v8 =	vmul.f32 $8.000000000e+00, v8;
	[tilespmem:s9+$0x60] =	vst v11  }
0x1a5: {  	[tilespmem:s28+$0xFFFFFFF0] =	vst v12;
	v61 =	vmul.f32 $8.000000000e+00, v16;
	v62 =	vld.idx.msk [tilespmem:v57+s15+$0x0], $0xffff  }
0x1a6: {  	[tilespmem:s28+$0xFFFFFF70] =	vst v8;
	v8 =	vmul.f32 $8.000000000e+00, v17  }
0x1a7: {  	[tilespmem:s28+$0xF0] =	vst v61;
	v63 =	vmul.f32 $8.000000000e+00, v60  }
0x1a8: {  	[tilespmem:s28+$0x70] =	vst v8;
	v8 =	vmul.f32 $8.000000000e+00, v59  }
.Ltmp8:
0x1a9: {  	v10 =	vmul.f32 $8.000000000e+00, v10;
	[tilespmem:s9+$0xF0] =	vst v63;
	(pc) =	sbr.rel .LBB2_20-.Ltmp8, $4  }
0x1aa: {  	[tilespmem:s9+$0xFFFFFF70] =	vst v8;
	v8 =	vmul.f32 $8.000000000e+00, v62  }
0x1ab: {  	s30 =	sshll.u32 s25, $0xA;
	[tilespmem:s9+$0xFFFFFFF0] =	vst v10  }
0x1ac: {  	s31 =	simm.s32 $0xA000;
	s1 =	sadd.s32 s5, s30;
	[tilespmem:s9+$0x70] =	vst v8  }
0x1ad: {  	[hbm4b:s1+s3] =	stream.linear.scatter [tilespmem:s31], [sflag:$0x4], $0x2000, $0x38;
	[tilespmem:$0xF000] =	vst v63  }
.LBB2_14:
0x1ae: {  	p0 =	sne.s32 s25, $0x1E84  }
.Ltmp9:
0x1af: {  	_ = 	snop;
	(pc) =	sbr.rel @p0 .LBB2_20-.Ltmp9, $1  }
0x1b0: {  	_ =	sdelay $0x3  }
0x1b1: {  	s1 =	simm.s32 $0x400;
	s2 =	simm.s32 $0xC000  }
0x1b2: {  	[tilespmem:s2], [sflag:$0x6] =	stream.strided.gather [hbm4b:s7+s1], $0x2000, s13, s1, $0x38;
	[tilespmem:$0xF000] =	vst v63  }
0x1b3: {  	_ =	swait.ge [sflag:s20], $0x2000  }
0x1b4: {  	[sflag:s20] =	ssyncset.done $0x0  }
0x1b5: {  	s6 =	simm.s32 $0xC200;
	[sflag:s20] =	ssyncadd.s32 $0xFFFFE000  }
0x1b6: {  	v8 =	vld [tilespmem:s6+$0x180]  }
0x1b7: {  	v9 =	vld [tilespmem:s6+$0xFFFFFE80]  }
0x1b8: {  	v10 =	vld [tilespmem:s6+$0xFFFFFF00]  }
0x1b9: {  	v11 =	vld [tilespmem:s6+$0xFFFFFF80]  }
0x1ba: {  	s1 =	simm.s32 $0x4200;
	v12 =	vld [tilespmem:s6+$0x0]  }
0x1bb: {  	v13 =	vld [tilespmem:s6+$0x80];
	[tilespmem:s1+$0x180] =	vst v8  }
0x1bc: {  	[tilespmem:s1+$0xFFFFFE80] =	vst v9;
	v9 =	vld [tilespmem:s6+$0x100]  }
0x1bd: {  	[tilespmem:s1+$0xFFFFFF00] =	vst v10;
	v10 =	vld [tilespmem:s6+$0xFFFFFE00]  }
0x1be: {  	[tilespmem:s1+$0xFFFFFF80] =	vst v11;
	v8 =	vld [tilespmem:s6+$0x190]  }
0x1bf: {  	[tilespmem:s1+$0x0] =	vst v12;
	v11 =	vld [tilespmem:s6+$0xFFFFFE90]  }
0x1c0: {  	[tilespmem:s1+$0x80] =	vst v13;
	v12 =	vld [tilespmem:s6+$0xFFFFFF10]  }
0x1c1: {  	v13 =	vld [tilespmem:s6+$0xFFFFFF90];
	[tilespmem:s1+$0x100] =	vst v9  }
0x1c2: {  	[tilespmem:s1+$0xFFFFFE00] =	vst v10;
	v9 =	vld [tilespmem:s6+$0x10]  }
0x1c3: {  	[tilespmem:s1+$0x190] =	vst v8;
	v10 =	vld [tilespmem:s6+$0xFFFFFE10]  }
0x1c4: {  	[tilespmem:s1+$0xFFFFFE90] =	vst v11;
	v11 =	vld [tilespmem:s6+$0x90]  }
0x1c5: {  	[tilespmem:s1+$0xFFFFFF10] =	vst v12;
	v12 =	vld [tilespmem:s6+$0x110]  }
0x1c6: {  	[tilespmem:s1+$0xFFFFFF90] =	vst v13;
	v8 =	vld [tilespmem:s6+$0x1A0]  }
0x1c7: {  	v13 =	vld [tilespmem:s6+$0xFFFFFEA0];
	[tilespmem:s1+$0x10] =	vst v9  }
0x1c8: {  	v9 =	vld [tilespmem:s6+$0xFFFFFF20];
	[tilespmem:s1+$0xFFFFFE10] =	vst v10  }
0x1c9: {  	[tilespmem:s1+$0x90] =	vst v11;
	v11 =	vld [tilespmem:s6+$0xFFFFFFA0]  }
0x1ca: {  	[tilespmem:s1+$0x110] =	vst v12;
	v10 =	vld [tilespmem:s6+$0xFFFFFE20]  }
0x1cb: {  	v12 =	vld [tilespmem:s6+$0x20];
	[tilespmem:s1+$0x1A0] =	vst v8  }
0x1cc: {  	[tilespmem:s1+$0xFFFFFEA0] =	vst v13;
	v13 =	vld [tilespmem:s6+$0xA0]  }
0x1cd: {  	v8 =	vld [tilespmem:s6+$0x1B0];
	[tilespmem:s1+$0xFFFFFF20] =	vst v9  }
0x1ce: {  	v14 =	vld [tilespmem:s6+$0x120];
	[tilespmem:s1+$0xFFFFFFA0] =	vst v11  }
0x1cf: {  	v15 =	vld [tilespmem:s6+$0xFFFFFEB0];
	[tilespmem:s1+$0xFFFFFE20] =	vst v10  }
0x1d0: {  	[tilespmem:s1+$0x20] =	vst v12;
	v16 =	vld [tilespmem:s6+$0xFFFFFE30]  }
0x1d1: {  	v10 =	vld [tilespmem:s6+$0xFFFFFF30];
	[tilespmem:s1+$0xA0] =	vst v13  }
0x1d2: {  	[tilespmem:s1+$0x1B0] =	vst v8;
	v8 =	vld [tilespmem:s6+$0xFFFFFFB0]  }
0x1d3: {  	v9 =	vld [tilespmem:s6+$0x30];
	[tilespmem:s1+$0x120] =	vst v14  }
0x1d4: {  	[tilespmem:s1+$0xFFFFFEB0] =	vst v15;
	v11 =	vld [tilespmem:s6+$0xB0]  }
0x1d5: {  	s25 =	simm.s32 $0xE100;
	s2 =	simm.s32 $0x0;
	v12 =	vld [tilespmem:s6+$0x130];
	s6 =	simm.s32 $0xC600;
	[tilespmem:s1+$0xFFFFFE30] =	vst v16  }
.LBB2_16:
0x1d6: {  	v13 =	vld [tilespmem:s6+$0x180];
	s2 =	sadd.s32 $0x8, s2;
	[tilespmem:s1+$0xFFFFFF30] =	vst v10  }
0x1d7: {  	v10 =	vld [tilespmem:s6+$0xFFFFFE80];
	p0 =	slt.u32 s2, $0x38;
	[tilespmem:s1+$0xFFFFFFB0] =	vst v8  }
0x1d8: {  	v8 =	vld [tilespmem:s6+$0xFFFFFF00];
	[tilespmem:s1+$0x30] =	vst v9  }
0x1d9: {  	v9 =	vld [tilespmem:s6+$0xFFFFFF80];
	[tilespmem:s1+$0xB0] =	vst v11  }
0x1da: {  	v11 =	vld [tilespmem:s6+$0x0];
	[tilespmem:s1+$0x130] =	vst v12;
	s1 =	sadd.s32 $0x800, s1  }
0x1db: {  	v12 =	vld [tilespmem:s6+$0x80];
	[tilespmem:s1+$0x180] =	vst v13  }
0x1dc: {  	[tilespmem:s1+$0xFFFFFE80] =	vst v10;
	v10 =	vld [tilespmem:s6+$0x190]  }
0x1dd: {  	[tilespmem:s1+$0xFFFFFF00] =	vst v8;
	v8 =	vld [tilespmem:s6+$0x100]  }
0x1de: {  	v13 =	vld [tilespmem:s6+$0xFFFFFE00];
	[tilespmem:s1+$0xFFFFFF80] =	vst v9  }
0x1df: {  	v9 =	vld [tilespmem:s6+$0xFFFFFE90];
	[tilespmem:s1+$0x0] =	vst v11  }
0x1e0: {  	v11 =	vld [tilespmem:s6+$0xFFFFFF10];
	[tilespmem:s1+$0x80] =	vst v12  }
0x1e1: {  	v12 =	vld [tilespmem:s6+$0xFFFFFF90];
	[tilespmem:s1+$0x190] =	vst v10  }
0x1e2: {  	[tilespmem:s1+$0x100] =	vst v8;
	v8 =	vld [tilespmem:s6+$0x1A0]  }
0x1e3: {  	[tilespmem:s1+$0xFFFFFE00] =	vst v13;
	v10 =	vld [tilespmem:s6+$0x10]  }
0x1e4: {  	v13 =	vld [tilespmem:s6+$0xFFFFFE10];
	[tilespmem:s1+$0xFFFFFE90] =	vst v9  }
0x1e5: {  	[tilespmem:s1+$0xFFFFFF10] =	vst v11;
	v9 =	vld [tilespmem:s6+$0x90]  }
0x1e6: {  	[tilespmem:s1+$0xFFFFFF90] =	vst v12;
	v11 =	vld [tilespmem:s6+$0x110]  }
0x1e7: {  	v12 =	vld [tilespmem:s6+$0xFFFFFEA0];
	[tilespmem:s1+$0x1A0] =	vst v8  }
0x1e8: {  	[tilespmem:s1+$0x10] =	vst v10;
	v8 =	vld [tilespmem:s6+$0x1B0]  }
0x1e9: {  	[tilespmem:s1+$0xFFFFFE10] =	vst v13;
	v10 =	vld [tilespmem:s6+$0xFFFFFF20]  }
0x1ea: {  	v13 =	vld [tilespmem:s6+$0xFFFFFE20];
	[tilespmem:s1+$0x90] =	vst v9  }
0x1eb: {  	v9 =	vld [tilespmem:s6+$0xFFFFFFA0];
	[tilespmem:s1+$0x110] =	vst v11  }
0x1ec: {  	[tilespmem:s1+$0xFFFFFEA0] =	vst v12;
	v11 =	vld [tilespmem:s6+$0x20]  }
0x1ed: {  	s16 =	simm.s32 $0x0;
	v12 =	vld [tilespmem:s6+$0xA0];
	[tilespmem:s1+$0x1B0] =	vst v8  }
0x1ee: {  	[tilespmem:s1+$0xFFFFFF20] =	vst v10;
	v14 =	vld [tilespmem:s6+$0x120]  }
0x1ef: {  	[tilespmem:s1+$0xFFFFFE20] =	vst v13;
	v13 =	vld [tilespmem:s6+$0xFFFFFEB0]  }
0x1f0: {  	v15 =	vld [tilespmem:s6+$0xFFFFFE30];
	[tilespmem:s1+$0xFFFFFFA0] =	vst v9  }
.Ltmp10:
0x1f1: {  	v10 =	vld [tilespmem:s6+$0xFFFFFF30];
	[tilespmem:s1+$0x20] =	vst v11;
	(pc) =	sbr.rel @p0 .LBB2_16-.Ltmp10, $4  }
0x1f2: {  	v8 =	vld [tilespmem:s6+$0xFFFFFFB0];
	[tilespmem:s1+$0xA0] =	vst v12  }
0x1f3: {  	v9 =	vld [tilespmem:s6+$0x30];
	[tilespmem:s1+$0x120] =	vst v14  }
0x1f4: {  	[tilespmem:s1+$0xFFFFFEB0] =	vst v13;
	v11 =	vld [tilespmem:s6+$0xB0]  }
0x1f5: {  	[tilespmem:s1+$0xFFFFFE30] =	vst v15;
	v12 =	vld [tilespmem:s6+$0x130];
	s6 =	sadd.s32 $0x400, s6  }
0x1f6: {  	s9 =	simm.s32 $0x2  }
0x1f7: {  	[tilespmem:s1+$0xFFFFFF30] =	vst v10;
	s31 =	simm.s32 $0x6;
	v10 =	vor.u32 s9, v0  }
0x1f8: {  	[tilespmem:s1+$0xFFFFFFB0] =	vst v8;
	v8 =	vor.u32 s31, v0  }
0x1f9: {  	[tilespmem:s1+$0x30] =	vst v9  }
0x1fa: {  	[tilespmem:s1+$0xB0] =	vst v11  }
0x1fb: {  	[tilespmem:s1+$0x130] =	vst v12  }
0x1fc: {  	v9 =	vld.idx.msk [tilespmem:v10+s15+$0x0], $0xffff  }
0x1fd: {  	v8 =	vld.idx.msk [tilespmem:v8+s15+$0x0], $0xffff;
	_ =	sdelay $0x1  }
0x1fe: {  	v10 =	vor.u32 s9, v1  }
0x1ff: {  	v11 =	vor.u32 s31, v1  }
0x200: {  	v9 =	vmul.f32 $8.000000000e+00, v9  }
0x201: {  	s18 =	simm.s32 $0x4;
	v8 =	vmul.f32 $8.000000000e+00, v8  }
0x202: {  	v12 =	vor.u32 s18, v0;
	[tilespmem:s25+$0xFFFFFF80] =	vst v9  }
0x203: {  	v9 =	vor.u32 s16, v0;
	[tilespmem:s25+$0x80] =	vst v8;
	v8 =	vld.idx.msk [tilespmem:v10+s15+$0x0], $0xffff  }
0x204: {  	v10 =	vld.idx.msk [tilespmem:v11+s15+$0x0], $0xffff;
	_ =	sdelay $0x1  }
0x205: {  	v11 =	vor.u32 s9, v2  }
0x206: {  	v13 =	vor.u32 s31, v2;
	v12 =	vld.idx.msk [tilespmem:v12+s15+$0x0], $0xffff  }
0x207: {  	v9 =	vld.idx.msk [tilespmem:v9+s15+$0x0], $0xffff;
	v8 =	vmul.f32 $8.000000000e+00, v8  }
0x208: {  	v10 =	vmul.f32 $8.000000000e+00, v10  }
0x209: {  	v14 =	vor.u32 s18, v1;
	[tilespmem:s25+$0xFFFFFF90] =	vst v8  }
0x20a: {  	v8 =	vor.u32 s16, v1;
	[tilespmem:s25+$0x90] =	vst v10;
	v10 =	vld.idx.msk [tilespmem:v11+s15+$0x0], $0xffff  }
0x20b: {  	v11 =	vmul.f32 $8.000000000e+00, v12;
	v12 =	vld.idx.msk [tilespmem:v13+s15+$0x0], $0xffff  }
0x20c: {  	v9 =	vmul.f32 $8.000000000e+00, v9  }
0x20d: {  	v13 =	vor.u32 s9, v3;
	[tilespmem:s25+$0x0] =	vst v11  }
0x20e: {  	s28 =	simm.s32 $0xE;
	v11 =	vor.u32 s31, v3;
	[tilespmem:s25+$0xFFFFFF00] =	vst v9;
	v9 =	vld.idx.msk [tilespmem:v14+s15+$0x0], $0xffff  }
0x20f: {  	s30 =	simm.s32 $0xA;
	v14 =	vor.u32 s28, v0;
	v8 =	vld.idx.msk [tilespmem:v8+s15+$0x0], $0xffff;
	v10 =	vmul.f32 $8.000000000e+00, v10  }
0x210: {  	v15 =	vor.u32 s30, v0;
	v12 =	vmul.f32 $8.000000000e+00, v12  }
0x211: {  	v16 =	vor.u32 s18, v2;
	[tilespmem:s25+$0xFFFFFFA0] =	vst v10  }
0x212: {  	s1 =	simm.s32 $0x8;
	v10 =	vor.u32 s16, v2;
	[tilespmem:s25+$0xA0] =	vst v12;
	v12 =	vld.idx.msk [tilespmem:v13+s15+$0x0], $0xffff  }
0x213: {  	s29 =	simm.s32 $0xC;
	v9 =	vmul.f32 $8.000000000e+00, v9;
	v13 =	vor.u32 s1, v0;
	v11 =	vld.idx.msk [tilespmem:v11+s15+$0x0], $0xffff  }
0x214: {  	v17 =	vor.u32 s29, v0;
	v14 =	vld.idx.msk [tilespmem:v14+s15+$0x0], $0xffff;
	v8 =	vmul.f32 $8.000000000e+00, v8  }
0x215: {  	[tilespmem:s25+$0x10] =	vst v9;
	v9 =	vld.idx.msk [tilespmem:v15+s15+$0x0], $0xffff;
	v15 =	vor.u32 s9, v4  }
0x216: {  	[tilespmem:s25+$0xFFFFFF10] =	vst v8;
	v8 =	vld.idx.msk [tilespmem:v16+s15+$0x0], $0xffff;
	v16 =	vor.u32 s31, v4  }
0x217: {  	v18 =	vor.u32 s28, v1;
	v10 =	vld.idx.msk [tilespmem:v10+s15+$0x0], $0xffff;
	v12 =	vmul.f32 $8.000000000e+00, v12  }
0x218: {  	v19 =	vor.u32 s30, v1;
	v13 =	vld.idx.msk [tilespmem:v13+s15+$0x0], $0xffff;
	v11 =	vmul.f32 $8.000000000e+00, v11  }
0x219: {  	v20 =	vor.u32 s18, v3;
	v17 =	vld.idx.msk [tilespmem:v17+s15+$0x0], $0xffff;
	[tilespmem:s25+$0xFFFFFFB0] =	vst v12;
	v12 =	vmul.f32 $8.000000000e+00, v14  }
0x21a: {  	s26 =	simm.s32 $0xE300;
	[tilespmem:s25+$0xB0] =	vst v11;
	v9 =	vmul.f32 $8.000000000e+00, v9;
	v14 =	vor.u32 s16, v3;
	v11 =	vld.idx.msk [tilespmem:v15+s15+$0x0], $0xffff  }
0x21b: {  	v8 =	vmul.f32 $8.000000000e+00, v8;
	v15 =	vor.u32 s1, v1;
	v16 =	vld.idx.msk [tilespmem:v16+s15+$0x0], $0xffff;
	[tilespmem:s26+$0x80] =	vst v12  }
0x21c: {  	v10 =	vmul.f32 $8.000000000e+00, v10;
	v12 =	vor.u32 s29, v1;
	[tilespmem:s26+$0xFFFFFF80] =	vst v9;
	v9 =	vld.idx.msk [tilespmem:v18+s15+$0x0], $0xffff  }
0x21d: {  	[tilespmem:s25+$0x20] =	vst v8;
	v8 =	vmul.f32 $8.000000000e+00, v13;
	v13 =	vld.idx.msk [tilespmem:v19+s15+$0x0], $0xffff;
	v18 =	vor.u32 s9, v5  }
0x21e: {  	v19 =	vld.idx.msk [tilespmem:v20+s15+$0x0], $0xffff;
	[tilespmem:s25+$0xFFFFFF20] =	vst v10;
	v10 =	vmul.f32 $8.000000000e+00, v17;
	v17 =	vor.u32 s31, v5  }
0x21f: {  	[tilespmem:s26+$0xFFFFFF00] =	vst v8;
	v8 =	vld.idx.msk [tilespmem:v14+s15+$0x0], $0xffff;
	v14 =	vor.u32 s28, v2;
	v11 =	vmul.f32 $8.000000000e+00, v11  }
0x220: {  	v15 =	vld.idx.msk [tilespmem:v15+s15+$0x0], $0xffff;
	[tilespmem:s26+$0x0] =	vst v10;
	v10 =	vor.u32 s30, v2;
	v16 =	vmul.f32 $8.000000000e+00, v16  }
0x221: {  	v20 =	vor.u32 s18, v4;
	v12 =	vld.idx.msk [tilespmem:v12+s15+$0x0], $0xffff;
	[tilespmem:s25+$0xFFFFFFC0] =	vst v11;
	v9 =	vmul.f32 $8.000000000e+00, v9  }
0x222: {  	v13 =	vmul.f32 $8.000000000e+00, v13;
	[tilespmem:s25+$0xC0] =	vst v16;
	v11 =	vld.idx.msk [tilespmem:v18+s15+$0x0], $0xffff;
	v18 =	vor.u32 s16, v4  }
0x223: {  	v16 =	vmul.f32 $8.000000000e+00, v19;
	v19 =	vor.u32 s1, v2;
	[tilespmem:s26+$0x90] =	vst v9;
	v9 =	vld.idx.msk [tilespmem:v17+s15+$0x0], $0xffff  }
0x224: {  	v17 =	vor.u32 s29, v2;
	v8 =	vmul.f32 $8.000000000e+00, v8;
	[tilespmem:s26+$0xFFFFFF90] =	vst v13;
	v13 =	vld.idx.msk [tilespmem:v14+s15+$0x0], $0xffff  }
0x225: {  	[tilespmem:s25+$0x30] =	vst v16;
	v14 =	vmul.f32 $8.000000000e+00, v15;
	v10 =	vld.idx.msk [tilespmem:v10+s15+$0x0], $0xffff;
	v15 =	vor.u32 s9, v6  }
0x226: {  	v16 =	vld.idx.msk [tilespmem:v20+s15+$0x0], $0xffff;
	v12 =	vmul.f32 $8.000000000e+00, v12;
	[tilespmem:s25+$0xFFFFFF30] =	vst v8;
	v8 =	vor.u32 s31, v6  }
0x227: {  	[tilespmem:s26+$0xFFFFFF10] =	vst v14;
	v14 =	vld.idx.msk [tilespmem:v18+s15+$0x0], $0xffff;
	v11 =	vmul.f32 $8.000000000e+00, v11;
	v18 =	vor.u32 s28, v3  }
0x228: {  	s2 =	simm.s32 $0x10;
	v20 =	vor.u32 s30, v3;
	v19 =	vld.idx.msk [tilespmem:v19+s15+$0x0], $0xffff;
	[tilespmem:s26+$0x10] =	vst v12;
	v9 =	vmul.f32 $8.000000000e+00, v9  }
0x229: {  	v12 =	vld.idx.msk [tilespmem:v17+s15+$0x0], $0xffff;
	v17 =	vor.u32 s2, v0;
	[tilespmem:s25+$0xFFFFFFD0] =	vst v11;
	v11 =	vmul.f32 $8.000000000e+00, v13  }
0x22a: {  	s6 =	simm.s32 $0x16;
	v13 =	vor.u32 s16, v5;
	v10 =	vmul.f32 $8.000000000e+00, v10;
	v15 =	vld.idx.msk [tilespmem:v15+s15+$0x0], $0xffff;
	[tilespmem:s25+$0xD0] =	vst v9  }
0x22b: {  	s10 =	simm.s32 $0x12;
	v9 =	vor.u32 s6, v0;
	[tilespmem:s26+$0xA0] =	vst v11;
	v8 =	vld.idx.msk [tilespmem:v8+s15+$0x0], $0xffff  }
0x22c: {  	s11 =	simm.s32 $0x14;
	v11 =	vor.u32 s10, v0;
	[tilespmem:s26+$0xFFFFFFA0] =	vst v10;
	v10 =	vld.idx.msk [tilespmem:v18+s15+$0x0], $0xffff;
	v14 =	vmul.f32 $8.000000000e+00, v14  }
0x22d: {  	v16 =	vmul.f32 $8.000000000e+00, v16;
	v18 =	vor.u32 s11, v0;
	v20 =	vld.idx.msk [tilespmem:v20+s15+$0x0], $0xffff  }
0x22e: {  	v21 =	vor.u32 s29, v3;
	v19 =	vmul.f32 $8.000000000e+00, v19;
	v17 =	vld.idx.msk [tilespmem:v17+s15+$0x0], $0xffff;
	[tilespmem:s25+$0xFFFFFF40] =	vst v14  }
0x22f: {  	[tilespmem:s25+$0x40] =	vst v16;
	v12 =	vmul.f32 $8.000000000e+00, v12;
	v14 =	vor.u32 s9, v7;
	v13 =	vld.idx.msk [tilespmem:v13+s15+$0x0], $0xffff  }
0x230: {  	v16 =	vor.u32 s28, v4;
	[tilespmem:s26+$0xFFFFFF20] =	vst v19;
	v15 =	vmul.f32 $8.000000000e+00, v15;
	v9 =	vld.idx.msk [tilespmem:v9+s15+$0x0], $0xffff  }
0x231: {  	[tilespmem:s26+$0x20] =	vst v12;
	v12 =	vor.u32 s30, v4;
	v11 =	vld.idx.msk [tilespmem:v11+s15+$0x0], $0xffff;
	v8 =	vmul.f32 $8.000000000e+00, v8  }
0x232: {  	v22 =	vor.u32 s2, v1;
	[tilespmem:s25+$0xFFFFFFE0] =	vst v15;
	v15 =	vld.idx.msk [tilespmem:v18+s15+$0x0], $0xffff;
	v10 =	vmul.f32 $8.000000000e+00, v10  }
0x233: {  	v18 =	vmul.f32 $8.000000000e+00, v20;
	v20 =	vld.idx.msk [tilespmem:v21+s15+$0x0], $0xffff;
	v21 =	vor.u32 s18, v5;
	[tilespmem:s25+$0xE0] =	vst v8  }
0x234: {  	v8 =	vmul.f32 $8.000000000e+00, v17;
	v17 =	vor.u32 s6, v1;
	[tilespmem:s26+$0xB0] =	vst v10;
	v10 =	vld.idx.msk [tilespmem:v14+s15+$0x0], $0xffff  }
0x235: {  	s9 =	simm.s32 $0xE500;
	v19 =	vor.u32 s1, v3;
	[tilespmem:s26+$0xFFFFFFB0] =	vst v18;
	v16 =	vld.idx.msk [tilespmem:v16+s15+$0x0], $0xffff;
	v9 =	vmul.f32 $8.000000000e+00, v9  }
0x236: {  	v14 =	vor.u32 s10, v1;
	[tilespmem:s9+$0xFFFFFF00] =	vst v8;
	v12 =	vld.idx.msk [tilespmem:v12+s15+$0x0], $0xffff;
	v13 =	vmul.f32 $8.000000000e+00, v13  }
0x237: {  	v8 =	vor.u32 s11, v1;
	v18 =	vld.idx.msk [tilespmem:v22+s15+$0x0], $0xffff;
	v11 =	vmul.f32 $8.000000000e+00, v11;
	[tilespmem:s9+$0x80] =	vst v9  }
0x238: {  	v15 =	vmul.f32 $8.000000000e+00, v15;
	v9 =	vor.u32 s16, v6;
	v21 =	vld.idx.msk [tilespmem:v21+s15+$0x0], $0xffff;
	[tilespmem:s25+$0xFFFFFF50] =	vst v13  }
0x239: {  	[tilespmem:s9+$0xFFFFFF80] =	vst v11;
	v11 =	vld.idx.msk [tilespmem:v17+s15+$0x0], $0xffff;
	v17 =	vor.u32 s29, v4  }
0x23a: {  	v20 =	vmul.f32 $8.000000000e+00, v20;
	v13 =	vld.idx.msk [tilespmem:v19+s15+$0x0], $0xffff;
	[tilespmem:s9+$0x0] =	vst v15;
	v15 =	vor.u32 s30, v5  }
0x23b: {  	v22 =	vor.u32 s2, v2;
	v14 =	vld.idx.msk [tilespmem:v14+s15+$0x0], $0xffff;
	v10 =	vmul.f32 $8.000000000e+00, v10  }
0x23c: {  	v19 =	vor.u32 s18, v6;
	[tilespmem:s26+$0x30] =	vst v20;
	v8 =	vld.idx.msk [tilespmem:v8+s15+$0x0], $0xffff;
	v12 =	vmul.f32 $8.000000000e+00, v12  }
0x23d: {  	v20 =	vor.u32 s28, v5;
	v18 =	vmul.f32 $8.000000000e+00, v18;
	[tilespmem:s25+$0xFFFFFFF0] =	vst v10;
	v23 =	vld.idx.msk [tilespmem:v9+s15+$0x0], $0xffff  }
0x23e: {  	v10 =	vor.u32 s6, v2;
	[tilespmem:s26+$0xFFFFFFC0] =	vst v12;
	v12 =	vmul.f32 $8.000000000e+00, v21;
	v24 =	vld.idx.msk [tilespmem:v17+s15+$0x0], $0xffff  }
0x23f: {  	[tilespmem:s9+$0xFFFFFF10] =	vst v18;
	v18 =	vor.u32 s10, v2;
	v21 =	vld.idx.msk [tilespmem:v15+s15+$0x0], $0xffff;
	v15 =	vmul.f32 $8.000000000e+00, v16  }
0x240: {  	v11 =	vmul.f32 $8.000000000e+00, v11;
	v9 =	vld.idx.msk [tilespmem:v22+s15+$0x0], $0xffff;
	v16 =	vor.u32 s11, v2;
	[tilespmem:s25+$0x50] =	vst v12  }
0x241: {  	v14 =	vmul.f32 $8.000000000e+00, v14;
	v22 =	vor.u32 s1, v4;
	v25 =	vld.idx.msk [tilespmem:v19+s15+$0x0], $0xffff;
	[tilespmem:s26+$0xC0] =	vst v15  }
0x242: {  	v8 =	vmul.f32 $8.000000000e+00, v8;
	[tilespmem:s9+$0x90] =	vst v11;
	v12 =	vld.idx.msk [tilespmem:v20+s15+$0x0], $0xffff;
	v20 =	vor.u32 s16, v7  }
0x243: {  	v11 =	vmul.f32 $8.000000000e+00, v13;
	[tilespmem:s9+$0xFFFFFF90] =	vst v14;
	v17 =	vld.idx.msk [tilespmem:v10+s15+$0x0], $0xffff;
	v14 =	vor.u32 s31, v7  }
0x244: {  	v13 =	vor.u32 s30, v6;
	[tilespmem:s9+$0x10] =	vst v8;
	v10 =	vmul.f32 $8.000000000e+00, v23;
	v18 =	vld.idx.msk [tilespmem:v18+s15+$0x0], $0xffff  }
0x245: {  	[tilespmem:s26+$0xFFFFFF30] =	vst v11;
	v11 =	vor.u32 s18, v7;
	v19 =	vld.idx.msk [tilespmem:v16+s15+$0x0], $0xffff;
	v16 =	vmul.f32 $8.000000000e+00, v24  }
0x246: {  	v15 =	vld.idx.msk [tilespmem:v22+s15+$0x0], $0xffff;
	v22 =	vmul.f32 $8.000000000e+00, v21;
	[tilespmem:s25+$0xFFFFFF60] =	vst v10;
	v10 =	vor.u32 s28, v6  }
0x247: {  	v8 =	vor.u32 s10, v3;
	s16 =	simm.s32 $0x8;
	s18 =	simm.s32 $0x18;
	v21 =	vor.u32 s6, v3;
	[tilespmem:s26+$0x40] =	vst v16;
	v16 =	vld.idx.msk [tilespmem:v20+s15+$0x0], $0xffff;
	v20 =	vmul.f32 $8.000000000e+00, v25  }
.LBB2_18:
0x248: {  	v23 =	vor.u32 s18, v0;
	s12 =	sadd.s32 $0x2, s18;
	s31 =	sadd.s32 $0x6, s18;
	s16 =	sadd.s32 $0x4, s16;
	v24 =	vor.u32 s1, v5;
	[tilespmem:s26+$0xFFFFFFD0] =	vst v22;
	v12 =	vmul.f32 $8.000000000e+00, v12;
	v14 =	vld.idx.msk [tilespmem:v14+s15+$0x0], $0xffff  }
0x249: {  	s19 =	sadd.s32 $0x4, s18;
	v17 =	vmul.f32 $8.000000000e+00, v17;
	v22 =	vor.u32 s12, v0;
	v25 =	vor.u32 s31, v0;
	p0 =	slt.u32 s16, $0x1C;
	v13 =	vld.idx.msk [tilespmem:v13+s15+$0x0], $0xffff;
	[tilespmem:s25+$0x60] =	vst v20  }
0x24a: {  	v18 =	vmul.f32 $8.000000000e+00, v18;
	v20 =	vor.u32 s12, v3;
	v26 =	vor.u32 s19, v0;
	[tilespmem:s26+$0xD0] =	vst v12;
	v11 =	vld.idx.msk [tilespmem:v11+s15+$0x0], $0xffff  }
0x24b: {  	v12 =	vmul.f32 $8.000000000e+00, v19;
	[tilespmem:s9+$0xA0] =	vst v17;
	v10 =	vld.idx.msk [tilespmem:v10+s15+$0x0], $0xffff  }
0x24c: {  	v15 =	vmul.f32 $8.000000000e+00, v15;
	[tilespmem:s9+$0xFFFFFFA0] =	vst v18;
	v17 =	vld.idx.msk [tilespmem:v21+s15+$0x0], $0xffff  }
0x24d: {  	v18 =	vld.idx.msk [tilespmem:v8+s15+$0x0], $0xffff;
	[tilespmem:s9+$0x20] =	vst v12;
	v12 =	vmul.f32 $8.000000000e+00, v16;
	v8 =	vmov v20  }
0x24e: {  	v19 =	vor.u32 s11, v3;
	v14 =	vmul.f32 $8.000000000e+00, v14;
	v16 =	vld.idx.msk [tilespmem:v23+s15+$0x0], $0xffff;
	[tilespmem:s26+$0xFFFFFF40] =	vst v15  }
0x24f: {  	v20 =	vor.u32 s30, v7;
	s30 =	smov.u32 s10;
	s10 =	smov.u32 s12;
	v13 =	vmul.f32 $8.000000000e+00, v13;
	v15 =	vld.idx.msk [tilespmem:v24+s15+$0x0], $0xffff;
	[tilespmem:s25+$0xFFFFFF70] =	vst v12  }
0x250: {  	v21 =	vor.u32 s6, v4;
	v11 =	vmul.f32 $8.000000000e+00, v11;
	v12 =	vld.idx.msk [tilespmem:v25+s15+$0x0], $0xffff;
	[tilespmem:s25+$0xF0] =	vst v14  }
0x251: {  	v23 =	vor.u32 s30, v4;
	v14 =	vor.u32 s18, v1;
	v10 =	vmul.f32 $8.000000000e+00, v10;
	v22 =	vld.idx.msk [tilespmem:v22+s15+$0x0], $0xffff;
	[tilespmem:s26+$0xFFFFFFE0] =	vst v13  }
0x252: {  	v17 =	vmul.f32 $8.000000000e+00, v17;
	v13 =	vld.idx.msk [tilespmem:v26+s15+$0x0], $0xffff;
	[tilespmem:s25+$0x70] =	vst v11;
	s25 =	smov.u32 s26;
	s26 =	smov.u32 s9  }
0x253: {  	v24 =	vor.u32 s29, v5;
	v11 =	vor.u32 s10, v1;
	v18 =	vmul.f32 $8.000000000e+00, v18;
	v19 =	vld.idx.msk [tilespmem:v19+s15+$0x0], $0xffff;
	[tilespmem:s25+$0xE0] =	vst v10  }
0x254: {  	s9 =	sadd.s32 $0x200, s9;
	v10 =	vmul.f32 $8.000000000e+00, v16;
	v16 =	vor.u32 s31, v1;
	[tilespmem:s26+$0xB0] =	vst v17;
	v17 =	vld.idx.msk [tilespmem:v20+s15+$0x0], $0xffff  }
0x255: {  	v9 =	vmul.f32 $8.000000000e+00, v9;
	[tilespmem:s26+$0xFFFFFFB0] =	vst v18;
	v18 =	vld.idx.msk [tilespmem:v21+s15+$0x0], $0xffff  }
0x256: {  	v12 =	vmul.f32 $8.000000000e+00, v12;
	[tilespmem:s9+$0xFFFFFF00] =	vst v10;
	v10 =	vor.u32 s19, v1;
	v20 =	vld.idx.msk [tilespmem:v23+s15+$0x0], $0xffff  }
0x257: {  	v21 =	vmul.f32 $8.000000000e+00, v22;
	v14 =	vld.idx.msk [tilespmem:v14+s15+$0x0], $0xffff;
	[tilespmem:s26+$0xFFFFFF20] =	vst v9;
	v9 =	vor.u32 s2, v3  }
0x258: {  	v13 =	vmul.f32 $8.000000000e+00, v13;
	[tilespmem:s9+$0x80] =	vst v12;
	v12 =	vor.u32 s1, v6;
	v22 =	vld.idx.msk [tilespmem:v24+s15+$0x0], $0xffff  }
0x259: {  	v15 =	vmul.f32 $8.000000000e+00, v15;
	[tilespmem:s9+$0xFFFFFF80] =	vst v21;
	v16 =	vld.idx.msk [tilespmem:v16+s15+$0x0], $0xffff;
	v21 =	vor.u32 s11, v4  }
0x25a: {  	v19 =	vmul.f32 $8.000000000e+00, v19;
	v11 =	vld.idx.msk [tilespmem:v11+s15+$0x0], $0xffff;
	[tilespmem:s9+$0x0] =	vst v13;
	v13 =	vor.u32 s30, v5  }
0x25b: {  	v23 =	vor.u32 s18, v2;
	v10 =	vld.idx.msk [tilespmem:v10+s15+$0x0], $0xffff;
	[tilespmem:s25+$0xFFFFFF50] =	vst v15;
	v15 =	vmul.f32 $8.000000000e+00, v17  }
0x25c: {  	v17 =	vld.idx.msk [tilespmem:v9+s15+$0x0], $0xffff;
	v9 =	vmul.f32 $8.000000000e+00, v20;
	[tilespmem:s26+$0x30] =	vst v19;
	v19 =	vor.u32 s29, v6  }
0x25d: {  	v14 =	vmul.f32 $8.000000000e+00, v14;
	v20 =	vor.u32 s6, v5;
	v24 =	vld.idx.msk [tilespmem:v12+s15+$0x0], $0xffff;
	[tilespmem:s25+$0xFFFFFFF0] =	vst v15  }
0x25e: {  	v15 =	vor.u32 s31, v2;
	v12 =	vmul.f32 $8.000000000e+00, v22;
	[tilespmem:s26+$0xFFFFFFC0] =	vst v9;
	v21 =	vld.idx.msk [tilespmem:v21+s15+$0x0], $0xffff  }
0x25f: {  	v22 =	vor.u32 s10, v2;
	[tilespmem:s9+$0xFFFFFF10] =	vst v14;
	v14 =	vmul.f32 $8.000000000e+00, v16;
	v16 =	vld.idx.msk [tilespmem:v13+s15+$0x0], $0xffff;
	v13 =	vmul.f32 $8.000000000e+00, v18  }
0x260: {  	v11 =	vmul.f32 $8.000000000e+00, v11;
	v9 =	vld.idx.msk [tilespmem:v23+s15+$0x0], $0xffff;
	v23 =	vor.u32 s19, v2;
	[tilespmem:s25+$0x50] =	vst v12  }
0x261: {  	v25 =	vor.u32 s2, v4;
	v10 =	vmul.f32 $8.000000000e+00, v10;
	[tilespmem:s26+$0xC0] =	vst v13;
	v26 =	vld.idx.msk [tilespmem:v19+s15+$0x0], $0xffff  }
0x262: {  	v27 =	vmul.f32 $8.000000000e+00, v17;
	[tilespmem:s9+$0x90] =	vst v14;
	v12 =	vld.idx.msk [tilespmem:v20+s15+$0x0], $0xffff;
	v20 =	vor.u32 s1, v7;
	s1 =	smov.u32 s2;
	s2 =	smov.u32 s18  }
.Ltmp11:
0x263: {  	v14 =	vor.u32 s28, v7;
	s28 =	smov.u32 s6;
	s6 =	smov.u32 s31;
	[tilespmem:s9+$0xFFFFFF90] =	vst v11;
	v17 =	vld.idx.msk [tilespmem:v15+s15+$0x0], $0xffff;
	(pc) =	sbr.rel @p0 .LBB2_18-.Ltmp11, $4  }
0x264: {  	v13 =	vor.u32 s30, v6;
	v24 =	vmul.f32 $8.000000000e+00, v24;
	v18 =	vld.idx.msk [tilespmem:v22+s15+$0x0], $0xffff;
	[tilespmem:s9+$0x10] =	vst v10  }
0x265: {  	v11 =	vor.u32 s29, v7;
	s29 =	smov.u32 s11;
	s11 =	smov.u32 s19;
	v19 =	vld.idx.msk [tilespmem:v23+s15+$0x0], $0xffff;
	[tilespmem:s26+$0xFFFFFF30] =	vst v27;
	v23 =	vmul.f32 $8.000000000e+00, v21  }
0x266: {  	v22 =	vmul.f32 $8.000000000e+00, v16;
	v10 =	vor.u32 s28, v6;
	v15 =	vld.idx.msk [tilespmem:v25+s15+$0x0], $0xffff;
	[tilespmem:s25+$0xFFFFFF60] =	vst v24  }
0x267: {  	s18 =	sadd.s32 $0x8, s18;
	v21 =	vor.u32 s6, v3;
	[tilespmem:s26+$0x40] =	vst v23;
	v16 =	vld.idx.msk [tilespmem:v20+s15+$0x0], $0xffff;
	v20 =	vmul.f32 $8.000000000e+00, v26  }
.Ltmp12:
0x268: {  	_ = 	snop;
	(pc) =	sbr.rel .LBB2_19-.Ltmp12, $1  }
0x269: {  	_ =	sdelay $0x3  }
.LBB2_4:
0x26a: {  	s1 =	sadd.s32 @!p0 s0, s1  }
0x26b: {  	s2 =	simm.s32 @!p0 $0x400;
	s6 =	simm.s32 @!p0 $0x7A1400;
	s9 =	simm.s32 @!p0 $0x2000  }
0x26c: {  	[tilespmem:s9], [sflag:$0x2] =	stream.strided.gather @!p0 [hbm4b:s1+s2], $0x2000, s6, s2, $0x38;
	[tilespmem:$0xF000] =	vst v63  }
0x26d: {  	_ =	swait.ge [sflag:s17], $0x2000  }
0x26e: {  	p0 =	slt.u32 s24, $0x2;
	[sflag:s17] =	ssyncset.done $0x0  }
0x26f: {  	s1 =	simm.s32 @!p0 $0x3;
	[sflag:s17] =	ssyncadd.s32 $0xFFFFE000  }
0x270: {  	_ =	swait.ge @!p0 [sflag:s1], $0x2000  }
0x271: {  	[sflag:s1] =	ssyncset.done @!p0 $0x0  }
0x272: {  	s31 =	simm.s32 $0x200;
	[sflag:s1] =	ssyncadd.s32 @!p0 $0xFFFFE000  }
0x273: {  	v8 =	vld [tilespmem:s31+$0x180]  }
0x274: {  	v9 =	vld [tilespmem:s31+$0xFFFFFE80]  }
0x275: {  	v10 =	vld [tilespmem:s31+$0xFFFFFF00]  }
0x276: {  	v11 =	vld [tilespmem:s31+$0xFFFFFF80]  }
0x277: {  	s1 =	simm.s32 $0x4200;
	v12 =	vld [tilespmem:s31+$0x0]  }
0x278: {  	v13 =	vld [tilespmem:s31+$0x80];
	[tilespmem:s1+$0x180] =	vst v8  }
0x279: {  	[tilespmem:s1+$0xFFFFFE80] =	vst v9;
	v9 =	vld [tilespmem:s31+$0x100]  }
0x27a: {  	[tilespmem:s1+$0xFFFFFF00] =	vst v10;
	v10 =	vld [tilespmem:s31+$0xFFFFFE00]  }
0x27b: {  	[tilespmem:s1+$0xFFFFFF80] =	vst v11;
	v8 =	vld [tilespmem:s31+$0x190]  }
0x27c: {  	[tilespmem:s1+$0x0] =	vst v12;
	v11 =	vld [tilespmem:s31+$0xFFFFFE90]  }
0x27d: {  	[tilespmem:s1+$0x80] =	vst v13;
	v12 =	vld [tilespmem:s31+$0xFFFFFF10]  }
0x27e: {  	v13 =	vld [tilespmem:s31+$0xFFFFFF90];
	[tilespmem:s1+$0x100] =	vst v9  }
0x27f: {  	[tilespmem:s1+$0xFFFFFE00] =	vst v10;
	v9 =	vld [tilespmem:s31+$0x10]  }
0x280: {  	[tilespmem:s1+$0x190] =	vst v8;
	v10 =	vld [tilespmem:s31+$0xFFFFFE10]  }
0x281: {  	[tilespmem:s1+$0xFFFFFE90] =	vst v11;
	v11 =	vld [tilespmem:s31+$0x90]  }
0x282: {  	[tilespmem:s1+$0xFFFFFF10] =	vst v12;
	v8 =	vld [tilespmem:s31+$0x1A0]  }
0x283: {  	[tilespmem:s1+$0xFFFFFF90] =	vst v13;
	v12 =	vld [tilespmem:s31+$0x110]  }
0x284: {  	v13 =	vld [tilespmem:s31+$0xFFFFFEA0];
	[tilespmem:s1+$0x10] =	vst v9  }
0x285: {  	v9 =	vld [tilespmem:s31+$0xFFFFFF20];
	[tilespmem:s1+$0xFFFFFE10] =	vst v10  }
0x286: {  	[tilespmem:s1+$0x90] =	vst v11;
	v11 =	vld [tilespmem:s31+$0xFFFFFFA0]  }
0x287: {  	[tilespmem:s1+$0x1A0] =	vst v8;
	v10 =	vld [tilespmem:s31+$0xFFFFFE20]  }
0x288: {  	[tilespmem:s1+$0x110] =	vst v12;
	v8 =	vld [tilespmem:s31+$0x1B0]  }
0x289: {  	v12 =	vld [tilespmem:s31+$0x20];
	[tilespmem:s1+$0xFFFFFEA0] =	vst v13  }
0x28a: {  	v13 =	vld [tilespmem:s31+$0xA0];
	[tilespmem:s1+$0xFFFFFF20] =	vst v9  }
0x28b: {  	v9 =	vld [tilespmem:s31+$0x120];
	[tilespmem:s1+$0xFFFFFFA0] =	vst v11  }
0x28c: {  	v11 =	vld [tilespmem:s31+$0xFFFFFEB0];
	[tilespmem:s1+$0xFFFFFE20] =	vst v10  }
0x28d: {  	[tilespmem:s1+$0x1B0] =	vst v8;
	v10 =	vld [tilespmem:s31+$0xFFFFFE30]  }
0x28e: {  	[tilespmem:s1+$0x20] =	vst v12;
	v8 =	vld [tilespmem:s31+$0x1C0]  }
0x28f: {  	v12 =	vld [tilespmem:s31+$0xFFFFFF30];
	[tilespmem:s1+$0xA0] =	vst v13  }
0x290: {  	v13 =	vld [tilespmem:s31+$0xFFFFFFB0];
	[tilespmem:s1+$0x120] =	vst v9  }
0x291: {  	v9 =	vld [tilespmem:s31+$0x30];
	[tilespmem:s1+$0xFFFFFEB0] =	vst v11  }
0x292: {  	v11 =	vld [tilespmem:s31+$0x130];
	[tilespmem:s1+$0xFFFFFE30] =	vst v10  }
0x293: {  	v10 =	vld [tilespmem:s31+$0xB0];
	[tilespmem:s1+$0x1C0] =	vst v8  }
0x294: {  	[tilespmem:s1+$0xFFFFFF30] =	vst v12;
	v8 =	vld [tilespmem:s31+$0x1D0]  }
0x295: {  	[tilespmem:s1+$0xFFFFFFB0] =	vst v13;
	v13 =	vld [tilespmem:s31+$0xFFFFFEC0]  }
0x296: {  	v12 =	vld [tilespmem:s31+$0xFFFFFE40];
	[tilespmem:s1+$0x30] =	vst v9  }
0x297: {  	v9 =	vld [tilespmem:s31+$0xFFFFFF40];
	[tilespmem:s1+$0x130] =	vst v11  }
0x298: {  	v11 =	vld [tilespmem:s31+$0x40];
	[tilespmem:s1+$0xB0] =	vst v10  }
0x299: {  	v10 =	vld [tilespmem:s31+$0xFFFFFFC0];
	[tilespmem:s1+$0x1D0] =	vst v8  }
0x29a: {  	[tilespmem:s1+$0xFFFFFEC0] =	vst v13;
	v8 =	vld [tilespmem:s31+$0x1E0]  }
0x29b: {  	v13 =	vld [tilespmem:s31+$0x140];
	[tilespmem:s1+$0xFFFFFE40] =	vst v12  }
0x29c: {  	v12 =	vld [tilespmem:s31+$0xC0];
	[tilespmem:s1+$0xFFFFFF40] =	vst v9  }
0x29d: {  	v9 =	vld [tilespmem:s31+$0xFFFFFE50];
	[tilespmem:s1+$0x40] =	vst v11  }
0x29e: {  	[tilespmem:s1+$0xFFFFFFC0] =	vst v10;
	v10 =	vld [tilespmem:s31+$0xFFFFFED0]  }
0x29f: {  	v11 =	vld [tilespmem:s31+$0xFFFFFF50];
	[tilespmem:s1+$0x1E0] =	vst v8  }
0x2a0: {  	[tilespmem:s1+$0x140] =	vst v13;
	v8 =	vld [tilespmem:s31+$0x1F0]  }
0x2a1: {  	v13 =	vld [tilespmem:s31+$0x50];
	[tilespmem:s1+$0xC0] =	vst v12  }
0x2a2: {  	v12 =	vld [tilespmem:s31+$0xFFFFFFD0];
	[tilespmem:s1+$0xFFFFFE50] =	vst v9  }
0x2a3: {  	v9 =	vld [tilespmem:s31+$0x150];
	[tilespmem:s1+$0xFFFFFED0] =	vst v10  }
0x2a4: {  	[tilespmem:s1+$0xFFFFFF50] =	vst v11;
	v11 =	vld [tilespmem:s31+$0xFFFFFEE0]  }
0x2a5: {  	[tilespmem:s1+$0x1F0] =	vst v8;
	v8 =	vld [tilespmem:s31+$0xD0]  }
0x2a6: {  	[tilespmem:s1+$0x50] =	vst v13;
	v10 =	vld [tilespmem:s31+$0xFFFFFE60]  }
0x2a7: {  	[tilespmem:s1+$0xFFFFFFD0] =	vst v12;
	v12 =	vld [tilespmem:s31+$0xFFFFFF60]  }
0x2a8: {  	v13 =	vld [tilespmem:s31+$0xFFFFFFE0];
	[tilespmem:s1+$0x150] =	vst v9  }
0x2a9: {  	[tilespmem:s1+$0xFFFFFEE0] =	vst v11;
	v11 =	vld [tilespmem:s31+$0x160]  }
0x2aa: {  	[tilespmem:s1+$0xD0] =	vst v8;
	v8 =	vld [tilespmem:s31+$0x60]  }
0x2ab: {  	[tilespmem:s1+$0xFFFFFE60] =	vst v10;
	v9 =	vld [tilespmem:s31+$0xE0]  }
0x2ac: {  	v14 =	vld [tilespmem:s31+$0xFFFFFE70];
	[tilespmem:s1+$0xFFFFFF60] =	vst v12  }
0x2ad: {  	v12 =	vld [tilespmem:s31+$0xFFFFFEF0];
	[tilespmem:s1+$0xFFFFFFE0] =	vst v13  }
0x2ae: {  	v10 =	vld [tilespmem:s31+$0xFFFFFF70];
	[tilespmem:s1+$0x160] =	vst v11  }
0x2af: {  	[tilespmem:s1+$0x60] =	vst v8;
	v8 =	vld [tilespmem:s31+$0xFFFFFFF0]  }
0x2b0: {  	[tilespmem:s1+$0xE0] =	vst v9;
	v9 =	vld [tilespmem:s31+$0x70]  }
0x2b1: {  	[tilespmem:s1+$0xFFFFFE70] =	vst v14;
	v11 =	vld [tilespmem:s31+$0xF0]  }
0x2b2: {  	s26 =	simm.s32 $0x8100;
	s2 =	simm.s32 $0x0;
	s6 =	simm.s32 $0x600;
	[tilespmem:s1+$0xFFFFFEF0] =	vst v12;
	v12 =	vld [tilespmem:s31+$0x170]  }
.LBB2_5:
0x2b3: {  	v13 =	vld [tilespmem:s6+$0x180];
	s2 =	sadd.s32 $0x8, s2;
	[tilespmem:s1+$0xFFFFFF70] =	vst v10  }
0x2b4: {  	v10 =	vld [tilespmem:s6+$0xFFFFFE80];
	p0 =	slt.u32 s2, $0x38;
	[tilespmem:s1+$0xFFFFFFF0] =	vst v8  }
0x2b5: {  	v8 =	vld [tilespmem:s6+$0xFFFFFF00];
	[tilespmem:s1+$0x70] =	vst v9  }
0x2b6: {  	v9 =	vld [tilespmem:s6+$0xFFFFFF80];
	[tilespmem:s1+$0xF0] =	vst v11  }
0x2b7: {  	v11 =	vld [tilespmem:s6+$0x0];
	[tilespmem:s1+$0x170] =	vst v12;
	s1 =	sadd.s32 $0x800, s1  }
0x2b8: {  	v12 =	vld [tilespmem:s6+$0x80];
	[tilespmem:s1+$0x180] =	vst v13  }
0x2b9: {  	[tilespmem:s1+$0xFFFFFE80] =	vst v10;
	v10 =	vld [tilespmem:s6+$0x190]  }
0x2ba: {  	[tilespmem:s1+$0xFFFFFF00] =	vst v8;
	v8 =	vld [tilespmem:s6+$0x100]  }
0x2bb: {  	v13 =	vld [tilespmem:s6+$0xFFFFFE00];
	[tilespmem:s1+$0xFFFFFF80] =	vst v9  }
0x2bc: {  	v9 =	vld [tilespmem:s6+$0xFFFFFE90];
	[tilespmem:s1+$0x0] =	vst v11  }
0x2bd: {  	v11 =	vld [tilespmem:s6+$0xFFFFFF10];
	[tilespmem:s1+$0x80] =	vst v12  }
0x2be: {  	v12 =	vld [tilespmem:s6+$0xFFFFFF90];
	[tilespmem:s1+$0x190] =	vst v10  }
0x2bf: {  	[tilespmem:s1+$0x100] =	vst v8;
	v8 =	vld [tilespmem:s6+$0x1A0]  }
0x2c0: {  	[tilespmem:s1+$0xFFFFFE00] =	vst v13;
	v10 =	vld [tilespmem:s6+$0x10]  }
0x2c1: {  	v13 =	vld [tilespmem:s6+$0xFFFFFE10];
	[tilespmem:s1+$0xFFFFFE90] =	vst v9  }
0x2c2: {  	[tilespmem:s1+$0xFFFFFF10] =	vst v11;
	v9 =	vld [tilespmem:s6+$0x90]  }
0x2c3: {  	[tilespmem:s1+$0xFFFFFF90] =	vst v12;
	v11 =	vld [tilespmem:s6+$0x110]  }
0x2c4: {  	v12 =	vld [tilespmem:s6+$0xFFFFFEA0];
	[tilespmem:s1+$0x1A0] =	vst v8  }
0x2c5: {  	[tilespmem:s1+$0x10] =	vst v10;
	v8 =	vld [tilespmem:s6+$0x1B0]  }
0x2c6: {  	[tilespmem:s1+$0xFFFFFE10] =	vst v13;
	v10 =	vld [tilespmem:s6+$0xFFFFFF20]  }
0x2c7: {  	v13 =	vld [tilespmem:s6+$0xFFFFFE20];
	[tilespmem:s1+$0x90] =	vst v9  }
0x2c8: {  	v9 =	vld [tilespmem:s6+$0xFFFFFFA0];
	[tilespmem:s1+$0x110] =	vst v11  }
0x2c9: {  	[tilespmem:s1+$0xFFFFFEA0] =	vst v12;
	v11 =	vld [tilespmem:s6+$0x20]  }
0x2ca: {  	v12 =	vld [tilespmem:s6+$0xA0];
	[tilespmem:s1+$0x1B0] =	vst v8  }
0x2cb: {  	[tilespmem:s1+$0xFFFFFF20] =	vst v10;
	v8 =	vld [tilespmem:s6+$0x1C0]  }
0x2cc: {  	[tilespmem:s1+$0xFFFFFE20] =	vst v13;
	v10 =	vld [tilespmem:s6+$0x120]  }
0x2cd: {  	v13 =	vld [tilespmem:s6+$0xFFFFFE30];
	[tilespmem:s1+$0xFFFFFFA0] =	vst v9  }
0x2ce: {  	v9 =	vld [tilespmem:s6+$0xFFFFFEB0];
	[tilespmem:s1+$0x20] =	vst v11  }
0x2cf: {  	v11 =	vld [tilespmem:s6+$0xFFFFFF30];
	[tilespmem:s1+$0xA0] =	vst v12  }
0x2d0: {  	v12 =	vld [tilespmem:s6+$0xFFFFFFB0];
	[tilespmem:s1+$0x1C0] =	vst v8  }
0x2d1: {  	[tilespmem:s1+$0x120] =	vst v10;
	v8 =	vld [tilespmem:s6+$0x1D0]  }
0x2d2: {  	[tilespmem:s1+$0xFFFFFE30] =	vst v13;
	v10 =	vld [tilespmem:s6+$0x30]  }
0x2d3: {  	[tilespmem:s1+$0xFFFFFEB0] =	vst v9;
	v9 =	vld [tilespmem:s6+$0xB0]  }
0x2d4: {  	[tilespmem:s1+$0xFFFFFF30] =	vst v11;
	v11 =	vld [tilespmem:s6+$0x130]  }
0x2d5: {  	v13 =	vld [tilespmem:s6+$0xFFFFFE40];
	[tilespmem:s1+$0xFFFFFFB0] =	vst v12  }
0x2d6: {  	v12 =	vld [tilespmem:s6+$0xFFFFFEC0];
	[tilespmem:s1+$0x1D0] =	vst v8  }
0x2d7: {  	[tilespmem:s1+$0x30] =	vst v10;
	v8 =	vld [tilespmem:s6+$0x1E0]  }
0x2d8: {  	v10 =	vld [tilespmem:s6+$0xFFFFFF40];
	[tilespmem:s1+$0xB0] =	vst v9  }
0x2d9: {  	v9 =	vld [tilespmem:s6+$0xFFFFFFC0];
	[tilespmem:s1+$0x130] =	vst v11  }
0x2da: {  	[tilespmem:s1+$0xFFFFFE40] =	vst v13;
	v11 =	vld [tilespmem:s6+$0x40]  }
0x2db: {  	[tilespmem:s1+$0xFFFFFEC0] =	vst v12;
	v12 =	vld [tilespmem:s6+$0xC0]  }
0x2dc: {  	v13 =	vld [tilespmem:s6+$0x140];
	[tilespmem:s1+$0x1E0] =	vst v8  }
0x2dd: {  	[tilespmem:s1+$0xFFFFFF40] =	vst v10;
	v8 =	vld [tilespmem:s6+$0x1F0]  }
0x2de: {  	v10 =	vld [tilespmem:s6+$0xFFFFFE50];
	[tilespmem:s1+$0xFFFFFFC0] =	vst v9  }
0x2df: {  	v9 =	vld [tilespmem:s6+$0xFFFFFED0];
	[tilespmem:s1+$0x40] =	vst v11  }
0x2e0: {  	v11 =	vld [tilespmem:s6+$0xFFFFFF50];
	[tilespmem:s1+$0xC0] =	vst v12  }
0x2e1: {  	v12 =	vld [tilespmem:s6+$0xFFFFFFD0];
	[tilespmem:s1+$0x140] =	vst v13  }
0x2e2: {  	s16 =	simm.s32 $0x0;
	v13 =	vld [tilespmem:s6+$0x50];
	[tilespmem:s1+$0x1F0] =	vst v8  }
0x2e3: {  	[tilespmem:s1+$0xFFFFFE50] =	vst v10;
	v8 =	vld [tilespmem:s6+$0xD0]  }
0x2e4: {  	[tilespmem:s1+$0xFFFFFED0] =	vst v9;
	v9 =	vld [tilespmem:s6+$0x150]  }
0x2e5: {  	v10 =	vld [tilespmem:s6+$0xFFFFFE60];
	[tilespmem:s1+$0xFFFFFF50] =	vst v11  }
0x2e6: {  	v11 =	vld [tilespmem:s6+$0xFFFFFEE0];
	[tilespmem:s1+$0xFFFFFFD0] =	vst v12  }
0x2e7: {  	v12 =	vld [tilespmem:s6+$0xFFFFFF60];
	[tilespmem:s1+$0x50] =	vst v13  }
0x2e8: {  	v13 =	vld [tilespmem:s6+$0xFFFFFFE0];
	[tilespmem:s1+$0xD0] =	vst v8  }
0x2e9: {  	v8 =	vld [tilespmem:s6+$0x60];
	[tilespmem:s1+$0x150] =	vst v9  }
0x2ea: {  	[tilespmem:s1+$0xFFFFFE60] =	vst v10;
	v9 =	vld [tilespmem:s6+$0xE0]  }
0x2eb: {  	[tilespmem:s1+$0xFFFFFEE0] =	vst v11;
	v11 =	vld [tilespmem:s6+$0x160]  }
0x2ec: {  	v14 =	vld [tilespmem:s6+$0xFFFFFE70];
	[tilespmem:s1+$0xFFFFFF60] =	vst v12  }
0x2ed: {  	v12 =	vld [tilespmem:s6+$0xFFFFFEF0];
	[tilespmem:s1+$0xFFFFFFE0] =	vst v13  }
.Ltmp13:
0x2ee: {  	v10 =	vld [tilespmem:s6+$0xFFFFFF70];
	[tilespmem:s1+$0x60] =	vst v8;
	(pc) =	sbr.rel @p0 .LBB2_5-.Ltmp13, $4  }
0x2ef: {  	v8 =	vld [tilespmem:s6+$0xFFFFFFF0];
	[tilespmem:s1+$0xE0] =	vst v9  }
0x2f0: {  	v9 =	vld [tilespmem:s6+$0x70];
	[tilespmem:s1+$0x160] =	vst v11  }
0x2f1: {  	[tilespmem:s1+$0xFFFFFE70] =	vst v14;
	v11 =	vld [tilespmem:s6+$0xF0]  }
0x2f2: {  	[tilespmem:s1+$0xFFFFFEF0] =	vst v12;
	v12 =	vld [tilespmem:s6+$0x170];
	s6 =	sadd.s32 $0x400, s6  }
0x2f3: {  	s9 =	simm.s32 $0x2  }
0x2f4: {  	[tilespmem:s1+$0xFFFFFF70] =	vst v10;
	s18 =	simm.s32 $0x6;
	v10 =	vor.u32 s9, v0  }
0x2f5: {  	[tilespmem:s1+$0xFFFFFFF0] =	vst v8;
	v8 =	vor.u32 s18, v0  }
0x2f6: {  	[tilespmem:s1+$0x70] =	vst v9  }
0x2f7: {  	[tilespmem:s1+$0xF0] =	vst v11  }
0x2f8: {  	[tilespmem:s1+$0x170] =	vst v12  }
0x2f9: {  	v9 =	vld.idx.msk [tilespmem:v10+s15+$0x0], $0xffff  }
0x2fa: {  	v8 =	vld.idx.msk [tilespmem:v8+s15+$0x0], $0xffff;
	_ =	sdelay $0x1  }
0x2fb: {  	v10 =	vor.u32 s9, v1  }
0x2fc: {  	v11 =	vor.u32 s18, v1  }
0x2fd: {  	v9 =	vmul.f32 $8.000000000e+00, v9  }
0x2fe: {  	s19 =	simm.s32 $0x4;
	v8 =	vmul.f32 $8.000000000e+00, v8  }
0x2ff: {  	v12 =	vor.u32 s19, v0;
	[tilespmem:s26+$0xFFFFFF80] =	vst v9  }
0x300: {  	v9 =	vor.u32 s16, v0;
	[tilespmem:s26+$0x80] =	vst v8;
	v8 =	vld.idx.msk [tilespmem:v10+s15+$0x0], $0xffff  }
0x301: {  	v10 =	vld.idx.msk [tilespmem:v11+s15+$0x0], $0xffff;
	_ =	sdelay $0x1  }
0x302: {  	v11 =	vor.u32 s9, v2  }
0x303: {  	v13 =	vor.u32 s18, v2;
	v12 =	vld.idx.msk [tilespmem:v12+s15+$0x0], $0xffff  }
0x304: {  	v9 =	vld.idx.msk [tilespmem:v9+s15+$0x0], $0xffff;
	v8 =	vmul.f32 $8.000000000e+00, v8  }
0x305: {  	v10 =	vmul.f32 $8.000000000e+00, v10  }
0x306: {  	v14 =	vor.u32 s19, v1;
	[tilespmem:s26+$0xFFFFFF90] =	vst v8  }
0x307: {  	v8 =	vor.u32 s16, v1;
	[tilespmem:s26+$0x90] =	vst v10;
	v10 =	vld.idx.msk [tilespmem:v11+s15+$0x0], $0xffff  }
0x308: {  	v11 =	vmul.f32 $8.000000000e+00, v12;
	v12 =	vld.idx.msk [tilespmem:v13+s15+$0x0], $0xffff  }
0x309: {  	v9 =	vmul.f32 $8.000000000e+00, v9  }
0x30a: {  	v13 =	vor.u32 s9, v3;
	[tilespmem:s26+$0x0] =	vst v11  }
0x30b: {  	s29 =	simm.s32 $0xE;
	v11 =	vor.u32 s18, v3;
	[tilespmem:s26+$0xFFFFFF00] =	vst v9;
	v9 =	vld.idx.msk [tilespmem:v14+s15+$0x0], $0xffff  }
0x30c: {  	s31 =	simm.s32 $0xA;
	v14 =	vor.u32 s29, v0;
	v8 =	vld.idx.msk [tilespmem:v8+s15+$0x0], $0xffff;
	v10 =	vmul.f32 $8.000000000e+00, v10  }
0x30d: {  	v15 =	vor.u32 s31, v0;
	v12 =	vmul.f32 $8.000000000e+00, v12  }
0x30e: {  	v16 =	vor.u32 s19, v2;
	[tilespmem:s26+$0xFFFFFFA0] =	vst v10  }
0x30f: {  	s1 =	simm.s32 $0x8;
	v10 =	vor.u32 s16, v2;
	[tilespmem:s26+$0xA0] =	vst v12;
	v12 =	vld.idx.msk [tilespmem:v13+s15+$0x0], $0xffff  }
0x310: {  	s30 =	simm.s32 $0xC;
	v9 =	vmul.f32 $8.000000000e+00, v9;
	v13 =	vor.u32 s1, v0;
	v11 =	vld.idx.msk [tilespmem:v11+s15+$0x0], $0xffff  }
0x311: {  	v17 =	vor.u32 s30, v0;
	v14 =	vld.idx.msk [tilespmem:v14+s15+$0x0], $0xffff;
	v8 =	vmul.f32 $8.000000000e+00, v8  }
0x312: {  	[tilespmem:s26+$0x10] =	vst v9;
	v9 =	vld.idx.msk [tilespmem:v15+s15+$0x0], $0xffff;
	v15 =	vor.u32 s9, v4  }
0x313: {  	[tilespmem:s26+$0xFFFFFF10] =	vst v8;
	v8 =	vld.idx.msk [tilespmem:v16+s15+$0x0], $0xffff;
	v16 =	vor.u32 s18, v4  }
0x314: {  	v18 =	vor.u32 s29, v1;
	v10 =	vld.idx.msk [tilespmem:v10+s15+$0x0], $0xffff;
	v12 =	vmul.f32 $8.000000000e+00, v12  }
0x315: {  	v19 =	vor.u32 s31, v1;
	v13 =	vld.idx.msk [tilespmem:v13+s15+$0x0], $0xffff;
	v11 =	vmul.f32 $8.000000000e+00, v11  }
0x316: {  	v20 =	vor.u32 s19, v3;
	v17 =	vld.idx.msk [tilespmem:v17+s15+$0x0], $0xffff;
	[tilespmem:s26+$0xFFFFFFB0] =	vst v12;
	v12 =	vmul.f32 $8.000000000e+00, v14  }
0x317: {  	s28 =	simm.s32 $0x8300;
	[tilespmem:s26+$0xB0] =	vst v11;
	v9 =	vmul.f32 $8.000000000e+00, v9;
	v14 =	vor.u32 s16, v3;
	v11 =	vld.idx.msk [tilespmem:v15+s15+$0x0], $0xffff  }
0x318: {  	v8 =	vmul.f32 $8.000000000e+00, v8;
	v15 =	vor.u32 s1, v1;
	v16 =	vld.idx.msk [tilespmem:v16+s15+$0x0], $0xffff;
	[tilespmem:s28+$0x80] =	vst v12  }
0x319: {  	v10 =	vmul.f32 $8.000000000e+00, v10;
	v12 =	vor.u32 s30, v1;
	[tilespmem:s28+$0xFFFFFF80] =	vst v9;
	v9 =	vld.idx.msk [tilespmem:v18+s15+$0x0], $0xffff  }
0x31a: {  	[tilespmem:s26+$0x20] =	vst v8;
	v8 =	vmul.f32 $8.000000000e+00, v13;
	v13 =	vld.idx.msk [tilespmem:v19+s15+$0x0], $0xffff;
	v18 =	vor.u32 s9, v5  }
0x31b: {  	v19 =	vld.idx.msk [tilespmem:v20+s15+$0x0], $0xffff;
	[tilespmem:s26+$0xFFFFFF20] =	vst v10;
	v10 =	vmul.f32 $8.000000000e+00, v17;
	v17 =	vor.u32 s18, v5  }
0x31c: {  	[tilespmem:s28+$0xFFFFFF00] =	vst v8;
	v8 =	vld.idx.msk [tilespmem:v14+s15+$0x0], $0xffff;
	v14 =	vor.u32 s29, v2;
	v11 =	vmul.f32 $8.000000000e+00, v11  }
0x31d: {  	v15 =	vld.idx.msk [tilespmem:v15+s15+$0x0], $0xffff;
	[tilespmem:s28+$0x0] =	vst v10;
	v10 =	vor.u32 s31, v2;
	v16 =	vmul.f32 $8.000000000e+00, v16  }
0x31e: {  	v20 =	vor.u32 s19, v4;
	v12 =	vld.idx.msk [tilespmem:v12+s15+$0x0], $0xffff;
	[tilespmem:s26+$0xFFFFFFC0] =	vst v11;
	v9 =	vmul.f32 $8.000000000e+00, v9  }
0x31f: {  	v13 =	vmul.f32 $8.000000000e+00, v13;
	[tilespmem:s26+$0xC0] =	vst v16;
	v11 =	vld.idx.msk [tilespmem:v18+s15+$0x0], $0xffff;
	v18 =	vor.u32 s16, v4  }
0x320: {  	v16 =	vmul.f32 $8.000000000e+00, v19;
	v19 =	vor.u32 s1, v2;
	[tilespmem:s28+$0x90] =	vst v9;
	v9 =	vld.idx.msk [tilespmem:v17+s15+$0x0], $0xffff  }
0x321: {  	v17 =	vor.u32 s30, v2;
	v8 =	vmul.f32 $8.000000000e+00, v8;
	[tilespmem:s28+$0xFFFFFF90] =	vst v13;
	v13 =	vld.idx.msk [tilespmem:v14+s15+$0x0], $0xffff  }
0x322: {  	[tilespmem:s26+$0x30] =	vst v16;
	v14 =	vmul.f32 $8.000000000e+00, v15;
	v10 =	vld.idx.msk [tilespmem:v10+s15+$0x0], $0xffff;
	v15 =	vor.u32 s9, v6  }
0x323: {  	v16 =	vld.idx.msk [tilespmem:v20+s15+$0x0], $0xffff;
	v12 =	vmul.f32 $8.000000000e+00, v12;
	[tilespmem:s26+$0xFFFFFF30] =	vst v8;
	v8 =	vor.u32 s18, v6  }
0x324: {  	[tilespmem:s28+$0xFFFFFF10] =	vst v14;
	v14 =	vld.idx.msk [tilespmem:v18+s15+$0x0], $0xffff;
	v11 =	vmul.f32 $8.000000000e+00, v11;
	v18 =	vor.u32 s29, v3  }
0x325: {  	s2 =	simm.s32 $0x10;
	v20 =	vor.u32 s31, v3;
	v19 =	vld.idx.msk [tilespmem:v19+s15+$0x0], $0xffff;
	[tilespmem:s28+$0x10] =	vst v12;
	v9 =	vmul.f32 $8.000000000e+00, v9  }
0x326: {  	v12 =	vld.idx.msk [tilespmem:v17+s15+$0x0], $0xffff;
	v17 =	vor.u32 s2, v0;
	[tilespmem:s26+$0xFFFFFFD0] =	vst v11;
	v11 =	vmul.f32 $8.000000000e+00, v13  }
0x327: {  	s6 =	simm.s32 $0x16;
	v13 =	vor.u32 s16, v5;
	v10 =	vmul.f32 $8.000000000e+00, v10;
	v15 =	vld.idx.msk [tilespmem:v15+s15+$0x0], $0xffff;
	[tilespmem:s26+$0xD0] =	vst v9  }
0x328: {  	s10 =	simm.s32 $0x12;
	v9 =	vor.u32 s6, v0;
	[tilespmem:s28+$0xA0] =	vst v11;
	v8 =	vld.idx.msk [tilespmem:v8+s15+$0x0], $0xffff  }
0x329: {  	s11 =	simm.s32 $0x14;
	v11 =	vor.u32 s10, v0;
	[tilespmem:s28+$0xFFFFFFA0] =	vst v10;
	v10 =	vld.idx.msk [tilespmem:v18+s15+$0x0], $0xffff;
	v14 =	vmul.f32 $8.000000000e+00, v14  }
0x32a: {  	v16 =	vmul.f32 $8.000000000e+00, v16;
	v18 =	vor.u32 s11, v0;
	v20 =	vld.idx.msk [tilespmem:v20+s15+$0x0], $0xffff  }
0x32b: {  	v21 =	vor.u32 s30, v3;
	v19 =	vmul.f32 $8.000000000e+00, v19;
	v17 =	vld.idx.msk [tilespmem:v17+s15+$0x0], $0xffff;
	[tilespmem:s26+$0xFFFFFF40] =	vst v14  }
0x32c: {  	[tilespmem:s26+$0x40] =	vst v16;
	v12 =	vmul.f32 $8.000000000e+00, v12;
	v14 =	vor.u32 s9, v7;
	v13 =	vld.idx.msk [tilespmem:v13+s15+$0x0], $0xffff  }
0x32d: {  	v16 =	vor.u32 s29, v4;
	[tilespmem:s28+$0xFFFFFF20] =	vst v19;
	v15 =	vmul.f32 $8.000000000e+00, v15;
	v9 =	vld.idx.msk [tilespmem:v9+s15+$0x0], $0xffff  }
0x32e: {  	[tilespmem:s28+$0x20] =	vst v12;
	v12 =	vor.u32 s31, v4;
	v11 =	vld.idx.msk [tilespmem:v11+s15+$0x0], $0xffff;
	v8 =	vmul.f32 $8.000000000e+00, v8  }
0x32f: {  	v22 =	vor.u32 s2, v1;
	[tilespmem:s26+$0xFFFFFFE0] =	vst v15;
	v15 =	vld.idx.msk [tilespmem:v18+s15+$0x0], $0xffff;
	v10 =	vmul.f32 $8.000000000e+00, v10  }
0x330: {  	v18 =	vmul.f32 $8.000000000e+00, v20;
	v20 =	vld.idx.msk [tilespmem:v21+s15+$0x0], $0xffff;
	v21 =	vor.u32 s19, v5;
	[tilespmem:s26+$0xE0] =	vst v8  }
0x331: {  	v8 =	vmul.f32 $8.000000000e+00, v17;
	v17 =	vor.u32 s6, v1;
	[tilespmem:s28+$0xB0] =	vst v10;
	v10 =	vld.idx.msk [tilespmem:v14+s15+$0x0], $0xffff  }
0x332: {  	s9 =	simm.s32 $0x8500;
	v19 =	vor.u32 s1, v3;
	[tilespmem:s28+$0xFFFFFFB0] =	vst v18;
	v16 =	vld.idx.msk [tilespmem:v16+s15+$0x0], $0xffff;
	v9 =	vmul.f32 $8.000000000e+00, v9  }
0x333: {  	v14 =	vor.u32 s10, v1;
	[tilespmem:s9+$0xFFFFFF00] =	vst v8;
	v12 =	vld.idx.msk [tilespmem:v12+s15+$0x0], $0xffff;
	v13 =	vmul.f32 $8.000000000e+00, v13  }
0x334: {  	v8 =	vor.u32 s11, v1;
	v18 =	vld.idx.msk [tilespmem:v22+s15+$0x0], $0xffff;
	v11 =	vmul.f32 $8.000000000e+00, v11;
	[tilespmem:s9+$0x80] =	vst v9  }
0x335: {  	v15 =	vmul.f32 $8.000000000e+00, v15;
	v9 =	vor.u32 s16, v6;
	v21 =	vld.idx.msk [tilespmem:v21+s15+$0x0], $0xffff;
	[tilespmem:s26+$0xFFFFFF50] =	vst v13  }
0x336: {  	[tilespmem:s9+$0xFFFFFF80] =	vst v11;
	v11 =	vld.idx.msk [tilespmem:v17+s15+$0x0], $0xffff;
	v17 =	vor.u32 s30, v4  }
0x337: {  	v20 =	vmul.f32 $8.000000000e+00, v20;
	v13 =	vld.idx.msk [tilespmem:v19+s15+$0x0], $0xffff;
	[tilespmem:s9+$0x0] =	vst v15;
	v15 =	vor.u32 s31, v5  }
0x338: {  	v22 =	vor.u32 s2, v2;
	v14 =	vld.idx.msk [tilespmem:v14+s15+$0x0], $0xffff;
	v10 =	vmul.f32 $8.000000000e+00, v10  }
0x339: {  	v19 =	vor.u32 s19, v6;
	[tilespmem:s28+$0x30] =	vst v20;
	v8 =	vld.idx.msk [tilespmem:v8+s15+$0x0], $0xffff;
	v12 =	vmul.f32 $8.000000000e+00, v12  }
0x33a: {  	v20 =	vor.u32 s29, v5;
	v18 =	vmul.f32 $8.000000000e+00, v18;
	[tilespmem:s26+$0xFFFFFFF0] =	vst v10;
	v23 =	vld.idx.msk [tilespmem:v9+s15+$0x0], $0xffff  }
0x33b: {  	v10 =	vor.u32 s6, v2;
	[tilespmem:s28+$0xFFFFFFC0] =	vst v12;
	v12 =	vmul.f32 $8.000000000e+00, v21;
	v24 =	vld.idx.msk [tilespmem:v17+s15+$0x0], $0xffff  }
0x33c: {  	[tilespmem:s9+$0xFFFFFF10] =	vst v18;
	v18 =	vor.u32 s10, v2;
	v21 =	vld.idx.msk [tilespmem:v15+s15+$0x0], $0xffff;
	v15 =	vmul.f32 $8.000000000e+00, v16  }
0x33d: {  	v11 =	vmul.f32 $8.000000000e+00, v11;
	v9 =	vld.idx.msk [tilespmem:v22+s15+$0x0], $0xffff;
	v16 =	vor.u32 s11, v2;
	[tilespmem:s26+$0x50] =	vst v12  }
0x33e: {  	v14 =	vmul.f32 $8.000000000e+00, v14;
	v22 =	vor.u32 s1, v4;
	v25 =	vld.idx.msk [tilespmem:v19+s15+$0x0], $0xffff;
	[tilespmem:s28+$0xC0] =	vst v15  }
0x33f: {  	v8 =	vmul.f32 $8.000000000e+00, v8;
	[tilespmem:s9+$0x90] =	vst v11;
	v12 =	vld.idx.msk [tilespmem:v20+s15+$0x0], $0xffff;
	v20 =	vor.u32 s16, v7  }
0x340: {  	v11 =	vmul.f32 $8.000000000e+00, v13;
	[tilespmem:s9+$0xFFFFFF90] =	vst v14;
	v17 =	vld.idx.msk [tilespmem:v10+s15+$0x0], $0xffff;
	v14 =	vor.u32 s18, v7  }
0x341: {  	v13 =	vor.u32 s31, v6;
	[tilespmem:s9+$0x10] =	vst v8;
	v10 =	vmul.f32 $8.000000000e+00, v23;
	v18 =	vld.idx.msk [tilespmem:v18+s15+$0x0], $0xffff  }
0x342: {  	[tilespmem:s28+$0xFFFFFF30] =	vst v11;
	v11 =	vor.u32 s19, v7;
	v19 =	vld.idx.msk [tilespmem:v16+s15+$0x0], $0xffff;
	v16 =	vmul.f32 $8.000000000e+00, v24  }
0x343: {  	v15 =	vld.idx.msk [tilespmem:v22+s15+$0x0], $0xffff;
	v22 =	vmul.f32 $8.000000000e+00, v21;
	[tilespmem:s26+$0xFFFFFF60] =	vst v10;
	v10 =	vor.u32 s29, v6  }
0x344: {  	s18 =	simm.s32 $0x18;
	v8 =	vor.u32 s10, v3;
	s16 =	simm.s32 $0x8;
	v21 =	vor.u32 s6, v3;
	[tilespmem:s28+$0x40] =	vst v16;
	v16 =	vld.idx.msk [tilespmem:v20+s15+$0x0], $0xffff;
	v20 =	vmul.f32 $8.000000000e+00, v25  }
.LBB2_7:
0x345: {  	v23 =	vor.u32 s18, v0;
	s12 =	sadd.s32 $0x2, s18;
	s21 =	sadd.s32 $0x6, s18;
	s16 =	sadd.s32 $0x4, s16;
	v24 =	vor.u32 s1, v5;
	[tilespmem:s28+$0xFFFFFFD0] =	vst v22;
	v12 =	vmul.f32 $8.000000000e+00, v12;
	v14 =	vld.idx.msk [tilespmem:v14+s15+$0x0], $0xffff  }
0x346: {  	s19 =	sadd.s32 $0x4, s18;
	v17 =	vmul.f32 $8.000000000e+00, v17;
	v22 =	vor.u32 s12, v0;
	v25 =	vor.u32 s21, v0;
	p0 =	slt.u32 s16, $0x3C;
	v13 =	vld.idx.msk [tilespmem:v13+s15+$0x0], $0xffff;
	[tilespmem:s26+$0x60] =	vst v20  }
0x347: {  	v20 =	vor.u32 s12, v3;
	v26 =	vor.u32 s19, v0;
	v18 =	vmul.f32 $8.000000000e+00, v18;
	[tilespmem:s28+$0xD0] =	vst v12;
	v11 =	vld.idx.msk [tilespmem:v11+s15+$0x0], $0xffff  }
0x348: {  	v12 =	vmul.f32 $8.000000000e+00, v19;
	[tilespmem:s9+$0xA0] =	vst v17;
	v10 =	vld.idx.msk [tilespmem:v10+s15+$0x0], $0xffff  }
0x349: {  	v15 =	vmul.f32 $8.000000000e+00, v15;
	[tilespmem:s9+$0xFFFFFFA0] =	vst v18;
	v17 =	vld.idx.msk [tilespmem:v21+s15+$0x0], $0xffff  }
0x34a: {  	v18 =	vld.idx.msk [tilespmem:v8+s15+$0x0], $0xffff;
	[tilespmem:s9+$0x20] =	vst v12;
	v12 =	vmul.f32 $8.000000000e+00, v16;
	v8 =	vmov v20  }
0x34b: {  	v19 =	vor.u32 s11, v3;
	v14 =	vmul.f32 $8.000000000e+00, v14;
	v16 =	vld.idx.msk [tilespmem:v23+s15+$0x0], $0xffff;
	[tilespmem:s28+$0xFFFFFF40] =	vst v15  }
0x34c: {  	v20 =	vor.u32 s31, v7;
	s31 =	smov.u32 s10;
	s10 =	smov.u32 s12;
	v13 =	vmul.f32 $8.000000000e+00, v13;
	v15 =	vld.idx.msk [tilespmem:v24+s15+$0x0], $0xffff;
	[tilespmem:s26+$0xFFFFFF70] =	vst v12  }
0x34d: {  	v21 =	vor.u32 s6, v4;
	v11 =	vmul.f32 $8.000000000e+00, v11;
	v12 =	vld.idx.msk [tilespmem:v25+s15+$0x0], $0xffff;
	[tilespmem:s26+$0xF0] =	vst v14  }
0x34e: {  	v23 =	vor.u32 s31, v4;
	v14 =	vor.u32 s18, v1;
	v10 =	vmul.f32 $8.000000000e+00, v10;
	v22 =	vld.idx.msk [tilespmem:v22+s15+$0x0], $0xffff;
	[tilespmem:s28+$0xFFFFFFE0] =	vst v13  }
0x34f: {  	v17 =	vmul.f32 $8.000000000e+00, v17;
	v13 =	vld.idx.msk [tilespmem:v26+s15+$0x0], $0xffff;
	[tilespmem:s26+$0x70] =	vst v11;
	s26 =	smov.u32 s28;
	s28 =	smov.u32 s9  }
0x350: {  	v24 =	vor.u32 s30, v5;
	v11 =	vor.u32 s10, v1;
	v18 =	vmul.f32 $8.000000000e+00, v18;
	v19 =	vld.idx.msk [tilespmem:v19+s15+$0x0], $0xffff;
	[tilespmem:s26+$0xE0] =	vst v10  }
0x351: {  	s9 =	sadd.s32 $0x200, s9;
	v10 =	vmul.f32 $8.000000000e+00, v16;
	v16 =	vor.u32 s21, v1;
	[tilespmem:s28+$0xB0] =	vst v17;
	v17 =	vld.idx.msk [tilespmem:v20+s15+$0x0], $0xffff  }
0x352: {  	v9 =	vmul.f32 $8.000000000e+00, v9;
	[tilespmem:s28+$0xFFFFFFB0] =	vst v18;
	v18 =	vld.idx.msk [tilespmem:v21+s15+$0x0], $0xffff  }
0x353: {  	v12 =	vmul.f32 $8.000000000e+00, v12;
	[tilespmem:s9+$0xFFFFFF00] =	vst v10;
	v10 =	vor.u32 s19, v1;
	v20 =	vld.idx.msk [tilespmem:v23+s15+$0x0], $0xffff  }
0x354: {  	v21 =	vmul.f32 $8.000000000e+00, v22;
	v14 =	vld.idx.msk [tilespmem:v14+s15+$0x0], $0xffff;
	[tilespmem:s28+$0xFFFFFF20] =	vst v9;
	v9 =	vor.u32 s2, v3  }
0x355: {  	v13 =	vmul.f32 $8.000000000e+00, v13;
	[tilespmem:s9+$0x80] =	vst v12;
	v12 =	vor.u32 s1, v6;
	v22 =	vld.idx.msk [tilespmem:v24+s15+$0x0], $0xffff  }
0x356: {  	v15 =	vmul.f32 $8.000000000e+00, v15;
	[tilespmem:s9+$0xFFFFFF80] =	vst v21;
	v16 =	vld.idx.msk [tilespmem:v16+s15+$0x0], $0xffff;
	v21 =	vor.u32 s11, v4  }
0x357: {  	v19 =	vmul.f32 $8.000000000e+00, v19;
	v11 =	vld.idx.msk [tilespmem:v11+s15+$0x0], $0xffff;
	[tilespmem:s9+$0x0] =	vst v13;
	v13 =	vor.u32 s31, v5  }
0x358: {  	v23 =	vor.u32 s18, v2;
	v10 =	vld.idx.msk [tilespmem:v10+s15+$0x0], $0xffff;
	[tilespmem:s26+$0xFFFFFF50] =	vst v15;
	v15 =	vmul.f32 $8.000000000e+00, v17  }
0x359: {  	v17 =	vld.idx.msk [tilespmem:v9+s15+$0x0], $0xffff;
	v9 =	vmul.f32 $8.000000000e+00, v20;
	[tilespmem:s28+$0x30] =	vst v19;
	v19 =	vor.u32 s30, v6  }
0x35a: {  	v14 =	vmul.f32 $8.000000000e+00, v14;
	v20 =	vor.u32 s6, v5;
	v24 =	vld.idx.msk [tilespmem:v12+s15+$0x0], $0xffff;
	[tilespmem:s26+$0xFFFFFFF0] =	vst v15  }
0x35b: {  	v15 =	vor.u32 s21, v2;
	v12 =	vmul.f32 $8.000000000e+00, v22;
	[tilespmem:s28+$0xFFFFFFC0] =	vst v9;
	v21 =	vld.idx.msk [tilespmem:v21+s15+$0x0], $0xffff  }
0x35c: {  	v22 =	vor.u32 s10, v2;
	[tilespmem:s9+$0xFFFFFF10] =	vst v14;
	v14 =	vmul.f32 $8.000000000e+00, v16;
	v16 =	vld.idx.msk [tilespmem:v13+s15+$0x0], $0xffff;
	v13 =	vmul.f32 $8.000000000e+00, v18  }
0x35d: {  	v11 =	vmul.f32 $8.000000000e+00, v11;
	v9 =	vld.idx.msk [tilespmem:v23+s15+$0x0], $0xffff;
	v23 =	vor.u32 s19, v2;
	[tilespmem:s26+$0x50] =	vst v12  }
0x35e: {  	v25 =	vor.u32 s2, v4;
	v10 =	vmul.f32 $8.000000000e+00, v10;
	[tilespmem:s28+$0xC0] =	vst v13;
	v26 =	vld.idx.msk [tilespmem:v19+s15+$0x0], $0xffff  }
0x35f: {  	v27 =	vmul.f32 $8.000000000e+00, v17;
	[tilespmem:s9+$0x90] =	vst v14;
	v12 =	vld.idx.msk [tilespmem:v20+s15+$0x0], $0xffff;
	v20 =	vor.u32 s1, v7;
	s1 =	smov.u32 s2;
	s2 =	smov.u32 s18  }
.Ltmp14:
0x360: {  	v14 =	vor.u32 s29, v7;
	s29 =	smov.u32 s6;
	s6 =	smov.u32 s21;
	[tilespmem:s9+$0xFFFFFF90] =	vst v11;
	v17 =	vld.idx.msk [tilespmem:v15+s15+$0x0], $0xffff;
	(pc) =	sbr.rel @p0 .LBB2_7-.Ltmp14, $4  }
0x361: {  	v13 =	vor.u32 s31, v6;
	v24 =	vmul.f32 $8.000000000e+00, v24;
	v18 =	vld.idx.msk [tilespmem:v22+s15+$0x0], $0xffff;
	[tilespmem:s9+$0x10] =	vst v10  }
0x362: {  	v11 =	vor.u32 s30, v7;
	s30 =	smov.u32 s11;
	s11 =	smov.u32 s19;
	v19 =	vld.idx.msk [tilespmem:v23+s15+$0x0], $0xffff;
	[tilespmem:s28+$0xFFFFFF30] =	vst v27;
	v23 =	vmul.f32 $8.000000000e+00, v21  }
0x363: {  	v22 =	vmul.f32 $8.000000000e+00, v16;
	v10 =	vor.u32 s29, v6;
	v15 =	vld.idx.msk [tilespmem:v25+s15+$0x0], $0xffff;
	[tilespmem:s26+$0xFFFFFF60] =	vst v24  }
0x364: {  	s18 =	sadd.s32 $0x8, s18;
	v21 =	vor.u32 s6, v3;
	[tilespmem:s28+$0x40] =	vst v23;
	v16 =	vld.idx.msk [tilespmem:v20+s15+$0x0], $0xffff;
	v20 =	vmul.f32 $8.000000000e+00, v26  }
0x365: {  	_ = 	snop  }
0x366: {  	v23 =	vor.u32 s2, v3;
	v17 =	vmul.f32 $8.000000000e+00, v17  }
0x367: {  	v18 =	vmul.f32 $8.000000000e+00, v18  }
0x368: {  	v24 =	vor.u32 s11, v3;
	v9 =	vmul.f32 $8.000000000e+00, v9;
	[tilespmem:s9+$0xA0] =	vst v17  }
0x369: {  	[tilespmem:s9+$0xFFFFFFA0] =	vst v18;
	v17 =	vld.idx.msk [tilespmem:v21+s15+$0x0], $0xffff  }
0x36a: {  	v59 =	vmul.f32 $8.000000000e+00, v19;
	[tilespmem:s9+$0xFFFFFF20] =	vst v9;
	v8 =	vld.idx.msk [tilespmem:v8+s15+$0x0], $0xffff  }
0x36b: {  	v9 =	vld.idx.msk [tilespmem:v23+s15+$0x0], $0xffff  }
0x36c: {  	[tilespmem:s9+$0x20] =	vst v59  }
0x36d: {  	v63 =	vor.u32 s6, v4;
	v61 =	vld.idx.msk [tilespmem:v24+s15+$0x0], $0xffff  }
0x36e: {  	v62 =	vor.u32 s2, v4;
	v17 =	vmul.f32 $8.000000000e+00, v17  }
0x36f: {  	v60 =	vor.u32 s10, v4;
	v8 =	vmul.f32 $8.000000000e+00, v8  }
0x370: {  	v24 =	vor.u32 s11, v4;
	v9 =	vmul.f32 $8.000000000e+00, v9;
	[tilespmem:s9+$0xB0] =	vst v17  }
0x371: {  	[tilespmem:s9+$0xFFFFFFB0] =	vst v8  }
0x372: {  	v19 =	vmul.f32 $8.000000000e+00, v61;
	v8 =	vor.u32 s1, v5;
	v26 =	vld.idx.msk [tilespmem:v63+s15+$0x0], $0xffff;
	[tilespmem:s9+$0xFFFFFF30] =	vst v9  }
0x373: {  	[tilespmem:s28+$0xFFFFFFD0] =	vst v22;
	v9 =	vld.idx.msk [tilespmem:v62+s15+$0x0], $0xffff  }
0x374: {  	v25 =	vor.u32 s30, v5;
	v15 =	vmul.f32 $8.000000000e+00, v15;
	v18 =	vld.idx.msk [tilespmem:v60+s15+$0x0], $0xffff;
	[tilespmem:s9+$0x30] =	vst v19  }
0x375: {  	v12 =	vmul.f32 $8.000000000e+00, v12;
	v31 =	vor.u32 s6, v5;
	[tilespmem:s26+$0x60] =	vst v20;
	v28 =	vld.idx.msk [tilespmem:v24+s15+$0x0], $0xffff  }
0x376: {  	v14 =	vld.idx.msk [tilespmem:v14+s15+$0x0], $0xffff;
	v29 =	vor.u32 s2, v5;
	v16 =	vmul.f32 $8.000000000e+00, v16;
	[tilespmem:s28+$0xFFFFFF40] =	vst v15  }
0x377: {  	v27 =	vor.u32 s10, v5;
	[tilespmem:s28+$0xD0] =	vst v12;
	v8 =	vld.idx.msk [tilespmem:v8+s15+$0x0], $0xffff;
	v33 =	vmul.f32 $8.000000000e+00, v26  }
0x378: {  	v32 =	vor.u32 s11, v5;
	v13 =	vld.idx.msk [tilespmem:v13+s15+$0x0], $0xffff;
	[tilespmem:s26+$0xFFFFFF70] =	vst v16;
	v9 =	vmul.f32 $8.000000000e+00, v9  }
0x379: {  	v17 =	vld.idx.msk [tilespmem:v25+s15+$0x0], $0xffff;
	v30 =	vmul.f32 $8.000000000e+00, v18;
	[tilespmem:s9+$0xC0] =	vst v33  }
0x37a: {  	v34 =	vor.u32 s1, v6;
	v20 =	vmul.f32 $8.000000000e+00, v28;
	v38 =	vld.idx.msk [tilespmem:v31+s15+$0x0], $0xffff;
	[tilespmem:s9+$0xFFFFFF40] =	vst v9  }
0x37b: {  	v35 =	vmul.f32 $8.000000000e+00, v14;
	[tilespmem:s9+$0xFFFFFFC0] =	vst v30;
	v36 =	vld.idx.msk [tilespmem:v29+s15+$0x0], $0xffff  }
0x37c: {  	v37 =	vor.u32 s30, v6;
	v19 =	vld.idx.msk [tilespmem:v27+s15+$0x0], $0xffff;
	[tilespmem:s9+$0x40] =	vst v20;
	v8 =	vmul.f32 $8.000000000e+00, v8  }
0x37d: {  	v43 =	vor.u32 s6, v6;
	v13 =	vmul.f32 $8.000000000e+00, v13;
	[tilespmem:s26+$0xF0] =	vst v35;
	v16 =	vld.idx.msk [tilespmem:v32+s15+$0x0], $0xffff  }
0x37e: {  	v40 =	vor.u32 s2, v6;
	v11 =	vld.idx.msk [tilespmem:v11+s15+$0x0], $0xffff;
	[tilespmem:s28+$0xFFFFFF50] =	vst v8;
	v8 =	vmul.f32 $8.000000000e+00, v17  }
0x37f: {  	v39 =	vor.u32 s10, v6;
	[tilespmem:s28+$0xFFFFFFE0] =	vst v13;
	v41 =	vld.idx.msk [tilespmem:v34+s15+$0x0], $0xffff;
	v15 =	vmul.f32 $8.000000000e+00, v38  }
0x380: {  	v44 =	vor.u32 s11, v6;
	v10 =	vld.idx.msk [tilespmem:v10+s15+$0x0], $0xffff;
	[tilespmem:s28+$0x50] =	vst v8;
	v8 =	vmul.f32 $8.000000000e+00, v36  }
0x381: {  	v45 =	vor.u32 s31, v7;
	v42 =	vmul.f32 $8.000000000e+00, v19;
	v14 =	vld.idx.msk [tilespmem:v37+s15+$0x0], $0xffff;
	[tilespmem:s9+$0xD0] =	vst v15  }
0x382: {  	v46 =	vor.u32 s1, v7;
	v19 =	vld.idx.msk [tilespmem:v43+s15+$0x0], $0xffff;
	[tilespmem:s9+$0xFFFFFF50] =	vst v8;
	v8 =	vmul.f32 $8.000000000e+00, v16  }
0x383: {  	v47 =	vor.u32 s29, v7;
	v11 =	vmul.f32 $8.000000000e+00, v11;
	[tilespmem:s9+$0xFFFFFFD0] =	vst v42;
	v48 =	vld.idx.msk [tilespmem:v40+s15+$0x0], $0xffff  }
0x384: {  	v49 =	vor.u32 s30, v7;
	v9 =	vld.idx.msk [tilespmem:v39+s15+$0x0], $0xffff;
	v13 =	vmul.f32 $8.000000000e+00, v41;
	[tilespmem:s9+$0x50] =	vst v8  }
0x385: {  	v55 =	vor.u32 s6, v7;
	[tilespmem:s26+$0x70] =	vst v11;
	v8 =	vmul.f32 $8.000000000e+00, v10;
	v51 =	vld.idx.msk [tilespmem:v44+s15+$0x0], $0xffff  }
0x386: {  	v54 =	vor.u32 s2, v7;
	v52 =	vld.idx.msk [tilespmem:v45+s15+$0x0], $0xffff;
	[tilespmem:s28+$0xFFFFFF60] =	vst v13;
	v53 =	vmul.f32 $8.000000000e+00, v14  }
0x387: {  	v50 =	vor.u32 s10, v7;
	[tilespmem:s28+$0xE0] =	vst v8;
	v8 =	vld.idx.msk [tilespmem:v46+s15+$0x0], $0xffff;
	v58 =	vmul.f32 $8.000000000e+00, v19  }
0x388: {  	v57 =	vor.u32 s11, v7;
	v16 =	vld.idx.msk [tilespmem:v47+s15+$0x0], $0xffff;
	[tilespmem:s28+$0x60] =	vst v53;
	v56 =	vmul.f32 $8.000000000e+00, v48  }
0x389: {  	v9 =	vmul.f32 $8.000000000e+00, v9;
	v17 =	vld.idx.msk [tilespmem:v49+s15+$0x0], $0xffff;
	[tilespmem:s9+$0xE0] =	vst v58  }
0x38a: {  	v60 =	vld.idx.msk [tilespmem:v55+s15+$0x0], $0xffff;
	[tilespmem:s9+$0xFFFFFF60] =	vst v56;
	v11 =	vmul.f32 $8.000000000e+00, v51  }
0x38b: {  	v12 =	vmul.f32 $8.000000000e+00, v52;
	[tilespmem:s9+$0xFFFFFFE0] =	vst v9;
	v59 =	vld.idx.msk [tilespmem:v54+s15+$0x0], $0xffff  }
0x38c: {  	v10 =	vld.idx.msk [tilespmem:v50+s15+$0x0], $0xffff;
	v8 =	vmul.f32 $8.000000000e+00, v8;
	[tilespmem:s9+$0x60] =	vst v11  }
0x38d: {  	[tilespmem:s28+$0xFFFFFFF0] =	vst v12;
	v61 =	vmul.f32 $8.000000000e+00, v16;
	v62 =	vld.idx.msk [tilespmem:v57+s15+$0x0], $0xffff  }
0x38e: {  	[tilespmem:s28+$0xFFFFFF70] =	vst v8;
	v8 =	vmul.f32 $8.000000000e+00, v17  }
0x38f: {  	[tilespmem:s28+$0xF0] =	vst v61;
	v63 =	vmul.f32 $8.000000000e+00, v60  }
0x390: {  	[tilespmem:s28+$0x70] =	vst v8;
	v8 =	vmul.f32 $8.000000000e+00, v59  }
.Ltmp15:
0x391: {  	v10 =	vmul.f32 $8.000000000e+00, v10;
	[tilespmem:s9+$0xF0] =	vst v63;
	(pc) =	sbr.rel .LBB2_20-.Ltmp15, $4  }
0x392: {  	[tilespmem:s9+$0xFFFFFF70] =	vst v8;
	v8 =	vmul.f32 $8.000000000e+00, v62  }
0x393: {  	s30 =	sshll.u32 s25, $0xA;
	[tilespmem:s9+$0xFFFFFFF0] =	vst v10  }
0x394: {  	s31 =	simm.s32 $0x8000;
	s1 =	sadd.s32 s5, s30;
	[tilespmem:s9+$0x70] =	vst v8  }
0x395: {  	[hbm4b:s1+s3] =	stream.linear.scatter [tilespmem:s31], [sflag:$0x3], $0x2000, $0x38;
	[tilespmem:$0xF000] =	vst v63  }
.LBB2_22:
0x396: {  	_ =	sfence.sel $0x180000  }
0x397: {  	[bflag:$0x0] =	sbarrier.arrive $0xFFFF  }
0x398: {  	_ =	strace $0x90000047  }
0x399: {  	s0 =	stileid.u32;
	[bflag:$0x2] =	sbarrier.arrive $0xFFFF  }
0x39a: {  	p0 =	sne.s32 s0, $0x0;
	s0 =	rddreg [dreg:$0x2]  }
0x39b: {  	s0 =	sadd.s32 @!p0 $0x100000, s0  }
0x39c: {  	[sflag:s0] =	ssyncadd.tile.s32 @!p0 $0x1;
	_ =	shalt  }
.Lfunc_end2:
_tile_overlayer_lowered:
.L_overlay_start_2:
0x39d: {  	(tag) =	ssettag $0x2  }
0x39e: {  	s0 =	rddreg [dreg:$0x0];
	s2 =	stileid.u32  }
0x39f: {  	s1 =	rddreg [dreg:$0x1];
	p0 =	sne.s32 s2, $0x0  }
0x3a0: {  	s3 =	rddreg [dreg:$0x2];
	[bflag:$0x3] =	sbarrier.arrive $0xFFFF;
	s2 =	simm.s32 @!p0 $0x1C05  }
0x3a1: {  	[timem:s3], [sflag:s2] =	dma.local @!p0 [hbm:s0], s1  }
0x3a2: {  	s0 =	simm.s32 @!p0 $0x5  }
0x3a3: {  	_ =	swait.ge @!p0 [sflag:s0], s1  }
0x3a4: {  	s1 =	ssub.s32 @!p0 $0x0, s1;
	[sflag:s0] =	ssyncset.done @!p0 $0x0  }
0x3a5: {  	[sflag:s0] =	ssyncadd.s32 @!p0 s1  }
0x3a6: {  	[bflag:$0x3] =	sbarrier.arrive $0xFFFF  }
0x3a7: {  	_ =	shalt  }

// kernel: _run.7.cloned.1.call-start
scs
__scs_entry_jumppad:
0x0: {  	(pc) =	sbr.rel $0x88, $3  }
0x1: {  	(tag) =	ssettag $0x0;
	lr =	simm.s32 $0x1  }
0x2: {  	[smem:$0x3F9F] =	sst lr;
	_ =	strace $0xD0000000  }
0x3: {  	_ = 	snop  }
0x4: {  	_ = 	snop  }
0x5: {  	_ = 	snop  }
0x6: {  	_ = 	snop  }
0x7: {  	_ = 	snop  }
__scs_overlays_trampoline_lowered:
0x8: {  	[smem:$0x3FAE] =	sst s0  }
0x9: {  	[smem:$0x3FAF] =	sst s1  }
0xa: {  	[smem:$0x3FB0] =	sst s2  }
0xb: {  	[smem:$0x3FB1] =	sst s3  }
0xc: {  	[smem:$0x3FB2] =	sst s4  }
0xd: {  	[smem:$0x3FB3] =	sst s5  }
0xe: {  	[smem:$0x3FB4] =	sst s6  }
0xf: {  	[smem:$0x3FB5] =	sst s7  }
0x10: {  	[smem:$0x3FB6] =	sst s8  }
0x11: {  	[smem:$0x3FB7] =	sst s9;
	s0 =	simm.s32 @!p0 $0x0  }
0x12: {  	s1 =	sld [smem:$0x3F9D];
	s0 =	simm.s32 @p0 $0x1  }
0x13: {  	[smem:$0x3FB8] =	sst s0;
	s0 =	simm.s32 @!p1 $0x0  }
0x14: {  	s2 =	sld [smem:$0x3F9C];
	s0 =	simm.s32 @p1 $0x1  }
0x15: {  	[smem:$0x3FB9] =	sst s0;
	s0 =	simm.s32 @!p2 $0x0  }
0x16: {  	s3 =	sld [smem:$0x3FDB];
	s0 =	simm.s32 @p2 $0x1  }
0x17: {  	s4 =	simm.s32 $0x1BF5;
	[smem:$0x3FBB] =	sst s0  }
0x18: {  	s0 =	sld [smem:$0x3F9E];
	_ =	swait.ge [sflag:s4], $0x0  }
0x19: {  	s7 =	sld [smem:$0x3F9F]  }
0x1a: {  	s8 =	sadd.s32 $0xFFFFE003, lr  }
0x1b: {  	s9 =	sadd.s32 $0xFFFFFEF7, lr;
	s5 =	simm.s32 $0xFFFFFFFF;
	p2 =	slt.u32 s8, $0xFFFFF086  }
0x1c: {  	p1 =	slt.u32 s9, $0xF7A;
	s5 =	simm.s32 @!p2 $0x0  }
0x1d: {  	s5 =	simm.s32 @p1 $0x1;
	p0 =	seq.s32 s7, s2  }
0x1e: {  	s7 =	smul.u32 @!p0 $0xF7A, s2;
	p2 =	seq.s32 @!p0 s5, $0x0  }
0x1f: {  	s9 =	smul.u32 $0xF7A, s1;
	s8 =	simm.s32 @!p0 $0x1BF5;
	p2 =	por !p2, p0  }
0x20: {  	[sflag:s8] =	ssyncset.s32 @!p0 $0xFFFFF086;
	s6 =	sadd.s32 @!p0 s3, s7;
	s7 =	simm.s32 @!p0 $0x108  }
0x21: {  	s3 =	sadd.s32 s3, s9;
	s6 =	sadd.s32 @!p0 $0x88, s6;
	s7 =	simm.s32 @p2 $0x1082  }
0x22: {  	[simem:s7], [sflag:s8] =	dma.local @!p0 [hbm:s6], $0xF7A  }
0x23: {  	s9 =	sor.u32 $0xD0000000, s2;
	s6 =	simm.s32 $0x108;
	_ =	swait.ge @!p0 [sflag:s8], $0x0  }
0x24: {  	s3 =	sadd.s32 $0x88, s3;
	s6 =	simm.s32 @!p1 $0x1082;
	[sflag:s4] =	ssyncset.s32 $0xFFFFF086  }
0x25: {  	[simem:s6], [sflag:s4] =	dma.local [hbm:s3], $0xF7A  }
0x26: {  	[smem:$0x3F9F] =	sst s1;
	(tag) =	ssettag s2;
	_ =	strace s9  }
0x27: {  	s1 =	sld [smem:$0x3FAF]  }
0x28: {  	s2 =	sld [smem:$0x3FB0]  }
0x29: {  	s4 =	sld [smem:$0x3FB2]  }
0x2a: {  	p0 =	seq.s32 s5, $0x0;
	s5 =	sld [smem:$0x3FB3]  }
0x2b: {  	s6 =	sld [smem:$0x3FB4]  }
0x2c: {  	s7 =	sld [smem:$0x3FB5]  }
0x2d: {  	s3 =	simm.s32 $0x108;
	s8 =	sld [smem:$0x3FB6]  }
0x2e: {  	s3 =	simm.s32 @!p0 $0x1082;
	s9 =	sld [smem:$0x3FB7]  }
0x2f: {  	lr =	sadd.s32 s0, s3;
	s0 =	sld [smem:$0x3FAE]  }
0x30: {  	s3 =	sld [smem:$0x3FB1]  }
0x31: {  	[smem:$0x3FBA] =	sst s10  }
0x32: {  	s10 =	sld [smem:$0x3FB8];
	_ =	sdelay $0x3  }
0x33: {  	p0 =	seq.s32 s10, $0x1;
	s10 =	sld [smem:$0x3FBA];
	_ =	sdelay $0x3  }
0x34: {  	[smem:$0x3FBA] =	sst s10  }
0x35: {  	s10 =	sld [smem:$0x3FB9];
	_ =	sdelay $0x3  }
0x36: {  	p1 =	seq.s32 s10, $0x1;
	s10 =	sld [smem:$0x3FBA];
	_ =	sdelay $0x3  }
0x37: {  	[smem:$0x3FBA] =	sst s10  }
0x38: {  	s10 =	sld [smem:$0x3FBB]  }
0x39: {  	_ = 	snop;
	(pc) =	sbr.ind lr, $3  }
0x3a: {  	_ = 	snop  }
0x3b: {  	_ = 	snop  }
0x3c: {  	p2 =	seq.s32 s10, $0x1;
	s10 =	sld [smem:$0x3FBA]  }
0x3d: {  	_ =	shalt  }
0x3e: {  	_ =	shalt  }
0x3f: {  	_ =	shalt  }
0x40: {  	_ =	shalt  }
0x41: {  	_ =	shalt  }
0x42: {  	_ =	shalt  }
0x43: {  	_ =	shalt  }
0x44: {  	_ =	shalt  }
0x45: {  	_ =	shalt  }
0x46: {  	_ =	shalt  }
0x47: {  	_ =	shalt  }
0x48: {  	_ =	shalt  }
0x49: {  	_ =	shalt  }
0x4a: {  	_ =	shalt  }
0x4b: {  	_ =	shalt  }
0x4c: {  	_ =	shalt  }
0x4d: {  	_ =	shalt  }
0x4e: {  	_ =	shalt  }
0x4f: {  	_ =	shalt  }
0x50: {  	_ =	shalt  }
0x51: {  	_ =	shalt  }
0x52: {  	_ =	shalt  }
0x53: {  	_ =	shalt  }
0x54: {  	_ =	shalt  }
0x55: {  	_ =	shalt  }
0x56: {  	_ =	shalt  }
0x57: {  	_ =	shalt  }
0x58: {  	_ =	shalt  }
0x59: {  	_ =	shalt  }
0x5a: {  	_ =	shalt  }
0x5b: {  	_ =	shalt  }
0x5c: {  	_ =	shalt  }
0x5d: {  	_ =	shalt  }
0x5e: {  	_ =	shalt  }
0x5f: {  	_ =	shalt  }
0x60: {  	_ =	shalt  }
0x61: {  	_ =	shalt  }
0x62: {  	_ =	shalt  }
0x63: {  	_ =	shalt  }
0x64: {  	_ =	shalt  }
0x65: {  	_ =	shalt  }
0x66: {  	_ =	shalt  }
0x67: {  	_ =	shalt  }
0x68: {  	_ =	shalt  }
0x69: {  	_ =	shalt  }
0x6a: {  	_ =	shalt  }
0x6b: {  	_ =	shalt  }
0x6c: {  	_ =	shalt  }
0x6d: {  	_ =	shalt  }
0x6e: {  	_ =	shalt  }
0x6f: {  	_ =	shalt  }
0x70: {  	_ =	shalt  }
0x71: {  	_ =	shalt  }
0x72: {  	_ =	shalt  }
0x73: {  	_ =	shalt  }
0x74: {  	_ =	shalt  }
0x75: {  	_ =	shalt  }
0x76: {  	_ =	shalt  }
0x77: {  	_ =	shalt  }
0x78: {  	_ =	shalt  }
0x79: {  	_ =	shalt  }
0x7a: {  	_ =	shalt  }
0x7b: {  	_ =	shalt  }
0x7c: {  	_ =	shalt  }
0x7d: {  	_ =	shalt  }
0x7e: {  	_ =	shalt  }
0x7f: {  	_ =	shalt  }
0x80: {  	_ =	shalt  }
0x81: {  	_ =	shalt  }
0x82: {  	_ =	shalt  }
0x83: {  	_ =	shalt  }
0x84: {  	_ =	shalt  }
0x85: {  	_ =	shalt  }
0x86: {  	_ =	shalt  }
0x87: {  	_ =	shalt  }
.Lfunc_end0:
.L_simem_size_0:
called_computation.1_lowered:
.L_overlay_start_0:
0x88: {  	s2 =	sld [smem:$0x3FD9]  }
0x89: {  	s3 =	sld [smem:$0x3FFE];
	_ =	sdelay $0x1  }
0x8a: {  	s1 =	srdreg.scid  }
0x8b: {  	s0 =	sand.u32 $0x1, s1  }
0x8c: {  	s17 =	sshll.u32 s0, $0xA;
	s2 =	sadd.s32 s3, s2  }
0x8d: {  	s2 =	sadd.s32 s2, s17  }
0x8e: {  	[smem:$0x3FC6] =	sst s2  }
0x8f: {  	_ = 	snop  }
0x90: {  	s2 =	sld [smem:$0x3FD0];
	(tm) =	ssettm $0x1  }
0x91: {  	s18 =	sld [smem:$0x3FFB];
	_ =	sdelay $0x3  }
0x92: {  	_ =	strace s18  }
0x93: {  	s3 =	sld [smem:$0x3FFC];
	_ =	sdelay $0x3  }
0x94: {  	_ =	strace s3  }
0x95: {  	s3 =	sld [smem:$0x3FFD];
	_ =	sdelay $0x3  }
0x96: {  	_ =	strace s3  }
0x97: {  	_ =	strace $0x8FFFFFFF  }
0x98: {  	s19 =	sld [smem:$0x3FDB];
	_ =	sdelay $0x1  }
0x99: {  	s4 =	simm.s32 $_scs_section_size  }
0x9a: {  	s5 =	simm.s32 $_size__tile_overlayer_lowered;
	s6 =	simm.s32 $_tile_overlayer_lowered  }
0x9b: {  	s22 =	simm.s32 $0x1BFF;
	s21 =	sshll.u32 s6, $0x1;
	s3 =	sadd.s32 s4, s19  }
0x9c: {  	s7 =	simm.s32 $0x0;
	s20 =	sshll.u32 s5, $0x1;
	s5 =	sadd.s32 s21, s3  }
0x9d: {  	[timem:s7], [sflag:s22] =	dma.local [hbm:s5], s20  }
0x9e: {  	_ =	swait.ge [sflag:s22], s20  }
0x9f: {  	s4 =	ssub.s32 $0x0, s20;
	[sflag:s22] =	ssyncset.done $0x0  }
0xa0: {  	[sflag:s22] =	ssyncadd.s32 s4;
	_ =	sdelay $0x1  }
0xa1: {  	s23 =	simm.s32 $0x1B8B  }
0xa2: {  	_ =	swait.ge [sflag:s23], $0x1  }
0xa3: {  	[sflag:s23] =	ssyncset.done $0x0  }
0xa4: {  	s25 =	simm.s32 $0x1B8E;
	s24 =	sld [smem:$0x3FFE];
	[sflag:s23] =	ssyncadd.s32 $0xFFFFFFFF  }
0xa5: {  	s26 =	simm.s32 $execute0_lowered;
	[smem:$0x3FD2] =	sst s25  }
0xa6: {  	s5 =	sshll.u32 s26, $0x1;
	_ =	strace $0x80000049;
	[dreg:$0x1] =	wrdreg $0xFFFFFFFF  }
0xa7: {  	s28 =	simm.s32 $_size_execute0_lowered;
	s3 =	sadd.s32 s3, s5;
	[dreg:$0x0] =	wrdreg $0x0  }
0xa8: {  	s5 =	sshll.u32 s28, $0x1;
	[dreg:$0x2] =	wrdreg s3  }
0xa9: {  	[dreg:$0x3] =	wrdreg s5  }
0xaa: {  	[dreg:$0x4] =	wrdreg $0xC0  }
0xab: {  	_ =	task [dreg:s7], $0x5FFFF  }
0xac: {  	[dreg:$0x1] =	wrdreg $0xFFFFFFFF  }
0xad: {  	[dreg:$0x0] =	wrdreg $0x60  }
0xae: {  	[dreg:$0x2] =	wrdreg s24  }
0xaf: {  	[dreg:$0x3] =	wrdreg s2  }
0xb0: {  	[dreg:$0x4] =	wrdreg $0x9  }
0xb1: {  	_ =	task.clear_ibuf [dreg:s7], $0x5FFFF;
	_ =	strace $0x90000049  }
0xb2: {  	s29 =	simm.s32 $0x9;
	_ =	strace $0x8000004B  }
0xb3: {  	_ =	swait.ge [sflag:s29], $0x1  }
0xb4: {  	[sflag:s29] =	ssyncadd.s32 $0xFFFFFFFF  }
0xb5: {  	_ =	strace $0x9000004B  }
0xb6: {  	_ =	sfence  }
0xb7: {  	s30 =	sld [smem:$0x0];
	_ =	sdelay $0x2  }
0xb8: {  	s31 =	sshll.u32 s1, $0xD;
	s1 =	sshrl.u32 s1, $0x2  }
0xb9: {  	s3 =	sand.u32 $0x4000, s31;
	s1 =	sadd.s32 s1, s30  }
0xba: {  	s0 =	sor.u32 s3, s0;
	s1 =	sshll.u32 s1, $0x11  }
0xbb: {  	s0 =	sor.u32 s1, s0  }
0xbc: {  	s0 =	sadd.s32 $0x8F2B, s0  }
0xbd: {  	[sflag:s0] =	ssyncadd.remote.s32 $0x1  }
0xbe: {  	_ =	sfence.sel $0xFFFF  }
0xbf: {  	[dreg:$0x0] =	wrdreg $0xFFFFFFFF;
	(pc) =	sbr.abs _section_cstart, $3  }
0xc0: {  	[dreg:$0x1] =	wrdreg $0xFFFFFFFF  }
0xc1: {  	_ =	task.clear_ibuf [dreg:s7], $0x2FFFF;
	_ =	strace $0x9FFFFFFF  }
0xc2: {  	(tm) =	ssettm $0x7FFFFFFF  }
0xc3: {  	_ =	shalt  }
tec
execute0_lowered:
.L_overlay_start_1:
0x0: {  	(tag) =	ssettag $0x1  }
0x1: {  	s0 =	srdreg.scid;
	s2 =	rddreg [dreg:$0x0]  }
0x2: {  	s1 =	stileid.u32;
	s8 =	rddreg [dreg:$0x1]  }
0x3: {  	s3 =	simm.s32 $0x0;
	s21 =	simm.s32 $0x4;
	s22 =	simm.s32 $0x6  }
0x4: {  	s23 =	simm.s32 $0x8200;
	s20 =	simm.s32 $0x2;
	s16 =	simm.s32 $0x3  }
0x5: {  	s0 =	sand.u32 $0x1, s0;
	s1 =	sshll.u32 s1, $0x1;
	[smem:$0x7FF] =	sst s3  }
0x6: {  	s29 =	sadd.s32 $0x7A1C00, s2;
	s9 =	sadd.s32 $0x1000, s8;
	s10 =	sadd.s32 $0x2000, s8  }
0x7: {  	s11 =	sadd.s32 $0x3000, s8;
	s12 =	sadd.s32 $0x4000, s8;
	s13 =	sadd.s32 $0x5000, s8  }
0x8: {  	s14 =	sadd.s32 $0x6000, s8;
	s31 =	sadd.s32 $0x7A1C40, s2;
	s1 =	sor.u32 s0, s1  }
0x9: {  	v0 =	vlaneseq.u32;
	s15 =	sadd.s32 $0x7000, s8;
	_ =	strace $0x8000004A;
	s4 =	smul.u32 $0x6400, s1  }
0xa: {  	v0 =	vmul.u32 $0x48, v0;
	s0 =	ssub.s32 $0x2, s0;
	[dreg:$0x3] =	wrdreg s29;
	s5 =	sshll.u32 s1, $0xA  }
0xb: {  	s7 =	sshrl.u32 s0, $0x1;
	s5 =	sand.u32 $0xC00, s5;
	s4 =	sand.u32 $0xFF000, s4  }
.Ltmp0:
0xc: {  	v1 =	vadd.s32 $0x480, v0;
	v2 =	vadd.s32 $0x900, v0;
	v3 =	vadd.s32 $0xD80, v0;
	s0 =	ssub.s32 s0, s7;
	s5 =	sor.u32 s5, s4;
	(pc) =	sbr.rel .LBB2_1-.Ltmp0, $4  }
0xd: {  	[dreg:$0x7] =	wrdreg s31;
	v4 =	vadd.s32 $0x1200, v0;
	v5 =	vadd.s32 $0x1680, v0;
	v6 =	vadd.s32 $0x1B00, v0;
	s0 =	smax.u32 s0, $0x1;
	s6 =	sshrl.u32 s5, $0x3  }
0xe: {  	v7 =	vadd.s32 $0x1F80, v0;
	v8 =	vadd.s32 $0x2400, v0;
	v9 =	vadd.s32 $0x2880, v0;
	s7 =	smul.u32 $0x64, s1;
	[dreg:$0x6] =	wrdreg s0;
	s4 =	sadd.s32 s29, s6  }
0xf: {  	v10 =	vadd.s32 $0x2D00, v0;
	v11 =	vadd.s32 $0x3180, v0;
	v12 =	vadd.s32 $0x3600, v0;
	s0 =	simm.s32 $0x5;
	[dreg:$0x4] =	wrdreg s4;
	s30 =	sadd.s32 $0x20, s4  }
0x10: {  	v13 =	vadd.s32 $0x3A80, v0;
	v14 =	vadd.s32 $0x3F00, v0;
	v15 =	vadd.s32 $0x4380, v0;
	s5 =	sadd.s32 $0xA00, s2;
	s2 =	simm.s32 $0x0;
	[dreg:$0x5] =	wrdreg s30  }
.LBB2_14:
0x11: {  	_ =	swait.ge [sflag:s0], $0x800  }
0x12: {  	[sflag:s0] =	ssyncset.done $0x0  }
0x13: {  	[sflag:s0] =	ssyncadd.s32 $0xFFFFF800  }
0x14: {  	_ =	swait.ge [sflag:s0], $0x800  }
0x15: {  	[sflag:s0] =	ssyncset.done $0x0  }
0x16: {  	[sflag:s0] =	ssyncadd.s32 $0xFFFFF800  }
0x17: {  	_ =	swait.ge [sflag:s0], $0x800  }
0x18: {  	[sflag:s0] =	ssyncset.done $0x0  }
0x19: {  	[sflag:s0] =	ssyncadd.s32 $0xFFFFF800  }
0x1a: {  	_ =	swait.ge [sflag:s0], $0x800  }
0x1b: {  	[sflag:s0] =	ssyncset.done $0x0  }
0x1c: {  	[sflag:s0] =	ssyncadd.s32 $0xFFFFF800  }
0x1d: {  	_ =	swait.ge [sflag:s0], $0x800  }
0x1e: {  	[sflag:s0] =	ssyncset.done $0x0  }
0x1f: {  	[sflag:s0] =	ssyncadd.s32 $0xFFFFF800  }
0x20: {  	_ =	swait.ge [sflag:s0], $0x800  }
0x21: {  	[sflag:s0] =	ssyncset.done $0x0  }
0x22: {  	[sflag:s0] =	ssyncadd.s32 $0xFFFFF800  }
0x23: {  	_ =	swait.ge [sflag:s0], $0x800  }
0x24: {  	[sflag:s0] =	ssyncset.done $0x0  }
0x25: {  	[sflag:s0] =	ssyncadd.s32 $0xFFFFF800  }
0x26: {  	_ =	swait.ge [sflag:s0], $0x800  }
0x27: {  	[sflag:s0] =	ssyncset.done $0x0  }
0x28: {  	[sflag:s0] =	ssyncadd.s32 $0xFFFFF800  }
0x29: {  	_ =	swait.ge [sflag:s22], $0x800  }
0x2a: {  	[sflag:s22] =	ssyncset.done $0x0  }
0x2b: {  	[sflag:s22] =	ssyncadd.s32 $0xFFFFF800  }
0x2c: {  	_ =	swait.ge [sflag:s22], $0x800  }
0x2d: {  	[sflag:s22] =	ssyncset.done $0x0  }
0x2e: {  	[sflag:s22] =	ssyncadd.s32 $0xFFFFF800  }
0x2f: {  	_ =	swait.ge [sflag:s22], $0x800  }
0x30: {  	[sflag:s22] =	ssyncset.done $0x0  }
0x31: {  	[sflag:s22] =	ssyncadd.s32 $0xFFFFF800  }
0x32: {  	_ =	swait.ge [sflag:s22], $0x800  }
0x33: {  	[sflag:s22] =	ssyncset.done $0x0  }
0x34: {  	[sflag:s22] =	ssyncadd.s32 $0xFFFFF800  }
0x35: {  	_ =	swait.ge [sflag:s22], $0x800  }
0x36: {  	[sflag:s22] =	ssyncset.done $0x0  }
0x37: {  	[sflag:s22] =	ssyncadd.s32 $0xFFFFF800  }
0x38: {  	_ =	swait.ge [sflag:s22], $0x800  }
0x39: {  	[sflag:s22] =	ssyncset.done $0x0  }
0x3a: {  	[sflag:s22] =	ssyncadd.s32 $0xFFFFF800  }
0x3b: {  	_ =	swait.ge [sflag:s22], $0x800  }
0x3c: {  	[sflag:s22] =	ssyncset.done $0x0  }
0x3d: {  	[sflag:s22] =	ssyncadd.s32 $0xFFFFF800  }
0x3e: {  	_ =	swait.ge [sflag:s22], $0x800  }
0x3f: {  	s2 =	rddreg [dreg:$0x8]  }
0x40: {  	s1 =	rddreg [dreg:$0x6];
	s2 =	sadd.s32 $0x1, s2  }
0x41: {  	p0 =	sne.s32 s2, s1  }
.Ltmp1:
0x42: {  	_ = 	snop;
	(pc) =	sbr.rel @!p0 .LBB2_15-.Ltmp1, $3  }
0x43: {  	_ =	sdelay $0x1  }
0x44: {  	[sflag:s22] =	ssyncset.done $0x0  }
0x45: {  	[sflag:s22] =	ssyncadd.s32 $0xFFFFF800  }
.LBB2_1:
0x46: {  	[dreg:$0x8] =	wrdreg s2  }
0x47: {  	s1 =	rddreg [dreg:$0x4];
	s26 =	simm.s32 $0x7  }
0x48: {  	[tilespmem:s3], [sflag:$0x7] =	stream.linear.gather [hbm4b:s1+s3], $0x100, $0x38;
	[tilespmem:$0x14A00] =	vst v63  }
0x49: {  	_ =	swait.ge [sflag:s26], $0x100  }
.Ltmp2:
0x4a: {  	[sflag:s26] =	ssyncset.done $0x0;
	(pc) =	sbr.rel .LBB2_2-.Ltmp2, $4  }
0x4b: {  	s28 =	simm.s32 $0x100;
	s29 =	simm.s32 $0x200;
	[sflag:s26] =	ssyncadd.s32 $0xFFFFFF00  }
0x4c: {  	[tilespmem:s29], [sflag:$0x3] =	stream.indirect.gather [hbm4b:s5+s28], $0x40, s3, s28, $0xb8;
	[tilespmem:$0x14A00] =	vst v63  }
0x4d: {  	s31 =	simm.s32 $0x0;
	s30 =	rddreg [dreg:$0x5]  }
0x4e: {  	[tilespmem:s28], [sflag:$0x2] =	stream.linear.gather [hbm4b:s30+s3], $0x100, $0x38;
	[tilespmem:$0x14A00] =	vst v63  }
.LBB2_7:
0x4f: {  	v24 =	vmov s2  }
0x50: {  	v24 =	vand.u32 $0x3F, v24  }
0x51: {  	v37 =	vadd.s32 v0, v24;
	_ =	sdelay $0x3  }
0x52: {  	s4 =	sadd.s32 $0x200, s30  }
0x53: {  	v39 =	vadd.s32 v1, v23;
	s2 =	sand.u32 $0x3800, s4;
	s4 =	sadd.s32 $0x100, s19;
	v37 =	vld.idx.msk [tilespmem:v37+s23+$0x0], $0xffff  }
0x54: {  	v38 =	vadd.s32 v1, v24;
	s17 =	sadd.s32 $0xFFFFFF80, s4  }
0x55: {  	s2 =	sadd.s32 $0xCA00, s2;
	s17 =	sand.u32 $0x300, s17  }
0x56: {  	s4 =	sand.u32 $0x380, s4;
	s17 =	sadd.s32 s17, s2  }
0x57: {  	s29 =	sadd.s32 s4, s2;
	[tilespmem:s17+$0x0] =	vst v25  }
0x58: {  	v49 =	vld.idx.msk [tilespmem:v39+s23+$0x0], $0xffff;
	[tilespmem:s29+$0x0] =	vst v37  }
0x59: {  	v51 =	vadd.s32 v2, v23;
	v48 =	vld.idx.msk [tilespmem:v38+s23+$0x0], $0xffff  }
0x5a: {  	v50 =	vadd.s32 v2, v24;
	_ =	sdelay $0x2  }
0x5b: {  	[tilespmem:s17+$0x10] =	vst v49  }
0x5c: {  	v52 =	vld.idx.msk [tilespmem:v51+s23+$0x0], $0xffff;
	[tilespmem:s29+$0x10] =	vst v48  }
0x5d: {  	v54 =	vadd.s32 v3, v23;
	v25 =	vld.idx.msk [tilespmem:v50+s23+$0x0], $0xffff  }
0x5e: {  	v53 =	vadd.s32 v3, v24  }
0x5f: {  	[tilespmem:s26+$0x460] =	vst v36  }
0x60: {  	[tilespmem:s24+$0x430] =	vst v32  }
0x61: {  	[tilespmem:s17+$0x20] =	vst v52  }
0x62: {  	v55 =	vld.idx.msk [tilespmem:v54+s23+$0x0], $0xffff;
	[tilespmem:s29+$0x20] =	vst v25  }
0x63: {  	v57 =	vadd.s32 v4, v23;
	[tilespmem:s25+$0x30] =	vst v30;
	v25 =	vld.idx.msk [tilespmem:v53+s23+$0x0], $0xffff  }
0x64: {  	[tilespmem:s28+$0x30] =	vst v31;
	v27 =	vld.idx.msk [tilespmem:v27+s23+$0x0], $0xffff;
	v56 =	vadd.s32 v4, v24  }
0x65: {  	v22 =	vadd.s32 v15, v22;
	[tilespmem:s18+$0x440] =	vst v28;
	v30 =	vld.idx.msk [tilespmem:v33+s23+$0x0], $0xffff  }
0x66: {  	v60 =	vadd.s32 v5, v21;
	[tilespmem:s8+$0x400] =	vst v26;
	v34 =	vld.idx.msk [tilespmem:v34+s23+$0x0], $0xffff  }
0x67: {  	v58 =	vadd.s32 v13, v19;
	v59 =	vld.idx.msk [tilespmem:v35+s23+$0x0], $0xffff;
	[tilespmem:s17+$0x30] =	vst v55  }
0x68: {  	v61 =	vadd.s32 v5, v18;
	v63 =	vld.idx.msk [tilespmem:v57+s23+$0x0], $0xffff;
	[tilespmem:s29+$0x30] =	vst v25  }
0x69: {  	v41 =	vadd.s32 v5, v23;
	[tilespmem:s6+$0x400] =	vst v27;
	v62 =	vld.idx.msk [tilespmem:v56+s23+$0x0], $0xffff  }
0x6a: {  	v40 =	vadd.s32 v5, v24;
	v22 =	vld.idx.msk [tilespmem:v22+s23+$0x0], $0xffff;
	[tilespmem:s25+$0x40] =	vst v30  }
0x6b: {  	[tilespmem:s24+$0x440] =	vst v34;
	v44 =	vld.idx.msk [tilespmem:v60+s23+$0x0], $0xffff  }
0x6c: {  	v46 =	vadd.s32 v6, v21;
	[tilespmem:s28+$0x40] =	vst v59;
	v43 =	vld.idx.msk [tilespmem:v58+s23+$0x0], $0xffff  }
0x6d: {  	v45 =	vadd.s32 v14, v19;
	[tilespmem:s17+$0x40] =	vst v63;
	v25 =	vld.idx.msk [tilespmem:v61+s23+$0x0], $0xffff  }
0x6e: {  	v47 =	vadd.s32 v6, v18;
	v49 =	vld.idx.msk [tilespmem:v41+s23+$0x0], $0xffff;
	[tilespmem:s29+$0x40] =	vst v62  }
0x6f: {  	[tilespmem:s26+$0x470] =	vst v22;
	v52 =	vadd.s32 v6, v23;
	v48 =	vld.idx.msk [tilespmem:v40+s23+$0x0], $0xffff  }
0x70: {  	v29 =	vld.idx.msk [tilespmem:v29+s23+$0x0], $0xffff;
	[tilespmem:s25+$0x50] =	vst v44;
	v50 =	vadd.s32 v6, v24  }
0x71: {  	v42 =	vadd.s32 v14, v20;
	[tilespmem:s24+$0x450] =	vst v43;
	v55 =	vld.idx.msk [tilespmem:v46+s23+$0x0], $0xffff  }
0x72: {  	v54 =	vld.idx.msk [tilespmem:v45+s23+$0x0], $0xffff;
	v57 =	vadd.s32 v7, v21;
	[tilespmem:s28+$0x50] =	vst v25  }
0x73: {  	v56 =	vadd.s32 v15, v19;
	[tilespmem:s17+$0x50] =	vst v49;
	v22 =	vld.idx.msk [tilespmem:v47+s23+$0x0], $0xffff  }
0x74: {  	v58 =	vadd.s32 v7, v18;
	v30 =	vld.idx.msk [tilespmem:v52+s23+$0x0], $0xffff;
	[tilespmem:s29+$0x50] =	vst v48  }
0x75: {  	[tilespmem:s18+$0x450] =	vst v29;
	v61 =	vadd.s32 v7, v23;
	v59 =	vld.idx.msk [tilespmem:v50+s23+$0x0], $0xffff  }
0x76: {  	v60 =	vadd.s32 v7, v24;
	v51 =	vld.idx.msk [tilespmem:v42+s23+$0x0], $0xffff;
	[tilespmem:s25+$0x60] =	vst v55  }
0x77: {  	[tilespmem:s24+$0x460] =	vst v54;
	v53 =	vadd.s32 v15, v20;
	v62 =	vld.idx.msk [tilespmem:v57+s23+$0x0], $0xffff  }
0x78: {  	v36 =	vadd.s32 v8, v21;
	v19 =	vld.idx.msk [tilespmem:v56+s23+$0x0], $0xffff;
	[tilespmem:s28+$0x60] =	vst v22  }
0x79: {  	v42 =	vadd.s32 v9, v17;
	[tilespmem:s17+$0x60] =	vst v30;
	v63 =	vld.idx.msk [tilespmem:v58+s23+$0x0], $0xffff  }
0x7a: {  	v37 =	vadd.s32 v8, v18;
	v39 =	vld.idx.msk [tilespmem:v61+s23+$0x0], $0xffff;
	[tilespmem:s29+$0x60] =	vst v59  }
0x7b: {  	[tilespmem:s18+$0x460] =	vst v51;
	v41 =	vadd.s32 v8, v23;
	v38 =	vld.idx.msk [tilespmem:v60+s23+$0x0], $0xffff  }
0x7c: {  	v20 =	vld.idx.msk [tilespmem:v53+s23+$0x0], $0xffff;
	v40 =	vadd.s32 v8, v24;
	[tilespmem:s25+$0x70] =	vst v62  }
0x7d: {  	v43 =	vadd.s32 v9, v16;
	[tilespmem:s24+$0x470] =	vst v19;
	v44 =	vld.idx.msk [tilespmem:v36+s23+$0x0], $0xffff  }
0x7e: {  	v46 =	vadd.s32 v9, v21;
	v50 =	vld.idx.msk [tilespmem:v42+s23+$0x0], $0xffff;
	[tilespmem:s28+$0x70] =	vst v63  }
0x7f: {  	v52 =	vadd.s32 v10, v17;
	[tilespmem:s17+$0x70] =	vst v39;
	v45 =	vld.idx.msk [tilespmem:v37+s23+$0x0], $0xffff  }
0x80: {  	v47 =	vadd.s32 v9, v18;
	v19 =	vld.idx.msk [tilespmem:v41+s23+$0x0], $0xffff;
	[tilespmem:s29+$0x70] =	vst v38  }
0x81: {  	v51 =	vadd.s32 v9, v23;
	[tilespmem:s18+$0x470] =	vst v20;
	v48 =	vld.idx.msk [tilespmem:v40+s23+$0x0], $0xffff  }
0x82: {  	v49 =	vadd.s32 v9, v24;
	v22 =	vld.idx.msk [tilespmem:v43+s23+$0x0], $0xffff;
	[tilespmem:s25+$0x400] =	vst v44  }
0x83: {  	v53 =	vadd.s32 v10, v16;
	v54 =	vld.idx.msk [tilespmem:v46+s23+$0x0], $0xffff;
	[tilespmem:s8+$0x410] =	vst v50  }
0x84: {  	v56 =	vadd.s32 v10, v21;
	v61 =	vld.idx.msk [tilespmem:v52+s23+$0x0], $0xffff;
	[tilespmem:s28+$0x400] =	vst v45  }
0x85: {  	v63 =	vadd.s32 v11, v17;
	[tilespmem:s17+$0x400] =	vst v19;
	v55 =	vld.idx.msk [tilespmem:v47+s23+$0x0], $0xffff  }
0x86: {  	v57 =	vadd.s32 v10, v18;
	v59 =	vld.idx.msk [tilespmem:v51+s23+$0x0], $0xffff;
	[tilespmem:s29+$0x400] =	vst v48  }
0x87: {  	v62 =	vadd.s32 v10, v23;
	[tilespmem:s6+$0x410] =	vst v22;
	v58 =	vld.idx.msk [tilespmem:v49+s23+$0x0], $0xffff  }
0x88: {  	v25 =	vld.idx.msk [tilespmem:v53+s23+$0x0], $0xffff;
	v60 =	vadd.s32 v10, v24;
	[tilespmem:s25+$0x410] =	vst v54  }
0x89: {  	v36 =	vadd.s32 v11, v16;
	v30 =	vld.idx.msk [tilespmem:v56+s23+$0x0], $0xffff;
	[tilespmem:s8+$0x420] =	vst v61  }
0x8a: {  	v37 =	vadd.s32 v11, v21;
	v31 =	vld.idx.msk [tilespmem:v63+s23+$0x0], $0xffff;
	[tilespmem:s28+$0x410] =	vst v55  }
0x8b: {  	v41 =	vadd.s32 v12, v17;
	[tilespmem:s17+$0x410] =	vst v59;
	v20 =	vld.idx.msk [tilespmem:v57+s23+$0x0], $0xffff  }
0x8c: {  	v38 =	vadd.s32 v11, v18;
	v22 =	vld.idx.msk [tilespmem:v62+s23+$0x0], $0xffff;
	[tilespmem:s29+$0x410] =	vst v58  }
0x8d: {  	[tilespmem:s6+$0x420] =	vst v25;
	v40 =	vadd.s32 v11, v23;
	v27 =	vld.idx.msk [tilespmem:v60+s23+$0x0], $0xffff  }
0x8e: {  	v39 =	vadd.s32 v11, v24;
	v28 =	vld.idx.msk [tilespmem:v36+s23+$0x0], $0xffff;
	[tilespmem:s25+$0x420] =	vst v30  }
0x8f: {  	v42 =	vadd.s32 v12, v16;
	v29 =	vld.idx.msk [tilespmem:v37+s23+$0x0], $0xffff;
	[tilespmem:s8+$0x430] =	vst v31  }
0x90: {  	v43 =	vadd.s32 v12, v21;
	v31 =	vld.idx.msk [tilespmem:v41+s23+$0x0], $0xffff;
	[tilespmem:s28+$0x420] =	vst v20  }
0x91: {  	v47 =	vadd.s32 v13, v17;
	[tilespmem:s17+$0x420] =	vst v22;
	v19 =	vld.idx.msk [tilespmem:v38+s23+$0x0], $0xffff  }
0x92: {  	v44 =	vadd.s32 v12, v18;
	v25 =	vld.idx.msk [tilespmem:v40+s23+$0x0], $0xffff;
	[tilespmem:s29+$0x420] =	vst v27  }
0x93: {  	v46 =	vadd.s32 v12, v23;
	[tilespmem:s6+$0x430] =	vst v28;
	v26 =	vld.idx.msk [tilespmem:v39+s23+$0x0], $0xffff  }
0x94: {  	v45 =	vadd.s32 v12, v24;
	v30 =	vld.idx.msk [tilespmem:v42+s23+$0x0], $0xffff;
	[tilespmem:s25+$0x430] =	vst v29  }
0x95: {  	v48 =	vadd.s32 v13, v16;
	v20 =	vld.idx.msk [tilespmem:v43+s23+$0x0], $0xffff;
	[tilespmem:s8+$0x440] =	vst v31  }
0x96: {  	v49 =	vadd.s32 v13, v21;
	v31 =	vld.idx.msk [tilespmem:v47+s23+$0x0], $0xffff;
	[tilespmem:s28+$0x430] =	vst v19  }
0x97: {  	v53 =	vadd.s32 v14, v17;
	[tilespmem:s17+$0x430] =	vst v25;
	v27 =	vld.idx.msk [tilespmem:v44+s23+$0x0], $0xffff  }
0x98: {  	v50 =	vadd.s32 v13, v18;
	v28 =	vld.idx.msk [tilespmem:v46+s23+$0x0], $0xffff;
	[tilespmem:s29+$0x430] =	vst v26  }
0x99: {  	v52 =	vadd.s32 v13, v23;
	[tilespmem:s6+$0x440] =	vst v30;
	v22 =	vld.idx.msk [tilespmem:v45+s23+$0x0], $0xffff  }
0x9a: {  	v51 =	vadd.s32 v13, v24;
	v29 =	vld.idx.msk [tilespmem:v48+s23+$0x0], $0xffff;
	[tilespmem:s25+$0x440] =	vst v20  }
0x9b: {  	v54 =	vadd.s32 v14, v16;
	v19 =	vld.idx.msk [tilespmem:v49+s23+$0x0], $0xffff;
	[tilespmem:s8+$0x450] =	vst v31  }
0x9c: {  	v55 =	vadd.s32 v14, v21;
	v31 =	vld.idx.msk [tilespmem:v53+s23+$0x0], $0xffff;
	[tilespmem:s28+$0x440] =	vst v27  }
0x9d: {  	v17 =	vadd.s32 v15, v17;
	[tilespmem:s17+$0x440] =	vst v28;
	v26 =	vld.idx.msk [tilespmem:v50+s23+$0x0], $0xffff  }
0x9e: {  	v56 =	vadd.s32 v14, v18;
	v30 =	vld.idx.msk [tilespmem:v52+s23+$0x0], $0xffff;
	[tilespmem:s29+$0x440] =	vst v22  }
0x9f: {  	v58 =	vadd.s32 v14, v23;
	[tilespmem:s6+$0x450] =	vst v29;
	v25 =	vld.idx.msk [tilespmem:v51+s23+$0x0], $0xffff  }
0xa0: {  	v57 =	vadd.s32 v14, v24;
	v20 =	vld.idx.msk [tilespmem:v54+s23+$0x0], $0xffff;
	[tilespmem:s25+$0x450] =	vst v19  }
0xa1: {  	v19 =	vld.idx.msk [tilespmem:v55+s23+$0x0], $0xffff;
	[tilespmem:s8+$0x460] =	vst v31  }
0xa2: {  	v16 =	vadd.s32 v15, v16;
	v17 =	vld.idx.msk [tilespmem:v17+s23+$0x0], $0xffff;
	[tilespmem:s28+$0x450] =	vst v26  }
0xa3: {  	v59 =	vadd.s32 v15, v21;
	[tilespmem:s17+$0x450] =	vst v30;
	v22 =	vld.idx.msk [tilespmem:v56+s23+$0x0], $0xffff  }
0xa4: {  	v60 =	vadd.s32 v15, v18;
	v61 =	vld.idx.msk [tilespmem:v58+s23+$0x0], $0xffff;
	[tilespmem:s29+$0x450] =	vst v25  }
0xa5: {  	v62 =	vadd.s32 v15, v23;
	[tilespmem:s6+$0x460] =	vst v20;
	v25 =	vld.idx.msk [tilespmem:v57+s23+$0x0], $0xffff  }
0xa6: {  	v24 =	vadd.s32 v15, v24;
	[tilespmem:s25+$0x460] =	vst v19  }
0xa7: {  	v16 =	vld.idx.msk [tilespmem:v16+s23+$0x0], $0xffff;
	[tilespmem:s8+$0x470] =	vst v17  }
0xa8: {  	v19 =	vld.idx.msk [tilespmem:v59+s23+$0x0], $0xffff;
	[tilespmem:s28+$0x460] =	vst v22  }
0xa9: {  	[tilespmem:s17+$0x460] =	vst v61;
	v18 =	vld.idx.msk [tilespmem:v60+s23+$0x0], $0xffff  }
0xaa: {  	v17 =	vld.idx.msk [tilespmem:v62+s23+$0x0], $0xffff;
	[tilespmem:s29+$0x460] =	vst v25  }
0xab: {  	v63 =	vld.idx.msk [tilespmem:v24+s23+$0x0], $0xffff  }
0xac: {  	[tilespmem:s6+$0x470] =	vst v16  }
0xad: {  	s24 =	sshll.u32 s1, $0xB;
	[tilespmem:s25+$0x470] =	vst v19;
	s25 =	sshll.u32 s1, $0x8  }
0xae: {  	s2 =	sand.u32 $0xFFF8000, s24;
	s1 =	sand.u32 $0xE00, s25;
	[tilespmem:s28+$0x470] =	vst v18  }
0xaf: {  	s26 =	rddreg [dreg:$0x1];
	s1 =	sor.u32 s1, s2;
	[tilespmem:s17+$0x470] =	vst v17  }
0xb0: {  	s2 =	sadd.s32 s26, s1;
	s28 =	simm.s32 $0xCA00;
	[tilespmem:s29+$0x470] =	vst v63  }
0xb1: {  	[hbm4b:s2+s3] =	stream.linear.scatter [tilespmem:s28], [sflag:$0x5], $0x800, $0x38;
	[tilespmem:$0x14A00] =	vst v63  }
0xb2: {  	s30 =	simm.s32 $0xD200;
	s29 =	sadd.s32 s1, s9  }
0xb3: {  	[hbm4b:s29+s3] =	stream.linear.scatter [tilespmem:s30], [sflag:$0x5], $0x800, $0x38;
	[tilespmem:$0x14A00] =	vst v63  }
0xb4: {  	s8 =	simm.s32 $0xDA00;
	s6 =	sadd.s32 s1, s10  }
0xb5: {  	[hbm4b:s6+s3] =	stream.linear.scatter [tilespmem:s8], [sflag:$0x5], $0x800, $0x38;
	[tilespmem:$0x14A00] =	vst v63  }
0xb6: {  	s18 =	simm.s32 $0xE200;
	s17 =	sadd.s32 s1, s11  }
0xb7: {  	[hbm4b:s17+s3] =	stream.linear.scatter [tilespmem:s18], [sflag:$0x5], $0x800, $0x38;
	[tilespmem:$0x14A00] =	vst v63  }
0xb8: {  	s24 =	simm.s32 $0xEA00;
	s19 =	sadd.s32 s1, s12  }
0xb9: {  	[hbm4b:s19+s3] =	stream.linear.scatter [tilespmem:s24], [sflag:$0x5], $0x800, $0x38;
	[tilespmem:$0x14A00] =	vst v63  }
0xba: {  	s25 =	sadd.s32 s1, s13;
	s26 =	simm.s32 $0xF200  }
0xbb: {  	[hbm4b:s25+s3] =	stream.linear.scatter [tilespmem:s26], [sflag:$0x5], $0x800, $0x38;
	[tilespmem:$0x14A00] =	vst v63  }
0xbc: {  	s28 =	sadd.s32 s1, s14;
	s29 =	simm.s32 $0xFA00  }
0xbd: {  	[hbm4b:s28+s3] =	stream.linear.scatter [tilespmem:s29], [sflag:$0x5], $0x800, $0x38;
	[tilespmem:$0x14A00] =	vst v63  }
0xbe: {  	s1 =	sadd.s32 s1, s15;
	s30 =	simm.s32 $0x10200  }
0xbf: {  	[hbm4b:s1+s3] =	stream.linear.scatter [tilespmem:s30], [sflag:$0x5], $0x800, $0x38;
	[tilespmem:$0x14A00] =	vst v63  }
.LBB2_13:
0xc0: {  	s31 =	sadd.s32 $0x1, s31  }
0xc1: {  	p0 =	sne.s32 s31, $0x64  }
.Ltmp3:
0xc2: {  	_ = 	snop;
	(pc) =	sbr.rel @!p0 .LBB2_14-.Ltmp3, $1  }
0xc3: {  	_ =	sdelay $0x3  }
.LBB2_2:
0xc4: {  	s1 =	sand.u32 $0x1, s31  }
0xc5: {  	p0 =	seq.s32 s1, $0x1  }
.Ltmp4:
0xc6: {  	_ = 	snop;
	(pc) =	sbr.rel @!p0 .LBB2_3-.Ltmp4, $2  }
0xc7: {  	_ =	sdelay $0x2  }
0xc8: {  	s1 =	sadd.s32 s7, s31  }
0xc9: {  	p0 =	seq.s32 s31, $0x63  }
0xca: {  	s2 =	simm.s32 @!p0 $0x1  }
0xcb: {  	_ =	swait.ge @!p0 [sflag:s2], $0x100  }
0xcc: {  	s4 =	simm.s32 @!p0 $0x0;
	[sflag:s2] =	ssyncset.done @!p0 $0x0  }
0xcd: {  	s6 =	simm.s32 @!p0 $0x200;
	[sflag:s2] =	ssyncadd.s32 @!p0 $0xFFFFFF00;
	s2 =	simm.s32 @!p0 $0x100  }
0xce: {  	[tilespmem:s6], [sflag:$0x3] =	stream.indirect.gather @!p0 [hbm4b:s5+s2], $0x40, s4, s2, $0xb8;
	[tilespmem:$0x14A00] =	vst v63  }
0xcf: {  	p0 =	sgt.u32 s31, $0x61  }
0xd0: {  	_ =	swait.ge [sflag:s21], $0x4000;
	s2 =	sshll.u32 @!p0 s1, $0x5;
	s6 =	simm.s32 @!p0 $0x100  }
0xd1: {  	p1 =	slt.u32 @!p0 s31, $0x2;
	[sflag:s21] =	ssyncset.done $0x0;
	s4 =	rddreg [dreg:$0x7]  }
0xd2: {  	[sflag:s21] =	ssyncadd.s32 $0xFFFFC000;
	s2 =	sadd.s32 @!p0 s4, s2;
	s4 =	simm.s32 @!p0 $0x0  }
0xd3: {  	[tilespmem:s6], [sflag:$0x2] =	stream.linear.gather @!p0 [hbm4b:s2+s4], $0x100, $0x38;
	[tilespmem:$0x14A00] =	vst v63  }
0xd4: {  	p0 =	por p0, !p1  }
0xd5: {  	_ =	swait.ge @p0 [sflag:s22], $0x800  }
0xd6: {  	[sflag:s22] =	ssyncset.done @p0 $0x0  }
0xd7: {  	[sflag:s22] =	ssyncadd.s32 @p0 $0xFFFFF800  }
0xd8: {  	_ =	swait.ge @p0 [sflag:s22], $0x800  }
0xd9: {  	[sflag:s22] =	ssyncset.done @p0 $0x0  }
0xda: {  	[sflag:s22] =	ssyncadd.s32 @p0 $0xFFFFF800  }
0xdb: {  	_ =	swait.ge @p0 [sflag:s22], $0x800  }
0xdc: {  	[sflag:s22] =	ssyncset.done @p0 $0x0  }
0xdd: {  	[sflag:s22] =	ssyncadd.s32 @p0 $0xFFFFF800  }
0xde: {  	_ =	swait.ge @p0 [sflag:s22], $0x800  }
0xdf: {  	[sflag:s22] =	ssyncset.done @p0 $0x0  }
0xe0: {  	[sflag:s22] =	ssyncadd.s32 @p0 $0xFFFFF800  }
0xe1: {  	_ =	swait.ge @p0 [sflag:s22], $0x800  }
0xe2: {  	[sflag:s22] =	ssyncset.done @p0 $0x0  }
0xe3: {  	[sflag:s22] =	ssyncadd.s32 @p0 $0xFFFFF800  }
0xe4: {  	_ =	swait.ge @p0 [sflag:s22], $0x800  }
0xe5: {  	[sflag:s22] =	ssyncset.done @p0 $0x0  }
0xe6: {  	[sflag:s22] =	ssyncadd.s32 @p0 $0xFFFFF800  }
0xe7: {  	_ =	swait.ge @p0 [sflag:s22], $0x800  }
0xe8: {  	[sflag:s22] =	ssyncset.done @p0 $0x0  }
0xe9: {  	[sflag:s22] =	ssyncadd.s32 @p0 $0xFFFFF800  }
0xea: {  	_ =	swait.ge @p0 [sflag:s22], $0x800  }
0xeb: {  	[sflag:s22] =	ssyncset.done @p0 $0x0  }
0xec: {  	s30 =	simm.s32 $0x4300;
	[sflag:s22] =	ssyncadd.s32 @p0 $0xFFFFF800  }
0xed: {  	v16 =	vld [tilespmem:s30+$0xC0]  }
0xee: {  	v17 =	vld [tilespmem:s30+$0xFFFFFF40]  }
0xef: {  	v18 =	vld [tilespmem:s30+$0xFFFFFF80]  }
0xf0: {  	v19 =	vld [tilespmem:s30+$0xFFFFFFC0]  }
0xf1: {  	s6 =	simm.s32 $0x8320;
	v20 =	vld [tilespmem:s30+$0x0]  }
0xf2: {  	v21 =	vld [tilespmem:s30+$0x40];
	[tilespmem:s6+$0xD8] =	vst v16  }
0xf3: {  	[tilespmem:s6+$0xFFFFFF28] =	vst v17;
	v17 =	vld [tilespmem:s30+$0x80]  }
0xf4: {  	[tilespmem:s6+$0xFFFFFF70] =	vst v18;
	v18 =	vld [tilespmem:s30+$0xFFFFFF00]  }
0xf5: {  	[tilespmem:s6+$0xFFFFFFB8] =	vst v19;
	v16 =	vld [tilespmem:s30+$0xD0]  }
0xf6: {  	[tilespmem:s6+$0x0] =	vst v20;
	v19 =	vld [tilespmem:s30+$0xFFFFFF50]  }
0xf7: {  	[tilespmem:s6+$0x48] =	vst v21;
	v20 =	vld [tilespmem:s30+$0xFFFFFF90]  }
0xf8: {  	v21 =	vld [tilespmem:s30+$0xFFFFFFD0];
	[tilespmem:s6+$0x90] =	vst v17  }
0xf9: {  	[tilespmem:s6+$0xFFFFFEE0] =	vst v18;
	v17 =	vld [tilespmem:s30+$0x10]  }
0xfa: {  	[tilespmem:s6+$0xE8] =	vst v16;
	v18 =	vld [tilespmem:s30+$0xFFFFFF10]  }
0xfb: {  	[tilespmem:s6+$0xFFFFFF38] =	vst v19;
	v19 =	vld [tilespmem:s30+$0x50]  }
0xfc: {  	[tilespmem:s6+$0xFFFFFF80] =	vst v20;
	v20 =	vld [tilespmem:s30+$0x90]  }
0xfd: {  	[tilespmem:s6+$0xFFFFFFC8] =	vst v21;
	v16 =	vld [tilespmem:s30+$0xE0]  }
0xfe: {  	v21 =	vld [tilespmem:s30+$0xFFFFFF60];
	[tilespmem:s6+$0x10] =	vst v17  }
0xff: {  	v17 =	vld [tilespmem:s30+$0xFFFFFFA0];
	[tilespmem:s6+$0xFFFFFEF0] =	vst v18  }
0x100: {  	[tilespmem:s6+$0x58] =	vst v19;
	v19 =	vld [tilespmem:s30+$0xFFFFFFE0]  }
0x101: {  	[tilespmem:s6+$0xA0] =	vst v20;
	v18 =	vld [tilespmem:s30+$0xFFFFFF20]  }
0x102: {  	v20 =	vld [tilespmem:s30+$0x20];
	[tilespmem:s6+$0xF8] =	vst v16  }
0x103: {  	[tilespmem:s6+$0xFFFFFF48] =	vst v21;
	v21 =	vld [tilespmem:s30+$0x60]  }
0x104: {  	v16 =	vld [tilespmem:s30+$0xF0];
	[tilespmem:s6+$0xFFFFFF90] =	vst v17  }
0x105: {  	v22 =	vld [tilespmem:s30+$0xA0];
	[tilespmem:s6+$0xFFFFFFD8] =	vst v19  }
0x106: {  	v23 =	vld [tilespmem:s30+$0xFFFFFF70];
	[tilespmem:s6+$0xFFFFFF00] =	vst v18  }
0x107: {  	[tilespmem:s6+$0x20] =	vst v20;
	v24 =	vld [tilespmem:s30+$0xFFFFFF30]  }
0x108: {  	v17 =	vld [tilespmem:s30+$0xFFFFFFB0];
	[tilespmem:s6+$0x68] =	vst v21  }
0x109: {  	[tilespmem:s6+$0x108] =	vst v16;
	v16 =	vld [tilespmem:s30+$0xFFFFFFF0]  }
0x10a: {  	v18 =	vld [tilespmem:s30+$0x30];
	[tilespmem:s6+$0xB0] =	vst v22  }
0x10b: {  	[tilespmem:s6+$0xFFFFFF58] =	vst v23;
	v19 =	vld [tilespmem:s30+$0x70]  }
0x10c: {  	s18 =	simm.s32 $0x0;
	s8 =	simm.s32 $0x80;
	s19 =	simm.s32 $0x4500;
	v20 =	vld [tilespmem:s30+$0xB0];
	[tilespmem:s6+$0xFFFFFF10] =	vst v24  }
.LBB2_9:
0x10d: {  	v21 =	vld [tilespmem:s19+$0xC0];
	s18 =	sadd.s32 $0x8, s18;
	[tilespmem:s6+$0xFFFFFFA0] =	vst v17  }
0x10e: {  	v17 =	vld [tilespmem:s19+$0xFFFFFF40];
	p0 =	slt.u32 s18, $0xF8;
	[tilespmem:s6+$0xFFFFFFE8] =	vst v16  }
0x10f: {  	v16 =	vld [tilespmem:s19+$0xFFFFFF80];
	[tilespmem:s6+$0x30] =	vst v18  }
0x110: {  	v18 =	vld [tilespmem:s19+$0xFFFFFFC0];
	[tilespmem:s6+$0x78] =	vst v19  }
0x111: {  	v19 =	vld [tilespmem:s19+$0x0];
	[tilespmem:s6+$0xC0] =	vst v20;
	s6 =	sadd.s32 $0x240, s6  }
0x112: {  	v20 =	vld [tilespmem:s19+$0x40];
	[tilespmem:s6+$0xD8] =	vst v21  }
0x113: {  	[tilespmem:s6+$0xFFFFFF28] =	vst v17;
	v17 =	vld [tilespmem:s19+$0xD0]  }
0x114: {  	[tilespmem:s6+$0xFFFFFF70] =	vst v16;
	v16 =	vld [tilespmem:s19+$0x80]  }
0x115: {  	v21 =	vld [tilespmem:s19+$0xFFFFFF00];
	[tilespmem:s6+$0xFFFFFFB8] =	vst v18  }
0x116: {  	v18 =	vld [tilespmem:s19+$0xFFFFFF50];
	[tilespmem:s6+$0x0] =	vst v19  }
0x117: {  	v19 =	vld [tilespmem:s19+$0xFFFFFF90];
	[tilespmem:s6+$0x48] =	vst v20  }
0x118: {  	v20 =	vld [tilespmem:s19+$0xFFFFFFD0];
	[tilespmem:s6+$0xE8] =	vst v17  }
0x119: {  	[tilespmem:s6+$0x90] =	vst v16;
	v16 =	vld [tilespmem:s19+$0xE0]  }
0x11a: {  	[tilespmem:s6+$0xFFFFFEE0] =	vst v21;
	v17 =	vld [tilespmem:s19+$0x10]  }
0x11b: {  	v21 =	vld [tilespmem:s19+$0xFFFFFF10];
	[tilespmem:s6+$0xFFFFFF38] =	vst v18  }
0x11c: {  	[tilespmem:s6+$0xFFFFFF80] =	vst v19;
	v18 =	vld [tilespmem:s19+$0x50]  }
0x11d: {  	[tilespmem:s6+$0xFFFFFFC8] =	vst v20;
	v19 =	vld [tilespmem:s19+$0x90]  }
0x11e: {  	v20 =	vld [tilespmem:s19+$0xFFFFFF60];
	[tilespmem:s6+$0xF8] =	vst v16  }
0x11f: {  	[tilespmem:s6+$0x10] =	vst v17;
	v16 =	vld [tilespmem:s19+$0xF0]  }
0x120: {  	[tilespmem:s6+$0xFFFFFEF0] =	vst v21;
	v17 =	vld [tilespmem:s19+$0xFFFFFFA0]  }
0x121: {  	v21 =	vld [tilespmem:s19+$0xFFFFFF20];
	[tilespmem:s6+$0x58] =	vst v18  }
0x122: {  	v18 =	vld [tilespmem:s19+$0xFFFFFFE0];
	[tilespmem:s6+$0xA0] =	vst v19  }
0x123: {  	[tilespmem:s6+$0xFFFFFF48] =	vst v20;
	v19 =	vld [tilespmem:s19+$0x20]  }
0x124: {  	s24 =	simm.s32 $0x0;
	v20 =	vld [tilespmem:s19+$0x60];
	[tilespmem:s6+$0x108] =	vst v16  }
0x125: {  	[tilespmem:s6+$0xFFFFFF90] =	vst v17;
	v22 =	vld [tilespmem:s19+$0xA0]  }
0x126: {  	[tilespmem:s6+$0xFFFFFF00] =	vst v21;
	v21 =	vld [tilespmem:s19+$0xFFFFFF70]  }
0x127: {  	v23 =	vld [tilespmem:s19+$0xFFFFFF30];
	[tilespmem:s6+$0xFFFFFFD8] =	vst v18  }
.Ltmp5:
0x128: {  	v17 =	vld [tilespmem:s19+$0xFFFFFFB0];
	[tilespmem:s6+$0x20] =	vst v19;
	(pc) =	sbr.rel @p0 .LBB2_9-.Ltmp5, $4  }
0x129: {  	v16 =	vld [tilespmem:s19+$0xFFFFFFF0];
	[tilespmem:s6+$0x68] =	vst v20  }
0x12a: {  	v18 =	vld [tilespmem:s19+$0x30];
	[tilespmem:s6+$0xB0] =	vst v22  }
0x12b: {  	[tilespmem:s6+$0xFFFFFF58] =	vst v21;
	v19 =	vld [tilespmem:s19+$0x70]  }
0x12c: {  	[tilespmem:s6+$0xFFFFFF10] =	vst v23;
	v20 =	vld [tilespmem:s19+$0xB0];
	s19 =	sadd.s32 $0x200, s19  }
0x12d: {  	s2 =	simm.s32 $0x1  }
0x12e: {  	v21 =	vmov s2  }
0x12f: {  	v23 =	vand.u32 $0x3F, v21  }
0x130: {  	[tilespmem:s6+$0xFFFFFFA0] =	vst v17;
	v17 =	vadd.s32 v0, v23  }
0x131: {  	[tilespmem:s6+$0xFFFFFFE8] =	vst v16  }
0x132: {  	[tilespmem:s6+$0x30] =	vst v18  }
0x133: {  	v16 =	vmov s24;
	[tilespmem:s6+$0x78] =	vst v19  }
0x134: {  	v22 =	vand.u32 $0x3E, v16;
	[tilespmem:s6+$0xC0] =	vst v20  }
0x135: {  	v16 =	vadd.s32 v0, v22;
	v17 =	vld.idx.msk [tilespmem:v17+s23+$0x0], $0xffff  }
0x136: {  	v18 =	vadd.s32 v1, v23  }
0x137: {  	s6 =	sand.u32 $0x3800, s24  }
0x138: {  	s4 =	sand.u32 $0x380, s8;
	s2 =	sadd.s32 $0x10A00, s6  }
0x139: {  	s29 =	sadd.s32 s4, s2  }
0x13a: {  	v16 =	vld.idx.msk [tilespmem:v16+s23+$0x0], $0xffff;
	[tilespmem:s29+$0x0] =	vst v17  }
0x13b: {  	v17 =	vadd.s32 v1, v22;
	v18 =	vld.idx.msk [tilespmem:v18+s23+$0x0], $0xffff  }
0x13c: {  	s8 =	simm.s32 $0x0;
	v19 =	vadd.s32 v2, v23  }
0x13d: {  	s4 =	sand.u32 $0x300, s8  }
0x13e: {  	s26 =	sadd.s32 s4, s2  }
0x13f: {  	[tilespmem:s26+$0x0] =	vst v16  }
0x140: {  	v16 =	vld.idx.msk [tilespmem:v17+s23+$0x0], $0xffff;
	[tilespmem:s29+$0x10] =	vst v18  }
0x141: {  	v17 =	vadd.s32 v2, v22;
	v18 =	vld.idx.msk [tilespmem:v19+s23+$0x0], $0xffff  }
0x142: {  	v19 =	vadd.s32 v3, v23;
	_ =	sdelay $0x2  }
0x143: {  	[tilespmem:s26+$0x10] =	vst v16  }
0x144: {  	v16 =	vld.idx.msk [tilespmem:v17+s23+$0x0], $0xffff;
	[tilespmem:s29+$0x20] =	vst v18  }
0x145: {  	v17 =	vadd.s32 v3, v22;
	v18 =	vld.idx.msk [tilespmem:v19+s23+$0x0], $0xffff  }
0x146: {  	s17 =	simm.s32 $0x3;
	v21 =	vadd.s32 v4, v23  }
0x147: {  	s18 =	simm.s32 $0x2;
	v19 =	vmov s17  }
0x148: {  	v24 =	vmov s18;
	v20 =	vand.u32 $0x3F, v19  }
0x149: {  	v19 =	vand.u32 $0x3E, v24;
	[tilespmem:s26+$0x20] =	vst v16;
	v16 =	vadd.s32 v0, v20  }
0x14a: {  	v24 =	vadd.s32 v0, v19;
	v17 =	vld.idx.msk [tilespmem:v17+s23+$0x0], $0xffff;
	[tilespmem:s29+$0x30] =	vst v18  }
0x14b: {  	v18 =	vadd.s32 v4, v22;
	v21 =	vld.idx.msk [tilespmem:v21+s23+$0x0], $0xffff  }
0x14c: {  	v25 =	vadd.s32 v5, v23;
	_ =	sdelay $0x1  }
0x14d: {  	v16 =	vld.idx.msk [tilespmem:v16+s23+$0x0], $0xffff  }
0x14e: {  	s19 =	simm.s32 $0x200;
	v24 =	vld.idx.msk [tilespmem:v24+s23+$0x0], $0xffff;
	[tilespmem:s26+$0x30] =	vst v17;
	v17 =	vadd.s32 v1, v20  }
0x14f: {  	s24 =	simm.s32 $0x180;
	s2 =	sand.u32 $0x3800, s19;
	v18 =	vld.idx.msk [tilespmem:v18+s23+$0x0], $0xffff;
	[tilespmem:s29+$0x40] =	vst v21;
	v21 =	vadd.s32 v1, v19  }
0x150: {  	s25 =	simm.s32 $0x100;
	v26 =	vadd.s32 v5, v22;
	s4 =	sand.u32 $0x380, s24;
	s2 =	sadd.s32 $0x10A00, s2;
	v25 =	vld.idx.msk [tilespmem:v25+s23+$0x0], $0xffff  }
0x151: {  	v27 =	vadd.s32 v6, v23;
	s6 =	sand.u32 $0x300, s25;
	s18 =	sadd.s32 s4, s2  }
0x152: {  	s24 =	sadd.s32 s6, s2;
	[tilespmem:s18+$0x0] =	vst v16  }
0x153: {  	[tilespmem:s24+$0x0] =	vst v24;
	v16 =	vld.idx.msk [tilespmem:v17+s23+$0x0], $0xffff  }
0x154: {  	[tilespmem:s26+$0x40] =	vst v18;
	v18 =	vadd.s32 v2, v20;
	v17 =	vld.idx.msk [tilespmem:v21+s23+$0x0], $0xffff  }
0x155: {  	v24 =	vadd.s32 v2, v19;
	v21 =	vld.idx.msk [tilespmem:v26+s23+$0x0], $0xffff;
	[tilespmem:s29+$0x50] =	vst v25  }
0x156: {  	v25 =	vadd.s32 v6, v22;
	v26 =	vld.idx.msk [tilespmem:v27+s23+$0x0], $0xffff  }
0x157: {  	v27 =	vadd.s32 v7, v23  }
0x158: {  	[tilespmem:s18+$0x10] =	vst v16  }
0x159: {  	v16 =	vld.idx.msk [tilespmem:v18+s23+$0x0], $0xffff;
	[tilespmem:s24+$0x10] =	vst v17  }
0x15a: {  	v18 =	vadd.s32 v3, v20;
	[tilespmem:s26+$0x50] =	vst v21;
	v17 =	vld.idx.msk [tilespmem:v24+s23+$0x0], $0xffff  }
0x15b: {  	v21 =	vld.idx.msk [tilespmem:v25+s23+$0x0], $0xffff;
	v24 =	vadd.s32 v3, v19;
	[tilespmem:s29+$0x60] =	vst v26  }
0x15c: {  	v25 =	vadd.s32 v7, v22;
	v26 =	vld.idx.msk [tilespmem:v27+s23+$0x0], $0xffff  }
0x15d: {  	v27 =	vadd.s32 v8, v23  }
0x15e: {  	[tilespmem:s18+$0x20] =	vst v16  }
0x15f: {  	v18 =	vld.idx.msk [tilespmem:v18+s23+$0x0], $0xffff;
	[tilespmem:s24+$0x20] =	vst v17  }
0x160: {  	[tilespmem:s26+$0x60] =	vst v21;
	v21 =	vld.idx.msk [tilespmem:v24+s23+$0x0], $0xffff;
	v24 =	vadd.s32 v4, v20  }
0x161: {  	s4 =	simm.s32 $0x5;
	v25 =	vld.idx.msk [tilespmem:v25+s23+$0x0], $0xffff;
	[tilespmem:s29+$0x70] =	vst v26;
	v26 =	vadd.s32 v4, v19  }
0x162: {  	v28 =	vadd.s32 v8, v22;
	s6 =	simm.s32 $0x4;
	v16 =	vmov s4;
	v27 =	vld.idx.msk [tilespmem:v27+s23+$0x0], $0xffff  }
0x163: {  	v30 =	vadd.s32 v9, v23;
	v29 =	vmov s6;
	v17 =	vand.u32 $0x3F, v16  }
0x164: {  	v16 =	vand.u32 $0x3E, v29;
	v29 =	vadd.s32 v0, v17;
	[tilespmem:s18+$0x30] =	vst v18  }
0x165: {  	v18 =	vadd.s32 v0, v16;
	[tilespmem:s24+$0x30] =	vst v21;
	v21 =	vld.idx.msk [tilespmem:v24+s23+$0x0], $0xffff  }
0x166: {  	[tilespmem:s26+$0x70] =	vst v25;
	v25 =	vadd.s32 v5, v20;
	v24 =	vld.idx.msk [tilespmem:v26+s23+$0x0], $0xffff  }
0x167: {  	v26 =	vld.idx.msk [tilespmem:v28+s23+$0x0], $0xffff;
	[tilespmem:s29+$0x400] =	vst v27;
	v27 =	vadd.s32 v5, v19  }
0x168: {  	v28 =	vadd.s32 v9, v22;
	v30 =	vld.idx.msk [tilespmem:v30+s23+$0x0], $0xffff  }
0x169: {  	v31 =	vadd.s32 v10, v23;
	v29 =	vld.idx.msk [tilespmem:v29+s23+$0x0], $0xffff  }
0x16a: {  	s8 =	simm.s32 $0x400;
	v32 =	vadd.s32 v1, v17;
	v18 =	vld.idx.msk [tilespmem:v18+s23+$0x0], $0xffff;
	[tilespmem:s18+$0x40] =	vst v21  }
0x16b: {  	s2 =	sand.u32 $0x3800, s8;
	s17 =	simm.s32 $0x280;
	v21 =	vadd.s32 v1, v16;
	[tilespmem:s24+$0x40] =	vst v24;
	v24 =	vld.idx.msk [tilespmem:v25+s23+$0x0], $0xffff  }
0x16c: {  	s19 =	simm.s32 $0x200;
	s2 =	sadd.s32 $0x10A00, s2;
	s4 =	sand.u32 $0x380, s17;
	[tilespmem:s26+$0x400] =	vst v26;
	v26 =	vadd.s32 v6, v20;
	v25 =	vld.idx.msk [tilespmem:v27+s23+$0x0], $0xffff  }
0x16d: {  	s6 =	sand.u32 $0x300, s19;
	s8 =	sadd.s32 s4, s2;
	v27 =	vld.idx.msk [tilespmem:v28+s23+$0x0], $0xffff;
	v28 =	vadd.s32 v6, v19;
	[tilespmem:s29+$0x410] =	vst v30  }
0x16e: {  	s6 =	sadd.s32 s6, s2;
	[tilespmem:s8+$0x0] =	vst v29;
	v30 =	vadd.s32 v10, v22;
	v29 =	vld.idx.msk [tilespmem:v31+s23+$0x0], $0xffff  }
0x16f: {  	v44 =	vadd.s32 v11, v23;
	s25 =	simm.s32 $0x6;
	[tilespmem:s6+$0x0] =	vst v18;
	v31 =	vld.idx.msk [tilespmem:v32+s23+$0x0], $0xffff  }
0x170: {  	v33 =	vadd.s32 v2, v17;
	v18 =	vmov s25;
	v21 =	vld.idx.msk [tilespmem:v21+s23+$0x0], $0xffff;
	[tilespmem:s18+$0x50] =	vst v24  }
0x171: {  	v18 =	vand.u32 $0x3E, v18;
	v24 =	vadd.s32 v2, v16;
	[tilespmem:s24+$0x50] =	vst v25;
	v25 =	vld.idx.msk [tilespmem:v26+s23+$0x0], $0xffff  }
0x172: {  	v26 =	vadd.s32 v0, v18;
	[tilespmem:s26+$0x410] =	vst v27;
	v28 =	vld.idx.msk [tilespmem:v28+s23+$0x0], $0xffff  }
0x173: {  	v27 =	vadd.s32 v7, v20;
	v30 =	vld.idx.msk [tilespmem:v30+s23+$0x0], $0xffff;
	[tilespmem:s29+$0x420] =	vst v29  }
0x174: {  	[tilespmem:s8+$0x10] =	vst v31;
	v29 =	vadd.s32 v7, v19;
	v31 =	vld.idx.msk [tilespmem:v44+s23+$0x0], $0xffff  }
0x175: {  	v45 =	vadd.s32 v11, v22;
	[tilespmem:s6+$0x10] =	vst v21;
	v21 =	vld.idx.msk [tilespmem:v33+s23+$0x0], $0xffff  }
0x176: {  	v46 =	vadd.s32 v12, v23;
	v24 =	vld.idx.msk [tilespmem:v24+s23+$0x0], $0xffff  }
0x177: {  	v34 =	vadd.s32 v3, v17;
	v26 =	vld.idx.msk [tilespmem:v26+s23+$0x0], $0xffff;
	[tilespmem:s18+$0x60] =	vst v25  }
0x178: {  	v25 =	vadd.s32 v3, v16;
	[tilespmem:s24+$0x60] =	vst v28;
	v27 =	vld.idx.msk [tilespmem:v27+s23+$0x0], $0xffff  }
0x179: {  	s30 =	simm.s32 $0x600;
	v55 =	vadd.s32 v1, v18;
	[tilespmem:s26+$0x420] =	vst v30;
	v28 =	vld.idx.msk [tilespmem:v29+s23+$0x0], $0xffff  }
0x17a: {  	s17 =	sand.u32 $0x3800, s30;
	s4 =	simm.s32 $0x7;
	s25 =	simm.s32 $0x300;
	v29 =	vadd.s32 v8, v20;
	v30 =	vld.idx.msk [tilespmem:v45+s23+$0x0], $0xffff;
	[tilespmem:s29+$0x430] =	vst v31  }
0x17b: {  	s2 =	sadd.s32 $0x10A00, s17;
	v31 =	vadd.s32 v8, v19;
	[tilespmem:s8+$0x20] =	vst v21;
	v21 =	vmov s4;
	s4 =	sand.u32 $0x300, s25;
	v47 =	vld.idx.msk [tilespmem:v46+s23+$0x0], $0xffff  }
0x17c: {  	v48 =	vadd.s32 v12, v22;
	[tilespmem:s6+$0x20] =	vst v24;
	v24 =	vld.idx.msk [tilespmem:v34+s23+$0x0], $0xffff;
	s28 =	sadd.s32 s4, s2  }
0x17d: {  	v49 =	vadd.s32 v13, v23;
	v25 =	vld.idx.msk [tilespmem:v25+s23+$0x0], $0xffff;
	[tilespmem:s28+$0x0] =	vst v26  }
0x17e: {  	v35 =	vadd.s32 v4, v17;
	[tilespmem:s18+$0x70] =	vst v27;
	v57 =	vld.idx.msk [tilespmem:v55+s23+$0x0], $0xffff  }
0x17f: {  	v27 =	vadd.s32 v4, v16;
	[tilespmem:s24+$0x70] =	vst v28;
	v28 =	vld.idx.msk [tilespmem:v29+s23+$0x0], $0xffff  }
0x180: {  	v21 =	vand.u32 $0x3F, v21;
	[tilespmem:s26+$0x430] =	vst v30;
	v30 =	vadd.s32 v9, v20;
	v29 =	vld.idx.msk [tilespmem:v31+s23+$0x0], $0xffff  }
0x181: {  	v50 =	vadd.s32 v0, v21;
	v31 =	vld.idx.msk [tilespmem:v48+s23+$0x0], $0xffff;
	[tilespmem:s29+$0x440] =	vst v47  }
0x182: {  	v51 =	vadd.s32 v9, v19;
	[tilespmem:s8+$0x30] =	vst v24;
	v24 =	vld.idx.msk [tilespmem:v49+s23+$0x0], $0xffff  }
0x183: {  	v54 =	vadd.s32 v13, v22;
	[tilespmem:s6+$0x30] =	vst v25;
	v25 =	vld.idx.msk [tilespmem:v35+s23+$0x0], $0xffff  }
0x184: {  	v52 =	vadd.s32 v14, v23;
	v27 =	vld.idx.msk [tilespmem:v27+s23+$0x0], $0xffff;
	[tilespmem:s18+$0x400] =	vst v28  }
0x185: {  	v53 =	vadd.s32 v5, v17;
	[tilespmem:s28+$0x10] =	vst v57;
	v30 =	vld.idx.msk [tilespmem:v30+s23+$0x0], $0xffff  }
0x186: {  	v28 =	vadd.s32 v5, v16;
	[tilespmem:s24+$0x400] =	vst v29;
	v29 =	vld.idx.msk [tilespmem:v50+s23+$0x0], $0xffff  }
0x187: {  	v36 =	vadd.s32 v10, v20;
	[tilespmem:s26+$0x440] =	vst v31;
	v33 =	vld.idx.msk [tilespmem:v51+s23+$0x0], $0xffff  }
0x188: {  	v56 =	vld.idx.msk [tilespmem:v54+s23+$0x0], $0xffff;
	[tilespmem:s29+$0x450] =	vst v24;
	v24 =	vadd.s32 v1, v21  }
0x189: {  	s19 =	simm.s32 $0x380;
	v26 =	vadd.s32 v10, v19;
	[tilespmem:s8+$0x40] =	vst v25;
	v25 =	vld.idx.msk [tilespmem:v52+s23+$0x0], $0xffff  }
0x18a: {  	v23 =	vadd.s32 v15, v23;
	s17 =	sand.u32 $0x380, s19;
	[tilespmem:s6+$0x40] =	vst v27;
	v27 =	vld.idx.msk [tilespmem:v53+s23+$0x0], $0xffff  }
0x18b: {  	s25 =	sadd.s32 s17, s2;
	v31 =	vadd.s32 v6, v17;
	v28 =	vld.idx.msk [tilespmem:v28+s23+$0x0], $0xffff;
	[tilespmem:s18+$0x410] =	vst v30  }
0x18c: {  	[tilespmem:s25+$0x0] =	vst v29;
	v29 =	vadd.s32 v6, v16;
	v30 =	vld.idx.msk [tilespmem:v36+s23+$0x0], $0xffff  }
0x18d: {  	v58 =	vadd.s32 v11, v20;
	[tilespmem:s24+$0x410] =	vst v33;
	v24 =	vld.idx.msk [tilespmem:v24+s23+$0x0], $0xffff  }
0x18e: {  	s17 =	simm.s32 $0x8;
	v59 =	vadd.s32 v2, v21;
	v26 =	vld.idx.msk [tilespmem:v26+s23+$0x0], $0xffff;
	[tilespmem:s29+$0x460] =	vst v25  }
0x18f: {  	v62 =	vadd.s32 v11, v19;
	v25 =	vmov s17;
	[tilespmem:s8+$0x50] =	vst v27;
	v27 =	vld.idx.msk [tilespmem:v23+s23+$0x0], $0xffff  }
0x190: {  	v23 =	vand.u32 $0x3E, v25;
	v25 =	vadd.s32 v2, v18;
	[tilespmem:s6+$0x50] =	vst v28;
	v28 =	vld.idx.msk [tilespmem:v31+s23+$0x0], $0xffff  }
0x191: {  	v31 =	vadd.s32 v0, v23;
	v29 =	vld.idx.msk [tilespmem:v29+s23+$0x0], $0xffff;
	[tilespmem:s18+$0x420] =	vst v30  }
0x192: {  	v60 =	vadd.s32 v7, v17;
	[tilespmem:s25+$0x10] =	vst v24;
	v30 =	vld.idx.msk [tilespmem:v58+s23+$0x0], $0xffff  }
0x193: {  	v24 =	vadd.s32 v7, v16;
	[tilespmem:s24+$0x420] =	vst v26;
	v61 =	vld.idx.msk [tilespmem:v59+s23+$0x0], $0xffff  }
0x194: {  	v32 =	vld.idx.msk [tilespmem:v62+s23+$0x0], $0xffff;
	[tilespmem:s29+$0x470] =	vst v27;
	v27 =	vadd.s32 v3, v21  }
0x195: {  	v37 =	vadd.s32 v12, v20;
	v63 =	vld.idx.msk [tilespmem:v25+s23+$0x0], $0xffff  }
0x196: {  	v26 =	vadd.s32 v14, v22;
	[tilespmem:s8+$0x60] =	vst v28;
	v25 =	vld.idx.msk [tilespmem:v31+s23+$0x0], $0xffff  }
0x197: {  	v31 =	vadd.s32 v3, v18;
	[tilespmem:s6+$0x60] =	vst v29;
	v33 =	vld.idx.msk [tilespmem:v60+s23+$0x0], $0xffff  }
0x198: {  	v38 =	vadd.s32 v8, v17;
	v24 =	vld.idx.msk [tilespmem:v24+s23+$0x0], $0xffff;
	[tilespmem:s25+$0x20] =	vst v61  }
0x199: {  	[tilespmem:s18+$0x430] =	vst v30;
	v30 =	vld.idx.msk [tilespmem:v27+s23+$0x0], $0xffff;
	v27 =	vadd.s32 v8, v16  }
0x19a: {  	v34 =	vadd.s32 v12, v19;
	[tilespmem:s26+$0x450] =	vst v56;
	v28 =	vld.idx.msk [tilespmem:v37+s23+$0x0], $0xffff  }
0x19b: {  	v29 =	vadd.s32 v13, v20;
	v36 =	vld.idx.msk [tilespmem:v26+s23+$0x0], $0xffff;
	[tilespmem:s28+$0x20] =	vst v63  }
0x19c: {  	v31 =	vld.idx.msk [tilespmem:v31+s23+$0x0], $0xffff;
	[tilespmem:s8+$0x70] =	vst v33;
	v33 =	vadd.s32 v4, v21  }
0x19d: {  	s2 =	simm.s32 $0x9;
	v35 =	vadd.s32 v4, v18;
	s29 =	simm.s32 $0xA;
	v26 =	vld.idx.msk [tilespmem:v38+s23+$0x0], $0xffff;
	[tilespmem:s6+$0x70] =	vst v24  }
.LBB2_11:
0x19e: {  	p0 =	slt.u32 s29, $0x3E;
	v24 =	vmov s2;
	v27 =	vld.idx.msk [tilespmem:v27+s23+$0x0], $0xffff;
	[tilespmem:s24+$0x430] =	vst v32;
	v32 =	vadd.s32 v15, v22;
	v22 =	vmovc v19;
	v19 =	vmovc v16;
	v16 =	vmov v18  }
0x19f: {  	v37 =	vadd.s32 v9, v17;
	v18 =	vmov v23;
	v24 =	vand.u32 $0x3F, v24;
	v34 =	vld.idx.msk [tilespmem:v34+s23+$0x0], $0xffff;
	[tilespmem:s18+$0x440] =	vst v28  }
0x1a0: {  	v23 =	vadd.s32 v0, v24;
	[tilespmem:s25+$0x30] =	vst v30;
	v28 =	vld.idx.msk [tilespmem:v29+s23+$0x0], $0xffff  }
0x1a1: {  	v30 =	vadd.s32 v9, v19;
	[tilespmem:s28+$0x30] =	vst v31;
	v29 =	vld.idx.msk [tilespmem:v33+s23+$0x0], $0xffff  }
0x1a2: {  	v33 =	vadd.s32 v14, v20;
	v31 =	vld.idx.msk [tilespmem:v35+s23+$0x0], $0xffff;
	[tilespmem:s26+$0x460] =	vst v36  }
0x1a3: {  	v35 =	vadd.s32 v5, v21;
	[tilespmem:s8+$0x400] =	vst v26;
	v26 =	vld.idx.msk [tilespmem:v32+s23+$0x0], $0xffff  }
0x1a4: {  	v32 =	vadd.s32 v5, v16;
	[tilespmem:s6+$0x400] =	vst v27;
	v27 =	vld.idx.msk [tilespmem:v37+s23+$0x0], $0xffff  }
0x1a5: {  	v23 =	vld.idx.msk [tilespmem:v23+s23+$0x0], $0xffff;
	[tilespmem:s24+$0x440] =	vst v34;
	v34 =	vadd.s32 v13, v22  }
0x1a6: {  	v36 =	vadd.s32 v10, v17;
	v30 =	vld.idx.msk [tilespmem:v30+s23+$0x0], $0xffff;
	[tilespmem:s18+$0x450] =	vst v28  }
0x1a7: {  	s30 =	sadd.s32 $0x200, s30;
	v28 =	vadd.s32 v1, v24;
	[tilespmem:s25+$0x40] =	vst v29;
	v29 =	vld.idx.msk [tilespmem:v33+s23+$0x0], $0xffff  }
0x1a8: {  	s19 =	sadd.s32 $0x100, s19;
	s2 =	sand.u32 $0x3800, s30;
	v33 =	vadd.s32 v1, v18;
	[tilespmem:s28+$0x40] =	vst v31;
	v31 =	vld.idx.msk [tilespmem:v35+s23+$0x0], $0xffff  }
0x1a9: {  	s4 =	sadd.s32 $0xFFFFFF80, s19;
	s17 =	sand.u32 $0x380, s19;
	s2 =	sadd.s32 $0x10A00, s2;
	v35 =	vadd.s32 v15, v20;
	v20 =	vmovc v17;
	v17 =	vmov v21;
	v21 =	vmov v24;
	v32 =	vld.idx.msk [tilespmem:v32+s23+$0x0], $0xffff;
	[tilespmem:s26+$0x470] =	vst v26  }
0x1aa: {  	s4 =	sand.u32 $0x300, s4;
	s17 =	sadd.s32 s17, s2;
	v24 =	vadd.s32 v6, v17;
	s26 =	smov.u32 s24;
	[tilespmem:s8+$0x410] =	vst v27;
	v26 =	vld.idx.msk [tilespmem:v34+s23+$0x0], $0xffff  }
0x1ab: {  	s24 =	smov.u32 s6;
	s6 =	smov.u32 s28;
	s28 =	sadd.s32 s4, s2;
	v27 =	vadd.s32 v6, v16;
	[tilespmem:s17+$0x0] =	vst v23;
	v34 =	vld.idx.msk [tilespmem:v36+s23+$0x0], $0xffff  }
0x1ac: {  	[tilespmem:s28+$0x0] =	vst v25;
	v25 =	vld.idx.msk [tilespmem:v28+s23+$0x0], $0xffff;
	v28 =	vadd.s32 v10, v19  }
0x1ad: {  	v36 =	vadd.s32 v11, v20;
	v33 =	vld.idx.msk [tilespmem:v33+s23+$0x0], $0xffff;
	[tilespmem:s18+$0x460] =	vst v29  }
0x1ae: {  	v23 =	vmov s29;
	v29 =	vadd.s32 v2, v21;
	[tilespmem:s25+$0x50] =	vst v31;
	v31 =	vld.idx.msk [tilespmem:v35+s23+$0x0], $0xffff  }
0x1af: {  	v23 =	vand.u32 $0x3E, v23;
	v35 =	vadd.s32 v2, v18;
	[tilespmem:s6+$0x50] =	vst v32;
	v24 =	vld.idx.msk [tilespmem:v24+s23+$0x0], $0xffff  }
0x1b0: {  	v32 =	vadd.s32 v0, v23;
	v27 =	vld.idx.msk [tilespmem:v27+s23+$0x0], $0xffff;
	[tilespmem:s24+$0x410] =	vst v30  }
0x1b1: {  	v30 =	vadd.s32 v7, v17;
	v28 =	vld.idx.msk [tilespmem:v28+s23+$0x0], $0xffff;
	[tilespmem:s8+$0x420] =	vst v34  }
0x1b2: {  	v34 =	vadd.s32 v7, v16;
	[tilespmem:s17+$0x10] =	vst v25;
	v36 =	vld.idx.msk [tilespmem:v36+s23+$0x0], $0xffff  }
0x1b3: {  	[tilespmem:s28+$0x10] =	vst v33;
	v29 =	vld.idx.msk [tilespmem:v29+s23+$0x0], $0xffff;
	v33 =	vadd.s32 v11, v19  }
0x1b4: {  	v37 =	vadd.s32 v12, v20;
	v35 =	vld.idx.msk [tilespmem:v35+s23+$0x0], $0xffff;
	[tilespmem:s18+$0x470] =	vst v31;
	s18 =	smov.u32 s8;
	s8 =	smov.u32 s25;
	s25 =	smov.u32 s17  }
0x1b5: {  	v31 =	vadd.s32 v3, v21;
	v25 =	vld.idx.msk [tilespmem:v32+s23+$0x0], $0xffff;
	[tilespmem:s8+$0x60] =	vst v24  }
0x1b6: {  	v24 =	vadd.s32 v3, v18;
	[tilespmem:s6+$0x60] =	vst v27;
	v38 =	vld.idx.msk [tilespmem:v30+s23+$0x0], $0xffff  }
0x1b7: {  	v40 =	vadd.s32 v14, v22;
	v39 =	vld.idx.msk [tilespmem:v34+s23+$0x0], $0xffff;
	[tilespmem:s24+$0x420] =	vst v28  }
0x1b8: {  	v41 =	vadd.s32 v8, v17;
	v32 =	vld.idx.msk [tilespmem:v33+s23+$0x0], $0xffff;
	[tilespmem:s18+$0x430] =	vst v36  }
.Ltmp6:
0x1b9: {  	v27 =	vadd.s32 v8, v16;
	[tilespmem:s25+$0x20] =	vst v29;
	v28 =	vld.idx.msk [tilespmem:v37+s23+$0x0], $0xffff;
	(pc) =	sbr.rel @p0 .LBB2_11-.Ltmp6, $4  }
0x1ba: {  	v34 =	vadd.s32 v12, v19;
	[tilespmem:s28+$0x20] =	vst v35;
	v30 =	vld.idx.msk [tilespmem:v31+s23+$0x0], $0xffff  }
0x1bb: {  	v29 =	vadd.s32 v13, v20;
	v31 =	vld.idx.msk [tilespmem:v24+s23+$0x0], $0xffff;
	[tilespmem:s26+$0x450] =	vst v26  }
0x1bc: {  	v33 =	vadd.s32 v4, v21;
	[tilespmem:s8+$0x70] =	vst v38;
	v36 =	vld.idx.msk [tilespmem:v40+s23+$0x0], $0xffff  }
0x1bd: {  	s2 =	sadd.s32 $0x1, s29;
	s29 =	sadd.s32 $0x2, s29;
	v35 =	vadd.s32 v4, v18;
	[tilespmem:s6+$0x70] =	vst v39;
	v26 =	vld.idx.msk [tilespmem:v41+s23+$0x0], $0xffff  }
0x1be: {  	v24 =	vmov s2  }
0x1bf: {  	v24 =	vand.u32 $0x3F, v24  }
0x1c0: {  	v37 =	vadd.s32 v0, v24;
	_ =	sdelay $0x3  }
0x1c1: {  	s4 =	sadd.s32 $0x200, s30  }
0x1c2: {  	v39 =	vadd.s32 v1, v23;
	s2 =	sand.u32 $0x3800, s4;
	s4 =	sadd.s32 $0x100, s19;
	v37 =	vld.idx.msk [tilespmem:v37+s23+$0x0], $0xffff  }
0x1c3: {  	v38 =	vadd.s32 v1, v24;
	s17 =	sadd.s32 $0xFFFFFF80, s4  }
0x1c4: {  	s2 =	sadd.s32 $0x10A00, s2;
	s17 =	sand.u32 $0x300, s17  }
0x1c5: {  	s4 =	sand.u32 $0x380, s4;
	s17 =	sadd.s32 s17, s2  }
0x1c6: {  	s29 =	sadd.s32 s4, s2;
	[tilespmem:s17+$0x0] =	vst v25  }
0x1c7: {  	v49 =	vld.idx.msk [tilespmem:v39+s23+$0x0], $0xffff;
	[tilespmem:s29+$0x0] =	vst v37  }
0x1c8: {  	v51 =	vadd.s32 v2, v23;
	v48 =	vld.idx.msk [tilespmem:v38+s23+$0x0], $0xffff  }
0x1c9: {  	v50 =	vadd.s32 v2, v24;
	_ =	sdelay $0x2  }
0x1ca: {  	[tilespmem:s17+$0x10] =	vst v49  }
0x1cb: {  	v52 =	vld.idx.msk [tilespmem:v51+s23+$0x0], $0xffff;
	[tilespmem:s29+$0x10] =	vst v48  }
0x1cc: {  	v54 =	vadd.s32 v3, v23;
	v25 =	vld.idx.msk [tilespmem:v50+s23+$0x0], $0xffff  }
0x1cd: {  	v53 =	vadd.s32 v3, v24  }
0x1ce: {  	[tilespmem:s24+$0x430] =	vst v32  }
0x1cf: {  	[tilespmem:s18+$0x440] =	vst v28  }
0x1d0: {  	[tilespmem:s17+$0x20] =	vst v52  }
0x1d1: {  	v55 =	vld.idx.msk [tilespmem:v54+s23+$0x0], $0xffff;
	[tilespmem:s29+$0x20] =	vst v25  }
0x1d2: {  	v57 =	vadd.s32 v4, v23;
	[tilespmem:s25+$0x30] =	vst v30;
	v25 =	vld.idx.msk [tilespmem:v53+s23+$0x0], $0xffff  }
0x1d3: {  	v27 =	vld.idx.msk [tilespmem:v27+s23+$0x0], $0xffff;
	v56 =	vadd.s32 v4, v24;
	[tilespmem:s28+$0x30] =	vst v31  }
0x1d4: {  	v22 =	vadd.s32 v15, v22;
	v30 =	vld.idx.msk [tilespmem:v33+s23+$0x0], $0xffff;
	[tilespmem:s26+$0x460] =	vst v36  }
0x1d5: {  	v60 =	vadd.s32 v5, v21;
	v34 =	vld.idx.msk [tilespmem:v34+s23+$0x0], $0xffff;
	[tilespmem:s8+$0x400] =	vst v26  }
0x1d6: {  	v58 =	vadd.s32 v13, v19;
	v59 =	vld.idx.msk [tilespmem:v35+s23+$0x0], $0xffff;
	[tilespmem:s17+$0x30] =	vst v55  }
0x1d7: {  	v61 =	vadd.s32 v5, v18;
	v63 =	vld.idx.msk [tilespmem:v57+s23+$0x0], $0xffff;
	[tilespmem:s29+$0x30] =	vst v25  }
0x1d8: {  	v41 =	vadd.s32 v5, v23;
	[tilespmem:s6+$0x400] =	vst v27;
	v62 =	vld.idx.msk [tilespmem:v56+s23+$0x0], $0xffff  }
0x1d9: {  	v40 =	vadd.s32 v5, v24;
	v22 =	vld.idx.msk [tilespmem:v22+s23+$0x0], $0xffff;
	[tilespmem:s25+$0x40] =	vst v30  }
0x1da: {  	[tilespmem:s24+$0x440] =	vst v34;
	v44 =	vld.idx.msk [tilespmem:v60+s23+$0x0], $0xffff  }
0x1db: {  	v46 =	vadd.s32 v6, v21;
	v43 =	vld.idx.msk [tilespmem:v58+s23+$0x0], $0xffff;
	[tilespmem:s28+$0x40] =	vst v59  }
0x1dc: {  	v45 =	vadd.s32 v14, v19;
	[tilespmem:s17+$0x40] =	vst v63;
	v25 =	vld.idx.msk [tilespmem:v61+s23+$0x0], $0xffff  }
0x1dd: {  	v47 =	vadd.s32 v6, v18;
	v49 =	vld.idx.msk [tilespmem:v41+s23+$0x0], $0xffff;
	[tilespmem:s29+$0x40] =	vst v62  }
0x1de: {  	[tilespmem:s26+$0x470] =	vst v22;
	v52 =	vadd.s32 v6, v23;
	v48 =	vld.idx.msk [tilespmem:v40+s23+$0x0], $0xffff  }
0x1df: {  	v29 =	vld.idx.msk [tilespmem:v29+s23+$0x0], $0xffff;
	[tilespmem:s25+$0x50] =	vst v44;
	v50 =	vadd.s32 v6, v24  }
0x1e0: {  	v42 =	vadd.s32 v14, v20;
	[tilespmem:s24+$0x450] =	vst v43;
	v55 =	vld.idx.msk [tilespmem:v46+s23+$0x0], $0xffff  }
0x1e1: {  	v54 =	vld.idx.msk [tilespmem:v45+s23+$0x0], $0xffff;
	v57 =	vadd.s32 v7, v21;
	[tilespmem:s28+$0x50] =	vst v25  }
0x1e2: {  	v56 =	vadd.s32 v15, v19;
	[tilespmem:s17+$0x50] =	vst v49;
	v22 =	vld.idx.msk [tilespmem:v47+s23+$0x0], $0xffff  }
0x1e3: {  	v58 =	vadd.s32 v7, v18;
	v30 =	vld.idx.msk [tilespmem:v52+s23+$0x0], $0xffff;
	[tilespmem:s29+$0x50] =	vst v48  }
0x1e4: {  	[tilespmem:s18+$0x450] =	vst v29;
	v61 =	vadd.s32 v7, v23;
	v59 =	vld.idx.msk [tilespmem:v50+s23+$0x0], $0xffff  }
0x1e5: {  	v60 =	vadd.s32 v7, v24;
	v51 =	vld.idx.msk [tilespmem:v42+s23+$0x0], $0xffff;
	[tilespmem:s25+$0x60] =	vst v55  }
0x1e6: {  	[tilespmem:s24+$0x460] =	vst v54;
	v53 =	vadd.s32 v15, v20;
	v62 =	vld.idx.msk [tilespmem:v57+s23+$0x0], $0xffff  }
0x1e7: {  	v36 =	vadd.s32 v8, v21;
	v19 =	vld.idx.msk [tilespmem:v56+s23+$0x0], $0xffff;
	[tilespmem:s28+$0x60] =	vst v22  }
0x1e8: {  	v42 =	vadd.s32 v9, v17;
	[tilespmem:s17+$0x60] =	vst v30;
	v63 =	vld.idx.msk [tilespmem:v58+s23+$0x0], $0xffff  }
0x1e9: {  	v37 =	vadd.s32 v8, v18;
	v39 =	vld.idx.msk [tilespmem:v61+s23+$0x0], $0xffff;
	[tilespmem:s29+$0x60] =	vst v59  }
0x1ea: {  	[tilespmem:s18+$0x460] =	vst v51;
	v41 =	vadd.s32 v8, v23;
	v38 =	vld.idx.msk [tilespmem:v60+s23+$0x0], $0xffff  }
0x1eb: {  	v20 =	vld.idx.msk [tilespmem:v53+s23+$0x0], $0xffff;
	v40 =	vadd.s32 v8, v24;
	[tilespmem:s25+$0x70] =	vst v62  }
0x1ec: {  	v43 =	vadd.s32 v9, v16;
	[tilespmem:s24+$0x470] =	vst v19;
	v44 =	vld.idx.msk [tilespmem:v36+s23+$0x0], $0xffff  }
0x1ed: {  	v46 =	vadd.s32 v9, v21;
	v50 =	vld.idx.msk [tilespmem:v42+s23+$0x0], $0xffff;
	[tilespmem:s28+$0x70] =	vst v63  }
0x1ee: {  	v52 =	vadd.s32 v10, v17;
	[tilespmem:s17+$0x70] =	vst v39;
	v45 =	vld.idx.msk [tilespmem:v37+s23+$0x0], $0xffff  }
0x1ef: {  	v47 =	vadd.s32 v9, v18;
	v19 =	vld.idx.msk [tilespmem:v41+s23+$0x0], $0xffff;
	[tilespmem:s29+$0x70] =	vst v38  }
0x1f0: {  	v51 =	vadd.s32 v9, v23;
	[tilespmem:s18+$0x470] =	vst v20;
	v48 =	vld.idx.msk [tilespmem:v40+s23+$0x0], $0xffff  }
0x1f1: {  	v49 =	vadd.s32 v9, v24;
	v22 =	vld.idx.msk [tilespmem:v43+s23+$0x0], $0xffff;
	[tilespmem:s25+$0x400] =	vst v44  }
0x1f2: {  	v53 =	vadd.s32 v10, v16;
	v54 =	vld.idx.msk [tilespmem:v46+s23+$0x0], $0xffff;
	[tilespmem:s8+$0x410] =	vst v50  }
0x1f3: {  	v56 =	vadd.s32 v10, v21;
	v61 =	vld.idx.msk [tilespmem:v52+s23+$0x0], $0xffff;
	[tilespmem:s28+$0x400] =	vst v45  }
0x1f4: {  	v63 =	vadd.s32 v11, v17;
	[tilespmem:s17+$0x400] =	vst v19;
	v55 =	vld.idx.msk [tilespmem:v47+s23+$0x0], $0xffff  }
0x1f5: {  	v57 =	vadd.s32 v10, v18;
	v59 =	vld.idx.msk [tilespmem:v51+s23+$0x0], $0xffff;
	[tilespmem:s29+$0x400] =	vst v48  }
0x1f6: {  	v62 =	vadd.s32 v10, v23;
	[tilespmem:s6+$0x410] =	vst v22;
	v58 =	vld.idx.msk [tilespmem:v49+s23+$0x0], $0xffff  }
0x1f7: {  	v25 =	vld.idx.msk [tilespmem:v53+s23+$0x0], $0xffff;
	v60 =	vadd.s32 v10, v24;
	[tilespmem:s25+$0x410] =	vst v54  }
0x1f8: {  	v36 =	vadd.s32 v11, v16;
	v30 =	vld.idx.msk [tilespmem:v56+s23+$0x0], $0xffff;
	[tilespmem:s8+$0x420] =	vst v61  }
0x1f9: {  	v37 =	vadd.s32 v11, v21;
	v31 =	vld.idx.msk [tilespmem:v63+s23+$0x0], $0xffff;
	[tilespmem:s28+$0x410] =	vst v55  }
0x1fa: {  	v41 =	vadd.s32 v12, v17;
	[tilespmem:s17+$0x410] =	vst v59;
	v20 =	vld.idx.msk [tilespmem:v57+s23+$0x0], $0xffff  }
0x1fb: {  	v38 =	vadd.s32 v11, v18;
	v22 =	vld.idx.msk [tilespmem:v62+s23+$0x0], $0xffff;
	[tilespmem:s29+$0x410] =	vst v58  }
0x1fc: {  	[tilespmem:s6+$0x420] =	vst v25;
	v40 =	vadd.s32 v11, v23;
	v27 =	vld.idx.msk [tilespmem:v60+s23+$0x0], $0xffff  }
0x1fd: {  	v39 =	vadd.s32 v11, v24;
	v28 =	vld.idx.msk [tilespmem:v36+s23+$0x0], $0xffff;
	[tilespmem:s25+$0x420] =	vst v30  }
0x1fe: {  	v42 =	vadd.s32 v12, v16;
	v29 =	vld.idx.msk [tilespmem:v37+s23+$0x0], $0xffff;
	[tilespmem:s8+$0x430] =	vst v31  }
0x1ff: {  	v43 =	vadd.s32 v12, v21;
	v31 =	vld.idx.msk [tilespmem:v41+s23+$0x0], $0xffff;
	[tilespmem:s28+$0x420] =	vst v20  }
0x200: {  	v47 =	vadd.s32 v13, v17;
	[tilespmem:s17+$0x420] =	vst v22;
	v19 =	vld.idx.msk [tilespmem:v38+s23+$0x0], $0xffff  }
0x201: {  	v44 =	vadd.s32 v12, v18;
	v25 =	vld.idx.msk [tilespmem:v40+s23+$0x0], $0xffff;
	[tilespmem:s29+$0x420] =	vst v27  }
0x202: {  	v46 =	vadd.s32 v12, v23;
	[tilespmem:s6+$0x430] =	vst v28;
	v26 =	vld.idx.msk [tilespmem:v39+s23+$0x0], $0xffff  }
0x203: {  	v45 =	vadd.s32 v12, v24;
	v30 =	vld.idx.msk [tilespmem:v42+s23+$0x0], $0xffff;
	[tilespmem:s25+$0x430] =	vst v29  }
0x204: {  	v48 =	vadd.s32 v13, v16;
	v20 =	vld.idx.msk [tilespmem:v43+s23+$0x0], $0xffff;
	[tilespmem:s8+$0x440] =	vst v31  }
0x205: {  	v49 =	vadd.s32 v13, v21;
	v31 =	vld.idx.msk [tilespmem:v47+s23+$0x0], $0xffff;
	[tilespmem:s28+$0x430] =	vst v19  }
0x206: {  	v53 =	vadd.s32 v14, v17;
	[tilespmem:s17+$0x430] =	vst v25;
	v27 =	vld.idx.msk [tilespmem:v44+s23+$0x0], $0xffff  }
0x207: {  	v50 =	vadd.s32 v13, v18;
	v28 =	vld.idx.msk [tilespmem:v46+s23+$0x0], $0xffff;
	[tilespmem:s29+$0x430] =	vst v26  }
0x208: {  	v52 =	vadd.s32 v13, v23;
	[tilespmem:s6+$0x440] =	vst v30;
	v22 =	vld.idx.msk [tilespmem:v45+s23+$0x0], $0xffff  }
0x209: {  	v51 =	vadd.s32 v13, v24;
	v29 =	vld.idx.msk [tilespmem:v48+s23+$0x0], $0xffff;
	[tilespmem:s25+$0x440] =	vst v20  }
0x20a: {  	v54 =	vadd.s32 v14, v16;
	v19 =	vld.idx.msk [tilespmem:v49+s23+$0x0], $0xffff;
	[tilespmem:s8+$0x450] =	vst v31  }
0x20b: {  	v55 =	vadd.s32 v14, v21;
	v31 =	vld.idx.msk [tilespmem:v53+s23+$0x0], $0xffff;
	[tilespmem:s28+$0x440] =	vst v27  }
0x20c: {  	v17 =	vadd.s32 v15, v17;
	[tilespmem:s17+$0x440] =	vst v28;
	v26 =	vld.idx.msk [tilespmem:v50+s23+$0x0], $0xffff  }
0x20d: {  	v56 =	vadd.s32 v14, v18;
	v30 =	vld.idx.msk [tilespmem:v52+s23+$0x0], $0xffff;
	[tilespmem:s29+$0x440] =	vst v22  }
0x20e: {  	v58 =	vadd.s32 v14, v23;
	[tilespmem:s6+$0x450] =	vst v29;
	v25 =	vld.idx.msk [tilespmem:v51+s23+$0x0], $0xffff  }
0x20f: {  	v57 =	vadd.s32 v14, v24;
	v20 =	vld.idx.msk [tilespmem:v54+s23+$0x0], $0xffff;
	[tilespmem:s25+$0x450] =	vst v19  }
0x210: {  	v19 =	vld.idx.msk [tilespmem:v55+s23+$0x0], $0xffff;
	[tilespmem:s8+$0x460] =	vst v31  }
0x211: {  	v16 =	vadd.s32 v15, v16;
	v17 =	vld.idx.msk [tilespmem:v17+s23+$0x0], $0xffff;
	[tilespmem:s28+$0x450] =	vst v26  }
0x212: {  	v59 =	vadd.s32 v15, v21;
	[tilespmem:s17+$0x450] =	vst v30;
	v22 =	vld.idx.msk [tilespmem:v56+s23+$0x0], $0xffff  }
0x213: {  	v60 =	vadd.s32 v15, v18;
	v61 =	vld.idx.msk [tilespmem:v58+s23+$0x0], $0xffff;
	[tilespmem:s29+$0x450] =	vst v25  }
0x214: {  	v62 =	vadd.s32 v15, v23;
	[tilespmem:s6+$0x460] =	vst v20;
	v25 =	vld.idx.msk [tilespmem:v57+s23+$0x0], $0xffff  }
0x215: {  	v24 =	vadd.s32 v15, v24;
	[tilespmem:s25+$0x460] =	vst v19  }
0x216: {  	v16 =	vld.idx.msk [tilespmem:v16+s23+$0x0], $0xffff;
	[tilespmem:s8+$0x470] =	vst v17  }
0x217: {  	v19 =	vld.idx.msk [tilespmem:v59+s23+$0x0], $0xffff;
	[tilespmem:s28+$0x460] =	vst v22  }
0x218: {  	[tilespmem:s17+$0x460] =	vst v61;
	v18 =	vld.idx.msk [tilespmem:v60+s23+$0x0], $0xffff  }
0x219: {  	v17 =	vld.idx.msk [tilespmem:v62+s23+$0x0], $0xffff;
	[tilespmem:s29+$0x460] =	vst v25  }
0x21a: {  	v63 =	vld.idx.msk [tilespmem:v24+s23+$0x0], $0xffff  }
0x21b: {  	[tilespmem:s6+$0x470] =	vst v16  }
0x21c: {  	s24 =	sshll.u32 s1, $0xB;
	[tilespmem:s25+$0x470] =	vst v19;
	s25 =	sshll.u32 s1, $0x8  }
0x21d: {  	s2 =	sand.u32 $0xFFF8000, s24;
	s1 =	sand.u32 $0xF00, s25;
	[tilespmem:s28+$0x470] =	vst v18  }
0x21e: {  	s26 =	rddreg [dreg:$0x1];
	s1 =	sor.u32 s1, s2;
	[tilespmem:s17+$0x470] =	vst v17  }
0x21f: {  	s2 =	sadd.s32 s26, s1;
	s28 =	simm.s32 $0x10A00;
	[tilespmem:s29+$0x470] =	vst v63  }
0x220: {  	[hbm4b:s2+s3] =	stream.linear.scatter [tilespmem:s28], [sflag:$0x6], $0x800, $0x38;
	[tilespmem:$0x14A00] =	vst v63  }
0x221: {  	s30 =	simm.s32 $0x11200;
	s29 =	sadd.s32 s1, s9  }
0x222: {  	[hbm4b:s29+s3] =	stream.linear.scatter [tilespmem:s30], [sflag:$0x6], $0x800, $0x38;
	[tilespmem:$0x14A00] =	vst v63  }
0x223: {  	s8 =	simm.s32 $0x11A00;
	s6 =	sadd.s32 s1, s10  }
0x224: {  	[hbm4b:s6+s3] =	stream.linear.scatter [tilespmem:s8], [sflag:$0x6], $0x800, $0x38;
	[tilespmem:$0x14A00] =	vst v63  }
0x225: {  	s18 =	simm.s32 $0x12200;
	s17 =	sadd.s32 s1, s11  }
0x226: {  	[hbm4b:s17+s3] =	stream.linear.scatter [tilespmem:s18], [sflag:$0x6], $0x800, $0x38;
	[tilespmem:$0x14A00] =	vst v63  }
0x227: {  	s24 =	simm.s32 $0x12A00;
	s19 =	sadd.s32 s1, s12  }
0x228: {  	[hbm4b:s19+s3] =	stream.linear.scatter [tilespmem:s24], [sflag:$0x6], $0x800, $0x38;
	[tilespmem:$0x14A00] =	vst v63  }
0x229: {  	s25 =	sadd.s32 s1, s13;
	s26 =	simm.s32 $0x13200  }
0x22a: {  	[hbm4b:s25+s3] =	stream.linear.scatter [tilespmem:s26], [sflag:$0x6], $0x800, $0x38;
	[tilespmem:$0x14A00] =	vst v63  }
.Ltmp7:
0x22b: {  	_ = 	snop;
	(pc) =	sbr.rel .LBB2_13-.Ltmp7, $4  }
0x22c: {  	s28 =	sadd.s32 s1, s14;
	s29 =	simm.s32 $0x13A00  }
0x22d: {  	[hbm4b:s28+s3] =	stream.linear.scatter [tilespmem:s29], [sflag:$0x6], $0x800, $0x38;
	[tilespmem:$0x14A00] =	vst v63  }
0x22e: {  	s1 =	sadd.s32 s1, s15;
	s30 =	simm.s32 $0x14200  }
0x22f: {  	[hbm4b:s1+s3] =	stream.linear.scatter [tilespmem:s30], [sflag:$0x6], $0x800, $0x38;
	[tilespmem:$0x14A00] =	vst v63  }
.LBB2_3:
0x230: {  	_ =	swait.ge [sflag:s20], $0x100  }
0x231: {  	s2 =	simm.s32 $0x100;
	[sflag:s20] =	ssyncset.done $0x0  }
0x232: {  	s4 =	simm.s32 $0x4200;
	p0 =	sgt.u32 s31, $0x61;
	[sflag:s20] =	ssyncadd.s32 $0xFFFFFF00  }
0x233: {  	[tilespmem:s4], [sflag:$0x4] =	stream.indirect.gather [hbm4b:s5+s2], $0x40, s2, s2, $0xb8;
	[tilespmem:$0x14A00] =	vst v63  }
0x234: {  	s2 =	sshll.u32 @!p0 s1, $0x5  }
0x235: {  	s6 =	simm.s32 @!p0 $0x0;
	_ =	swait.ge [sflag:s16], $0x4000;
	s2 =	sadd.s32 @!p0 $0x40, s2  }
0x236: {  	[sflag:s16] =	ssyncset.done $0x0;
	s2 =	sand.u32 @!p0 $0xFFFFFC0, s2;
	s4 =	rddreg [dreg:$0x3]  }
0x237: {  	p1 =	slt.u32 @!p0 s31, $0x2;
	[sflag:s16] =	ssyncadd.s32 $0xFFFFC000;
	s2 =	sadd.s32 @!p0 s4, s2  }
0x238: {  	[tilespmem:s6], [sflag:$0x1] =	stream.linear.gather @!p0 [hbm4b:s2+s6], $0x100, $0x38;
	[tilespmem:$0x14A00] =	vst v63  }
0x239: {  	p0 =	por p0, !p1  }
0x23a: {  	_ =	swait.ge @p0 [sflag:s0], $0x800  }
0x23b: {  	[sflag:s0] =	ssyncset.done @p0 $0x0  }
0x23c: {  	[sflag:s0] =	ssyncadd.s32 @p0 $0xFFFFF800  }
0x23d: {  	_ =	swait.ge @p0 [sflag:s0], $0x800  }
0x23e: {  	[sflag:s0] =	ssyncset.done @p0 $0x0  }
0x23f: {  	[sflag:s0] =	ssyncadd.s32 @p0 $0xFFFFF800  }
0x240: {  	_ =	swait.ge @p0 [sflag:s0], $0x800  }
0x241: {  	[sflag:s0] =	ssyncset.done @p0 $0x0  }
0x242: {  	[sflag:s0] =	ssyncadd.s32 @p0 $0xFFFFF800  }
0x243: {  	_ =	swait.ge @p0 [sflag:s0], $0x800  }
0x244: {  	[sflag:s0] =	ssyncset.done @p0 $0x0  }
0x245: {  	[sflag:s0] =	ssyncadd.s32 @p0 $0xFFFFF800  }
0x246: {  	_ =	swait.ge @p0 [sflag:s0], $0x800  }
0x247: {  	[sflag:s0] =	ssyncset.done @p0 $0x0  }
0x248: {  	[sflag:s0] =	ssyncadd.s32 @p0 $0xFFFFF800  }
0x249: {  	_ =	swait.ge @p0 [sflag:s0], $0x800  }
0x24a: {  	[sflag:s0] =	ssyncset.done @p0 $0x0  }
0x24b: {  	[sflag:s0] =	ssyncadd.s32 @p0 $0xFFFFF800  }
0x24c: {  	_ =	swait.ge @p0 [sflag:s0], $0x800  }
0x24d: {  	[sflag:s0] =	ssyncset.done @p0 $0x0  }
0x24e: {  	[sflag:s0] =	ssyncadd.s32 @p0 $0xFFFFF800  }
0x24f: {  	_ =	swait.ge @p0 [sflag:s0], $0x800  }
0x250: {  	[sflag:s0] =	ssyncset.done @p0 $0x0  }
0x251: {  	s30 =	simm.s32 $0x300;
	[sflag:s0] =	ssyncadd.s32 @p0 $0xFFFFF800  }
0x252: {  	v16 =	vld [tilespmem:s30+$0xC0]  }
0x253: {  	v17 =	vld [tilespmem:s30+$0xFFFFFF40]  }
0x254: {  	v18 =	vld [tilespmem:s30+$0xFFFFFF80]  }
0x255: {  	v19 =	vld [tilespmem:s30+$0xFFFFFFC0]  }
0x256: {  	s6 =	simm.s32 $0x8320;
	v20 =	vld [tilespmem:s30+$0x0]  }
0x257: {  	v21 =	vld [tilespmem:s30+$0x40];
	[tilespmem:s6+$0xD8] =	vst v16  }
0x258: {  	[tilespmem:s6+$0xFFFFFF28] =	vst v17;
	v17 =	vld [tilespmem:s30+$0x80]  }
0x259: {  	[tilespmem:s6+$0xFFFFFF70] =	vst v18;
	v18 =	vld [tilespmem:s30+$0xFFFFFF00]  }
0x25a: {  	[tilespmem:s6+$0xFFFFFFB8] =	vst v19;
	v16 =	vld [tilespmem:s30+$0xD0]  }
0x25b: {  	[tilespmem:s6+$0x0] =	vst v20;
	v19 =	vld [tilespmem:s30+$0xFFFFFF50]  }
0x25c: {  	[tilespmem:s6+$0x48] =	vst v21;
	v20 =	vld [tilespmem:s30+$0xFFFFFF90]  }
0x25d: {  	v21 =	vld [tilespmem:s30+$0xFFFFFFD0];
	[tilespmem:s6+$0x90] =	vst v17  }
0x25e: {  	[tilespmem:s6+$0xFFFFFEE0] =	vst v18;
	v17 =	vld [tilespmem:s30+$0x10]  }
0x25f: {  	[tilespmem:s6+$0xE8] =	vst v16;
	v18 =	vld [tilespmem:s30+$0xFFFFFF10]  }
0x260: {  	[tilespmem:s6+$0xFFFFFF38] =	vst v19;
	v19 =	vld [tilespmem:s30+$0x50]  }
0x261: {  	[tilespmem:s6+$0xFFFFFF80] =	vst v20;
	v20 =	vld [tilespmem:s30+$0x90]  }
0x262: {  	[tilespmem:s6+$0xFFFFFFC8] =	vst v21;
	v16 =	vld [tilespmem:s30+$0xE0]  }
0x263: {  	v21 =	vld [tilespmem:s30+$0xFFFFFF60];
	[tilespmem:s6+$0x10] =	vst v17  }
0x264: {  	v17 =	vld [tilespmem:s30+$0xFFFFFFA0];
	[tilespmem:s6+$0xFFFFFEF0] =	vst v18  }
0x265: {  	[tilespmem:s6+$0x58] =	vst v19;
	v19 =	vld [tilespmem:s30+$0xFFFFFFE0]  }
0x266: {  	[tilespmem:s6+$0xA0] =	vst v20;
	v18 =	vld [tilespmem:s30+$0xFFFFFF20]  }
0x267: {  	v20 =	vld [tilespmem:s30+$0x20];
	[tilespmem:s6+$0xF8] =	vst v16  }
0x268: {  	[tilespmem:s6+$0xFFFFFF48] =	vst v21;
	v21 =	vld [tilespmem:s30+$0x60]  }
0x269: {  	v16 =	vld [tilespmem:s30+$0xF0];
	[tilespmem:s6+$0xFFFFFF90] =	vst v17  }
0x26a: {  	v22 =	vld [tilespmem:s30+$0xA0];
	[tilespmem:s6+$0xFFFFFFD8] =	vst v19  }
0x26b: {  	v23 =	vld [tilespmem:s30+$0xFFFFFF70];
	[tilespmem:s6+$0xFFFFFF00] =	vst v18  }
0x26c: {  	[tilespmem:s6+$0x20] =	vst v20;
	v24 =	vld [tilespmem:s30+$0xFFFFFF30]  }
0x26d: {  	v17 =	vld [tilespmem:s30+$0xFFFFFFB0];
	[tilespmem:s6+$0x68] =	vst v21  }
0x26e: {  	[tilespmem:s6+$0x108] =	vst v16;
	v16 =	vld [tilespmem:s30+$0xFFFFFFF0]  }
0x26f: {  	v18 =	vld [tilespmem:s30+$0x30];
	[tilespmem:s6+$0xB0] =	vst v22  }
0x270: {  	[tilespmem:s6+$0xFFFFFF58] =	vst v23;
	v19 =	vld [tilespmem:s30+$0x70]  }
0x271: {  	s18 =	simm.s32 $0x0;
	s8 =	simm.s32 $0x80;
	s19 =	simm.s32 $0x500;
	v20 =	vld [tilespmem:s30+$0xB0];
	[tilespmem:s6+$0xFFFFFF10] =	vst v24  }
.LBB2_4:
0x272: {  	v21 =	vld [tilespmem:s19+$0xC0];
	s18 =	sadd.s32 $0x8, s18;
	[tilespmem:s6+$0xFFFFFFA0] =	vst v17  }
0x273: {  	v17 =	vld [tilespmem:s19+$0xFFFFFF40];
	p0 =	slt.u32 s18, $0xF8;
	[tilespmem:s6+$0xFFFFFFE8] =	vst v16  }
0x274: {  	v16 =	vld [tilespmem:s19+$0xFFFFFF80];
	[tilespmem:s6+$0x30] =	vst v18  }
0x275: {  	v18 =	vld [tilespmem:s19+$0xFFFFFFC0];
	[tilespmem:s6+$0x78] =	vst v19  }
0x276: {  	v19 =	vld [tilespmem:s19+$0x0];
	[tilespmem:s6+$0xC0] =	vst v20;
	s6 =	sadd.s32 $0x240, s6  }
0x277: {  	v20 =	vld [tilespmem:s19+$0x40];
	[tilespmem:s6+$0xD8] =	vst v21  }
0x278: {  	[tilespmem:s6+$0xFFFFFF28] =	vst v17;
	v17 =	vld [tilespmem:s19+$0xD0]  }
0x279: {  	[tilespmem:s6+$0xFFFFFF70] =	vst v16;
	v16 =	vld [tilespmem:s19+$0x80]  }
0x27a: {  	v21 =	vld [tilespmem:s19+$0xFFFFFF00];
	[tilespmem:s6+$0xFFFFFFB8] =	vst v18  }
0x27b: {  	v18 =	vld [tilespmem:s19+$0xFFFFFF50];
	[tilespmem:s6+$0x0] =	vst v19  }
0x27c: {  	v19 =	vld [tilespmem:s19+$0xFFFFFF90];
	[tilespmem:s6+$0x48] =	vst v20  }
0x27d: {  	v20 =	vld [tilespmem:s19+$0xFFFFFFD0];
	[tilespmem:s6+$0xE8] =	vst v17  }
0x27e: {  	[tilespmem:s6+$0x90] =	vst v16;
	v16 =	vld [tilespmem:s19+$0xE0]  }
0x27f: {  	[tilespmem:s6+$0xFFFFFEE0] =	vst v21;
	v17 =	vld [tilespmem:s19+$0x10]  }
0x280: {  	v21 =	vld [tilespmem:s19+$0xFFFFFF10];
	[tilespmem:s6+$0xFFFFFF38] =	vst v18  }
0x281: {  	[tilespmem:s6+$0xFFFFFF80] =	vst v19;
	v18 =	vld [tilespmem:s19+$0x50]  }
0x282: {  	[tilespmem:s6+$0xFFFFFFC8] =	vst v20;
	v19 =	vld [tilespmem:s19+$0x90]  }
0x283: {  	v20 =	vld [tilespmem:s19+$0xFFFFFF60];
	[tilespmem:s6+$0xF8] =	vst v16  }
0x284: {  	[tilespmem:s6+$0x10] =	vst v17;
	v16 =	vld [tilespmem:s19+$0xF0]  }
0x285: {  	[tilespmem:s6+$0xFFFFFEF0] =	vst v21;
	v17 =	vld [tilespmem:s19+$0xFFFFFFA0]  }
0x286: {  	v21 =	vld [tilespmem:s19+$0xFFFFFF20];
	[tilespmem:s6+$0x58] =	vst v18  }
0x287: {  	v18 =	vld [tilespmem:s19+$0xFFFFFFE0];
	[tilespmem:s6+$0xA0] =	vst v19  }
0x288: {  	[tilespmem:s6+$0xFFFFFF48] =	vst v20;
	v19 =	vld [tilespmem:s19+$0x20]  }
0x289: {  	s24 =	simm.s32 $0x0;
	v20 =	vld [tilespmem:s19+$0x60];
	[tilespmem:s6+$0x108] =	vst v16  }
0x28a: {  	[tilespmem:s6+$0xFFFFFF90] =	vst v17;
	v22 =	vld [tilespmem:s19+$0xA0]  }
0x28b: {  	[tilespmem:s6+$0xFFFFFF00] =	vst v21;
	v21 =	vld [tilespmem:s19+$0xFFFFFF70]  }
0x28c: {  	v23 =	vld [tilespmem:s19+$0xFFFFFF30];
	[tilespmem:s6+$0xFFFFFFD8] =	vst v18  }
.Ltmp8:
0x28d: {  	v17 =	vld [tilespmem:s19+$0xFFFFFFB0];
	[tilespmem:s6+$0x20] =	vst v19;
	(pc) =	sbr.rel @p0 .LBB2_4-.Ltmp8, $4  }
0x28e: {  	v16 =	vld [tilespmem:s19+$0xFFFFFFF0];
	[tilespmem:s6+$0x68] =	vst v20  }
0x28f: {  	v18 =	vld [tilespmem:s19+$0x30];
	[tilespmem:s6+$0xB0] =	vst v22  }
0x290: {  	[tilespmem:s6+$0xFFFFFF58] =	vst v21;
	v19 =	vld [tilespmem:s19+$0x70]  }
0x291: {  	[tilespmem:s6+$0xFFFFFF10] =	vst v23;
	v20 =	vld [tilespmem:s19+$0xB0];
	s19 =	sadd.s32 $0x200, s19  }
0x292: {  	s2 =	simm.s32 $0x1  }
0x293: {  	v21 =	vmov s2  }
0x294: {  	v23 =	vand.u32 $0x3F, v21  }
0x295: {  	[tilespmem:s6+$0xFFFFFFA0] =	vst v17;
	v17 =	vadd.s32 v0, v23  }
0x296: {  	[tilespmem:s6+$0xFFFFFFE8] =	vst v16  }
0x297: {  	[tilespmem:s6+$0x30] =	vst v18  }
0x298: {  	v16 =	vmov s24;
	[tilespmem:s6+$0x78] =	vst v19  }
0x299: {  	v22 =	vand.u32 $0x3E, v16;
	[tilespmem:s6+$0xC0] =	vst v20  }
0x29a: {  	v16 =	vadd.s32 v0, v22;
	v17 =	vld.idx.msk [tilespmem:v17+s23+$0x0], $0xffff  }
0x29b: {  	v18 =	vadd.s32 v1, v23  }
0x29c: {  	s25 =	sand.u32 $0x3800, s24  }
0x29d: {  	s26 =	sand.u32 $0x380, s8;
	s2 =	sadd.s32 $0xCA00, s25  }
0x29e: {  	s29 =	sadd.s32 s26, s2  }
0x29f: {  	v16 =	vld.idx.msk [tilespmem:v16+s23+$0x0], $0xffff;
	[tilespmem:s29+$0x0] =	vst v17  }
0x2a0: {  	v17 =	vadd.s32 v1, v22;
	v18 =	vld.idx.msk [tilespmem:v18+s23+$0x0], $0xffff  }
0x2a1: {  	s4 =	simm.s32 $0x0;
	v19 =	vadd.s32 v2, v23  }
0x2a2: {  	s6 =	sand.u32 $0x300, s4  }
0x2a3: {  	s26 =	sadd.s32 s6, s2  }
0x2a4: {  	[tilespmem:s26+$0x0] =	vst v16  }
0x2a5: {  	v16 =	vld.idx.msk [tilespmem:v17+s23+$0x0], $0xffff;
	[tilespmem:s29+$0x10] =	vst v18  }
0x2a6: {  	v17 =	vadd.s32 v2, v22;
	v18 =	vld.idx.msk [tilespmem:v19+s23+$0x0], $0xffff  }
0x2a7: {  	v19 =	vadd.s32 v3, v23;
	_ =	sdelay $0x2  }
0x2a8: {  	[tilespmem:s26+$0x10] =	vst v16  }
0x2a9: {  	v16 =	vld.idx.msk [tilespmem:v17+s23+$0x0], $0xffff;
	[tilespmem:s29+$0x20] =	vst v18  }
0x2aa: {  	v17 =	vadd.s32 v3, v22;
	v18 =	vld.idx.msk [tilespmem:v19+s23+$0x0], $0xffff  }
0x2ab: {  	s8 =	simm.s32 $0x3;
	v21 =	vadd.s32 v4, v23  }
0x2ac: {  	s17 =	simm.s32 $0x2;
	v19 =	vmov s8  }
0x2ad: {  	v24 =	vmov s17;
	v20 =	vand.u32 $0x3F, v19  }
0x2ae: {  	v19 =	vand.u32 $0x3E, v24;
	[tilespmem:s26+$0x20] =	vst v16;
	v16 =	vadd.s32 v0, v20  }
0x2af: {  	v24 =	vadd.s32 v0, v19;
	v17 =	vld.idx.msk [tilespmem:v17+s23+$0x0], $0xffff;
	[tilespmem:s29+$0x30] =	vst v18  }
0x2b0: {  	v18 =	vadd.s32 v4, v22;
	v21 =	vld.idx.msk [tilespmem:v21+s23+$0x0], $0xffff  }
0x2b1: {  	v25 =	vadd.s32 v5, v23;
	_ =	sdelay $0x1  }
0x2b2: {  	v16 =	vld.idx.msk [tilespmem:v16+s23+$0x0], $0xffff  }
0x2b3: {  	s18 =	simm.s32 $0x200;
	v24 =	vld.idx.msk [tilespmem:v24+s23+$0x0], $0xffff;
	[tilespmem:s26+$0x30] =	vst v17;
	v17 =	vadd.s32 v1, v20  }
0x2b4: {  	s19 =	simm.s32 $0x180;
	s2 =	sand.u32 $0x3800, s18;
	v18 =	vld.idx.msk [tilespmem:v18+s23+$0x0], $0xffff;
	[tilespmem:s29+$0x40] =	vst v21;
	v21 =	vadd.s32 v1, v19  }
0x2b5: {  	s24 =	simm.s32 $0x100;
	v26 =	vadd.s32 v5, v22;
	s6 =	sand.u32 $0x380, s19;
	s2 =	sadd.s32 $0xCA00, s2;
	v25 =	vld.idx.msk [tilespmem:v25+s23+$0x0], $0xffff  }
0x2b6: {  	v27 =	vadd.s32 v6, v23;
	s18 =	sadd.s32 s6, s2;
	s8 =	sand.u32 $0x300, s24  }
0x2b7: {  	s24 =	sadd.s32 s8, s2;
	[tilespmem:s18+$0x0] =	vst v16  }
0x2b8: {  	[tilespmem:s24+$0x0] =	vst v24;
	v16 =	vld.idx.msk [tilespmem:v17+s23+$0x0], $0xffff  }
0x2b9: {  	[tilespmem:s26+$0x40] =	vst v18;
	v18 =	vadd.s32 v2, v20;
	v17 =	vld.idx.msk [tilespmem:v21+s23+$0x0], $0xffff  }
0x2ba: {  	v24 =	vadd.s32 v2, v19;
	v21 =	vld.idx.msk [tilespmem:v26+s23+$0x0], $0xffff;
	[tilespmem:s29+$0x50] =	vst v25  }
0x2bb: {  	v25 =	vadd.s32 v6, v22;
	v26 =	vld.idx.msk [tilespmem:v27+s23+$0x0], $0xffff  }
0x2bc: {  	v27 =	vadd.s32 v7, v23  }
0x2bd: {  	[tilespmem:s18+$0x10] =	vst v16  }
0x2be: {  	v16 =	vld.idx.msk [tilespmem:v18+s23+$0x0], $0xffff;
	[tilespmem:s24+$0x10] =	vst v17  }
0x2bf: {  	v18 =	vadd.s32 v3, v20;
	[tilespmem:s26+$0x50] =	vst v21;
	v17 =	vld.idx.msk [tilespmem:v24+s23+$0x0], $0xffff  }
0x2c0: {  	v21 =	vld.idx.msk [tilespmem:v25+s23+$0x0], $0xffff;
	v24 =	vadd.s32 v3, v19;
	[tilespmem:s29+$0x60] =	vst v26  }
0x2c1: {  	v25 =	vadd.s32 v7, v22;
	v26 =	vld.idx.msk [tilespmem:v27+s23+$0x0], $0xffff  }
0x2c2: {  	v27 =	vadd.s32 v8, v23  }
0x2c3: {  	[tilespmem:s18+$0x20] =	vst v16  }
0x2c4: {  	v18 =	vld.idx.msk [tilespmem:v18+s23+$0x0], $0xffff;
	[tilespmem:s24+$0x20] =	vst v17  }
0x2c5: {  	[tilespmem:s26+$0x60] =	vst v21;
	v21 =	vld.idx.msk [tilespmem:v24+s23+$0x0], $0xffff;
	v24 =	vadd.s32 v4, v20  }
0x2c6: {  	s25 =	simm.s32 $0x5;
	v25 =	vld.idx.msk [tilespmem:v25+s23+$0x0], $0xffff;
	[tilespmem:s29+$0x70] =	vst v26;
	v26 =	vadd.s32 v4, v19  }
0x2c7: {  	v28 =	vadd.s32 v8, v22;
	s4 =	simm.s32 $0x4;
	v16 =	vmov s25;
	v27 =	vld.idx.msk [tilespmem:v27+s23+$0x0], $0xffff  }
0x2c8: {  	v30 =	vadd.s32 v9, v23;
	v29 =	vmov s4;
	v17 =	vand.u32 $0x3F, v16  }
0x2c9: {  	v16 =	vand.u32 $0x3E, v29;
	v29 =	vadd.s32 v0, v17;
	[tilespmem:s18+$0x30] =	vst v18  }
0x2ca: {  	v18 =	vadd.s32 v0, v16;
	[tilespmem:s24+$0x30] =	vst v21;
	v21 =	vld.idx.msk [tilespmem:v24+s23+$0x0], $0xffff  }
0x2cb: {  	[tilespmem:s26+$0x70] =	vst v25;
	v25 =	vadd.s32 v5, v20;
	v24 =	vld.idx.msk [tilespmem:v26+s23+$0x0], $0xffff  }
0x2cc: {  	v26 =	vld.idx.msk [tilespmem:v28+s23+$0x0], $0xffff;
	[tilespmem:s29+$0x400] =	vst v27;
	v27 =	vadd.s32 v5, v19  }
0x2cd: {  	v28 =	vadd.s32 v9, v22;
	v30 =	vld.idx.msk [tilespmem:v30+s23+$0x0], $0xffff  }
0x2ce: {  	v31 =	vadd.s32 v10, v23;
	v29 =	vld.idx.msk [tilespmem:v29+s23+$0x0], $0xffff  }
0x2cf: {  	s6 =	simm.s32 $0x400;
	v32 =	vadd.s32 v1, v17;
	v18 =	vld.idx.msk [tilespmem:v18+s23+$0x0], $0xffff;
	[tilespmem:s18+$0x40] =	vst v21  }
0x2d0: {  	s2 =	sand.u32 $0x3800, s6;
	s8 =	simm.s32 $0x280;
	v21 =	vadd.s32 v1, v16;
	[tilespmem:s24+$0x40] =	vst v24;
	v24 =	vld.idx.msk [tilespmem:v25+s23+$0x0], $0xffff  }
0x2d1: {  	s17 =	simm.s32 $0x200;
	s2 =	sadd.s32 $0xCA00, s2;
	s6 =	sand.u32 $0x380, s8;
	[tilespmem:s26+$0x400] =	vst v26;
	v26 =	vadd.s32 v6, v20;
	v25 =	vld.idx.msk [tilespmem:v27+s23+$0x0], $0xffff  }
0x2d2: {  	s19 =	sand.u32 $0x300, s17;
	s8 =	sadd.s32 s6, s2;
	v27 =	vld.idx.msk [tilespmem:v28+s23+$0x0], $0xffff;
	v28 =	vadd.s32 v6, v19;
	[tilespmem:s29+$0x410] =	vst v30  }
0x2d3: {  	s6 =	sadd.s32 s19, s2;
	[tilespmem:s8+$0x0] =	vst v29;
	v30 =	vadd.s32 v10, v22;
	v29 =	vld.idx.msk [tilespmem:v31+s23+$0x0], $0xffff  }
0x2d4: {  	v44 =	vadd.s32 v11, v23;
	[tilespmem:s6+$0x0] =	vst v18;
	v31 =	vld.idx.msk [tilespmem:v32+s23+$0x0], $0xffff  }
0x2d5: {  	s19 =	simm.s32 $0x6;
	v33 =	vadd.s32 v2, v17;
	v21 =	vld.idx.msk [tilespmem:v21+s23+$0x0], $0xffff;
	[tilespmem:s18+$0x50] =	vst v24  }
0x2d6: {  	v18 =	vmov s19;
	v24 =	vadd.s32 v2, v16;
	[tilespmem:s24+$0x50] =	vst v25;
	v25 =	vld.idx.msk [tilespmem:v26+s23+$0x0], $0xffff  }
0x2d7: {  	v18 =	vand.u32 $0x3E, v18;
	[tilespmem:s26+$0x410] =	vst v27;
	v27 =	vadd.s32 v7, v20;
	v28 =	vld.idx.msk [tilespmem:v28+s23+$0x0], $0xffff  }
0x2d8: {  	v26 =	vadd.s32 v0, v18;
	v30 =	vld.idx.msk [tilespmem:v30+s23+$0x0], $0xffff;
	[tilespmem:s29+$0x420] =	vst v29  }
0x2d9: {  	[tilespmem:s8+$0x10] =	vst v31;
	v29 =	vadd.s32 v7, v19;
	v31 =	vld.idx.msk [tilespmem:v44+s23+$0x0], $0xffff  }
0x2da: {  	v45 =	vadd.s32 v11, v22;
	[tilespmem:s6+$0x10] =	vst v21;
	v21 =	vld.idx.msk [tilespmem:v33+s23+$0x0], $0xffff  }
0x2db: {  	v46 =	vadd.s32 v12, v23;
	v24 =	vld.idx.msk [tilespmem:v24+s23+$0x0], $0xffff;
	[tilespmem:s18+$0x60] =	vst v25  }
0x2dc: {  	v34 =	vadd.s32 v3, v17;
	[tilespmem:s24+$0x60] =	vst v28;
	v27 =	vld.idx.msk [tilespmem:v27+s23+$0x0], $0xffff  }
0x2dd: {  	v26 =	vld.idx.msk [tilespmem:v26+s23+$0x0], $0xffff;
	v25 =	vadd.s32 v3, v16;
	[tilespmem:s26+$0x420] =	vst v30  }
0x2de: {  	s30 =	simm.s32 $0x600;
	s25 =	simm.s32 $0x7;
	v28 =	vld.idx.msk [tilespmem:v29+s23+$0x0], $0xffff;
	v29 =	vadd.s32 v8, v20;
	[tilespmem:s29+$0x430] =	vst v31  }
0x2df: {  	s4 =	sand.u32 $0x3800, s30;
	s19 =	simm.s32 $0x380;
	v55 =	vadd.s32 v1, v18;
	v30 =	vld.idx.msk [tilespmem:v45+s23+$0x0], $0xffff;
	[tilespmem:s8+$0x20] =	vst v21;
	v21 =	vmov s25;
	s25 =	simm.s32 $0x300  }
0x2e0: {  	s2 =	sadd.s32 $0xCA00, s4;
	s28 =	sand.u32 $0x380, s19;
	v31 =	vadd.s32 v8, v19;
	v47 =	vld.idx.msk [tilespmem:v46+s23+$0x0], $0xffff;
	[tilespmem:s6+$0x20] =	vst v24;
	s4 =	sand.u32 $0x300, s25  }
0x2e1: {  	v48 =	vadd.s32 v12, v22;
	v24 =	vld.idx.msk [tilespmem:v34+s23+$0x0], $0xffff;
	s25 =	sadd.s32 s28, s2;
	s28 =	sadd.s32 s4, s2;
	[tilespmem:s18+$0x70] =	vst v27  }
0x2e2: {  	v49 =	vadd.s32 v13, v23;
	v25 =	vld.idx.msk [tilespmem:v25+s23+$0x0], $0xffff;
	[tilespmem:s28+$0x0] =	vst v26  }
0x2e3: {  	v35 =	vadd.s32 v4, v17;
	[tilespmem:s24+$0x70] =	vst v28;
	v28 =	vld.idx.msk [tilespmem:v29+s23+$0x0], $0xffff  }
0x2e4: {  	v27 =	vadd.s32 v4, v16;
	v57 =	vld.idx.msk [tilespmem:v55+s23+$0x0], $0xffff  }
0x2e5: {  	v21 =	vand.u32 $0x3F, v21;
	[tilespmem:s26+$0x430] =	vst v30;
	v30 =	vadd.s32 v9, v20;
	v29 =	vld.idx.msk [tilespmem:v31+s23+$0x0], $0xffff  }
0x2e6: {  	v50 =	vadd.s32 v0, v21;
	v31 =	vld.idx.msk [tilespmem:v48+s23+$0x0], $0xffff;
	[tilespmem:s29+$0x440] =	vst v47  }
0x2e7: {  	v51 =	vadd.s32 v9, v19;
	[tilespmem:s8+$0x30] =	vst v24;
	v24 =	vld.idx.msk [tilespmem:v49+s23+$0x0], $0xffff  }
0x2e8: {  	v54 =	vadd.s32 v13, v22;
	[tilespmem:s6+$0x30] =	vst v25;
	v25 =	vld.idx.msk [tilespmem:v35+s23+$0x0], $0xffff  }
0x2e9: {  	v52 =	vadd.s32 v14, v23;
	v27 =	vld.idx.msk [tilespmem:v27+s23+$0x0], $0xffff;
	[tilespmem:s18+$0x400] =	vst v28  }
0x2ea: {  	v53 =	vadd.s32 v5, v17;
	[tilespmem:s28+$0x10] =	vst v57;
	v30 =	vld.idx.msk [tilespmem:v30+s23+$0x0], $0xffff  }
0x2eb: {  	v28 =	vadd.s32 v5, v16;
	[tilespmem:s24+$0x400] =	vst v29;
	v29 =	vld.idx.msk [tilespmem:v50+s23+$0x0], $0xffff  }
0x2ec: {  	v36 =	vadd.s32 v10, v20;
	[tilespmem:s26+$0x440] =	vst v31;
	v33 =	vld.idx.msk [tilespmem:v51+s23+$0x0], $0xffff  }
0x2ed: {  	v56 =	vld.idx.msk [tilespmem:v54+s23+$0x0], $0xffff;
	[tilespmem:s29+$0x450] =	vst v24;
	v24 =	vadd.s32 v1, v21  }
0x2ee: {  	v26 =	vadd.s32 v10, v19;
	[tilespmem:s8+$0x40] =	vst v25;
	v25 =	vld.idx.msk [tilespmem:v52+s23+$0x0], $0xffff  }
0x2ef: {  	v23 =	vadd.s32 v15, v23;
	[tilespmem:s6+$0x40] =	vst v27;
	v27 =	vld.idx.msk [tilespmem:v53+s23+$0x0], $0xffff  }
0x2f0: {  	v31 =	vadd.s32 v6, v17;
	v28 =	vld.idx.msk [tilespmem:v28+s23+$0x0], $0xffff;
	[tilespmem:s18+$0x410] =	vst v30  }
0x2f1: {  	[tilespmem:s25+$0x0] =	vst v29;
	v29 =	vadd.s32 v6, v16;
	v30 =	vld.idx.msk [tilespmem:v36+s23+$0x0], $0xffff  }
0x2f2: {  	v58 =	vadd.s32 v11, v20;
	[tilespmem:s24+$0x410] =	vst v33;
	v24 =	vld.idx.msk [tilespmem:v24+s23+$0x0], $0xffff  }
0x2f3: {  	s17 =	simm.s32 $0x8;
	v59 =	vadd.s32 v2, v21;
	v26 =	vld.idx.msk [tilespmem:v26+s23+$0x0], $0xffff;
	[tilespmem:s29+$0x460] =	vst v25  }
0x2f4: {  	v62 =	vadd.s32 v11, v19;
	v25 =	vmov s17;
	[tilespmem:s8+$0x50] =	vst v27;
	v27 =	vld.idx.msk [tilespmem:v23+s23+$0x0], $0xffff  }
0x2f5: {  	v23 =	vand.u32 $0x3E, v25;
	v25 =	vadd.s32 v2, v18;
	[tilespmem:s6+$0x50] =	vst v28;
	v28 =	vld.idx.msk [tilespmem:v31+s23+$0x0], $0xffff  }
0x2f6: {  	v31 =	vadd.s32 v0, v23;
	v29 =	vld.idx.msk [tilespmem:v29+s23+$0x0], $0xffff;
	[tilespmem:s18+$0x420] =	vst v30  }
0x2f7: {  	v60 =	vadd.s32 v7, v17;
	[tilespmem:s25+$0x10] =	vst v24;
	v30 =	vld.idx.msk [tilespmem:v58+s23+$0x0], $0xffff  }
0x2f8: {  	v24 =	vadd.s32 v7, v16;
	[tilespmem:s24+$0x420] =	vst v26;
	v61 =	vld.idx.msk [tilespmem:v59+s23+$0x0], $0xffff  }
0x2f9: {  	v32 =	vld.idx.msk [tilespmem:v62+s23+$0x0], $0xffff;
	[tilespmem:s29+$0x470] =	vst v27;
	v27 =	vadd.s32 v3, v21  }
0x2fa: {  	v37 =	vadd.s32 v12, v20;
	v63 =	vld.idx.msk [tilespmem:v25+s23+$0x0], $0xffff  }
0x2fb: {  	v26 =	vadd.s32 v14, v22;
	[tilespmem:s8+$0x60] =	vst v28;
	v25 =	vld.idx.msk [tilespmem:v31+s23+$0x0], $0xffff  }
0x2fc: {  	v31 =	vadd.s32 v3, v18;
	[tilespmem:s6+$0x60] =	vst v29;
	v33 =	vld.idx.msk [tilespmem:v60+s23+$0x0], $0xffff  }
0x2fd: {  	v38 =	vadd.s32 v8, v17;
	v24 =	vld.idx.msk [tilespmem:v24+s23+$0x0], $0xffff;
	[tilespmem:s25+$0x20] =	vst v61  }
0x2fe: {  	[tilespmem:s18+$0x430] =	vst v30;
	v30 =	vld.idx.msk [tilespmem:v27+s23+$0x0], $0xffff;
	v27 =	vadd.s32 v8, v16  }
0x2ff: {  	v34 =	vadd.s32 v12, v19;
	[tilespmem:s26+$0x450] =	vst v56;
	v28 =	vld.idx.msk [tilespmem:v37+s23+$0x0], $0xffff  }
0x300: {  	v29 =	vadd.s32 v13, v20;
	v36 =	vld.idx.msk [tilespmem:v26+s23+$0x0], $0xffff;
	[tilespmem:s28+$0x20] =	vst v63  }
0x301: {  	v31 =	vld.idx.msk [tilespmem:v31+s23+$0x0], $0xffff;
	[tilespmem:s8+$0x70] =	vst v33;
	v33 =	vadd.s32 v4, v21  }
0x302: {  	s2 =	simm.s32 $0x9;
	v35 =	vadd.s32 v4, v18;
	s29 =	simm.s32 $0xA;
	v26 =	vld.idx.msk [tilespmem:v38+s23+$0x0], $0xffff;
	[tilespmem:s6+$0x70] =	vst v24  }
.LBB2_6:
0x303: {  	p0 =	slt.u32 s29, $0x3E;
	v24 =	vmov s2;
	v27 =	vld.idx.msk [tilespmem:v27+s23+$0x0], $0xffff;
	[tilespmem:s24+$0x430] =	vst v32;
	v32 =	vadd.s32 v15, v22;
	v22 =	vmovc v19;
	v19 =	vmovc v16;
	v16 =	vmov v18  }
0x304: {  	v37 =	vadd.s32 v9, v17;
	v18 =	vmov v23;
	v24 =	vand.u32 $0x3F, v24;
	v34 =	vld.idx.msk [tilespmem:v34+s23+$0x0], $0xffff;
	[tilespmem:s18+$0x440] =	vst v28  }
0x305: {  	v23 =	vadd.s32 v0, v24;
	[tilespmem:s25+$0x30] =	vst v30;
	v28 =	vld.idx.msk [tilespmem:v29+s23+$0x0], $0xffff  }
0x306: {  	v30 =	vadd.s32 v9, v19;
	[tilespmem:s28+$0x30] =	vst v31;
	v29 =	vld.idx.msk [tilespmem:v33+s23+$0x0], $0xffff  }
0x307: {  	v33 =	vadd.s32 v14, v20;
	v31 =	vld.idx.msk [tilespmem:v35+s23+$0x0], $0xffff;
	[tilespmem:s26+$0x460] =	vst v36  }
0x308: {  	v35 =	vadd.s32 v5, v21;
	[tilespmem:s8+$0x400] =	vst v26;
	v26 =	vld.idx.msk [tilespmem:v32+s23+$0x0], $0xffff  }
0x309: {  	v32 =	vadd.s32 v5, v16;
	[tilespmem:s6+$0x400] =	vst v27;
	v27 =	vld.idx.msk [tilespmem:v37+s23+$0x0], $0xffff  }
0x30a: {  	v23 =	vld.idx.msk [tilespmem:v23+s23+$0x0], $0xffff;
	[tilespmem:s24+$0x440] =	vst v34;
	v34 =	vadd.s32 v13, v22  }
0x30b: {  	v36 =	vadd.s32 v10, v17;
	v30 =	vld.idx.msk [tilespmem:v30+s23+$0x0], $0xffff;
	[tilespmem:s18+$0x450] =	vst v28  }
0x30c: {  	s30 =	sadd.s32 $0x200, s30;
	v28 =	vadd.s32 v1, v24;
	[tilespmem:s25+$0x40] =	vst v29;
	v29 =	vld.idx.msk [tilespmem:v33+s23+$0x0], $0xffff  }
0x30d: {  	s19 =	sadd.s32 $0x100, s19;
	s2 =	sand.u32 $0x3800, s30;
	v33 =	vadd.s32 v1, v18;
	[tilespmem:s28+$0x40] =	vst v31;
	v31 =	vld.idx.msk [tilespmem:v35+s23+$0x0], $0xffff  }
0x30e: {  	s4 =	sadd.s32 $0xFFFFFF80, s19;
	s17 =	sand.u32 $0x380, s19;
	s2 =	sadd.s32 $0xCA00, s2;
	v35 =	vadd.s32 v15, v20;
	v20 =	vmovc v17;
	v17 =	vmov v21;
	v21 =	vmov v24;
	v32 =	vld.idx.msk [tilespmem:v32+s23+$0x0], $0xffff;
	[tilespmem:s26+$0x470] =	vst v26  }
0x30f: {  	s4 =	sand.u32 $0x300, s4;
	s17 =	sadd.s32 s17, s2;
	v24 =	vadd.s32 v6, v17;
	s26 =	smov.u32 s24;
	[tilespmem:s8+$0x410] =	vst v27;
	v26 =	vld.idx.msk [tilespmem:v34+s23+$0x0], $0xffff  }
0x310: {  	s24 =	smov.u32 s6;
	s6 =	smov.u32 s28;
	s28 =	sadd.s32 s4, s2;
	v27 =	vadd.s32 v6, v16;
	[tilespmem:s17+$0x0] =	vst v23;
	v34 =	vld.idx.msk [tilespmem:v36+s23+$0x0], $0xffff  }
0x311: {  	[tilespmem:s28+$0x0] =	vst v25;
	v25 =	vld.idx.msk [tilespmem:v28+s23+$0x0], $0xffff;
	v28 =	vadd.s32 v10, v19  }
0x312: {  	v36 =	vadd.s32 v11, v20;
	v33 =	vld.idx.msk [tilespmem:v33+s23+$0x0], $0xffff;
	[tilespmem:s18+$0x460] =	vst v29  }
0x313: {  	v23 =	vmov s29;
	v29 =	vadd.s32 v2, v21;
	[tilespmem:s25+$0x50] =	vst v31;
	v31 =	vld.idx.msk [tilespmem:v35+s23+$0x0], $0xffff  }
0x314: {  	v23 =	vand.u32 $0x3E, v23;
	v35 =	vadd.s32 v2, v18;
	[tilespmem:s6+$0x50] =	vst v32;
	v24 =	vld.idx.msk [tilespmem:v24+s23+$0x0], $0xffff  }
0x315: {  	v32 =	vadd.s32 v0, v23;
	v27 =	vld.idx.msk [tilespmem:v27+s23+$0x0], $0xffff;
	[tilespmem:s24+$0x410] =	vst v30  }
0x316: {  	v30 =	vadd.s32 v7, v17;
	v28 =	vld.idx.msk [tilespmem:v28+s23+$0x0], $0xffff;
	[tilespmem:s8+$0x420] =	vst v34  }
0x317: {  	v34 =	vadd.s32 v7, v16;
	[tilespmem:s17+$0x10] =	vst v25;
	v36 =	vld.idx.msk [tilespmem:v36+s23+$0x0], $0xffff  }
0x318: {  	[tilespmem:s28+$0x10] =	vst v33;
	v29 =	vld.idx.msk [tilespmem:v29+s23+$0x0], $0xffff;
	v33 =	vadd.s32 v11, v19  }
0x319: {  	v37 =	vadd.s32 v12, v20;
	v35 =	vld.idx.msk [tilespmem:v35+s23+$0x0], $0xffff;
	[tilespmem:s18+$0x470] =	vst v31;
	s18 =	smov.u32 s8;
	s8 =	smov.u32 s25;
	s25 =	smov.u32 s17  }
0x31a: {  	v31 =	vadd.s32 v3, v21;
	v25 =	vld.idx.msk [tilespmem:v32+s23+$0x0], $0xffff;
	[tilespmem:s8+$0x60] =	vst v24  }
0x31b: {  	v24 =	vadd.s32 v3, v18;
	[tilespmem:s6+$0x60] =	vst v27;
	v38 =	vld.idx.msk [tilespmem:v30+s23+$0x0], $0xffff  }
0x31c: {  	v40 =	vadd.s32 v14, v22;
	v39 =	vld.idx.msk [tilespmem:v34+s23+$0x0], $0xffff;
	[tilespmem:s24+$0x420] =	vst v28  }
0x31d: {  	v41 =	vadd.s32 v8, v17;
	v32 =	vld.idx.msk [tilespmem:v33+s23+$0x0], $0xffff;
	[tilespmem:s18+$0x430] =	vst v36  }
.Ltmp9:
0x31e: {  	v27 =	vadd.s32 v8, v16;
	[tilespmem:s25+$0x20] =	vst v29;
	v28 =	vld.idx.msk [tilespmem:v37+s23+$0x0], $0xffff;
	(pc) =	sbr.rel @p0 .LBB2_6-.Ltmp9, $4  }
0x31f: {  	v34 =	vadd.s32 v12, v19;
	[tilespmem:s28+$0x20] =	vst v35;
	v30 =	vld.idx.msk [tilespmem:v31+s23+$0x0], $0xffff  }
0x320: {  	v29 =	vadd.s32 v13, v20;
	v31 =	vld.idx.msk [tilespmem:v24+s23+$0x0], $0xffff;
	[tilespmem:s26+$0x450] =	vst v26  }
0x321: {  	v33 =	vadd.s32 v4, v21;
	[tilespmem:s8+$0x70] =	vst v38;
	v36 =	vld.idx.msk [tilespmem:v40+s23+$0x0], $0xffff  }
0x322: {  	s2 =	sadd.s32 $0x1, s29;
	s29 =	sadd.s32 $0x2, s29;
	v35 =	vadd.s32 v4, v18;
	[tilespmem:s6+$0x70] =	vst v39;
	v26 =	vld.idx.msk [tilespmem:v41+s23+$0x0], $0xffff  }
.Ltmp10:
0x323: {  	_ = 	snop;
	(pc) =	sbr.rel .LBB2_7-.Ltmp10, $1  }
0x324: {  	_ =	sdelay $0x3  }
.LBB2_15:
0x325: {  	_ =	sfence.sel $0x180000  }
0x326: {  	[bflag:$0x0] =	sbarrier.arrive $0xFFFF  }
0x327: {  	_ =	strace $0x9000004A  }
0x328: {  	s0 =	stileid.u32;
	[bflag:$0x2] =	sbarrier.arrive $0xFFFF  }
0x329: {  	p0 =	sne.s32 s0, $0x0;
	s0 =	rddreg [dreg:$0x2]  }
0x32a: {  	s0 =	sadd.s32 @!p0 $0x100000, s0  }
0x32b: {  	[sflag:s0] =	ssyncadd.tile.s32 @!p0 $0x1;
	_ =	shalt  }
.Lfunc_end2:
_tile_overlayer_lowered:
.L_overlay_start_2:
0x32c: {  	(tag) =	ssettag $0x2  }
0x32d: {  	s0 =	rddreg [dreg:$0x0];
	s2 =	stileid.u32  }
0x32e: {  	s1 =	rddreg [dreg:$0x1];
	p0 =	sne.s32 s2, $0x0  }
0x32f: {  	s3 =	rddreg [dreg:$0x2];
	[bflag:$0x3] =	sbarrier.arrive $0xFFFF;
	s2 =	simm.s32 @!p0 $0x1C07  }
0x330: {  	[timem:s3], [sflag:s2] =	dma.local @!p0 [hbm:s0], s1  }
0x331: {  	s0 =	simm.s32 @!p0 $0x7  }
0x332: {  	_ =	swait.ge @!p0 [sflag:s0], s1  }
0x333: {  	s1 =	ssub.s32 @!p0 $0x0, s1;
	[sflag:s0] =	ssyncset.done @!p0 $0x0  }
0x334: {  	[sflag:s0] =	ssyncadd.s32 @!p0 s1  }
0x335: {  	[bflag:$0x3] =	sbarrier.arrive $0xFFFF  }
0x336: {  	_ =	shalt  }

</sc_bundles>
